<compile_context>
chip_gen: v7x
topology: tpu7x:2x2x1
jax: 0.10.2.dev20260603
libtpu: 0.0.44.dev20260713+nightly
codegen_flags: <defaults>
</compile_context>

<pallas_src>
import functools

import jax
import jax.numpy as jnp
from jax import lax
from jax.experimental import pallas as pl
from jax.experimental.pallas import tpu as pltpu
from jax.experimental.pallas import tpu_sc as plsc

N_NODES = 10000
N_HE = 10000
N_INC = 320000
EPS = 1e-5
TOPO_W = 2.0

NCORE = 2
NSUB = 16
NW = NCORE * NSUB
CHUNK = 128
NCHUNK = -(-N_INC // (NW * CHUNK))
ZROWS = 632
ACC_ROWS = ZROWS * NSUB
NDUMP = ACC_ROWS - N_NODES
OROWS = ZROWS
CNT_W = 16
FW = 64
DEPTH = 3
CLAG = 8


def _make_seg_kernel(H):
    mesh = plsc.VectorSubcoreMesh(core_axis_name="c", subcore_axis_name="s")
    ngroups = -(-NCHUNK // DEPTH)

    @functools.partial(
        pl.kernel,
        mesh=mesh,
        out_type=jax.ShapeDtypeStruct((NCORE, H, ACC_ROWS, FW), jnp.float32),
        compiler_params=pltpu.CompilerParams(use_tc_tiling_on_sc=False),
        scratch_types=[
            pltpu.VMEM((NCHUNK, CHUNK), jnp.int32),
            pltpu.VMEM((NCHUNK, CHUNK), jnp.int32),
        ] + [pltpu.VMEM((CHUNK, FW), jnp.float32)] * DEPTH + [
            pltpu.VMEM_SHARED((ACC_ROWS, FW), jnp.float32),
            pltpu.VMEM_SHARED((ACC_ROWS, FW), jnp.float32),
        ] + [pltpu.SemaphoreType.DMA] * (2 * DEPTH),
    )
    def seg(table_hbm, src_hbm, dst_hbm, zeros_hbm, out_hbm,
            src_v, dst_v, *rest):
        rows = rest[:DEPTH]
        tbl = rest[DEPTH]
        acc = rest[DEPTH + 1]
        gsems = rest[DEPTH + 2:2 * DEPTH + 2]
        ssems = rest[2 * DEPTH + 2:3 * DEPTH + 2]
        c = lax.axis_index("c")
        s = lax.axis_index("s")
        wid = c * NSUB + s
        pltpu.sync_copy(src_hbm.at[wid], src_v)
        pltpu.sync_copy(dst_hbm.at[wid], dst_v)

        for h in range(H):
            pltpu.sync_copy(table_hbm.at[h, pl.ds(s * ZROWS, ZROWS)],
                            tbl.at[pl.ds(s * ZROWS, ZROWS)])
            pltpu.sync_copy(zeros_hbm.at[pl.ds(s * ZROWS, ZROWS)],
                            acc.at[pl.ds(s * ZROWS, ZROWS)])
            plsc.subcore_barrier()

            for b in range(DEPTH - 1):
                pltpu.async_copy(tbl.at[src_v.at[b]], rows[b], gsems[b])

            def body(g, carry):
                kb = g * DEPTH
                for b in range(DEPTH):
                    k = kb + b
                    bprev = (b - 1) % DEPTH

                    @pl.when(k < NCHUNK)
                    def _(k=k, b=b, bprev=bprev):
                        pltpu.make_async_copy(tbl.at[src_v.at[k]],
                                              rows[b], gsems[b]).wait()
                        pltpu.async_copy(rows[b], acc.at[dst_v.at[k]],
                                         ssems[b], add=True)

                        @pl.when(k + DEPTH - 1 < NCHUNK)
                        def _():
                            @pl.when(k > 0)
                            def _():
                                pltpu.make_async_copy(
                                    rows[bprev], acc.at[dst_v.at[0]],
                                    ssems[bprev]).wait()
                            pltpu.async_copy(tbl.at[src_v.at[k + DEPTH - 1]],
                                             rows[bprev], gsems[bprev])
                return carry

            lax.fori_loop(0, ngroups, body, 0)
            for b in range(DEPTH):
                pltpu.make_async_copy(rows[b], acc.at[dst_v.at[0]],
                                      ssems[b]).wait()
            plsc.subcore_barrier()
            pltpu.sync_copy(acc.at[pl.ds(s * OROWS, OROWS)],
                            out_hbm.at[c, h, pl.ds(s * OROWS, OROWS)])

    return seg


def _make_cnt_kernel():
    mesh = plsc.VectorSubcoreMesh(core_axis_name="c", subcore_axis_name="s")

    @functools.partial(
        pl.kernel,
        mesh=mesh,
        out_type=jax.ShapeDtypeStruct((NCORE, 2, ACC_ROWS, CNT_W), jnp.float32),
        compiler_params=pltpu.CompilerParams(use_tc_tiling_on_sc=False),
        scratch_types=[
            pltpu.VMEM((NCHUNK, CHUNK), jnp.int32),
            pltpu.VMEM((NCHUNK, CHUNK), jnp.int32),
            pltpu.VMEM((CHUNK, CNT_W), jnp.float32),
            pltpu.VMEM_SHARED((ACC_ROWS, CNT_W), jnp.float32),
            pltpu.VMEM_SHARED((ACC_ROWS, CNT_W), jnp.float32),
            pltpu.SemaphoreType.DMA,
            pltpu.SemaphoreType.DMA,
        ],
    )
    def cnt(nidx_hbm, eidx_hbm, ones_hbm, zeros_hbm, out_hbm,
            nidx_v, eidx_v, ones_v, accn, acce, sem_n, sem_e):
        c = lax.axis_index("c")
        s = lax.axis_index("s")
        wid = c * NSUB + s
        pltpu.sync_copy(zeros_hbm.at[pl.ds(s * ZROWS, ZROWS)],
                        accn.at[pl.ds(s * ZROWS, ZROWS)])
        pltpu.sync_copy(zeros_hbm.at[pl.ds(s * ZROWS, ZROWS)],
                        acce.at[pl.ds(s * ZROWS, ZROWS)])
        pltpu.sync_copy(ones_hbm, ones_v)
        pltpu.sync_copy(nidx_hbm.at[wid], nidx_v)
        pltpu.sync_copy(eidx_hbm.at[wid], eidx_v)
        plsc.subcore_barrier()

        def body(k, carry):
            @pl.when(k >= CLAG)
            def _():
                pltpu.make_async_copy(ones_v, accn.at[nidx_v.at[0]],
                                      sem_n).wait()
                pltpu.make_async_copy(ones_v, acce.at[eidx_v.at[0]],
                                      sem_e).wait()
            pltpu.async_copy(ones_v, accn.at[nidx_v.at[k]], sem_n, add=True)
            pltpu.async_copy(ones_v, acce.at[eidx_v.at[k]], sem_e, add=True)
            return carry

        lax.fori_loop(0, NCHUNK, body, 0)
        for _i in range(CLAG):
            pltpu.make_async_copy(ones_v, accn.at[nidx_v.at[0]], sem_n).wait()
            pltpu.make_async_copy(ones_v, acce.at[eidx_v.at[0]], sem_e).wait()
        plsc.subcore_barrier()
        pltpu.sync_copy(accn.at[pl.ds(s * OROWS, OROWS)],
                        out_hbm.at[c, 0, pl.ds(s * OROWS, OROWS)])
        pltpu.sync_copy(acce.at[pl.ds(s * OROWS, OROWS)],
                        out_hbm.at[c, 1, pl.ds(s * OROWS, OROWS)])

    return cnt


def _row_mask():
    ridx = lax.broadcasted_iota(jnp.int32, (ACC_ROWS, 1), 0)
    return ridx < N_NODES


def _bn(t, g, be):
    mask = _row_mask()
    tm = jnp.where(mask, t, 0.0)
    mu = jnp.sum(tm, axis=0, keepdims=True) / N_NODES
    dev = jnp.where(mask, t - mu, 0.0)
    var = jnp.sum(dev * dev, axis=0, keepdims=True) / N_NODES
    return g * (t - mu) / jnp.sqrt(var + EPS) + be


def _mm_body(x_ref, w_ref, o_ref):
    o_ref[...] = jnp.dot(x_ref[...], w_ref[...],
                         preferred_element_type=jnp.float32)


def _tc_mm(x, w):
    return pl.pallas_call(
        _mm_body,
        out_shape=jax.ShapeDtypeStruct((x.shape[0], w.shape[1]), jnp.float32),
    )(x, w)


def _sinv_body(cnt_ref, dinv_ref, binv_ref):
    d = cnt_ref[0, 0] + cnt_ref[1, 0]
    dinv_ref[...] = jnp.where(d > 0, 1.0 / d, 0.0)
    b = cnt_ref[0, 1] + cnt_ref[1, 1]
    binv_ref[...] = jnp.where(b > 0, 1.0 / b, 0.0)


def _tc_sinv(cnt):
    return pl.pallas_call(
        _sinv_body,
        out_shape=[jax.ShapeDtypeStruct((ACC_ROWS, CNT_W), jnp.float32)] * 2,
    )(cnt)


def _scale_body(p_ref, binv_ref, o_ref):
    o_ref[...] = binv_ref[...][:, 0:1][None] * (p_ref[0] + p_ref[1])


def _tc_scale(p, binv):
    return pl.pallas_call(
        _scale_body,
        out_shape=jax.ShapeDtypeStruct(p.shape[1:], jnp.float32),
    )(p, binv)


def _dinv_comb(q_ref, dinv_ref):
    dinv = dinv_ref[...][:, 0:1][None]
    qs = dinv * (q_ref[0] + q_ref[1])
    if qs.shape[0] == 1:
        return qs[0]
    return jnp.concatenate([qs[0], qs[1]], axis=1)


def _post_body(q_ref, dinv_ref, b_ref, g_ref, be_ref, w_ref, o_ref):
    t = _dinv_comb(q_ref, dinv_ref) + b_ref[...]
    h = jnp.maximum(_bn(t, g_ref[...], be_ref[...]), 0.0)
    r = jnp.dot(h, w_ref[...], preferred_element_type=jnp.float32)
    for hh in range(o_ref.shape[0]):
        o_ref[hh] = r[:, hh * FW:(hh + 1) * FW]


def _tc_post(q, dinv, b, g, be, w):
    hout = w.shape[1] // FW
    return pl.pallas_call(
        _post_body,
        out_shape=jax.ShapeDtypeStruct((hout, ACC_ROWS, FW), jnp.float32),
    )(q, dinv, b.reshape(1, -1), g.reshape(1, -1), be.reshape(1, -1), w)


def _head_body(q_ref, dinv_ref, b_ref, g_ref, be_ref, bt_ref,
               wf1_ref, bf1_ref, wf2_ref, bf2_ref, o_ref):
    t = _dinv_comb(q_ref, dinv_ref) + b_ref[...]
    h = _bn(t, g_ref[...], be_ref[...])
    te2 = jnp.maximum(bt_ref[...], 0.0) * TOPO_W
    row = jnp.dot(te2, wf1_ref[64:128, :],
                  preferred_element_type=jnp.float32)
    o = jnp.dot(h, wf1_ref[0:64, :],
                preferred_element_type=jnp.float32) + row + bf1_ref[...]
    o = jnp.maximum(o, 0.0)
    lg = jnp.dot(o, wf2_ref[...], preferred_element_type=jnp.float32)
    lg = lg + bf2_ref[...]
    m = jnp.max(lg, axis=1, keepdims=True)
    z = lg - m
    lse = jnp.log(jnp.sum(jnp.exp(z), axis=1, keepdims=True))
    o_ref[...] = (z - lse)[0:N_NODES]


def _tc_head(q, dinv, b, g, be, bt, wf1, bf1, wf2, bf2):
    return pl.pallas_call(
        _head_body,
        out_shape=jax.ShapeDtypeStruct((N_NODES, wf2.shape[1]), jnp.float32),
    )(q, dinv, b.reshape(1, -1), g.reshape(1, -1), be.reshape(1, -1),
      bt.reshape(1, -1), wf1, bf1.reshape(1, -1), wf2, bf2.reshape(1, -1))


def kernel(x, edge_index, W1, b1, g1, be1, W2, b2, g2, be2, W3, b3, g3, be3,
           Wt, bt, Wf1, bf1, Wf2, bf2):
    node = edge_index[0].astype(jnp.int32)
    he = edge_index[1].astype(jnp.int32)

    npad = NW * CHUNK * NCHUNK - N_INC
    spread = jnp.arange(npad, dtype=jnp.int32)

    def layout(idx, padvals):
        return jnp.concatenate([idx, padvals]).reshape(NW, NCHUNK, CHUNK)

    src_pad = spread % N_NODES
    dst_pad = N_NODES + spread % NDUMP
    node_src = layout(node, src_pad)
    node_dst = layout(node, dst_pad)
    he_src = layout(he, src_pad)
    he_dst = layout(he, dst_pad)

    z64 = jnp.zeros((ACC_ROWS, FW), jnp.float32)
    zc = jnp.zeros((ACC_ROWS, CNT_W), jnp.float32)
    ones = jnp.ones((CHUNK, CNT_W), jnp.float32)

    seg1 = _make_seg_kernel(1)
    seg2 = _make_seg_kernel(2)
    cntk = _make_cnt_kernel()

    cnt = cntk(node_dst, he_dst, ones, zc)
    dinv, binv = _tc_sinv(cnt)

    x_p = jnp.concatenate(
        [x, jnp.zeros((ACC_ROWS - N_NODES, x.shape[1]), jnp.float32)])

    xw = _tc_mm(x_p, W1)[None]
    p = seg1(xw, node_src, he_dst, z64)
    t = _tc_scale(p, binv)
    q = seg1(t, he_src, node_dst, z64)
    xw = _tc_post(q, dinv, b1, g1, be1, W2)

    p = seg2(xw, node_src, he_dst, z64)
    t = _tc_scale(p, binv)
    q = seg2(t, he_src, node_dst, z64)
    xw = _tc_post(q, dinv, b2, g2, be2, W3)

    p = seg1(xw, node_src, he_dst, z64)
    t = _tc_scale(p, binv)
    q = seg1(t, he_src, node_dst, z64)

    return _tc_head(q, dinv, b3, g3, be3, bt, Wf1, bf1, Wf2, bf2)

# --- scband reference (transcript-rebuilt; emitter-appended) ---
"""Pipeline reference for scband-hoinetwork-90718299226333 (READ-ONLY COPY).

The authoritative reference and input builder live on the scoring server;
editing this copy changes nothing except your own understanding.
"""

import jax, jax.numpy as jnp
import numpy as np

N_NODES = 10000
N_HE = 10000
N_INC = 320000
NUM_FEATURES = 128
NUM_CLASSES = 10
TOPO_W = 2.0
EPS = 1e-5


def _glorot(key, fan_in, fan_out):
    lim = float(np.sqrt(6.0 / (fan_in + fan_out)))
    return jax.random.uniform(key, (fan_in, fan_out), jnp.float32, -lim, lim)


def setup_inputs(seed: int = 0):
    key = jax.random.key(seed)
    ks = jax.random.split(key, 8)
    inp = {}
    inp['x'] = jax.random.normal(ks[0], (N_NODES, NUM_FEATURES), jnp.float32)
    inp['edge_index'] = jax.random.randint(ks[1], (2, N_INC), 0, N_NODES)
    inp['W1'] = _glorot(ks[2], NUM_FEATURES, 64)
    inp['b1'] = jnp.zeros((64,), jnp.float32)
    inp['g1'] = jnp.ones((64,), jnp.float32)
    inp['be1'] = jnp.zeros((64,), jnp.float32)
    inp['W2'] = _glorot(ks[3], 64, 128)
    inp['b2'] = jnp.zeros((128,), jnp.float32)
    inp['g2'] = jnp.ones((128,), jnp.float32)
    inp['be2'] = jnp.zeros((128,), jnp.float32)
    inp['W3'] = _glorot(ks[4], 128, 64)
    inp['b3'] = jnp.zeros((64,), jnp.float32)
    inp['g3'] = jnp.ones((64,), jnp.float32)
    inp['be3'] = jnp.zeros((64,), jnp.float32)
    inp['Wt'] = _glorot(ks[5], 1, 64)
    inp['bt'] = jnp.zeros((64,), jnp.float32)
    inp['Wf1'] = _glorot(ks[6], 128, 128)
    inp['bf1'] = jnp.zeros((128,), jnp.float32)
    inp['Wf2'] = _glorot(ks[7], 128, NUM_CLASSES)
    inp['bf2'] = jnp.zeros((NUM_CLASSES,), jnp.float32)
    return inp


def _hconv(x, node_idx, he_idx, W, b):
    # PyG HypergraphConv (use_attention=False, heads=1):
    # X' = D^-1 H W_e B^-1 H^T (X Theta) + bias, W_e = I
    xw = x @ W
    ones = jnp.ones((node_idx.shape[0],), jnp.float32)
    D = jax.ops.segment_sum(ones, node_idx, num_segments=N_NODES)
    Dinv = jnp.where(D > 0, 1.0 / D, 0.0)
    B = jax.ops.segment_sum(ones, he_idx, num_segments=N_HE)
    Binv = jnp.where(B > 0, 1.0 / B, 0.0)
    he = jax.ops.segment_sum(xw[node_idx] * Binv[he_idx][:, None], he_idx, num_segments=N_HE)
    out = jax.ops.segment_sum(he[he_idx] * Dinv[node_idx][:, None], node_idx, num_segments=N_NODES)
    return out + b


def _bn(x, g, be):
    # BatchNorm1d in training mode: batch statistics (biased variance)
    mu = jnp.mean(x, axis=0)
    var = jnp.var(x, axis=0)
    return g * (x - mu) / jnp.sqrt(var + EPS) + be


def reference(x, edge_index, W1, b1, g1, be1, W2, b2, g2, be2, W3, b3, g3, be3, Wt, bt, Wf1, bf1, Wf2, bf2):
    node_idx = edge_index[0]
    he_idx = edge_index[1]
    h = jax.nn.relu(_bn(_hconv(x, node_idx, he_idx, W1, b1), g1, be1))
    h = jax.nn.relu(_bn(_hconv(h, node_idx, he_idx, W2, b2), g2, be2))
    h = _bn(_hconv(h, node_idx, he_idx, W3, b3), g3, be3)
    # Rips persistence on 128-d standard-normal points with max_edge_length=2.0
    # yields an empty complex (typical pairwise distance ~16 >> 2), so the
    # original code hits its fallback: persistence_features = [0.0].
    topo = jnp.zeros((1,), jnp.float32)
    te = jax.nn.relu(topo @ Wt + bt)
    combined = jnp.concatenate([h, jnp.tile(te[None, :], (h.shape[0], 1)) * TOPO_W], axis=1)
    o = jax.nn.relu(combined @ Wf1 + bf1)
    o = o @ Wf2 + bf2
    return jax.nn.log_softmax(o, axis=1)

if __name__ == "__main__":
    import jax
    _d = setup_inputs()
    print(jax.jit(kernel)(*tuple(_d.values())))

</pallas_src>

<mosaic_0001>
#map = affine_map<(d0, d1) -> (0, 0, 0)>
#map1 = affine_map<(d0, d1) -> (0, 0)>
#map2 = affine_map<(d0, d1) -> (0, 0, 0, 0)>
module attributes {stable_mosaic.version = 14 : i64} {
  func.func @seg(%arg0: i32, %arg1: i32, %arg2: memref<1x10112x64xf32, #tpu.memory_space<hbm>>, %arg3: memref<32x79x128xi32, #tpu.memory_space<hbm>>, %arg4: memref<32x79x128xi32, #tpu.memory_space<hbm>>, %arg5: memref<10112x64xf32, #tpu.memory_space<hbm>>, %arg6: memref<2x1x10112x64xf32, #tpu.memory_space<hbm>>, %arg7: memref<79x128xi32, #tpu.memory_space<vmem>>, %arg8: memref<79x128xi32, #tpu.memory_space<vmem>>, %arg9: memref<128x64xf32, #tpu.memory_space<vmem>>, %arg10: memref<128x64xf32, #tpu.memory_space<vmem>>, %arg11: memref<128x64xf32, #tpu.memory_space<vmem>>, %arg12: memref<10112x64xf32, #tpu.memory_space<vmem_shared>>, %arg13: memref<10112x64xf32, #tpu.memory_space<vmem_shared>>, %arg14: memref<!tpu.dma_semaphore, #tpu.memory_space<semaphore_mem>>, %arg15: memref<!tpu.dma_semaphore, #tpu.memory_space<semaphore_mem>>, %arg16: memref<!tpu.dma_semaphore, #tpu.memory_space<semaphore_mem>>, %arg17: memref<!tpu.dma_semaphore, #tpu.memory_space<semaphore_mem>>, %arg18: memref<!tpu.dma_semaphore, #tpu.memory_space<semaphore_mem>>, %arg19: memref<!tpu.dma_semaphore, #tpu.memory_space<semaphore_mem>>) attributes {dimension_semantics = [#tpu.dimension_semantics<core_parallel>, #tpu.dimension_semantics<subcore_parallel>], iteration_bounds = array<i64: 2, 16>, scalar_prefetch = 0 : i64, scratch_operands = 13 : i64, tpu.core_type = #tpu.core_type<sc_vector_subcore>, window_params = [{transform_indices = #map}, {transform_indices = #map}, {transform_indices = #map}, {transform_indices = #map1}, {transform_indices = #map2}]} {
    %mul3A = arith.constant 16 : i32
    %mul3A_0 = arith.muli %arg0, %mul3A : i32
    %add3A = arith.addi %mul3A_0, %arg1 : i32
    "tpu.region"() ({
      %run_scoped3A_53 = tpu.sem_alloc : memref<!tpu.dma_semaphore, #tpu.memory_space<semaphore_mem>>
      %dma_start3A_54 = arith.constant 0 : i32
      %dma_start3A_55 = arith.constant 0 : i32
      %dma_start3A_56 = tpu.memref_slice %arg3[%add3A, %dma_start3A_54, %dma_start3A_55] : memref<32x79x128xi32, #tpu.memory_space<hbm>> -> memref<1x79x128xi32, #tpu.memory_space<hbm>>
      %dma_start3A_57 = tpu.memref_squeeze %dma_start3A_56 : memref<1x79x128xi32, #tpu.memory_space<hbm>> -> memref<79x128xi32, #tpu.memory_space<hbm>>
      %dma_start3A_58 = arith.constant 0 : i32
      %dma_start3A_59 = arith.constant 0 : i32
      %dma_start3A_60 = tpu.memref_slice %arg3[%add3A, %dma_start3A_58, %dma_start3A_59] : memref<32x79x128xi32, #tpu.memory_space<hbm>> -> memref<1x79x128xi32, #tpu.memory_space<hbm>>
      %dma_start3A_61 = tpu.memref_squeeze %dma_start3A_60 : memref<1x79x128xi32, #tpu.memory_space<hbm>> -> memref<79x128xi32, #tpu.memory_space<hbm>>
      tpu.enqueue_dma source(%dma_start3A_61 : memref<79x128xi32, #tpu.memory_space<hbm>>) target(%arg7 : memref<79x128xi32, #tpu.memory_space<vmem>>) target_semaphore(%run_scoped3A_53 : memref<!tpu.dma_semaphore, #tpu.memory_space<semaphore_mem>>)
      %dma_wait3A_62 = arith.constant 0 : i32
      %dma_wait3A_63 = arith.constant 0 : i32
      %dma_wait3A_64 = tpu.memref_slice %arg3[%add3A, %dma_wait3A_62, %dma_wait3A_63] : memref<32x79x128xi32, #tpu.memory_space<hbm>> -> memref<1x79x128xi32, #tpu.memory_space<hbm>>
      %dma_wait3A_65 = tpu.memref_squeeze %dma_wait3A_64 : memref<1x79x128xi32, #tpu.memory_space<hbm>> -> memref<79x128xi32, #tpu.memory_space<hbm>>
      %dma_wait3A_66 = arith.constant 0 : i32
      %dma_wait3A_67 = arith.constant 0 : i32
      %dma_wait3A_68 = tpu.memref_slice %arg3[%add3A, %dma_wait3A_66, %dma_wait3A_67] : memref<32x79x128xi32, #tpu.memory_space<hbm>> -> memref<1x79x128xi32, #tpu.memory_space<hbm>>
      %dma_wait3A_69 = tpu.memref_squeeze %dma_wait3A_68 : memref<1x79x128xi32, #tpu.memory_space<hbm>> -> memref<79x128xi32, #tpu.memory_space<hbm>>
      tpu.wait_dma2 semaphore(%run_scoped3A_53 : memref<!tpu.dma_semaphore, #tpu.memory_space<semaphore_mem>>) src(%dma_wait3A_69 : memref<79x128xi32, #tpu.memory_space<hbm>>) dst(%arg7 : memref<79x128xi32, #tpu.memory_space<vmem>>)
      tpu.yield
    }) : () -> ()
    "tpu.region"() ({
      %run_scoped3A_53 = tpu.sem_alloc : memref<!tpu.dma_semaphore, #tpu.memory_space<semaphore_mem>>
      %dma_start3A_54 = arith.constant 0 : i32
      %dma_start3A_55 = arith.constant 0 : i32
      %dma_start3A_56 = tpu.memref_slice %arg4[%add3A, %dma_start3A_54, %dma_start3A_55] : memref<32x79x128xi32, #tpu.memory_space<hbm>> -> memref<1x79x128xi32, #tpu.memory_space<hbm>>
      %dma_start3A_57 = tpu.memref_squeeze %dma_start3A_56 : memref<1x79x128xi32, #tpu.memory_space<hbm>> -> memref<79x128xi32, #tpu.memory_space<hbm>>
      %dma_start3A_58 = arith.constant 0 : i32
      %dma_start3A_59 = arith.constant 0 : i32
      %dma_start3A_60 = tpu.memref_slice %arg4[%add3A, %dma_start3A_58, %dma_start3A_59] : memref<32x79x128xi32, #tpu.memory_space<hbm>> -> memref<1x79x128xi32, #tpu.memory_space<hbm>>
      %dma_start3A_61 = tpu.memref_squeeze %dma_start3A_60 : memref<1x79x128xi32, #tpu.memory_space<hbm>> -> memref<79x128xi32, #tpu.memory_space<hbm>>
      tpu.enqueue_dma source(%dma_start3A_61 : memref<79x128xi32, #tpu.memory_space<hbm>>) target(%arg8 : memref<79x128xi32, #tpu.memory_space<vmem>>) target_semaphore(%run_scoped3A_53 : memref<!tpu.dma_semaphore, #tpu.memory_space<semaphore_mem>>)
      %dma_wait3A_62 = arith.constant 0 : i32
      %dma_wait3A_63 = arith.constant 0 : i32
      %dma_wait3A_64 = tpu.memref_slice %arg4[%add3A, %dma_wait3A_62, %dma_wait3A_63] : memref<32x79x128xi32, #tpu.memory_space<hbm>> -> memref<1x79x128xi32, #tpu.memory_space<hbm>>
      %dma_wait3A_65 = tpu.memref_squeeze %dma_wait3A_64 : memref<1x79x128xi32, #tpu.memory_space<hbm>> -> memref<79x128xi32, #tpu.memory_space<hbm>>
      %dma_wait3A_66 = arith.constant 0 : i32
      %dma_wait3A_67 = arith.constant 0 : i32
      %dma_wait3A_68 = tpu.memref_slice %arg4[%add3A, %dma_wait3A_66, %dma_wait3A_67] : memref<32x79x128xi32, #tpu.memory_space<hbm>> -> memref<1x79x128xi32, #tpu.memory_space<hbm>>
      %dma_wait3A_69 = tpu.memref_squeeze %dma_wait3A_68 : memref<1x79x128xi32, #tpu.memory_space<hbm>> -> memref<79x128xi32, #tpu.memory_space<hbm>>
      tpu.wait_dma2 semaphore(%run_scoped3A_53 : memref<!tpu.dma_semaphore, #tpu.memory_space<semaphore_mem>>) src(%dma_wait3A_69 : memref<79x128xi32, #tpu.memory_space<hbm>>) dst(%arg8 : memref<79x128xi32, #tpu.memory_space<vmem>>)
      tpu.yield
    }) : () -> ()
    %mul3A_1 = arith.constant 632 : i32
    %mul3A_2 = arith.muli %arg1, %mul3A_1 : i32
    %mul3A_3 = arith.constant 632 : i32
    %mul3A_4 = arith.muli %arg1, %mul3A_3 : i32
    %run_scoped3A = arith.constant 0 : i32
    "tpu.region"() ({
      %run_scoped3A_53 = tpu.sem_alloc : memref<!tpu.dma_semaphore, #tpu.memory_space<semaphore_mem>>
      %dma_start3A_54 = arith.constant 0 : i32
      %dma_start3A_55 = tpu.memref_slice %arg12[%mul3A_4, %dma_start3A_54] : memref<10112x64xf32, #tpu.memory_space<vmem_shared>> -> memref<632x64xf32, #tpu.memory_space<vmem_shared>>
      %dma_start3A_56 = arith.constant 0 : i32
      %dma_start3A_57 = tpu.memref_slice %arg2[%run_scoped3A, %mul3A_2, %dma_start3A_56] : memref<1x10112x64xf32, #tpu.memory_space<hbm>> -> memref<1x632x64xf32, #tpu.memory_space<hbm>>
      %dma_start3A_58 = tpu.memref_squeeze %dma_start3A_57 : memref<1x632x64xf32, #tpu.memory_space<hbm>> -> memref<632x64xf32, #tpu.memory_space<hbm>>
      tpu.enqueue_dma source(%dma_start3A_58 : memref<632x64xf32, #tpu.memory_space<hbm>>) target(%dma_start3A_55 : memref<632x64xf32, #tpu.memory_space<vmem_shared>>) target_semaphore(%run_scoped3A_53 : memref<!tpu.dma_semaphore, #tpu.memory_space<semaphore_mem>>)
      %dma_wait3A_59 = arith.constant 0 : i32
      %dma_wait3A_60 = tpu.memref_slice %arg12[%mul3A_4, %dma_wait3A_59] : memref<10112x64xf32, #tpu.memory_space<vmem_shared>> -> memref<632x64xf32, #tpu.memory_space<vmem_shared>>
      %dma_wait3A_61 = arith.constant 0 : i32
      %dma_wait3A_62 = tpu.memref_slice %arg2[%run_scoped3A, %mul3A_2, %dma_wait3A_61] : memref<1x10112x64xf32, #tpu.memory_space<hbm>> -> memref<1x632x64xf32, #tpu.memory_space<hbm>>
      %dma_wait3A_63 = tpu.memref_squeeze %dma_wait3A_62 : memref<1x632x64xf32, #tpu.memory_space<hbm>> -> memref<632x64xf32, #tpu.memory_space<hbm>>
      tpu.wait_dma2 semaphore(%run_scoped3A_53 : memref<!tpu.dma_semaphore, #tpu.memory_space<semaphore_mem>>) src(%dma_wait3A_63 : memref<632x64xf32, #tpu.memory_space<hbm>>) dst(%dma_wait3A_60 : memref<632x64xf32, #tpu.memory_space<vmem_shared>>)
      tpu.yield
    }) : () -> ()
    %mul3A_5 = arith.constant 632 : i32
    %mul3A_6 = arith.muli %arg1, %mul3A_5 : i32
    %mul3A_7 = arith.constant 632 : i32
    %mul3A_8 = arith.muli %arg1, %mul3A_7 : i32
    "tpu.region"() ({
      %run_scoped3A_53 = tpu.sem_alloc : memref<!tpu.dma_semaphore, #tpu.memory_space<semaphore_mem>>
      %dma_start3A_54 = arith.constant 0 : i32
      %dma_start3A_55 = tpu.memref_slice %arg13[%mul3A_8, %dma_start3A_54] : memref<10112x64xf32, #tpu.memory_space<vmem_shared>> -> memref<632x64xf32, #tpu.memory_space<vmem_shared>>
      %dma_start3A_56 = arith.constant 0 : i32
      %dma_start3A_57 = tpu.memref_slice %arg5[%mul3A_6, %dma_start3A_56] : memref<10112x64xf32, #tpu.memory_space<hbm>> -> memref<632x64xf32, #tpu.memory_space<hbm>>
      tpu.enqueue_dma source(%dma_start3A_57 : memref<632x64xf32, #tpu.memory_space<hbm>>) target(%dma_start3A_55 : memref<632x64xf32, #tpu.memory_space<vmem_shared>>) target_semaphore(%run_scoped3A_53 : memref<!tpu.dma_semaphore, #tpu.memory_space<semaphore_mem>>)
      %dma_wait3A_58 = arith.constant 0 : i32
      %dma_wait3A_59 = tpu.memref_slice %arg13[%mul3A_8, %dma_wait3A_58] : memref<10112x64xf32, #tpu.memory_space<vmem_shared>> -> memref<632x64xf32, #tpu.memory_space<vmem_shared>>
      %dma_wait3A_60 = arith.constant 0 : i32
      %dma_wait3A_61 = tpu.memref_slice %arg5[%mul3A_6, %dma_wait3A_60] : memref<10112x64xf32, #tpu.memory_space<hbm>> -> memref<632x64xf32, #tpu.memory_space<hbm>>
      tpu.wait_dma2 semaphore(%run_scoped3A_53 : memref<!tpu.dma_semaphore, #tpu.memory_space<semaphore_mem>>) src(%dma_wait3A_61 : memref<632x64xf32, #tpu.memory_space<hbm>>) dst(%dma_wait3A_59 : memref<632x64xf32, #tpu.memory_space<vmem_shared>>)
      tpu.yield
    }) : () -> ()
    %barrier3A = arith.constant 0 : index
    tpu.barrier barrier_id(%barrier3A)
    %dma_start3A = arith.constant 0 : i32
    %dma_start3A_9 = arith.constant 0 : i32
    %dma_start3A_10 = tpu.memref_slice %arg7[%dma_start3A, %dma_start3A_9] : memref<79x128xi32, #tpu.memory_space<vmem>> -> memref<1x128xi32, #tpu.memory_space<vmem>>
    %dma_start3A_11 = tpu.memref_squeeze %dma_start3A_10 : memref<1x128xi32, #tpu.memory_space<vmem>> -> memref<128xi32, #tpu.memory_space<vmem>>
    %dma_start3A_12 = arith.constant 0 : i32
    %dma_start3A_13 = arith.constant 0 : i32
    %dma_start3A_14 = tpu.memref_slice %arg12[%dma_start3A_12, %dma_start3A_13] : memref<10112x64xf32, #tpu.memory_space<vmem_shared>> -> memref<10112x64xf32, #tpu.memory_space<vmem_shared>>
    tpu.enqueue_indirect_dma source(%dma_start3A_14 : memref<10112x64xf32, #tpu.memory_space<vmem_shared>>) target(%arg9 : memref<128x64xf32, #tpu.memory_space<vmem>>) offsets(%dma_start3A_11 : memref<128xi32, #tpu.memory_space<vmem>>) semaphore(%arg14 : memref<!tpu.dma_semaphore, #tpu.memory_space<semaphore_mem>>)
    %dma_start3A_15 = arith.constant 1 : i32
    %dma_start3A_16 = arith.constant 0 : i32
    %dma_start3A_17 = tpu.memref_slice %arg7[%dma_start3A_15, %dma_start3A_16] : memref<79x128xi32, #tpu.memory_space<vmem>> -> memref<1x128xi32, #tpu.memory_space<vmem>>
    %dma_start3A_18 = tpu.memref_squeeze %dma_start3A_17 : memref<1x128xi32, #tpu.memory_space<vmem>> -> memref<128xi32, #tpu.memory_space<vmem>>
    %dma_start3A_19 = arith.constant 0 : i32
    %dma_start3A_20 = arith.constant 0 : i32
    %dma_start3A_21 = tpu.memref_slice %arg12[%dma_start3A_19, %dma_start3A_20] : memref<10112x64xf32, #tpu.memory_space<vmem_shared>> -> memref<10112x64xf32, #tpu.memory_space<vmem_shared>>
    tpu.enqueue_indirect_dma source(%dma_start3A_21 : memref<10112x64xf32, #tpu.memory_space<vmem_shared>>) target(%arg10 : memref<128x64xf32, #tpu.memory_space<vmem>>) offsets(%dma_start3A_18 : memref<128xi32, #tpu.memory_space<vmem>>) semaphore(%arg15 : memref<!tpu.dma_semaphore, #tpu.memory_space<semaphore_mem>>)
    %scan3A = arith.constant 0 : i32
    %scan3A_22 = arith.constant 0 : i32
    %scan3A_23 = arith.constant 27 : i32
    %scan3A_24 = arith.addi %scan3A_22, %scan3A_23 : i32
    %scan3A_25 = arith.constant 1 : i32
    scf.for %scan3A_53 = %scan3A_22 to %scan3A_24 step %scan3A_25  : i32 {
      %mul3A_54 = arith.constant 3 : i32
      %mul3A_55 = arith.muli %scan3A_53, %mul3A_54 : i32
      %add3A_56 = arith.constant 0 : i32
      %add3A_57 = arith.addi %mul3A_55, %add3A_56 : i32
      %lt3A = arith.constant 79 : i32
      %lt3A_58 = arith.cmpi slt, %add3A_57, %lt3A : i32
      %convert_element_type3A = arith.extui %lt3A_58 : i1 to i32
      %cond3A = arith.constant 0 : i32
      %cond3A_59 = arith.cmpi ne, %convert_element_type3A, %cond3A : i32
      scf.if %cond3A_59 {
        %dma_wait3A_74 = arith.constant 0 : i32
        %dma_wait3A_75 = tpu.memref_slice %arg7[%add3A_57, %dma_wait3A_74] : memref<79x128xi32, #tpu.memory_space<vmem>> -> memref<1x128xi32, #tpu.memory_space<vmem>>
        %dma_wait3A_76 = tpu.memref_squeeze %dma_wait3A_75 : memref<1x128xi32, #tpu.memory_space<vmem>> -> memref<128xi32, #tpu.memory_space<vmem>>
        %dma_wait3A_77 = arith.constant 0 : i32
        %dma_wait3A_78 = arith.constant 0 : i32
        %dma_wait3A_79 = tpu.memref_slice %arg12[%dma_wait3A_77, %dma_wait3A_78] : memref<10112x64xf32, #tpu.memory_space<vmem_shared>> -> memref<10112x64xf32, #tpu.memory_space<vmem_shared>>
        tpu.wait_indirect_dma semaphore(%arg14 : memref<!tpu.dma_semaphore, #tpu.memory_space<semaphore_mem>>) src(%dma_wait3A_79 : memref<10112x64xf32, #tpu.memory_space<vmem_shared>>) dst(%arg9 : memref<128x64xf32, #tpu.memory_space<vmem>>)
        %dma_start3A_80 = arith.constant 0 : i32
        %dma_start3A_81 = tpu.memref_slice %arg8[%add3A_57, %dma_start3A_80] : memref<79x128xi32, #tpu.memory_space<vmem>> -> memref<1x128xi32, #tpu.memory_space<vmem>>
        %dma_start3A_82 = tpu.memref_squeeze %dma_start3A_81 : memref<1x128xi32, #tpu.memory_space<vmem>> -> memref<128xi32, #tpu.memory_space<vmem>>
        %dma_start3A_83 = arith.constant 0 : i32
        %dma_start3A_84 = arith.constant 0 : i32
        %dma_start3A_85 = tpu.memref_slice %arg13[%dma_start3A_83, %dma_start3A_84] : memref<10112x64xf32, #tpu.memory_space<vmem_shared>> -> memref<10112x64xf32, #tpu.memory_space<vmem_shared>>
        tpu.enqueue_indirect_dma source(%arg9 : memref<128x64xf32, #tpu.memory_space<vmem>>) target(%dma_start3A_85 : memref<10112x64xf32, #tpu.memory_space<vmem_shared>>) offsets(%dma_start3A_82 : memref<128xi32, #tpu.memory_space<vmem>>) semaphore(%arg17 : memref<!tpu.dma_semaphore, #tpu.memory_space<semaphore_mem>>) {add = true}
        %add3A_86 = arith.constant 3 : i32
        %add3A_87 = arith.addi %add3A_57, %add3A_86 : i32
        %sub3A = arith.constant 1 : i32
        %sub3A_88 = arith.subi %add3A_87, %sub3A : i32
        %lt3A_89 = arith.constant 79 : i32
        %lt3A_90 = arith.cmpi slt, %sub3A_88, %lt3A_89 : i32
        %convert_element_type3A_91 = arith.extui %lt3A_90 : i1 to i32
        %cond3A_92 = arith.constant 0 : i32
        %cond3A_93 = arith.cmpi ne, %convert_element_type3A_91, %cond3A_92 : i32
        scf.if %cond3A_93 {
          %gt3A = arith.constant 0 : i32
          %gt3A_94 = arith.cmpi sgt, %add3A_57, %gt3A : i32
          %convert_element_type3A_95 = arith.extui %gt3A_94 : i1 to i32
          %cond3A_96 = arith.constant 0 : i32
          %cond3A_97 = arith.cmpi ne, %convert_element_type3A_95, %cond3A_96 : i32
          scf.if %cond3A_97 {
            %dma_wait3A_108 = arith.constant 0 : i32
            %dma_wait3A_109 = arith.constant 0 : i32
            %dma_wait3A_110 = tpu.memref_slice %arg8[%dma_wait3A_108, %dma_wait3A_109] : memref<79x128xi32, #tpu.memory_space<vmem>> -> memref<1x128xi32, #tpu.memory_space<vmem>>
            %dma_wait3A_111 = tpu.memref_squeeze %dma_wait3A_110 : memref<1x128xi32, #tpu.memory_space<vmem>> -> memref<128xi32, #tpu.memory_space<vmem>>
            %dma_wait3A_112 = arith.constant 0 : i32
            %dma_wait3A_113 = arith.constant 0 : i32
            %dma_wait3A_114 = tpu.memref_slice %arg13[%dma_wait3A_112, %dma_wait3A_113] : memref<10112x64xf32, #tpu.memory_space<vmem_shared>> -> memref<10112x64xf32, #tpu.memory_space<vmem_shared>>
            tpu.wait_indirect_dma semaphore(%arg19 : memref<!tpu.dma_semaphore, #tpu.memory_space<semaphore_mem>>) src(%arg11 : memref<128x64xf32, #tpu.memory_space<vmem>>) dst(%dma_wait3A_114 : memref<10112x64xf32, #tpu.memory_space<vmem_shared>>)
          } else {
          }
          %add3A_98 = arith.constant 3 : i32
          %add3A_99 = arith.addi %add3A_57, %add3A_98 : i32
          %sub3A_100 = arith.constant 1 : i32
          %sub3A_101 = arith.subi %add3A_99, %sub3A_100 : i32
          %dma_start3A_102 = arith.constant 0 : i32
          %dma_start3A_103 = tpu.memref_slice %arg7[%sub3A_101, %dma_start3A_102] : memref<79x128xi32, #tpu.memory_space<vmem>> -> memref<1x128xi32, #tpu.memory_space<vmem>>
          %dma_start3A_104 = tpu.memref_squeeze %dma_start3A_103 : memref<1x128xi32, #tpu.memory_space<vmem>> -> memref<128xi32, #tpu.memory_space<vmem>>
          %dma_start3A_105 = arith.constant 0 : i32
          %dma_start3A_106 = arith.constant 0 : i32
          %dma_start3A_107 = tpu.memref_slice %arg12[%dma_start3A_105, %dma_start3A_106] : memref<10112x64xf32, #tpu.memory_space<vmem_shared>> -> memref<10112x64xf32, #tpu.memory_space<vmem_shared>>
          tpu.enqueue_indirect_dma source(%dma_start3A_107 : memref<10112x64xf32, #tpu.memory_space<vmem_shared>>) target(%arg11 : memref<128x64xf32, #tpu.memory_space<vmem>>) offsets(%dma_start3A_104 : memref<128xi32, #tpu.memory_space<vmem>>) semaphore(%arg16 : memref<!tpu.dma_semaphore, #tpu.memory_space<semaphore_mem>>)
        } else {
        }
      } else {
      }
      %add3A_60 = arith.constant 1 : i32
      %add3A_61 = arith.addi %mul3A_55, %add3A_60 : i32
      %lt3A_62 = arith.constant 79 : i32
      %lt3A_63 = arith.cmpi slt, %add3A_61, %lt3A_62 : i32
      %convert_element_type3A_64 = arith.extui %lt3A_63 : i1 to i32
      %cond3A_65 = arith.constant 0 : i32
      %cond3A_66 = arith.cmpi ne, %convert_element_type3A_64, %cond3A_65 : i32
      scf.if %cond3A_66 {
        %dma_wait3A_74 = arith.constant 0 : i32
        %dma_wait3A_75 = tpu.memref_slice %arg7[%add3A_61, %dma_wait3A_74] : memref<79x128xi32, #tpu.memory_space<vmem>> -> memref<1x128xi32, #tpu.memory_space<vmem>>
        %dma_wait3A_76 = tpu.memref_squeeze %dma_wait3A_75 : memref<1x128xi32, #tpu.memory_space<vmem>> -> memref<128xi32, #tpu.memory_space<vmem>>
        %dma_wait3A_77 = arith.constant 0 : i32
        %dma_wait3A_78 = arith.constant 0 : i32
        %dma_wait3A_79 = tpu.memref_slice %arg12[%dma_wait3A_77, %dma_wait3A_78] : memref<10112x64xf32, #tpu.memory_space<vmem_shared>> -> memref<10112x64xf32, #tpu.memory_space<vmem_shared>>
        tpu.wait_indirect_dma semaphore(%arg15 : memref<!tpu.dma_semaphore, #tpu.memory_space<semaphore_mem>>) src(%dma_wait3A_79 : memref<10112x64xf32, #tpu.memory_space<vmem_shared>>) dst(%arg10 : memref<128x64xf32, #tpu.memory_space<vmem>>)
        %dma_start3A_80 = arith.constant 0 : i32
        %dma_start3A_81 = tpu.memref_slice %arg8[%add3A_61, %dma_start3A_80] : memref<79x128xi32, #tpu.memory_space<vmem>> -> memref<1x128xi32, #tpu.memory_space<vmem>>
        %dma_start3A_82 = tpu.memref_squeeze %dma_start3A_81 : memref<1x128xi32, #tpu.memory_space<vmem>> -> memref<128xi32, #tpu.memory_space<vmem>>
        %dma_start3A_83 = arith.constant 0 : i32
        %dma_start3A_84 = arith.constant 0 : i32
        %dma_start3A_85 = tpu.memref_slice %arg13[%dma_start3A_83, %dma_start3A_84] : memref<10112x64xf32, #tpu.memory_space<vmem_shared>> -> memref<10112x64xf32, #tpu.memory_space<vmem_shared>>
        tpu.enqueue_indirect_dma source(%arg10 : memref<128x64xf32, #tpu.memory_space<vmem>>) target(%dma_start3A_85 : memref<10112x64xf32, #tpu.memory_space<vmem_shared>>) offsets(%dma_start3A_82 : memref<128xi32, #tpu.memory_space<vmem>>) semaphore(%arg18 : memref<!tpu.dma_semaphore, #tpu.memory_space<semaphore_mem>>) {add = true}
        %add3A_86 = arith.constant 3 : i32
        %add3A_87 = arith.addi %add3A_61, %add3A_86 : i32
        %sub3A = arith.constant 1 : i32
        %sub3A_88 = arith.subi %add3A_87, %sub3A : i32
        %lt3A_89 = arith.constant 79 : i32
        %lt3A_90 = arith.cmpi slt, %sub3A_88, %lt3A_89 : i32
        %convert_element_type3A_91 = arith.extui %lt3A_90 : i1 to i32
        %cond3A_92 = arith.constant 0 : i32
        %cond3A_93 = arith.cmpi ne, %convert_element_type3A_91, %cond3A_92 : i32
        scf.if %cond3A_93 {
          %gt3A = arith.constant 0 : i32
          %gt3A_94 = arith.cmpi sgt, %add3A_61, %gt3A : i32
          %convert_element_type3A_95 = arith.extui %gt3A_94 : i1 to i32
          %cond3A_96 = arith.constant 0 : i32
          %cond3A_97 = arith.cmpi ne, %convert_element_type3A_95, %cond3A_96 : i32
          scf.if %cond3A_97 {
            %dma_wait3A_108 = arith.constant 0 : i32
            %dma_wait3A_109 = arith.constant 0 : i32
            %dma_wait3A_110 = tpu.memref_slice %arg8[%dma_wait3A_108, %dma_wait3A_109] : memref<79x128xi32, #tpu.memory_space<vmem>> -> memref<1x128xi32, #tpu.memory_space<vmem>>
            %dma_wait3A_111 = tpu.memref_squeeze %dma_wait3A_110 : memref<1x128xi32, #tpu.memory_space<vmem>> -> memref<128xi32, #tpu.memory_space<vmem>>
            %dma_wait3A_112 = arith.constant 0 : i32
            %dma_wait3A_113 = arith.constant 0 : i32
            %dma_wait3A_114 = tpu.memref_slice %arg13[%dma_wait3A_112, %dma_wait3A_113] : memref<10112x64xf32, #tpu.memory_space<vmem_shared>> -> memref<10112x64xf32, #tpu.memory_space<vmem_shared>>
            tpu.wait_indirect_dma semaphore(%arg17 : memref<!tpu.dma_semaphore, #tpu.memory_space<semaphore_mem>>) src(%arg9 : memref<128x64xf32, #tpu.memory_space<vmem>>) dst(%dma_wait3A_114 : memref<10112x64xf32, #tpu.memory_space<vmem_shared>>)
          } else {
          }
          %add3A_98 = arith.constant 3 : i32
          %add3A_99 = arith.addi %add3A_61, %add3A_98 : i32
          %sub3A_100 = arith.constant 1 : i32
          %sub3A_101 = arith.subi %add3A_99, %sub3A_100 : i32
          %dma_start3A_102 = arith.constant 0 : i32
          %dma_start3A_103 = tpu.memref_slice %arg7[%sub3A_101, %dma_start3A_102] : memref<79x128xi32, #tpu.memory_space<vmem>> -> memref<1x128xi32, #tpu.memory_space<vmem>>
          %dma_start3A_104 = tpu.memref_squeeze %dma_start3A_103 : memref<1x128xi32, #tpu.memory_space<vmem>> -> memref<128xi32, #tpu.memory_space<vmem>>
          %dma_start3A_105 = arith.constant 0 : i32
          %dma_start3A_106 = arith.constant 0 : i32
          %dma_start3A_107 = tpu.memref_slice %arg12[%dma_start3A_105, %dma_start3A_106] : memref<10112x64xf32, #tpu.memory_space<vmem_shared>> -> memref<10112x64xf32, #tpu.memory_space<vmem_shared>>
          tpu.enqueue_indirect_dma source(%dma_start3A_107 : memref<10112x64xf32, #tpu.memory_space<vmem_shared>>) target(%arg9 : memref<128x64xf32, #tpu.memory_space<vmem>>) offsets(%dma_start3A_104 : memref<128xi32, #tpu.memory_space<vmem>>) semaphore(%arg14 : memref<!tpu.dma_semaphore, #tpu.memory_space<semaphore_mem>>)
        } else {
        }
      } else {
      }
      %add3A_67 = arith.constant 2 : i32
      %add3A_68 = arith.addi %mul3A_55, %add3A_67 : i32
      %lt3A_69 = arith.constant 79 : i32
      %lt3A_70 = arith.cmpi slt, %add3A_68, %lt3A_69 : i32
      %convert_element_type3A_71 = arith.extui %lt3A_70 : i1 to i32
      %cond3A_72 = arith.constant 0 : i32
      %cond3A_73 = arith.cmpi ne, %convert_element_type3A_71, %cond3A_72 : i32
      scf.if %cond3A_73 {
        %dma_wait3A_74 = arith.constant 0 : i32
        %dma_wait3A_75 = tpu.memref_slice %arg7[%add3A_68, %dma_wait3A_74] : memref<79x128xi32, #tpu.memory_space<vmem>> -> memref<1x128xi32, #tpu.memory_space<vmem>>
        %dma_wait3A_76 = tpu.memref_squeeze %dma_wait3A_75 : memref<1x128xi32, #tpu.memory_space<vmem>> -> memref<128xi32, #tpu.memory_space<vmem>>
        %dma_wait3A_77 = arith.constant 0 : i32
        %dma_wait3A_78 = arith.constant 0 : i32
        %dma_wait3A_79 = tpu.memref_slice %arg12[%dma_wait3A_77, %dma_wait3A_78] : memref<10112x64xf32, #tpu.memory_space<vmem_shared>> -> memref<10112x64xf32, #tpu.memory_space<vmem_shared>>
        tpu.wait_indirect_dma semaphore(%arg16 : memref<!tpu.dma_semaphore, #tpu.memory_space<semaphore_mem>>) src(%dma_wait3A_79 : memref<10112x64xf32, #tpu.memory_space<vmem_shared>>) dst(%arg11 : memref<128x64xf32, #tpu.memory_space<vmem>>)
        %dma_start3A_80 = arith.constant 0 : i32
        %dma_start3A_81 = tpu.memref_slice %arg8[%add3A_68, %dma_start3A_80] : memref<79x128xi32, #tpu.memory_space<vmem>> -> memref<1x128xi32, #tpu.memory_space<vmem>>
        %dma_start3A_82 = tpu.memref_squeeze %dma_start3A_81 : memref<1x128xi32, #tpu.memory_space<vmem>> -> memref<128xi32, #tpu.memory_space<vmem>>
        %dma_start3A_83 = arith.constant 0 : i32
        %dma_start3A_84 = arith.constant 0 : i32
        %dma_start3A_85 = tpu.memref_slice %arg13[%dma_start3A_83, %dma_start3A_84] : memref<10112x64xf32, #tpu.memory_space<vmem_shared>> -> memref<10112x64xf32, #tpu.memory_space<vmem_shared>>
        tpu.enqueue_indirect_dma source(%arg11 : memref<128x64xf32, #tpu.memory_space<vmem>>) target(%dma_start3A_85 : memref<10112x64xf32, #tpu.memory_space<vmem_shared>>) offsets(%dma_start3A_82 : memref<128xi32, #tpu.memory_space<vmem>>) semaphore(%arg19 : memref<!tpu.dma_semaphore, #tpu.memory_space<semaphore_mem>>) {add = true}
        %add3A_86 = arith.constant 3 : i32
        %add3A_87 = arith.addi %add3A_68, %add3A_86 : i32
        %sub3A = arith.constant 1 : i32
        %sub3A_88 = arith.subi %add3A_87, %sub3A : i32
        %lt3A_89 = arith.constant 79 : i32
        %lt3A_90 = arith.cmpi slt, %sub3A_88, %lt3A_89 : i32
        %convert_element_type3A_91 = arith.extui %lt3A_90 : i1 to i32
        %cond3A_92 = arith.constant 0 : i32
        %cond3A_93 = arith.cmpi ne, %convert_element_type3A_91, %cond3A_92 : i32
        scf.if %cond3A_93 {
          %gt3A = arith.constant 0 : i32
          %gt3A_94 = arith.cmpi sgt, %add3A_68, %gt3A : i32
          %convert_element_type3A_95 = arith.extui %gt3A_94 : i1 to i32
          %cond3A_96 = arith.constant 0 : i32
          %cond3A_97 = arith.cmpi ne, %convert_element_type3A_95, %cond3A_96 : i32
          scf.if %cond3A_97 {
            %dma_wait3A_108 = arith.constant 0 : i32
            %dma_wait3A_109 = arith.constant 0 : i32
            %dma_wait3A_110 = tpu.memref_slice %arg8[%dma_wait3A_108, %dma_wait3A_109] : memref<79x128xi32, #tpu.memory_space<vmem>> -> memref<1x128xi32, #tpu.memory_space<vmem>>
            %dma_wait3A_111 = tpu.memref_squeeze %dma_wait3A_110 : memref<1x128xi32, #tpu.memory_space<vmem>> -> memref<128xi32, #tpu.memory_space<vmem>>
            %dma_wait3A_112 = arith.constant 0 : i32
            %dma_wait3A_113 = arith.constant 0 : i32
            %dma_wait3A_114 = tpu.memref_slice %arg13[%dma_wait3A_112, %dma_wait3A_113] : memref<10112x64xf32, #tpu.memory_space<vmem_shared>> -> memref<10112x64xf32, #tpu.memory_space<vmem_shared>>
            tpu.wait_indirect_dma semaphore(%arg18 : memref<!tpu.dma_semaphore, #tpu.memory_space<semaphore_mem>>) src(%arg10 : memref<128x64xf32, #tpu.memory_space<vmem>>) dst(%dma_wait3A_114 : memref<10112x64xf32, #tpu.memory_space<vmem_shared>>)
          } else {
          }
          %add3A_98 = arith.constant 3 : i32
          %add3A_99 = arith.addi %add3A_68, %add3A_98 : i32
          %sub3A_100 = arith.constant 1 : i32
          %sub3A_101 = arith.subi %add3A_99, %sub3A_100 : i32
          %dma_start3A_102 = arith.constant 0 : i32
          %dma_start3A_103 = tpu.memref_slice %arg7[%sub3A_101, %dma_start3A_102] : memref<79x128xi32, #tpu.memory_space<vmem>> -> memref<1x128xi32, #tpu.memory_space<vmem>>
          %dma_start3A_104 = tpu.memref_squeeze %dma_start3A_103 : memref<1x128xi32, #tpu.memory_space<vmem>> -> memref<128xi32, #tpu.memory_space<vmem>>
          %dma_start3A_105 = arith.constant 0 : i32
          %dma_start3A_106 = arith.constant 0 : i32
          %dma_start3A_107 = tpu.memref_slice %arg12[%dma_start3A_105, %dma_start3A_106] : memref<10112x64xf32, #tpu.memory_space<vmem_shared>> -> memref<10112x64xf32, #tpu.memory_space<vmem_shared>>
          tpu.enqueue_indirect_dma source(%dma_start3A_107 : memref<10112x64xf32, #tpu.memory_space<vmem_shared>>) target(%arg10 : memref<128x64xf32, #tpu.memory_space<vmem>>) offsets(%dma_start3A_104 : memref<128xi32, #tpu.memory_space<vmem>>) semaphore(%arg15 : memref<!tpu.dma_semaphore, #tpu.memory_space<semaphore_mem>>)
        } else {
        }
      } else {
      }
    }
    %scan3A_26 = arith.constant 27 : i32
    %dma_wait3A = arith.constant 0 : i32
    %dma_wait3A_27 = arith.constant 0 : i32
    %dma_wait3A_28 = tpu.memref_slice %arg8[%dma_wait3A, %dma_wait3A_27] : memref<79x128xi32, #tpu.memory_space<vmem>> -> memref<1x128xi32, #tpu.memory_space<vmem>>
    %dma_wait3A_29 = tpu.memref_squeeze %dma_wait3A_28 : memref<1x128xi32, #tpu.memory_space<vmem>> -> memref<128xi32, #tpu.memory_space<vmem>>
    %dma_wait3A_30 = arith.constant 0 : i32
    %dma_wait3A_31 = arith.constant 0 : i32
    %dma_wait3A_32 = tpu.memref_slice %arg13[%dma_wait3A_30, %dma_wait3A_31] : memref<10112x64xf32, #tpu.memory_space<vmem_shared>> -> memref<10112x64xf32, #tpu.memory_space<vmem_shared>>
    tpu.wait_indirect_dma semaphore(%arg17 : memref<!tpu.dma_semaphore, #tpu.memory_space<semaphore_mem>>) src(%arg9 : memref<128x64xf32, #tpu.memory_space<vmem>>) dst(%dma_wait3A_32 : memref<10112x64xf32, #tpu.memory_space<vmem_shared>>)
    %dma_wait3A_33 = arith.constant 0 : i32
    %dma_wait3A_34 = arith.constant 0 : i32
    %dma_wait3A_35 = tpu.memref_slice %arg8[%dma_wait3A_33, %dma_wait3A_34] : memref<79x128xi32, #tpu.memory_space<vmem>> -> memref<1x128xi32, #tpu.memory_space<vmem>>
    %dma_wait3A_36 = tpu.memref_squeeze %dma_wait3A_35 : memref<1x128xi32, #tpu.memory_space<vmem>> -> memref<128xi32, #tpu.memory_space<vmem>>
    %dma_wait3A_37 = arith.constant 0 : i32
    %dma_wait3A_38 = arith.constant 0 : i32
    %dma_wait3A_39 = tpu.memref_slice %arg13[%dma_wait3A_37, %dma_wait3A_38] : memref<10112x64xf32, #tpu.memory_space<vmem_shared>> -> memref<10112x64xf32, #tpu.memory_space<vmem_shared>>
    tpu.wait_indirect_dma semaphore(%arg18 : memref<!tpu.dma_semaphore, #tpu.memory_space<semaphore_mem>>) src(%arg10 : memref<128x64xf32, #tpu.memory_space<vmem>>) dst(%dma_wait3A_39 : memref<10112x64xf32, #tpu.memory_space<vmem_shared>>)
    %dma_wait3A_40 = arith.constant 0 : i32
    %dma_wait3A_41 = arith.constant 0 : i32
    %dma_wait3A_42 = tpu.memref_slice %arg8[%dma_wait3A_40, %dma_wait3A_41] : memref<79x128xi32, #tpu.memory_space<vmem>> -> memref<1x128xi32, #tpu.memory_space<vmem>>
    %dma_wait3A_43 = tpu.memref_squeeze %dma_wait3A_42 : memref<1x128xi32, #tpu.memory_space<vmem>> -> memref<128xi32, #tpu.memory_space<vmem>>
    %dma_wait3A_44 = arith.constant 0 : i32
    %dma_wait3A_45 = arith.constant 0 : i32
    %dma_wait3A_46 = tpu.memref_slice %arg13[%dma_wait3A_44, %dma_wait3A_45] : memref<10112x64xf32, #tpu.memory_space<vmem_shared>> -> memref<10112x64xf32, #tpu.memory_space<vmem_shared>>
    tpu.wait_indirect_dma semaphore(%arg19 : memref<!tpu.dma_semaphore, #tpu.memory_space<semaphore_mem>>) src(%arg11 : memref<128x64xf32, #tpu.memory_space<vmem>>) dst(%dma_wait3A_46 : memref<10112x64xf32, #tpu.memory_space<vmem_shared>>)
    %barrier3A_47 = arith.constant 0 : index
    tpu.barrier barrier_id(%barrier3A_47)
    %mul3A_48 = arith.constant 632 : i32
    %mul3A_49 = arith.muli %arg1, %mul3A_48 : i32
    %mul3A_50 = arith.constant 632 : i32
    %mul3A_51 = arith.muli %arg1, %mul3A_50 : i32
    %run_scoped3A_52 = arith.constant 0 : i32
    "tpu.region"() ({
      %run_scoped3A_53 = tpu.sem_alloc : memref<!tpu.dma_semaphore, #tpu.memory_space<semaphore_mem>>
      %dma_start3A_54 = arith.constant 0 : i32
      %dma_start3A_55 = tpu.memref_slice %arg6[%arg0, %run_scoped3A_52, %mul3A_51, %dma_start3A_54] : memref<2x1x10112x64xf32, #tpu.memory_space<hbm>> -> memref<1x1x632x64xf32, #tpu.memory_space<hbm>>
      %dma_start3A_56 = tpu.memref_squeeze %dma_start3A_55 : memref<1x1x632x64xf32, #tpu.memory_space<hbm>> -> memref<632x64xf32, #tpu.memory_space<hbm>>
      %dma_start3A_57 = arith.constant 0 : i32
      %dma_start3A_58 = tpu.memref_slice %arg13[%mul3A_49, %dma_start3A_57] : memref<10112x64xf32, #tpu.memory_space<vmem_shared>> -> memref<632x64xf32, #tpu.memory_space<vmem_shared>>
      tpu.enqueue_dma source(%dma_start3A_58 : memref<632x64xf32, #tpu.memory_space<vmem_shared>>) target(%dma_start3A_56 : memref<632x64xf32, #tpu.memory_space<hbm>>) target_semaphore(%run_scoped3A_53 : memref<!tpu.dma_semaphore, #tpu.memory_space<semaphore_mem>>)
      %dma_wait3A_59 = arith.constant 0 : i32
      %dma_wait3A_60 = tpu.memref_slice %arg6[%arg0, %run_scoped3A_52, %mul3A_51, %dma_wait3A_59] : memref<2x1x10112x64xf32, #tpu.memory_space<hbm>> -> memref<1x1x632x64xf32, #tpu.memory_space<hbm>>
      %dma_wait3A_61 = tpu.memref_squeeze %dma_wait3A_60 : memref<1x1x632x64xf32, #tpu.memory_space<hbm>> -> memref<632x64xf32, #tpu.memory_space<hbm>>
      %dma_wait3A_62 = arith.constant 0 : i32
      %dma_wait3A_63 = tpu.memref_slice %arg13[%mul3A_49, %dma_wait3A_62] : memref<10112x64xf32, #tpu.memory_space<vmem_shared>> -> memref<632x64xf32, #tpu.memory_space<vmem_shared>>
      tpu.wait_dma2 semaphore(%run_scoped3A_53 : memref<!tpu.dma_semaphore, #tpu.memory_space<semaphore_mem>>) src(%dma_wait3A_63 : memref<632x64xf32, #tpu.memory_space<vmem_shared>>) dst(%dma_wait3A_61 : memref<632x64xf32, #tpu.memory_space<hbm>>)
      tpu.yield
    }) : () -> ()
    return
  }
}

#map = affine_map<(d0, d1) -> (0, 0, 0)>
#map1 = affine_map<(d0, d1) -> (0, 0)>
#map2 = affine_map<(d0, d1) -> (0, 0, 0, 0)>
module attributes {stable_mosaic.version = 14 : i64} {
  func.func @cnt(%arg0: i32, %arg1: i32, %arg2: memref<32x79x128xi32, #tpu.memory_space<hbm>>, %arg3: memref<32x79x128xi32, #tpu.memory_space<hbm>>, %arg4: memref<128x16xf32, #tpu.memory_space<hbm>>, %arg5: memref<10112x16xf32, #tpu.memory_space<hbm>>, %arg6: memref<2x2x10112x16xf32, #tpu.memory_space<hbm>>, %arg7: memref<79x128xi32, #tpu.memory_space<vmem>>, %arg8: memref<79x128xi32, #tpu.memory_space<vmem>>, %arg9: memref<128x16xf32, #tpu.memory_space<vmem>>, %arg10: memref<10112x16xf32, #tpu.memory_space<vmem_shared>>, %arg11: memref<10112x16xf32, #tpu.memory_space<vmem_shared>>, %arg12: memref<!tpu.dma_semaphore, #tpu.memory_space<semaphore_mem>>, %arg13: memref<!tpu.dma_semaphore, #tpu.memory_space<semaphore_mem>>) attributes {dimension_semantics = [#tpu.dimension_semantics<core_parallel>, #tpu.dimension_semantics<subcore_parallel>], iteration_bounds = array<i64: 2, 16>, scalar_prefetch = 0 : i64, scratch_operands = 7 : i64, tpu.core_type = #tpu.core_type<sc_vector_subcore>, window_params = [{transform_indices = #map}, {transform_indices = #map}, {transform_indices = #map1}, {transform_indices = #map1}, {transform_indices = #map2}]} {
    %mul3A = arith.constant 16 : i32
    %mul3A_0 = arith.muli %arg0, %mul3A : i32
    %add3A = arith.addi %mul3A_0, %arg1 : i32
    %mul3A_1 = arith.constant 632 : i32
    %mul3A_2 = arith.muli %arg1, %mul3A_1 : i32
    %mul3A_3 = arith.constant 632 : i32
    %mul3A_4 = arith.muli %arg1, %mul3A_3 : i32
    "tpu.region"() ({
      %run_scoped3A_135 = tpu.sem_alloc : memref<!tpu.dma_semaphore, #tpu.memory_space<semaphore_mem>>
      %dma_start3A = arith.constant 0 : i32
      %dma_start3A_136 = tpu.memref_slice %arg10[%mul3A_4, %dma_start3A] : memref<10112x16xf32, #tpu.memory_space<vmem_shared>> -> memref<632x16xf32, #tpu.memory_space<vmem_shared>>
      %dma_start3A_137 = arith.constant 0 : i32
      %dma_start3A_138 = tpu.memref_slice %arg5[%mul3A_2, %dma_start3A_137] : memref<10112x16xf32, #tpu.memory_space<hbm>> -> memref<632x16xf32, #tpu.memory_space<hbm>>
      tpu.enqueue_dma source(%dma_start3A_138 : memref<632x16xf32, #tpu.memory_space<hbm>>) target(%dma_start3A_136 : memref<632x16xf32, #tpu.memory_space<vmem_shared>>) target_semaphore(%run_scoped3A_135 : memref<!tpu.dma_semaphore, #tpu.memory_space<semaphore_mem>>)
      %dma_wait3A_139 = arith.constant 0 : i32
      %dma_wait3A_140 = tpu.memref_slice %arg10[%mul3A_4, %dma_wait3A_139] : memref<10112x16xf32, #tpu.memory_space<vmem_shared>> -> memref<632x16xf32, #tpu.memory_space<vmem_shared>>
      %dma_wait3A_141 = arith.constant 0 : i32
      %dma_wait3A_142 = tpu.memref_slice %arg5[%mul3A_2, %dma_wait3A_141] : memref<10112x16xf32, #tpu.memory_space<hbm>> -> memref<632x16xf32, #tpu.memory_space<hbm>>
      tpu.wait_dma2 semaphore(%run_scoped3A_135 : memref<!tpu.dma_semaphore, #tpu.memory_space<semaphore_mem>>) src(%dma_wait3A_142 : memref<632x16xf32, #tpu.memory_space<hbm>>) dst(%dma_wait3A_140 : memref<632x16xf32, #tpu.memory_space<vmem_shared>>)
      tpu.yield
    }) : () -> ()
    %mul3A_5 = arith.constant 632 : i32
    %mul3A_6 = arith.muli %arg1, %mul3A_5 : i32
    %mul3A_7 = arith.constant 632 : i32
    %mul3A_8 = arith.muli %arg1, %mul3A_7 : i32
    "tpu.region"() ({
      %run_scoped3A_135 = tpu.sem_alloc : memref<!tpu.dma_semaphore, #tpu.memory_space<semaphore_mem>>
      %dma_start3A = arith.constant 0 : i32
      %dma_start3A_136 = tpu.memref_slice %arg11[%mul3A_8, %dma_start3A] : memref<10112x16xf32, #tpu.memory_space<vmem_shared>> -> memref<632x16xf32, #tpu.memory_space<vmem_shared>>
      %dma_start3A_137 = arith.constant 0 : i32
      %dma_start3A_138 = tpu.memref_slice %arg5[%mul3A_6, %dma_start3A_137] : memref<10112x16xf32, #tpu.memory_space<hbm>> -> memref<632x16xf32, #tpu.memory_space<hbm>>
      tpu.enqueue_dma source(%dma_start3A_138 : memref<632x16xf32, #tpu.memory_space<hbm>>) target(%dma_start3A_136 : memref<632x16xf32, #tpu.memory_space<vmem_shared>>) target_semaphore(%run_scoped3A_135 : memref<!tpu.dma_semaphore, #tpu.memory_space<semaphore_mem>>)
      %dma_wait3A_139 = arith.constant 0 : i32
      %dma_wait3A_140 = tpu.memref_slice %arg11[%mul3A_8, %dma_wait3A_139] : memref<10112x16xf32, #tpu.memory_space<vmem_shared>> -> memref<632x16xf32, #tpu.memory_space<vmem_shared>>
      %dma_wait3A_141 = arith.constant 0 : i32
      %dma_wait3A_142 = tpu.memref_slice %arg5[%mul3A_6, %dma_wait3A_141] : memref<10112x16xf32, #tpu.memory_space<hbm>> -> memref<632x16xf32, #tpu.memory_space<hbm>>
      tpu.wait_dma2 semaphore(%run_scoped3A_135 : memref<!tpu.dma_semaphore, #tpu.memory_space<semaphore_mem>>) src(%dma_wait3A_142 : memref<632x16xf32, #tpu.memory_space<hbm>>) dst(%dma_wait3A_140 : memref<632x16xf32, #tpu.memory_space<vmem_shared>>)
      tpu.yield
    }) : () -> ()
    "tpu.region"() ({
      %run_scoped3A_135 = tpu.sem_alloc : memref<!tpu.dma_semaphore, #tpu.memory_space<semaphore_mem>>
      tpu.enqueue_dma source(%arg4 : memref<128x16xf32, #tpu.memory_space<hbm>>) target(%arg9 : memref<128x16xf32, #tpu.memory_space<vmem>>) target_semaphore(%run_scoped3A_135 : memref<!tpu.dma_semaphore, #tpu.memory_space<semaphore_mem>>)
      tpu.wait_dma2 semaphore(%run_scoped3A_135 : memref<!tpu.dma_semaphore, #tpu.memory_space<semaphore_mem>>) src(%arg4 : memref<128x16xf32, #tpu.memory_space<hbm>>) dst(%arg9 : memref<128x16xf32, #tpu.memory_space<vmem>>)
      tpu.yield
    }) : () -> ()
    "tpu.region"() ({
      %run_scoped3A_135 = tpu.sem_alloc : memref<!tpu.dma_semaphore, #tpu.memory_space<semaphore_mem>>
      %dma_start3A = arith.constant 0 : i32
      %dma_start3A_136 = arith.constant 0 : i32
      %dma_start3A_137 = tpu.memref_slice %arg2[%add3A, %dma_start3A, %dma_start3A_136] : memref<32x79x128xi32, #tpu.memory_space<hbm>> -> memref<1x79x128xi32, #tpu.memory_space<hbm>>
      %dma_start3A_138 = tpu.memref_squeeze %dma_start3A_137 : memref<1x79x128xi32, #tpu.memory_space<hbm>> -> memref<79x128xi32, #tpu.memory_space<hbm>>
      %dma_start3A_139 = arith.constant 0 : i32
      %dma_start3A_140 = arith.constant 0 : i32
      %dma_start3A_141 = tpu.memref_slice %arg2[%add3A, %dma_start3A_139, %dma_start3A_140] : memref<32x79x128xi32, #tpu.memory_space<hbm>> -> memref<1x79x128xi32, #tpu.memory_space<hbm>>
      %dma_start3A_142 = tpu.memref_squeeze %dma_start3A_141 : memref<1x79x128xi32, #tpu.memory_space<hbm>> -> memref<79x128xi32, #tpu.memory_space<hbm>>
      tpu.enqueue_dma source(%dma_start3A_142 : memref<79x128xi32, #tpu.memory_space<hbm>>) target(%arg7 : memref<79x128xi32, #tpu.memory_space<vmem>>) target_semaphore(%run_scoped3A_135 : memref<!tpu.dma_semaphore, #tpu.memory_space<semaphore_mem>>)
      %dma_wait3A_143 = arith.constant 0 : i32
      %dma_wait3A_144 = arith.constant 0 : i32
      %dma_wait3A_145 = tpu.memref_slice %arg2[%add3A, %dma_wait3A_143, %dma_wait3A_144] : memref<32x79x128xi32, #tpu.memory_space<hbm>> -> memref<1x79x128xi32, #tpu.memory_space<hbm>>
      %dma_wait3A_146 = tpu.memref_squeeze %dma_wait3A_145 : memref<1x79x128xi32, #tpu.memory_space<hbm>> -> memref<79x128xi32, #tpu.memory_space<hbm>>
      %dma_wait3A_147 = arith.constant 0 : i32
      %dma_wait3A_148 = arith.constant 0 : i32
      %dma_wait3A_149 = tpu.memref_slice %arg2[%add3A, %dma_wait3A_147, %dma_wait3A_148] : memref<32x79x128xi32, #tpu.memory_space<hbm>> -> memref<1x79x128xi32, #tpu.memory_space<hbm>>
      %dma_wait3A_150 = tpu.memref_squeeze %dma_wait3A_149 : memref<1x79x128xi32, #tpu.memory_space<hbm>> -> memref<79x128xi32, #tpu.memory_space<hbm>>
      tpu.wait_dma2 semaphore(%run_scoped3A_135 : memref<!tpu.dma_semaphore, #tpu.memory_space<semaphore_mem>>) src(%dma_wait3A_150 : memref<79x128xi32, #tpu.memory_space<hbm>>) dst(%arg7 : memref<79x128xi32, #tpu.memory_space<vmem>>)
      tpu.yield
    }) : () -> ()
    "tpu.region"() ({
      %run_scoped3A_135 = tpu.sem_alloc : memref<!tpu.dma_semaphore, #tpu.memory_space<semaphore_mem>>
      %dma_start3A = arith.constant 0 : i32
      %dma_start3A_136 = arith.constant 0 : i32
      %dma_start3A_137 = tpu.memref_slice %arg3[%add3A, %dma_start3A, %dma_start3A_136] : memref<32x79x128xi32, #tpu.memory_space<hbm>> -> memref<1x79x128xi32, #tpu.memory_space<hbm>>
      %dma_start3A_138 = tpu.memref_squeeze %dma_start3A_137 : memref<1x79x128xi32, #tpu.memory_space<hbm>> -> memref<79x128xi32, #tpu.memory_space<hbm>>
      %dma_start3A_139 = arith.constant 0 : i32
      %dma_start3A_140 = arith.constant 0 : i32
      %dma_start3A_141 = tpu.memref_slice %arg3[%add3A, %dma_start3A_139, %dma_start3A_140] : memref<32x79x128xi32, #tpu.memory_space<hbm>> -> memref<1x79x128xi32, #tpu.memory_space<hbm>>
      %dma_start3A_142 = tpu.memref_squeeze %dma_start3A_141 : memref<1x79x128xi32, #tpu.memory_space<hbm>> -> memref<79x128xi32, #tpu.memory_space<hbm>>
      tpu.enqueue_dma source(%dma_start3A_142 : memref<79x128xi32, #tpu.memory_space<hbm>>) target(%arg8 : memref<79x128xi32, #tpu.memory_space<vmem>>) target_semaphore(%run_scoped3A_135 : memref<!tpu.dma_semaphore, #tpu.memory_space<semaphore_mem>>)
      %dma_wait3A_143 = arith.constant 0 : i32
      %dma_wait3A_144 = arith.constant 0 : i32
      %dma_wait3A_145 = tpu.memref_slice %arg3[%add3A, %dma_wait3A_143, %dma_wait3A_144] : memref<32x79x128xi32, #tpu.memory_space<hbm>> -> memref<1x79x128xi32, #tpu.memory_space<hbm>>
      %dma_wait3A_146 = tpu.memref_squeeze %dma_wait3A_145 : memref<1x79x128xi32, #tpu.memory_space<hbm>> -> memref<79x128xi32, #tpu.memory_space<hbm>>
      %dma_wait3A_147 = arith.constant 0 : i32
      %dma_wait3A_148 = arith.constant 0 : i32
      %dma_wait3A_149 = tpu.memref_slice %arg3[%add3A, %dma_wait3A_147, %dma_wait3A_148] : memref<32x79x128xi32, #tpu.memory_space<hbm>> -> memref<1x79x128xi32, #tpu.memory_space<hbm>>
      %dma_wait3A_150 = tpu.memref_squeeze %dma_wait3A_149 : memref<1x79x128xi32, #tpu.memory_space<hbm>> -> memref<79x128xi32, #tpu.memory_space<hbm>>
      tpu.wait_dma2 semaphore(%run_scoped3A_135 : memref<!tpu.dma_semaphore, #tpu.memory_space<semaphore_mem>>) src(%dma_wait3A_150 : memref<79x128xi32, #tpu.memory_space<hbm>>) dst(%arg8 : memref<79x128xi32, #tpu.memory_space<vmem>>)
      tpu.yield
    }) : () -> ()
    %barrier3A = arith.constant 0 : index
    tpu.barrier barrier_id(%barrier3A)
    %scan3A = arith.constant 0 : i32
    %scan3A_9 = arith.constant 0 : i32
    %scan3A_10 = arith.constant 79 : i32
    %scan3A_11 = arith.addi %scan3A_9, %scan3A_10 : i32
    %scan3A_12 = arith.constant 1 : i32
    scf.for %scan3A_135 = %scan3A_9 to %scan3A_11 step %scan3A_12  : i32 {
      %ge3A = arith.constant 8 : i32
      %ge3A_136 = arith.cmpi sge, %scan3A_135, %ge3A : i32
      %convert_element_type3A = arith.extui %ge3A_136 : i1 to i32
      %cond3A = arith.constant 0 : i32
      %cond3A_137 = arith.cmpi ne, %convert_element_type3A, %cond3A : i32
      scf.if %cond3A_137 {
        %dma_wait3A_149 = arith.constant 0 : i32
        %dma_wait3A_150 = arith.constant 0 : i32
        %dma_wait3A_151 = tpu.memref_slice %arg7[%dma_wait3A_149, %dma_wait3A_150] : memref<79x128xi32, #tpu.memory_space<vmem>> -> memref<1x128xi32, #tpu.memory_space<vmem>>
        %dma_wait3A_152 = tpu.memref_squeeze %dma_wait3A_151 : memref<1x128xi32, #tpu.memory_space<vmem>> -> memref<128xi32, #tpu.memory_space<vmem>>
        %dma_wait3A_153 = arith.constant 0 : i32
        %dma_wait3A_154 = arith.constant 0 : i32
        %dma_wait3A_155 = tpu.memref_slice %arg10[%dma_wait3A_153, %dma_wait3A_154] : memref<10112x16xf32, #tpu.memory_space<vmem_shared>> -> memref<10112x16xf32, #tpu.memory_space<vmem_shared>>
        tpu.wait_indirect_dma semaphore(%arg12 : memref<!tpu.dma_semaphore, #tpu.memory_space<semaphore_mem>>) src(%arg9 : memref<128x16xf32, #tpu.memory_space<vmem>>) dst(%dma_wait3A_155 : memref<10112x16xf32, #tpu.memory_space<vmem_shared>>)
        %dma_wait3A_156 = arith.constant 0 : i32
        %dma_wait3A_157 = arith.constant 0 : i32
        %dma_wait3A_158 = tpu.memref_slice %arg8[%dma_wait3A_156, %dma_wait3A_157] : memref<79x128xi32, #tpu.memory_space<vmem>> -> memref<1x128xi32, #tpu.memory_space<vmem>>
        %dma_wait3A_159 = tpu.memref_squeeze %dma_wait3A_158 : memref<1x128xi32, #tpu.memory_space<vmem>> -> memref<128xi32, #tpu.memory_space<vmem>>
        %dma_wait3A_160 = arith.constant 0 : i32
        %dma_wait3A_161 = arith.constant 0 : i32
        %dma_wait3A_162 = tpu.memref_slice %arg11[%dma_wait3A_160, %dma_wait3A_161] : memref<10112x16xf32, #tpu.memory_space<vmem_shared>> -> memref<10112x16xf32, #tpu.memory_space<vmem_shared>>
        tpu.wait_indirect_dma semaphore(%arg13 : memref<!tpu.dma_semaphore, #tpu.memory_space<semaphore_mem>>) src(%arg9 : memref<128x16xf32, #tpu.memory_space<vmem>>) dst(%dma_wait3A_162 : memref<10112x16xf32, #tpu.memory_space<vmem_shared>>)
      } else {
      }
      %dma_start3A = arith.constant 0 : i32
      %dma_start3A_138 = tpu.memref_slice %arg7[%scan3A_135, %dma_start3A] : memref<79x128xi32, #tpu.memory_space<vmem>> -> memref<1x128xi32, #tpu.memory_space<vmem>>
      %dma_start3A_139 = tpu.memref_squeeze %dma_start3A_138 : memref<1x128xi32, #tpu.memory_space<vmem>> -> memref<128xi32, #tpu.memory_space<vmem>>
      %dma_start3A_140 = arith.constant 0 : i32
      %dma_start3A_141 = arith.constant 0 : i32
      %dma_start3A_142 = tpu.memref_slice %arg10[%dma_start3A_140, %dma_start3A_141] : memref<10112x16xf32, #tpu.memory_space<vmem_shared>> -> memref<10112x16xf32, #tpu.memory_space<vmem_shared>>
      tpu.enqueue_indirect_dma source(%arg9 : memref<128x16xf32, #tpu.memory_space<vmem>>) target(%dma_start3A_142 : memref<10112x16xf32, #tpu.memory_space<vmem_shared>>) offsets(%dma_start3A_139 : memref<128xi32, #tpu.memory_space<vmem>>) semaphore(%arg12 : memref<!tpu.dma_semaphore, #tpu.memory_space<semaphore_mem>>) {add = true}
      %dma_start3A_143 = arith.constant 0 : i32
      %dma_start3A_144 = tpu.memref_slice %arg8[%scan3A_135, %dma_start3A_143] : memref<79x128xi32, #tpu.memory_space<vmem>> -> memref<1x128xi32, #tpu.memory_space<vmem>>
      %dma_start3A_145 = tpu.memref_squeeze %dma_start3A_144 : memref<1x128xi32, #tpu.memory_space<vmem>> -> memref<128xi32, #tpu.memory_space<vmem>>
      %dma_start3A_146 = arith.constant 0 : i32
      %dma_start3A_147 = arith.constant 0 : i32
      %dma_start3A_148 = tpu.memref_slice %arg11[%dma_start3A_146, %dma_start3A_147] : memref<10112x16xf32, #tpu.memory_space<vmem_shared>> -> memref<10112x16xf32, #tpu.memory_space<vmem_shared>>
      tpu.enqueue_indirect_dma source(%arg9 : memref<128x16xf32, #tpu.memory_space<vmem>>) target(%dma_start3A_148 : memref<10112x16xf32, #tpu.memory_space<vmem_shared>>) offsets(%dma_start3A_145 : memref<128xi32, #tpu.memory_space<vmem>>) semaphore(%arg13 : memref<!tpu.dma_semaphore, #tpu.memory_space<semaphore_mem>>) {add = true}
    }
    %scan3A_13 = arith.constant 79 : i32
    %dma_wait3A = arith.constant 0 : i32
    %dma_wait3A_14 = arith.constant 0 : i32
    %dma_wait3A_15 = tpu.memref_slice %arg7[%dma_wait3A, %dma_wait3A_14] : memref<79x128xi32, #tpu.memory_space<vmem>> -> memref<1x128xi32, #tpu.memory_space<vmem>>
    %dma_wait3A_16 = tpu.memref_squeeze %dma_wait3A_15 : memref<1x128xi32, #tpu.memory_space<vmem>> -> memref<128xi32, #tpu.memory_space<vmem>>
    %dma_wait3A_17 = arith.constant 0 : i32
    %dma_wait3A_18 = arith.constant 0 : i32
    %dma_wait3A_19 = tpu.memref_slice %arg10[%dma_wait3A_17, %dma_wait3A_18] : memref<10112x16xf32, #tpu.memory_space<vmem_shared>> -> memref<10112x16xf32, #tpu.memory_space<vmem_shared>>
    tpu.wait_indirect_dma semaphore(%arg12 : memref<!tpu.dma_semaphore, #tpu.memory_space<semaphore_mem>>) src(%arg9 : memref<128x16xf32, #tpu.memory_space<vmem>>) dst(%dma_wait3A_19 : memref<10112x16xf32, #tpu.memory_space<vmem_shared>>)
    %dma_wait3A_20 = arith.constant 0 : i32
    %dma_wait3A_21 = arith.constant 0 : i32
    %dma_wait3A_22 = tpu.memref_slice %arg8[%dma_wait3A_20, %dma_wait3A_21] : memref<79x128xi32, #tpu.memory_space<vmem>> -> memref<1x128xi32, #tpu.memory_space<vmem>>
    %dma_wait3A_23 = tpu.memref_squeeze %dma_wait3A_22 : memref<1x128xi32, #tpu.memory_space<vmem>> -> memref<128xi32, #tpu.memory_space<vmem>>
    %dma_wait3A_24 = arith.constant 0 : i32
    %dma_wait3A_25 = arith.constant 0 : i32
    %dma_wait3A_26 = tpu.memref_slice %arg11[%dma_wait3A_24, %dma_wait3A_25] : memref<10112x16xf32, #tpu.memory_space<vmem_shared>> -> memref<10112x16xf32, #tpu.memory_space<vmem_shared>>
    tpu.wait_indirect_dma semaphore(%arg13 : memref<!tpu.dma_semaphore, #tpu.memory_space<semaphore_mem>>) src(%arg9 : memref<128x16xf32, #tpu.memory_space<vmem>>) dst(%dma_wait3A_26 : memref<10112x16xf32, #tpu.memory_space<vmem_shared>>)
    %dma_wait3A_27 = arith.constant 0 : i32
    %dma_wait3A_28 = arith.constant 0 : i32
    %dma_wait3A_29 = tpu.memref_slice %arg7[%dma_wait3A_27, %dma_wait3A_28] : memref<79x128xi32, #tpu.memory_space<vmem>> -> memref<1x128xi32, #tpu.memory_space<vmem>>
    %dma_wait3A_30 = tpu.memref_squeeze %dma_wait3A_29 : memref<1x128xi32, #tpu.memory_space<vmem>> -> memref<128xi32, #tpu.memory_space<vmem>>
    %dma_wait3A_31 = arith.constant 0 : i32
    %dma_wait3A_32 = arith.constant 0 : i32
    %dma_wait3A_33 = tpu.memref_slice %arg10[%dma_wait3A_31, %dma_wait3A_32] : memref<10112x16xf32, #tpu.memory_space<vmem_shared>> -> memref<10112x16xf32, #tpu.memory_space<vmem_shared>>
    tpu.wait_indirect_dma semaphore(%arg12 : memref<!tpu.dma_semaphore, #tpu.memory_space<semaphore_mem>>) src(%arg9 : memref<128x16xf32, #tpu.memory_space<vmem>>) dst(%dma_wait3A_33 : memref<10112x16xf32, #tpu.memory_space<vmem_shared>>)
    %dma_wait3A_34 = arith.constant 0 : i32
    %dma_wait3A_35 = arith.constant 0 : i32
    %dma_wait3A_36 = tpu.memref_slice %arg8[%dma_wait3A_34, %dma_wait3A_35] : memref<79x128xi32, #tpu.memory_space<vmem>> -> memref<1x128xi32, #tpu.memory_space<vmem>>
    %dma_wait3A_37 = tpu.memref_squeeze %dma_wait3A_36 : memref<1x128xi32, #tpu.memory_space<vmem>> -> memref<128xi32, #tpu.memory_space<vmem>>
    %dma_wait3A_38 = arith.constant 0 : i32
    %dma_wait3A_39 = arith.constant 0 : i32
    %dma_wait3A_40 = tpu.memref_slice %arg11[%dma_wait3A_38, %dma_wait3A_39] : memref<10112x16xf32, #tpu.memory_space<vmem_shared>> -> memref<10112x16xf32, #tpu.memory_space<vmem_shared>>
    tpu.wait_indirect_dma semaphore(%arg13 : memref<!tpu.dma_semaphore, #tpu.memory_space<semaphore_mem>>) src(%arg9 : memref<128x16xf32, #tpu.memory_space<vmem>>) dst(%dma_wait3A_40 : memref<10112x16xf32, #tpu.memory_space<vmem_shared>>)
    %dma_wait3A_41 = arith.constant 0 : i32
    %dma_wait3A_42 = arith.constant 0 : i32
    %dma_wait3A_43 = tpu.memref_slice %arg7[%dma_wait3A_41, %dma_wait3A_42] : memref<79x128xi32, #tpu.memory_space<vmem>> -> memref<1x128xi32, #tpu.memory_space<vmem>>
    %dma_wait3A_44 = tpu.memref_squeeze %dma_wait3A_43 : memref<1x128xi32, #tpu.memory_space<vmem>> -> memref<128xi32, #tpu.memory_space<vmem>>
    %dma_wait3A_45 = arith.constant 0 : i32
    %dma_wait3A_46 = arith.constant 0 : i32
    %dma_wait3A_47 = tpu.memref_slice %arg10[%dma_wait3A_45, %dma_wait3A_46] : memref<10112x16xf32, #tpu.memory_space<vmem_shared>> -> memref<10112x16xf32, #tpu.memory_space<vmem_shared>>
    tpu.wait_indirect_dma semaphore(%arg12 : memref<!tpu.dma_semaphore, #tpu.memory_space<semaphore_mem>>) src(%arg9 : memref<128x16xf32, #tpu.memory_space<vmem>>) dst(%dma_wait3A_47 : memref<10112x16xf32, #tpu.memory_space<vmem_shared>>)
    %dma_wait3A_48 = arith.constant 0 : i32
    %dma_wait3A_49 = arith.constant 0 : i32
    %dma_wait3A_50 = tpu.memref_slice %arg8[%dma_wait3A_48, %dma_wait3A_49] : memref<79x128xi32, #tpu.memory_space<vmem>> -> memref<1x128xi32, #tpu.memory_space<vmem>>
    %dma_wait3A_51 = tpu.memref_squeeze %dma_wait3A_50 : memref<1x128xi32, #tpu.memory_space<vmem>> -> memref<128xi32, #tpu.memory_space<vmem>>
    %dma_wait3A_52 = arith.constant 0 : i32
    %dma_wait3A_53 = arith.constant 0 : i32
    %dma_wait3A_54 = tpu.memref_slice %arg11[%dma_wait3A_52, %dma_wait3A_53] : memref<10112x16xf32, #tpu.memory_space<vmem_shared>> -> memref<10112x16xf32, #tpu.memory_space<vmem_shared>>
    tpu.wait_indirect_dma semaphore(%arg13 : memref<!tpu.dma_semaphore, #tpu.memory_space<semaphore_mem>>) src(%arg9 : memref<128x16xf32, #tpu.memory_space<vmem>>) dst(%dma_wait3A_54 : memref<10112x16xf32, #tpu.memory_space<vmem_shared>>)
    %dma_wait3A_55 = arith.constant 0 : i32
    %dma_wait3A_56 = arith.constant 0 : i32
    %dma_wait3A_57 = tpu.memref_slice %arg7[%dma_wait3A_55, %dma_wait3A_56] : memref<79x128xi32, #tpu.memory_space<vmem>> -> memref<1x128xi32, #tpu.memory_space<vmem>>
    %dma_wait3A_58 = tpu.memref_squeeze %dma_wait3A_57 : memref<1x128xi32, #tpu.memory_space<vmem>> -> memref<128xi32, #tpu.memory_space<vmem>>
    %dma_wait3A_59 = arith.constant 0 : i32
    %dma_wait3A_60 = arith.constant 0 : i32
    %dma_wait3A_61 = tpu.memref_slice %arg10[%dma_wait3A_59, %dma_wait3A_60] : memref<10112x16xf32, #tpu.memory_space<vmem_shared>> -> memref<10112x16xf32, #tpu.memory_space<vmem_shared>>
    tpu.wait_indirect_dma semaphore(%arg12 : memref<!tpu.dma_semaphore, #tpu.memory_space<semaphore_mem>>) src(%arg9 : memref<128x16xf32, #tpu.memory_space<vmem>>) dst(%dma_wait3A_61 : memref<10112x16xf32, #tpu.memory_space<vmem_shared>>)
    %dma_wait3A_62 = arith.constant 0 : i32
    %dma_wait3A_63 = arith.constant 0 : i32
    %dma_wait3A_64 = tpu.memref_slice %arg8[%dma_wait3A_62, %dma_wait3A_63] : memref<79x128xi32, #tpu.memory_space<vmem>> -> memref<1x128xi32, #tpu.memory_space<vmem>>
    %dma_wait3A_65 = tpu.memref_squeeze %dma_wait3A_64 : memref<1x128xi32, #tpu.memory_space<vmem>> -> memref<128xi32, #tpu.memory_space<vmem>>
    %dma_wait3A_66 = arith.constant 0 : i32
    %dma_wait3A_67 = arith.constant 0 : i32
    %dma_wait3A_68 = tpu.memref_slice %arg11[%dma_wait3A_66, %dma_wait3A_67] : memref<10112x16xf32, #tpu.memory_space<vmem_shared>> -> memref<10112x16xf32, #tpu.memory_space<vmem_shared>>
    tpu.wait_indirect_dma semaphore(%arg13 : memref<!tpu.dma_semaphore, #tpu.memory_space<semaphore_mem>>) src(%arg9 : memref<128x16xf32, #tpu.memory_space<vmem>>) dst(%dma_wait3A_68 : memref<10112x16xf32, #tpu.memory_space<vmem_shared>>)
    %dma_wait3A_69 = arith.constant 0 : i32
    %dma_wait3A_70 = arith.constant 0 : i32
    %dma_wait3A_71 = tpu.memref_slice %arg7[%dma_wait3A_69, %dma_wait3A_70] : memref<79x128xi32, #tpu.memory_space<vmem>> -> memref<1x128xi32, #tpu.memory_space<vmem>>
    %dma_wait3A_72 = tpu.memref_squeeze %dma_wait3A_71 : memref<1x128xi32, #tpu.memory_space<vmem>> -> memref<128xi32, #tpu.memory_space<vmem>>
    %dma_wait3A_73 = arith.constant 0 : i32
    %dma_wait3A_74 = arith.constant 0 : i32
    %dma_wait3A_75 = tpu.memref_slice %arg10[%dma_wait3A_73, %dma_wait3A_74] : memref<10112x16xf32, #tpu.memory_space<vmem_shared>> -> memref<10112x16xf32, #tpu.memory_space<vmem_shared>>
    tpu.wait_indirect_dma semaphore(%arg12 : memref<!tpu.dma_semaphore, #tpu.memory_space<semaphore_mem>>) src(%arg9 : memref<128x16xf32, #tpu.memory_space<vmem>>) dst(%dma_wait3A_75 : memref<10112x16xf32, #tpu.memory_space<vmem_shared>>)
    %dma_wait3A_76 = arith.constant 0 : i32
    %dma_wait3A_77 = arith.constant 0 : i32
    %dma_wait3A_78 = tpu.memref_slice %arg8[%dma_wait3A_76, %dma_wait3A_77] : memref<79x128xi32, #tpu.memory_space<vmem>> -> memref<1x128xi32, #tpu.memory_space<vmem>>
    %dma_wait3A_79 = tpu.memref_squeeze %dma_wait3A_78 : memref<1x128xi32, #tpu.memory_space<vmem>> -> memref<128xi32, #tpu.memory_space<vmem>>
    %dma_wait3A_80 = arith.constant 0 : i32
    %dma_wait3A_81 = arith.constant 0 : i32
    %dma_wait3A_82 = tpu.memref_slice %arg11[%dma_wait3A_80, %dma_wait3A_81] : memref<10112x16xf32, #tpu.memory_space<vmem_shared>> -> memref<10112x16xf32, #tpu.memory_space<vmem_shared>>
    tpu.wait_indirect_dma semaphore(%arg13 : memref<!tpu.dma_semaphore, #tpu.memory_space<semaphore_mem>>) src(%arg9 : memref<128x16xf32, #tpu.memory_space<vmem>>) dst(%dma_wait3A_82 : memref<10112x16xf32, #tpu.memory_space<vmem_shared>>)
    %dma_wait3A_83 = arith.constant 0 : i32
    %dma_wait3A_84 = arith.constant 0 : i32
    %dma_wait3A_85 = tpu.memref_slice %arg7[%dma_wait3A_83, %dma_wait3A_84] : memref<79x128xi32, #tpu.memory_space<vmem>> -> memref<1x128xi32, #tpu.memory_space<vmem>>
    %dma_wait3A_86 = tpu.memref_squeeze %dma_wait3A_85 : memref<1x128xi32, #tpu.memory_space<vmem>> -> memref<128xi32, #tpu.memory_space<vmem>>
    %dma_wait3A_87 = arith.constant 0 : i32
    %dma_wait3A_88 = arith.constant 0 : i32
    %dma_wait3A_89 = tpu.memref_slice %arg10[%dma_wait3A_87, %dma_wait3A_88] : memref<10112x16xf32, #tpu.memory_space<vmem_shared>> -> memref<10112x16xf32, #tpu.memory_space<vmem_shared>>
    tpu.wait_indirect_dma semaphore(%arg12 : memref<!tpu.dma_semaphore, #tpu.memory_space<semaphore_mem>>) src(%arg9 : memref<128x16xf32, #tpu.memory_space<vmem>>) dst(%dma_wait3A_89 : memref<10112x16xf32, #tpu.memory_space<vmem_shared>>)
    %dma_wait3A_90 = arith.constant 0 : i32
    %dma_wait3A_91 = arith.constant 0 : i32
    %dma_wait3A_92 = tpu.memref_slice %arg8[%dma_wait3A_90, %dma_wait3A_91] : memref<79x128xi32, #tpu.memory_space<vmem>> -> memref<1x128xi32, #tpu.memory_space<vmem>>
    %dma_wait3A_93 = tpu.memref_squeeze %dma_wait3A_92 : memref<1x128xi32, #tpu.memory_space<vmem>> -> memref<128xi32, #tpu.memory_space<vmem>>
    %dma_wait3A_94 = arith.constant 0 : i32
    %dma_wait3A_95 = arith.constant 0 : i32
    %dma_wait3A_96 = tpu.memref_slice %arg11[%dma_wait3A_94, %dma_wait3A_95] : memref<10112x16xf32, #tpu.memory_space<vmem_shared>> -> memref<10112x16xf32, #tpu.memory_space<vmem_shared>>
    tpu.wait_indirect_dma semaphore(%arg13 : memref<!tpu.dma_semaphore, #tpu.memory_space<semaphore_mem>>) src(%arg9 : memref<128x16xf32, #tpu.memory_space<vmem>>) dst(%dma_wait3A_96 : memref<10112x16xf32, #tpu.memory_space<vmem_shared>>)
    %dma_wait3A_97 = arith.constant 0 : i32
    %dma_wait3A_98 = arith.constant 0 : i32
    %dma_wait3A_99 = tpu.memref_slice %arg7[%dma_wait3A_97, %dma_wait3A_98] : memref<79x128xi32, #tpu.memory_space<vmem>> -> memref<1x128xi32, #tpu.memory_space<vmem>>
    %dma_wait3A_100 = tpu.memref_squeeze %dma_wait3A_99 : memref<1x128xi32, #tpu.memory_space<vmem>> -> memref<128xi32, #tpu.memory_space<vmem>>
    %dma_wait3A_101 = arith.constant 0 : i32
    %dma_wait3A_102 = arith.constant 0 : i32
    %dma_wait3A_103 = tpu.memref_slice %arg10[%dma_wait3A_101, %dma_wait3A_102] : memref<10112x16xf32, #tpu.memory_space<vmem_shared>> -> memref<10112x16xf32, #tpu.memory_space<vmem_shared>>
    tpu.wait_indirect_dma semaphore(%arg12 : memref<!tpu.dma_semaphore, #tpu.memory_space<semaphore_mem>>) src(%arg9 : memref<128x16xf32, #tpu.memory_space<vmem>>) dst(%dma_wait3A_103 : memref<10112x16xf32, #tpu.memory_space<vmem_shared>>)
    %dma_wait3A_104 = arith.constant 0 : i32
    %dma_wait3A_105 = arith.constant 0 : i32
    %dma_wait3A_106 = tpu.memref_slice %arg8[%dma_wait3A_104, %dma_wait3A_105] : memref<79x128xi32, #tpu.memory_space<vmem>> -> memref<1x128xi32, #tpu.memory_space<vmem>>
    %dma_wait3A_107 = tpu.memref_squeeze %dma_wait3A_106 : memref<1x128xi32, #tpu.memory_space<vmem>> -> memref<128xi32, #tpu.memory_space<vmem>>
    %dma_wait3A_108 = arith.constant 0 : i32
    %dma_wait3A_109 = arith.constant 0 : i32
    %dma_wait3A_110 = tpu.memref_slice %arg11[%dma_wait3A_108, %dma_wait3A_109] : memref<10112x16xf32, #tpu.memory_space<vmem_shared>> -> memref<10112x16xf32, #tpu.memory_space<vmem_shared>>
    tpu.wait_indirect_dma semaphore(%arg13 : memref<!tpu.dma_semaphore, #tpu.memory_space<semaphore_mem>>) src(%arg9 : memref<128x16xf32, #tpu.memory_space<vmem>>) dst(%dma_wait3A_110 : memref<10112x16xf32, #tpu.memory_space<vmem_shared>>)
    %dma_wait3A_111 = arith.constant 0 : i32
    %dma_wait3A_112 = arith.constant 0 : i32
    %dma_wait3A_113 = tpu.memref_slice %arg7[%dma_wait3A_111, %dma_wait3A_112] : memref<79x128xi32, #tpu.memory_space<vmem>> -> memref<1x128xi32, #tpu.memory_space<vmem>>
    %dma_wait3A_114 = tpu.memref_squeeze %dma_wait3A_113 : memref<1x128xi32, #tpu.memory_space<vmem>> -> memref<128xi32, #tpu.memory_space<vmem>>
    %dma_wait3A_115 = arith.constant 0 : i32
    %dma_wait3A_116 = arith.constant 0 : i32
    %dma_wait3A_117 = tpu.memref_slice %arg10[%dma_wait3A_115, %dma_wait3A_116] : memref<10112x16xf32, #tpu.memory_space<vmem_shared>> -> memref<10112x16xf32, #tpu.memory_space<vmem_shared>>
    tpu.wait_indirect_dma semaphore(%arg12 : memref<!tpu.dma_semaphore, #tpu.memory_space<semaphore_mem>>) src(%arg9 : memref<128x16xf32, #tpu.memory_space<vmem>>) dst(%dma_wait3A_117 : memref<10112x16xf32, #tpu.memory_space<vmem_shared>>)
    %dma_wait3A_118 = arith.constant 0 : i32
    %dma_wait3A_119 = arith.constant 0 : i32
    %dma_wait3A_120 = tpu.memref_slice %arg8[%dma_wait3A_118, %dma_wait3A_119] : memref<79x128xi32, #tpu.memory_space<vmem>> -> memref<1x128xi32, #tpu.memory_space<vmem>>
    %dma_wait3A_121 = tpu.memref_squeeze %dma_wait3A_120 : memref<1x128xi32, #tpu.memory_space<vmem>> -> memref<128xi32, #tpu.memory_space<vmem>>
    %dma_wait3A_122 = arith.constant 0 : i32
    %dma_wait3A_123 = arith.constant 0 : i32
    %dma_wait3A_124 = tpu.memref_slice %arg11[%dma_wait3A_122, %dma_wait3A_123] : memref<10112x16xf32, #tpu.memory_space<vmem_shared>> -> memref<10112x16xf32, #tpu.memory_space<vmem_shared>>
    tpu.wait_indirect_dma semaphore(%arg13 : memref<!tpu.dma_semaphore, #tpu.memory_space<semaphore_mem>>) src(%arg9 : memref<128x16xf32, #tpu.memory_space<vmem>>) dst(%dma_wait3A_124 : memref<10112x16xf32, #tpu.memory_space<vmem_shared>>)
    %barrier3A_125 = arith.constant 0 : index
    tpu.barrier barrier_id(%barrier3A_125)
    %mul3A_126 = arith.constant 632 : i32
    %mul3A_127 = arith.muli %arg1, %mul3A_126 : i32
    %mul3A_128 = arith.constant 632 : i32
    %mul3A_129 = arith.muli %arg1, %mul3A_128 : i32
    %run_scoped3A = arith.constant 0 : i32
    "tpu.region"() ({
      %run_scoped3A_135 = tpu.sem_alloc : memref<!tpu.dma_semaphore, #tpu.memory_space<semaphore_mem>>
      %dma_start3A = arith.constant 0 : i32
      %dma_start3A_136 = tpu.memref_slice %arg6[%arg0, %run_scoped3A, %mul3A_129, %dma_start3A] : memref<2x2x10112x16xf32, #tpu.memory_space<hbm>> -> memref<1x1x632x16xf32, #tpu.memory_space<hbm>>
      %dma_start3A_137 = tpu.memref_squeeze %dma_start3A_136 : memref<1x1x632x16xf32, #tpu.memory_space<hbm>> -> memref<632x16xf32, #tpu.memory_space<hbm>>
      %dma_start3A_138 = arith.constant 0 : i32
      %dma_start3A_139 = tpu.memref_slice %arg10[%mul3A_127, %dma_start3A_138] : memref<10112x16xf32, #tpu.memory_space<vmem_shared>> -> memref<632x16xf32, #tpu.memory_space<vmem_shared>>
      tpu.enqueue_dma source(%dma_start3A_139 : memref<632x16xf32, #tpu.memory_space<vmem_shared>>) target(%dma_start3A_137 : memref<632x16xf32, #tpu.memory_space<hbm>>) target_semaphore(%run_scoped3A_135 : memref<!tpu.dma_semaphore, #tpu.memory_space<semaphore_mem>>)
      %dma_wait3A_140 = arith.constant 0 : i32
      %dma_wait3A_141 = tpu.memref_slice %arg6[%arg0, %run_scoped3A, %mul3A_129, %dma_wait3A_140] : memref<2x2x10112x16xf32, #tpu.memory_space<hbm>> -> memref<1x1x632x16xf32, #tpu.memory_space<hbm>>
      %dma_wait3A_142 = tpu.memref_squeeze %dma_wait3A_141 : memref<1x1x632x16xf32, #tpu.memory_space<hbm>> -> memref<632x16xf32, #tpu.memory_space<hbm>>
      %dma_wait3A_143 = arith.constant 0 : i32
      %dma_wait3A_144 = tpu.memref_slice %arg10[%mul3A_127, %dma_wait3A_143] : memref<10112x16xf32, #tpu.memory_space<vmem_shared>> -> memref<632x16xf32, #tpu.memory_space<vmem_shared>>
      tpu.wait_dma2 semaphore(%run_scoped3A_135 : memref<!tpu.dma_semaphore, #tpu.memory_space<semaphore_mem>>) src(%dma_wait3A_144 : memref<632x16xf32, #tpu.memory_space<vmem_shared>>) dst(%dma_wait3A_142 : memref<632x16xf32, #tpu.memory_space<hbm>>)
      tpu.yield
    }) : () -> ()
    %mul3A_130 = arith.constant 632 : i32
    %mul3A_131 = arith.muli %arg1, %mul3A_130 : i32
    %mul3A_132 = arith.constant 632 : i32
    %mul3A_133 = arith.muli %arg1, %mul3A_132 : i32
    %run_scoped3A_134 = arith.constant 1 : i32
    "tpu.region"() ({
      %run_scoped3A_135 = tpu.sem_alloc : memref<!tpu.dma_semaphore, #tpu.memory_space<semaphore_mem>>
      %dma_start3A = arith.constant 0 : i32
      %dma_start3A_136 = tpu.memref_slice %arg6[%arg0, %run_scoped3A_134, %mul3A_133, %dma_start3A] : memref<2x2x10112x16xf32, #tpu.memory_space<hbm>> -> memref<1x1x632x16xf32, #tpu.memory_space<hbm>>
      %dma_start3A_137 = tpu.memref_squeeze %dma_start3A_136 : memref<1x1x632x16xf32, #tpu.memory_space<hbm>> -> memref<632x16xf32, #tpu.memory_space<hbm>>
      %dma_start3A_138 = arith.constant 0 : i32
      %dma_start3A_139 = tpu.memref_slice %arg11[%mul3A_131, %dma_start3A_138] : memref<10112x16xf32, #tpu.memory_space<vmem_shared>> -> memref<632x16xf32, #tpu.memory_space<vmem_shared>>
      tpu.enqueue_dma source(%dma_start3A_139 : memref<632x16xf32, #tpu.memory_space<vmem_shared>>) target(%dma_start3A_137 : memref<632x16xf32, #tpu.memory_space<hbm>>) target_semaphore(%run_scoped3A_135 : memref<!tpu.dma_semaphore, #tpu.memory_space<semaphore_mem>>)
      %dma_wait3A_140 = arith.constant 0 : i32
      %dma_wait3A_141 = tpu.memref_slice %arg6[%arg0, %run_scoped3A_134, %mul3A_133, %dma_wait3A_140] : memref<2x2x10112x16xf32, #tpu.memory_space<hbm>> -> memref<1x1x632x16xf32, #tpu.memory_space<hbm>>
      %dma_wait3A_142 = tpu.memref_squeeze %dma_wait3A_141 : memref<1x1x632x16xf32, #tpu.memory_space<hbm>> -> memref<632x16xf32, #tpu.memory_space<hbm>>
      %dma_wait3A_143 = arith.constant 0 : i32
      %dma_wait3A_144 = tpu.memref_slice %arg11[%mul3A_131, %dma_wait3A_143] : memref<10112x16xf32, #tpu.memory_space<vmem_shared>> -> memref<632x16xf32, #tpu.memory_space<vmem_shared>>
      tpu.wait_dma2 semaphore(%run_scoped3A_135 : memref<!tpu.dma_semaphore, #tpu.memory_space<semaphore_mem>>) src(%dma_wait3A_144 : memref<632x16xf32, #tpu.memory_space<vmem_shared>>) dst(%dma_wait3A_142 : memref<632x16xf32, #tpu.memory_space<hbm>>)
      tpu.yield
    }) : () -> ()
    return
  }
}

#map = affine_map<(d0, d1) -> (0, 0, 0)>
#map1 = affine_map<(d0, d1) -> (0, 0)>
#map2 = affine_map<(d0, d1) -> (0, 0, 0, 0)>
module attributes {stable_mosaic.version = 14 : i64} {
  func.func @seg(%arg0: i32, %arg1: i32, %arg2: memref<1x10112x64xf32, #tpu.memory_space<hbm>>, %arg3: memref<32x79x128xi32, #tpu.memory_space<hbm>>, %arg4: memref<32x79x128xi32, #tpu.memory_space<hbm>>, %arg5: memref<10112x64xf32, #tpu.memory_space<hbm>>, %arg6: memref<2x1x10112x64xf32, #tpu.memory_space<hbm>>, %arg7: memref<79x128xi32, #tpu.memory_space<vmem>>, %arg8: memref<79x128xi32, #tpu.memory_space<vmem>>, %arg9: memref<128x64xf32, #tpu.memory_space<vmem>>, %arg10: memref<128x64xf32, #tpu.memory_space<vmem>>, %arg11: memref<128x64xf32, #tpu.memory_space<vmem>>, %arg12: memref<10112x64xf32, #tpu.memory_space<vmem_shared>>, %arg13: memref<10112x64xf32, #tpu.memory_space<vmem_shared>>, %arg14: memref<!tpu.dma_semaphore, #tpu.memory_space<semaphore_mem>>, %arg15: memref<!tpu.dma_semaphore, #tpu.memory_space<semaphore_mem>>, %arg16: memref<!tpu.dma_semaphore, #tpu.memory_space<semaphore_mem>>, %arg17: memref<!tpu.dma_semaphore, #tpu.memory_space<semaphore_mem>>, %arg18: memref<!tpu.dma_semaphore, #tpu.memory_space<semaphore_mem>>, %arg19: memref<!tpu.dma_semaphore, #tpu.memory_space<semaphore_mem>>) attributes {dimension_semantics = [#tpu.dimension_semantics<core_parallel>, #tpu.dimension_semantics<subcore_parallel>], iteration_bounds = array<i64: 2, 16>, scalar_prefetch = 0 : i64, scratch_operands = 13 : i64, tpu.core_type = #tpu.core_type<sc_vector_subcore>, window_params = [{transform_indices = #map}, {transform_indices = #map}, {transform_indices = #map}, {transform_indices = #map1}, {transform_indices = #map2}]} {
    %mul3A = arith.constant 16 : i32
    %mul3A_0 = arith.muli %arg0, %mul3A : i32
    %add3A = arith.addi %mul3A_0, %arg1 : i32
    "tpu.region"() ({
      %run_scoped3A_53 = tpu.sem_alloc : memref<!tpu.dma_semaphore, #tpu.memory_space<semaphore_mem>>
      %dma_start3A_54 = arith.constant 0 : i32
      %dma_start3A_55 = arith.constant 0 : i32
      %dma_start3A_56 = tpu.memref_slice %arg3[%add3A, %dma_start3A_54, %dma_start3A_55] : memref<32x79x128xi32, #tpu.memory_space<hbm>> -> memref<1x79x128xi32, #tpu.memory_space<hbm>>
      %dma_start3A_57 = tpu.memref_squeeze %dma_start3A_56 : memref<1x79x128xi32, #tpu.memory_space<hbm>> -> memref<79x128xi32, #tpu.memory_space<hbm>>
      %dma_start3A_58 = arith.constant 0 : i32
      %dma_start3A_59 = arith.constant 0 : i32
      %dma_start3A_60 = tpu.memref_slice %arg3[%add3A, %dma_start3A_58, %dma_start3A_59] : memref<32x79x128xi32, #tpu.memory_space<hbm>> -> memref<1x79x128xi32, #tpu.memory_space<hbm>>
      %dma_start3A_61 = tpu.memref_squeeze %dma_start3A_60 : memref<1x79x128xi32, #tpu.memory_space<hbm>> -> memref<79x128xi32, #tpu.memory_space<hbm>>
      tpu.enqueue_dma source(%dma_start3A_61 : memref<79x128xi32, #tpu.memory_space<hbm>>) target(%arg7 : memref<79x128xi32, #tpu.memory_space<vmem>>) target_semaphore(%run_scoped3A_53 : memref<!tpu.dma_semaphore, #tpu.memory_space<semaphore_mem>>)
      %dma_wait3A_62 = arith.constant 0 : i32
      %dma_wait3A_63 = arith.constant 0 : i32
      %dma_wait3A_64 = tpu.memref_slice %arg3[%add3A, %dma_wait3A_62, %dma_wait3A_63] : memref<32x79x128xi32, #tpu.memory_space<hbm>> -> memref<1x79x128xi32, #tpu.memory_space<hbm>>
      %dma_wait3A_65 = tpu.memref_squeeze %dma_wait3A_64 : memref<1x79x128xi32, #tpu.memory_space<hbm>> -> memref<79x128xi32, #tpu.memory_space<hbm>>
      %dma_wait3A_66 = arith.constant 0 : i32
      %dma_wait3A_67 = arith.constant 0 : i32
      %dma_wait3A_68 = tpu.memref_slice %arg3[%add3A, %dma_wait3A_66, %dma_wait3A_67] : memref<32x79x128xi32, #tpu.memory_space<hbm>> -> memref<1x79x128xi32, #tpu.memory_space<hbm>>
      %dma_wait3A_69 = tpu.memref_squeeze %dma_wait3A_68 : memref<1x79x128xi32, #tpu.memory_space<hbm>> -> memref<79x128xi32, #tpu.memory_space<hbm>>
      tpu.wait_dma2 semaphore(%run_scoped3A_53 : memref<!tpu.dma_semaphore, #tpu.memory_space<semaphore_mem>>) src(%dma_wait3A_69 : memref<79x128xi32, #tpu.memory_space<hbm>>) dst(%arg7 : memref<79x128xi32, #tpu.memory_space<vmem>>)
      tpu.yield
    }) : () -> ()
    "tpu.region"() ({
      %run_scoped3A_53 = tpu.sem_alloc : memref<!tpu.dma_semaphore, #tpu.memory_space<semaphore_mem>>
      %dma_start3A_54 = arith.constant 0 : i32
      %dma_start3A_55 = arith.constant 0 : i32
      %dma_start3A_56 = tpu.memref_slice %arg4[%add3A, %dma_start3A_54, %dma_start3A_55] : memref<32x79x128xi32, #tpu.memory_space<hbm>> -> memref<1x79x128xi32, #tpu.memory_space<hbm>>
      %dma_start3A_57 = tpu.memref_squeeze %dma_start3A_56 : memref<1x79x128xi32, #tpu.memory_space<hbm>> -> memref<79x128xi32, #tpu.memory_space<hbm>>
      %dma_start3A_58 = arith.constant 0 : i32
      %dma_start3A_59 = arith.constant 0 : i32
      %dma_start3A_60 = tpu.memref_slice %arg4[%add3A, %dma_start3A_58, %dma_start3A_59] : memref<32x79x128xi32, #tpu.memory_space<hbm>> -> memref<1x79x128xi32, #tpu.memory_space<hbm>>
      %dma_start3A_61 = tpu.memref_squeeze %dma_start3A_60 : memref<1x79x128xi32, #tpu.memory_space<hbm>> -> memref<79x128xi32, #tpu.memory_space<hbm>>
      tpu.enqueue_dma source(%dma_start3A_61 : memref<79x128xi32, #tpu.memory_space<hbm>>) target(%arg8 : memref<79x128xi32, #tpu.memory_space<vmem>>) target_semaphore(%run_scoped3A_53 : memref<!tpu.dma_semaphore, #tpu.memory_space<semaphore_mem>>)
      %dma_wait3A_62 = arith.constant 0 : i32
      %dma_wait3A_63 = arith.constant 0 : i32
      %dma_wait3A_64 = tpu.memref_slice %arg4[%add3A, %dma_wait3A_62, %dma_wait3A_63] : memref<32x79x128xi32, #tpu.memory_space<hbm>> -> memref<1x79x128xi32, #tpu.memory_space<hbm>>
      %dma_wait3A_65 = tpu.memref_squeeze %dma_wait3A_64 : memref<1x79x128xi32, #tpu.memory_space<hbm>> -> memref<79x128xi32, #tpu.memory_space<hbm>>
      %dma_wait3A_66 = arith.constant 0 : i32
      %dma_wait3A_67 = arith.constant 0 : i32
      %dma_wait3A_68 = tpu.memref_slice %arg4[%add3A, %dma_wait3A_66, %dma_wait3A_67] : memref<32x79x128xi32, #tpu.memory_space<hbm>> -> memref<1x79x128xi32, #tpu.memory_space<hbm>>
      %dma_wait3A_69 = tpu.memref_squeeze %dma_wait3A_68 : memref<1x79x128xi32, #tpu.memory_space<hbm>> -> memref<79x128xi32, #tpu.memory_space<hbm>>
      tpu.wait_dma2 semaphore(%run_scoped3A_53 : memref<!tpu.dma_semaphore, #tpu.memory_space<semaphore_mem>>) src(%dma_wait3A_69 : memref<79x128xi32, #tpu.memory_space<hbm>>) dst(%arg8 : memref<79x128xi32, #tpu.memory_space<vmem>>)
      tpu.yield
    }) : () -> ()
    %mul3A_1 = arith.constant 632 : i32
    %mul3A_2 = arith.muli %arg1, %mul3A_1 : i32
    %mul3A_3 = arith.constant 632 : i32
    %mul3A_4 = arith.muli %arg1, %mul3A_3 : i32
    %run_scoped3A = arith.constant 0 : i32
    "tpu.region"() ({
      %run_scoped3A_53 = tpu.sem_alloc : memref<!tpu.dma_semaphore, #tpu.memory_space<semaphore_mem>>
      %dma_start3A_54 = arith.constant 0 : i32
      %dma_start3A_55 = tpu.memref_slice %arg12[%mul3A_4, %dma_start3A_54] : memref<10112x64xf32, #tpu.memory_space<vmem_shared>> -> memref<632x64xf32, #tpu.memory_space<vmem_shared>>
      %dma_start3A_56 = arith.constant 0 : i32
      %dma_start3A_57 = tpu.memref_slice %arg2[%run_scoped3A, %mul3A_2, %dma_start3A_56] : memref<1x10112x64xf32, #tpu.memory_space<hbm>> -> memref<1x632x64xf32, #tpu.memory_space<hbm>>
      %dma_start3A_58 = tpu.memref_squeeze %dma_start3A_57 : memref<1x632x64xf32, #tpu.memory_space<hbm>> -> memref<632x64xf32, #tpu.memory_space<hbm>>
      tpu.enqueue_dma source(%dma_start3A_58 : memref<632x64xf32, #tpu.memory_space<hbm>>) target(%dma_start3A_55 : memref<632x64xf32, #tpu.memory_space<vmem_shared>>) target_semaphore(%run_scoped3A_53 : memref<!tpu.dma_semaphore, #tpu.memory_space<semaphore_mem>>)
      %dma_wait3A_59 = arith.constant 0 : i32
      %dma_wait3A_60 = tpu.memref_slice %arg12[%mul3A_4, %dma_wait3A_59] : memref<10112x64xf32, #tpu.memory_space<vmem_shared>> -> memref<632x64xf32, #tpu.memory_space<vmem_shared>>
      %dma_wait3A_61 = arith.constant 0 : i32
      %dma_wait3A_62 = tpu.memref_slice %arg2[%run_scoped3A, %mul3A_2, %dma_wait3A_61] : memref<1x10112x64xf32, #tpu.memory_space<hbm>> -> memref<1x632x64xf32, #tpu.memory_space<hbm>>
      %dma_wait3A_63 = tpu.memref_squeeze %dma_wait3A_62 : memref<1x632x64xf32, #tpu.memory_space<hbm>> -> memref<632x64xf32, #tpu.memory_space<hbm>>
      tpu.wait_dma2 semaphore(%run_scoped3A_53 : memref<!tpu.dma_semaphore, #tpu.memory_space<semaphore_mem>>) src(%dma_wait3A_63 : memref<632x64xf32, #tpu.memory_space<hbm>>) dst(%dma_wait3A_60 : memref<632x64xf32, #tpu.memory_space<vmem_shared>>)
      tpu.yield
    }) : () -> ()
    %mul3A_5 = arith.constant 632 : i32
    %mul3A_6 = arith.muli %arg1, %mul3A_5 : i32
    %mul3A_7 = arith.constant 632 : i32
    %mul3A_8 = arith.muli %arg1, %mul3A_7 : i32
    "tpu.region"() ({
      %run_scoped3A_53 = tpu.sem_alloc : memref<!tpu.dma_semaphore, #tpu.memory_space<semaphore_mem>>
      %dma_start3A_54 = arith.constant 0 : i32
      %dma_start3A_55 = tpu.memref_slice %arg13[%mul3A_8, %dma_start3A_54] : memref<10112x64xf32, #tpu.memory_space<vmem_shared>> -> memref<632x64xf32, #tpu.memory_space<vmem_shared>>
      %dma_start3A_56 = arith.constant 0 : i32
      %dma_start3A_57 = tpu.memref_slice %arg5[%mul3A_6, %dma_start3A_56] : memref<10112x64xf32, #tpu.memory_space<hbm>> -> memref<632x64xf32, #tpu.memory_space<hbm>>
      tpu.enqueue_dma source(%dma_start3A_57 : memref<632x64xf32, #tpu.memory_space<hbm>>) target(%dma_start3A_55 : memref<632x64xf32, #tpu.memory_space<vmem_shared>>) target_semaphore(%run_scoped3A_53 : memref<!tpu.dma_semaphore, #tpu.memory_space<semaphore_mem>>)
      %dma_wait3A_58 = arith.constant 0 : i32
      %dma_wait3A_59 = tpu.memref_slice %arg13[%mul3A_8, %dma_wait3A_58] : memref<10112x64xf32, #tpu.memory_space<vmem_shared>> -> memref<632x64xf32, #tpu.memory_space<vmem_shared>>
      %dma_wait3A_60 = arith.constant 0 : i32
      %dma_wait3A_61 = tpu.memref_slice %arg5[%mul3A_6, %dma_wait3A_60] : memref<10112x64xf32, #tpu.memory_space<hbm>> -> memref<632x64xf32, #tpu.memory_space<hbm>>
      tpu.wait_dma2 semaphore(%run_scoped3A_53 : memref<!tpu.dma_semaphore, #tpu.memory_space<semaphore_mem>>) src(%dma_wait3A_61 : memref<632x64xf32, #tpu.memory_space<hbm>>) dst(%dma_wait3A_59 : memref<632x64xf32, #tpu.memory_space<vmem_shared>>)
      tpu.yield
    }) : () -> ()
    %barrier3A = arith.constant 0 : index
    tpu.barrier barrier_id(%barrier3A)
    %dma_start3A = arith.constant 0 : i32
    %dma_start3A_9 = arith.constant 0 : i32
    %dma_start3A_10 = tpu.memref_slice %arg7[%dma_start3A, %dma_start3A_9] : memref<79x128xi32, #tpu.memory_space<vmem>> -> memref<1x128xi32, #tpu.memory_space<vmem>>
    %dma_start3A_11 = tpu.memref_squeeze %dma_start3A_10 : memref<1x128xi32, #tpu.memory_space<vmem>> -> memref<128xi32, #tpu.memory_space<vmem>>
    %dma_start3A_12 = arith.constant 0 : i32
    %dma_start3A_13 = arith.constant 0 : i32
    %dma_start3A_14 = tpu.memref_slice %arg12[%dma_start3A_12, %dma_start3A_13] : memref<10112x64xf32, #tpu.memory_space<vmem_shared>> -> memref<10112x64xf32, #tpu.memory_space<vmem_shared>>
    tpu.enqueue_indirect_dma source(%dma_start3A_14 : memref<10112x64xf32, #tpu.memory_space<vmem_shared>>) target(%arg9 : memref<128x64xf32, #tpu.memory_space<vmem>>) offsets(%dma_start3A_11 : memref<128xi32, #tpu.memory_space<vmem>>) semaphore(%arg14 : memref<!tpu.dma_semaphore, #tpu.memory_space<semaphore_mem>>)
    %dma_start3A_15 = arith.constant 1 : i32
    %dma_start3A_16 = arith.constant 0 : i32
    %dma_start3A_17 = tpu.memref_slice %arg7[%dma_start3A_15, %dma_start3A_16] : memref<79x128xi32, #tpu.memory_space<vmem>> -> memref<1x128xi32, #tpu.memory_space<vmem>>
    %dma_start3A_18 = tpu.memref_squeeze %dma_start3A_17 : memref<1x128xi32, #tpu.memory_space<vmem>> -> memref<128xi32, #tpu.memory_space<vmem>>
    %dma_start3A_19 = arith.constant 0 : i32
    %dma_start3A_20 = arith.constant 0 : i32
    %dma_start3A_21 = tpu.memref_slice %arg12[%dma_start3A_19, %dma_start3A_20] : memref<10112x64xf32, #tpu.memory_space<vmem_shared>> -> memref<10112x64xf32, #tpu.memory_space<vmem_shared>>
    tpu.enqueue_indirect_dma source(%dma_start3A_21 : memref<10112x64xf32, #tpu.memory_space<vmem_shared>>) target(%arg10 : memref<128x64xf32, #tpu.memory_space<vmem>>) offsets(%dma_start3A_18 : memref<128xi32, #tpu.memory_space<vmem>>) semaphore(%arg15 : memref<!tpu.dma_semaphore, #tpu.memory_space<semaphore_mem>>)
    %scan3A = arith.constant 0 : i32
    %scan3A_22 = arith.constant 0 : i32
    %scan3A_23 = arith.constant 27 : i32
    %scan3A_24 = arith.addi %scan3A_22, %scan3A_23 : i32
    %scan3A_25 = arith.constant 1 : i32
    scf.for %scan3A_53 = %scan3A_22 to %scan3A_24 step %scan3A_25  : i32 {
      %mul3A_54 = arith.constant 3 : i32
      %mul3A_55 = arith.muli %scan3A_53, %mul3A_54 : i32
      %add3A_56 = arith.constant 0 : i32
      %add3A_57 = arith.addi %mul3A_55, %add3A_56 : i32
      %lt3A = arith.constant 79 : i32
      %lt3A_58 = arith.cmpi slt, %add3A_57, %lt3A : i32
      %convert_element_type3A = arith.extui %lt3A_58 : i1 to i32
      %cond3A = arith.constant 0 : i32
      %cond3A_59 = arith.cmpi ne, %convert_element_type3A, %cond3A : i32
      scf.if %cond3A_59 {
        %dma_wait3A_74 = arith.constant 0 : i32
        %dma_wait3A_75 = tpu.memref_slice %arg7[%add3A_57, %dma_wait3A_74] : memref<79x128xi32, #tpu.memory_space<vmem>> -> memref<1x128xi32, #tpu.memory_space<vmem>>
        %dma_wait3A_76 = tpu.memref_squeeze %dma_wait3A_75 : memref<1x128xi32, #tpu.memory_space<vmem>> -> memref<128xi32, #tpu.memory_space<vmem>>
        %dma_wait3A_77 = arith.constant 0 : i32
        %dma_wait3A_78 = arith.constant 0 : i32
        %dma_wait3A_79 = tpu.memref_slice %arg12[%dma_wait3A_77, %dma_wait3A_78] : memref<10112x64xf32, #tpu.memory_space<vmem_shared>> -> memref<10112x64xf32, #tpu.memory_space<vmem_shared>>
        tpu.wait_indirect_dma semaphore(%arg14 : memref<!tpu.dma_semaphore, #tpu.memory_space<semaphore_mem>>) src(%dma_wait3A_79 : memref<10112x64xf32, #tpu.memory_space<vmem_shared>>) dst(%arg9 : memref<128x64xf32, #tpu.memory_space<vmem>>)
        %dma_start3A_80 = arith.constant 0 : i32
        %dma_start3A_81 = tpu.memref_slice %arg8[%add3A_57, %dma_start3A_80] : memref<79x128xi32, #tpu.memory_space<vmem>> -> memref<1x128xi32, #tpu.memory_space<vmem>>
        %dma_start3A_82 = tpu.memref_squeeze %dma_start3A_81 : memref<1x128xi32, #tpu.memory_space<vmem>> -> memref<128xi32, #tpu.memory_space<vmem>>
        %dma_start3A_83 = arith.constant 0 : i32
        %dma_start3A_84 = arith.constant 0 : i32
        %dma_start3A_85 = tpu.memref_slice %arg13[%dma_start3A_83, %dma_start3A_84] : memref<10112x64xf32, #tpu.memory_space<vmem_shared>> -> memref<10112x64xf32, #tpu.memory_space<vmem_shared>>
        tpu.enqueue_indirect_dma source(%arg9 : memref<128x64xf32, #tpu.memory_space<vmem>>) target(%dma_start3A_85 : memref<10112x64xf32, #tpu.memory_space<vmem_shared>>) offsets(%dma_start3A_82 : memref<128xi32, #tpu.memory_space<vmem>>) semaphore(%arg17 : memref<!tpu.dma_semaphore, #tpu.memory_space<semaphore_mem>>) {add = true}
        %add3A_86 = arith.constant 3 : i32
        %add3A_87 = arith.addi %add3A_57, %add3A_86 : i32
        %sub3A = arith.constant 1 : i32
        %sub3A_88 = arith.subi %add3A_87, %sub3A : i32
        %lt3A_89 = arith.constant 79 : i32
        %lt3A_90 = arith.cmpi slt, %sub3A_88, %lt3A_89 : i32
        %convert_element_type3A_91 = arith.extui %lt3A_90 : i1 to i32
        %cond3A_92 = arith.constant 0 : i32
        %cond3A_93 = arith.cmpi ne, %convert_element_type3A_91, %cond3A_92 : i32
        scf.if %cond3A_93 {
          %gt3A = arith.constant 0 : i32
          %gt3A_94 = arith.cmpi sgt, %add3A_57, %gt3A : i32
          %convert_element_type3A_95 = arith.extui %gt3A_94 : i1 to i32
          %cond3A_96 = arith.constant 0 : i32
          %cond3A_97 = arith.cmpi ne, %convert_element_type3A_95, %cond3A_96 : i32
          scf.if %cond3A_97 {
            %dma_wait3A_108 = arith.constant 0 : i32
            %dma_wait3A_109 = arith.constant 0 : i32
            %dma_wait3A_110 = tpu.memref_slice %arg8[%dma_wait3A_108, %dma_wait3A_109] : memref<79x128xi32, #tpu.memory_space<vmem>> -> memref<1x128xi32, #tpu.memory_space<vmem>>
            %dma_wait3A_111 = tpu.memref_squeeze %dma_wait3A_110 : memref<1x128xi32, #tpu.memory_space<vmem>> -> memref<128xi32, #tpu.memory_space<vmem>>
            %dma_wait3A_112 = arith.constant 0 : i32
            %dma_wait3A_113 = arith.constant 0 : i32
            %dma_wait3A_114 = tpu.memref_slice %arg13[%dma_wait3A_112, %dma_wait3A_113] : memref<10112x64xf32, #tpu.memory_space<vmem_shared>> -> memref<10112x64xf32, #tpu.memory_space<vmem_shared>>
            tpu.wait_indirect_dma semaphore(%arg19 : memref<!tpu.dma_semaphore, #tpu.memory_space<semaphore_mem>>) src(%arg11 : memref<128x64xf32, #tpu.memory_space<vmem>>) dst(%dma_wait3A_114 : memref<10112x64xf32, #tpu.memory_space<vmem_shared>>)
          } else {
          }
          %add3A_98 = arith.constant 3 : i32
          %add3A_99 = arith.addi %add3A_57, %add3A_98 : i32
          %sub3A_100 = arith.constant 1 : i32
          %sub3A_101 = arith.subi %add3A_99, %sub3A_100 : i32
          %dma_start3A_102 = arith.constant 0 : i32
          %dma_start3A_103 = tpu.memref_slice %arg7[%sub3A_101, %dma_start3A_102] : memref<79x128xi32, #tpu.memory_space<vmem>> -> memref<1x128xi32, #tpu.memory_space<vmem>>
          %dma_start3A_104 = tpu.memref_squeeze %dma_start3A_103 : memref<1x128xi32, #tpu.memory_space<vmem>> -> memref<128xi32, #tpu.memory_space<vmem>>
          %dma_start3A_105 = arith.constant 0 : i32
          %dma_start3A_106 = arith.constant 0 : i32
          %dma_start3A_107 = tpu.memref_slice %arg12[%dma_start3A_105, %dma_start3A_106] : memref<10112x64xf32, #tpu.memory_space<vmem_shared>> -> memref<10112x64xf32, #tpu.memory_space<vmem_shared>>
          tpu.enqueue_indirect_dma source(%dma_start3A_107 : memref<10112x64xf32, #tpu.memory_space<vmem_shared>>) target(%arg11 : memref<128x64xf32, #tpu.memory_space<vmem>>) offsets(%dma_start3A_104 : memref<128xi32, #tpu.memory_space<vmem>>) semaphore(%arg16 : memref<!tpu.dma_semaphore, #tpu.memory_space<semaphore_mem>>)
        } else {
        }
      } else {
      }
      %add3A_60 = arith.constant 1 : i32
      %add3A_61 = arith.addi %mul3A_55, %add3A_60 : i32
      %lt3A_62 = arith.constant 79 : i32
      %lt3A_63 = arith.cmpi slt, %add3A_61, %lt3A_62 : i32
      %convert_element_type3A_64 = arith.extui %lt3A_63 : i1 to i32
      %cond3A_65 = arith.constant 0 : i32
      %cond3A_66 = arith.cmpi ne, %convert_element_type3A_64, %cond3A_65 : i32
      scf.if %cond3A_66 {
        %dma_wait3A_74 = arith.constant 0 : i32
        %dma_wait3A_75 = tpu.memref_slice %arg7[%add3A_61, %dma_wait3A_74] : memref<79x128xi32, #tpu.memory_space<vmem>> -> memref<1x128xi32, #tpu.memory_space<vmem>>
        %dma_wait3A_76 = tpu.memref_squeeze %dma_wait3A_75 : memref<1x128xi32, #tpu.memory_space<vmem>> -> memref<128xi32, #tpu.memory_space<vmem>>
        %dma_wait3A_77 = arith.constant 0 : i32
        %dma_wait3A_78 = arith.constant 0 : i32
        %dma_wait3A_79 = tpu.memref_slice %arg12[%dma_wait3A_77, %dma_wait3A_78] : memref<10112x64xf32, #tpu.memory_space<vmem_shared>> -> memref<10112x64xf32, #tpu.memory_space<vmem_shared>>
        tpu.wait_indirect_dma semaphore(%arg15 : memref<!tpu.dma_semaphore, #tpu.memory_space<semaphore_mem>>) src(%dma_wait3A_79 : memref<10112x64xf32, #tpu.memory_space<vmem_shared>>) dst(%arg10 : memref<128x64xf32, #tpu.memory_space<vmem>>)
        %dma_start3A_80 = arith.constant 0 : i32
        %dma_start3A_81 = tpu.memref_slice %arg8[%add3A_61, %dma_start3A_80] : memref<79x128xi32, #tpu.memory_space<vmem>> -> memref<1x128xi32, #tpu.memory_space<vmem>>
        %dma_start3A_82 = tpu.memref_squeeze %dma_start3A_81 : memref<1x128xi32, #tpu.memory_space<vmem>> -> memref<128xi32, #tpu.memory_space<vmem>>
        %dma_start3A_83 = arith.constant 0 : i32
        %dma_start3A_84 = arith.constant 0 : i32
        %dma_start3A_85 = tpu.memref_slice %arg13[%dma_start3A_83, %dma_start3A_84] : memref<10112x64xf32, #tpu.memory_space<vmem_shared>> -> memref<10112x64xf32, #tpu.memory_space<vmem_shared>>
        tpu.enqueue_indirect_dma source(%arg10 : memref<128x64xf32, #tpu.memory_space<vmem>>) target(%dma_start3A_85 : memref<10112x64xf32, #tpu.memory_space<vmem_shared>>) offsets(%dma_start3A_82 : memref<128xi32, #tpu.memory_space<vmem>>) semaphore(%arg18 : memref<!tpu.dma_semaphore, #tpu.memory_space<semaphore_mem>>) {add = true}
        %add3A_86 = arith.constant 3 : i32
        %add3A_87 = arith.addi %add3A_61, %add3A_86 : i32
        %sub3A = arith.constant 1 : i32
        %sub3A_88 = arith.subi %add3A_87, %sub3A : i32
        %lt3A_89 = arith.constant 79 : i32
        %lt3A_90 = arith.cmpi slt, %sub3A_88, %lt3A_89 : i32
        %convert_element_type3A_91 = arith.extui %lt3A_90 : i1 to i32
        %cond3A_92 = arith.constant 0 : i32
        %cond3A_93 = arith.cmpi ne, %convert_element_type3A_91, %cond3A_92 : i32
        scf.if %cond3A_93 {
          %gt3A = arith.constant 0 : i32
          %gt3A_94 = arith.cmpi sgt, %add3A_61, %gt3A : i32
          %convert_element_type3A_95 = arith.extui %gt3A_94 : i1 to i32
          %cond3A_96 = arith.constant 0 : i32
          %cond3A_97 = arith.cmpi ne, %convert_element_type3A_95, %cond3A_96 : i32
          scf.if %cond3A_97 {
            %dma_wait3A_108 = arith.constant 0 : i32
            %dma_wait3A_109 = arith.constant 0 : i32
            %dma_wait3A_110 = tpu.memref_slice %arg8[%dma_wait3A_108, %dma_wait3A_109] : memref<79x128xi32, #tpu.memory_space<vmem>> -> memref<1x128xi32, #tpu.memory_space<vmem>>
            %dma_wait3A_111 = tpu.memref_squeeze %dma_wait3A_110 : memref<1x128xi32, #tpu.memory_space<vmem>> -> memref<128xi32, #tpu.memory_space<vmem>>
            %dma_wait3A_112 = arith.constant 0 : i32
            %dma_wait3A_113 = arith.constant 0 : i32
            %dma_wait3A_114 = tpu.memref_slice %arg13[%dma_wait3A_112, %dma_wait3A_113] : memref<10112x64xf32, #tpu.memory_space<vmem_shared>> -> memref<10112x64xf32, #tpu.memory_space<vmem_shared>>
            tpu.wait_indirect_dma semaphore(%arg17 : memref<!tpu.dma_semaphore, #tpu.memory_space<semaphore_mem>>) src(%arg9 : memref<128x64xf32, #tpu.memory_space<vmem>>) dst(%dma_wait3A_114 : memref<10112x64xf32, #tpu.memory_space<vmem_shared>>)
          } else {
          }
          %add3A_98 = arith.constant 3 : i32
          %add3A_99 = arith.addi %add3A_61, %add3A_98 : i32
          %sub3A_100 = arith.constant 1 : i32
          %sub3A_101 = arith.subi %add3A_99, %sub3A_100 : i32
          %dma_start3A_102 = arith.constant 0 : i32
          %dma_start3A_103 = tpu.memref_slice %arg7[%sub3A_101, %dma_start3A_102] : memref<79x128xi32, #tpu.memory_space<vmem>> -> memref<1x128xi32, #tpu.memory_space<vmem>>
          %dma_start3A_104 = tpu.memref_squeeze %dma_start3A_103 : memref<1x128xi32, #tpu.memory_space<vmem>> -> memref<128xi32, #tpu.memory_space<vmem>>
          %dma_start3A_105 = arith.constant 0 : i32
          %dma_start3A_106 = arith.constant 0 : i32
          %dma_start3A_107 = tpu.memref_slice %arg12[%dma_start3A_105, %dma_start3A_106] : memref<10112x64xf32, #tpu.memory_space<vmem_shared>> -> memref<10112x64xf32, #tpu.memory_space<vmem_shared>>
          tpu.enqueue_indirect_dma source(%dma_start3A_107 : memref<10112x64xf32, #tpu.memory_space<vmem_shared>>) target(%arg9 : memref<128x64xf32, #tpu.memory_space<vmem>>) offsets(%dma_start3A_104 : memref<128xi32, #tpu.memory_space<vmem>>) semaphore(%arg14 : memref<!tpu.dma_semaphore, #tpu.memory_space<semaphore_mem>>)
        } else {
        }
      } else {
      }
      %add3A_67 = arith.constant 2 : i32
      %add3A_68 = arith.addi %mul3A_55, %add3A_67 : i32
      %lt3A_69 = arith.constant 79 : i32
      %lt3A_70 = arith.cmpi slt, %add3A_68, %lt3A_69 : i32
      %convert_element_type3A_71 = arith.extui %lt3A_70 : i1 to i32
      %cond3A_72 = arith.constant 0 : i32
      %cond3A_73 = arith.cmpi ne, %convert_element_type3A_71, %cond3A_72 : i32
      scf.if %cond3A_73 {
        %dma_wait3A_74 = arith.constant 0 : i32
        %dma_wait3A_75 = tpu.memref_slice %arg7[%add3A_68, %dma_wait3A_74] : memref<79x128xi32, #tpu.memory_space<vmem>> -> memref<1x128xi32, #tpu.memory_space<vmem>>
        %dma_wait3A_76 = tpu.memref_squeeze %dma_wait3A_75 : memref<1x128xi32, #tpu.memory_space<vmem>> -> memref<128xi32, #tpu.memory_space<vmem>>
        %dma_wait3A_77 = arith.constant 0 : i32
        %dma_wait3A_78 = arith.constant 0 : i32
        %dma_wait3A_79 = tpu.memref_slice %arg12[%dma_wait3A_77, %dma_wait3A_78] : memref<10112x64xf32, #tpu.memory_space<vmem_shared>> -> memref<10112x64xf32, #tpu.memory_space<vmem_shared>>
        tpu.wait_indirect_dma semaphore(%arg16 : memref<!tpu.dma_semaphore, #tpu.memory_space<semaphore_mem>>) src(%dma_wait3A_79 : memref<10112x64xf32, #tpu.memory_space<vmem_shared>>) dst(%arg11 : memref<128x64xf32, #tpu.memory_space<vmem>>)
        %dma_start3A_80 = arith.constant 0 : i32
        %dma_start3A_81 = tpu.memref_slice %arg8[%add3A_68, %dma_start3A_80] : memref<79x128xi32, #tpu.memory_space<vmem>> -> memref<1x128xi32, #tpu.memory_space<vmem>>
        %dma_start3A_82 = tpu.memref_squeeze %dma_start3A_81 : memref<1x128xi32, #tpu.memory_space<vmem>> -> memref<128xi32, #tpu.memory_space<vmem>>
        %dma_start3A_83 = arith.constant 0 : i32
        %dma_start3A_84 = arith.constant 0 : i32
        %dma_start3A_85 = tpu.memref_slice %arg13[%dma_start3A_83, %dma_start3A_84] : memref<10112x64xf32, #tpu.memory_space<vmem_shared>> -> memref<10112x64xf32, #tpu.memory_space<vmem_shared>>
        tpu.enqueue_indirect_dma source(%arg11 : memref<128x64xf32, #tpu.memory_space<vmem>>) target(%dma_start3A_85 : memref<10112x64xf32, #tpu.memory_space<vmem_shared>>) offsets(%dma_start3A_82 : memref<128xi32, #tpu.memory_space<vmem>>) semaphore(%arg19 : memref<!tpu.dma_semaphore, #tpu.memory_space<semaphore_mem>>) {add = true}
        %add3A_86 = arith.constant 3 : i32
        %add3A_87 = arith.addi %add3A_68, %add3A_86 : i32
        %sub3A = arith.constant 1 : i32
        %sub3A_88 = arith.subi %add3A_87, %sub3A : i32
        %lt3A_89 = arith.constant 79 : i32
        %lt3A_90 = arith.cmpi slt, %sub3A_88, %lt3A_89 : i32
        %convert_element_type3A_91 = arith.extui %lt3A_90 : i1 to i32
        %cond3A_92 = arith.constant 0 : i32
        %cond3A_93 = arith.cmpi ne, %convert_element_type3A_91, %cond3A_92 : i32
        scf.if %cond3A_93 {
          %gt3A = arith.constant 0 : i32
          %gt3A_94 = arith.cmpi sgt, %add3A_68, %gt3A : i32
          %convert_element_type3A_95 = arith.extui %gt3A_94 : i1 to i32
          %cond3A_96 = arith.constant 0 : i32
          %cond3A_97 = arith.cmpi ne, %convert_element_type3A_95, %cond3A_96 : i32
          scf.if %cond3A_97 {
            %dma_wait3A_108 = arith.constant 0 : i32
            %dma_wait3A_109 = arith.constant 0 : i32
            %dma_wait3A_110 = tpu.memref_slice %arg8[%dma_wait3A_108, %dma_wait3A_109] : memref<79x128xi32, #tpu.memory_space<vmem>> -> memref<1x128xi32, #tpu.memory_space<vmem>>
            %dma_wait3A_111 = tpu.memref_squeeze %dma_wait3A_110 : memref<1x128xi32, #tpu.memory_space<vmem>> -> memref<128xi32, #tpu.memory_space<vmem>>
            %dma_wait3A_112 = arith.constant 0 : i32
            %dma_wait3A_113 = arith.constant 0 : i32
            %dma_wait3A_114 = tpu.memref_slice %arg13[%dma_wait3A_112, %dma_wait3A_113] : memref<10112x64xf32, #tpu.memory_space<vmem_shared>> -> memref<10112x64xf32, #tpu.memory_space<vmem_shared>>
            tpu.wait_indirect_dma semaphore(%arg18 : memref<!tpu.dma_semaphore, #tpu.memory_space<semaphore_mem>>) src(%arg10 : memref<128x64xf32, #tpu.memory_space<vmem>>) dst(%dma_wait3A_114 : memref<10112x64xf32, #tpu.memory_space<vmem_shared>>)
          } else {
          }
          %add3A_98 = arith.constant 3 : i32
          %add3A_99 = arith.addi %add3A_68, %add3A_98 : i32
          %sub3A_100 = arith.constant 1 : i32
          %sub3A_101 = arith.subi %add3A_99, %sub3A_100 : i32
          %dma_start3A_102 = arith.constant 0 : i32
          %dma_start3A_103 = tpu.memref_slice %arg7[%sub3A_101, %dma_start3A_102] : memref<79x128xi32, #tpu.memory_space<vmem>> -> memref<1x128xi32, #tpu.memory_space<vmem>>
          %dma_start3A_104 = tpu.memref_squeeze %dma_start3A_103 : memref<1x128xi32, #tpu.memory_space<vmem>> -> memref<128xi32, #tpu.memory_space<vmem>>
          %dma_start3A_105 = arith.constant 0 : i32
          %dma_start3A_106 = arith.constant 0 : i32
          %dma_start3A_107 = tpu.memref_slice %arg12[%dma_start3A_105, %dma_start3A_106] : memref<10112x64xf32, #tpu.memory_space<vmem_shared>> -> memref<10112x64xf32, #tpu.memory_space<vmem_shared>>
          tpu.enqueue_indirect_dma source(%dma_start3A_107 : memref<10112x64xf32, #tpu.memory_space<vmem_shared>>) target(%arg10 : memref<128x64xf32, #tpu.memory_space<vmem>>) offsets(%dma_start3A_104 : memref<128xi32, #tpu.memory_space<vmem>>) semaphore(%arg15 : memref<!tpu.dma_semaphore, #tpu.memory_space<semaphore_mem>>)
        } else {
        }
      } else {
      }
    }
    %scan3A_26 = arith.constant 27 : i32
    %dma_wait3A = arith.constant 0 : i32
    %dma_wait3A_27 = arith.constant 0 : i32
    %dma_wait3A_28 = tpu.memref_slice %arg8[%dma_wait3A, %dma_wait3A_27] : memref<79x128xi32, #tpu.memory_space<vmem>> -> memref<1x128xi32, #tpu.memory_space<vmem>>
    %dma_wait3A_29 = tpu.memref_squeeze %dma_wait3A_28 : memref<1x128xi32, #tpu.memory_space<vmem>> -> memref<128xi32, #tpu.memory_space<vmem>>
    %dma_wait3A_30 = arith.constant 0 : i32
    %dma_wait3A_31 = arith.constant 0 : i32
    %dma_wait3A_32 = tpu.memref_slice %arg13[%dma_wait3A_30, %dma_wait3A_31] : memref<10112x64xf32, #tpu.memory_space<vmem_shared>> -> memref<10112x64xf32, #tpu.memory_space<vmem_shared>>
    tpu.wait_indirect_dma semaphore(%arg17 : memref<!tpu.dma_semaphore, #tpu.memory_space<semaphore_mem>>) src(%arg9 : memref<128x64xf32, #tpu.memory_space<vmem>>) dst(%dma_wait3A_32 : memref<10112x64xf32, #tpu.memory_space<vmem_shared>>)
    %dma_wait3A_33 = arith.constant 0 : i32
    %dma_wait3A_34 = arith.constant 0 : i32
    %dma_wait3A_35 = tpu.memref_slice %arg8[%dma_wait3A_33, %dma_wait3A_34] : memref<79x128xi32, #tpu.memory_space<vmem>> -> memref<1x128xi32, #tpu.memory_space<vmem>>
    %dma_wait3A_36 = tpu.memref_squeeze %dma_wait3A_35 : memref<1x128xi32, #tpu.memory_space<vmem>> -> memref<128xi32, #tpu.memory_space<vmem>>
    %dma_wait3A_37 = arith.constant 0 : i32
    %dma_wait3A_38 = arith.constant 0 : i32
    %dma_wait3A_39 = tpu.memref_slice %arg13[%dma_wait3A_37, %dma_wait3A_38] : memref<10112x64xf32, #tpu.memory_space<vmem_shared>> -> memref<10112x64xf32, #tpu.memory_space<vmem_shared>>
    tpu.wait_indirect_dma semaphore(%arg18 : memref<!tpu.dma_semaphore, #tpu.memory_space<semaphore_mem>>) src(%arg10 : memref<128x64xf32, #tpu.memory_space<vmem>>) dst(%dma_wait3A_39 : memref<10112x64xf32, #tpu.memory_space<vmem_shared>>)
    %dma_wait3A_40 = arith.constant 0 : i32
    %dma_wait3A_41 = arith.constant 0 : i32
    %dma_wait3A_42 = tpu.memref_slice %arg8[%dma_wait3A_40, %dma_wait3A_41] : memref<79x128xi32, #tpu.memory_space<vmem>> -> memref<1x128xi32, #tpu.memory_space<vmem>>
    %dma_wait3A_43 = tpu.memref_squeeze %dma_wait3A_42 : memref<1x128xi32, #tpu.memory_space<vmem>> -> memref<128xi32, #tpu.memory_space<vmem>>
    %dma_wait3A_44 = arith.constant 0 : i32
    %dma_wait3A_45 = arith.constant 0 : i32
    %dma_wait3A_46 = tpu.memref_slice %arg13[%dma_wait3A_44, %dma_wait3A_45] : memref<10112x64xf32, #tpu.memory_space<vmem_shared>> -> memref<10112x64xf32, #tpu.memory_space<vmem_shared>>
    tpu.wait_indirect_dma semaphore(%arg19 : memref<!tpu.dma_semaphore, #tpu.memory_space<semaphore_mem>>) src(%arg11 : memref<128x64xf32, #tpu.memory_space<vmem>>) dst(%dma_wait3A_46 : memref<10112x64xf32, #tpu.memory_space<vmem_shared>>)
    %barrier3A_47 = arith.constant 0 : index
    tpu.barrier barrier_id(%barrier3A_47)
    %mul3A_48 = arith.constant 632 : i32
    %mul3A_49 = arith.muli %arg1, %mul3A_48 : i32
    %mul3A_50 = arith.constant 632 : i32
    %mul3A_51 = arith.muli %arg1, %mul3A_50 : i32
    %run_scoped3A_52 = arith.constant 0 : i32
    "tpu.region"() ({
      %run_scoped3A_53 = tpu.sem_alloc : memref<!tpu.dma_semaphore, #tpu.memory_space<semaphore_mem>>
      %dma_start3A_54 = arith.constant 0 : i32
      %dma_start3A_55 = tpu.memref_slice %arg6[%arg0, %run_scoped3A_52, %mul3A_51, %dma_start3A_54] : memref<2x1x10112x64xf32, #tpu.memory_space<hbm>> -> memref<1x1x632x64xf32, #tpu.memory_space<hbm>>
      %dma_start3A_56 = tpu.memref_squeeze %dma_start3A_55 : memref<1x1x632x64xf32, #tpu.memory_space<hbm>> -> memref<632x64xf32, #tpu.memory_space<hbm>>
      %dma_start3A_57 = arith.constant 0 : i32
      %dma_start3A_58 = tpu.memref_slice %arg13[%mul3A_49, %dma_start3A_57] : memref<10112x64xf32, #tpu.memory_space<vmem_shared>> -> memref<632x64xf32, #tpu.memory_space<vmem_shared>>
      tpu.enqueue_dma source(%dma_start3A_58 : memref<632x64xf32, #tpu.memory_space<vmem_shared>>) target(%dma_start3A_56 : memref<632x64xf32, #tpu.memory_space<hbm>>) target_semaphore(%run_scoped3A_53 : memref<!tpu.dma_semaphore, #tpu.memory_space<semaphore_mem>>)
      %dma_wait3A_59 = arith.constant 0 : i32
      %dma_wait3A_60 = tpu.memref_slice %arg6[%arg0, %run_scoped3A_52, %mul3A_51, %dma_wait3A_59] : memref<2x1x10112x64xf32, #tpu.memory_space<hbm>> -> memref<1x1x632x64xf32, #tpu.memory_space<hbm>>
      %dma_wait3A_61 = tpu.memref_squeeze %dma_wait3A_60 : memref<1x1x632x64xf32, #tpu.memory_space<hbm>> -> memref<632x64xf32, #tpu.memory_space<hbm>>
      %dma_wait3A_62 = arith.constant 0 : i32
      %dma_wait3A_63 = tpu.memref_slice %arg13[%mul3A_49, %dma_wait3A_62] : memref<10112x64xf32, #tpu.memory_space<vmem_shared>> -> memref<632x64xf32, #tpu.memory_space<vmem_shared>>
      tpu.wait_dma2 semaphore(%run_scoped3A_53 : memref<!tpu.dma_semaphore, #tpu.memory_space<semaphore_mem>>) src(%dma_wait3A_63 : memref<632x64xf32, #tpu.memory_space<vmem_shared>>) dst(%dma_wait3A_61 : memref<632x64xf32, #tpu.memory_space<hbm>>)
      tpu.yield
    }) : () -> ()
    return
  }
}

#map = affine_map<(d0, d1) -> (0, 0, 0)>
#map1 = affine_map<(d0, d1) -> (0, 0)>
#map2 = affine_map<(d0, d1) -> (0, 0, 0, 0)>
module attributes {stable_mosaic.version = 14 : i64} {
  func.func @seg(%arg0: i32, %arg1: i32, %arg2: memref<2x10112x64xf32, #tpu.memory_space<hbm>>, %arg3: memref<32x79x128xi32, #tpu.memory_space<hbm>>, %arg4: memref<32x79x128xi32, #tpu.memory_space<hbm>>, %arg5: memref<10112x64xf32, #tpu.memory_space<hbm>>, %arg6: memref<2x2x10112x64xf32, #tpu.memory_space<hbm>>, %arg7: memref<79x128xi32, #tpu.memory_space<vmem>>, %arg8: memref<79x128xi32, #tpu.memory_space<vmem>>, %arg9: memref<128x64xf32, #tpu.memory_space<vmem>>, %arg10: memref<128x64xf32, #tpu.memory_space<vmem>>, %arg11: memref<128x64xf32, #tpu.memory_space<vmem>>, %arg12: memref<10112x64xf32, #tpu.memory_space<vmem_shared>>, %arg13: memref<10112x64xf32, #tpu.memory_space<vmem_shared>>, %arg14: memref<!tpu.dma_semaphore, #tpu.memory_space<semaphore_mem>>, %arg15: memref<!tpu.dma_semaphore, #tpu.memory_space<semaphore_mem>>, %arg16: memref<!tpu.dma_semaphore, #tpu.memory_space<semaphore_mem>>, %arg17: memref<!tpu.dma_semaphore, #tpu.memory_space<semaphore_mem>>, %arg18: memref<!tpu.dma_semaphore, #tpu.memory_space<semaphore_mem>>, %arg19: memref<!tpu.dma_semaphore, #tpu.memory_space<semaphore_mem>>) attributes {dimension_semantics = [#tpu.dimension_semantics<core_parallel>, #tpu.dimension_semantics<subcore_parallel>], iteration_bounds = array<i64: 2, 16>, scalar_prefetch = 0 : i64, scratch_operands = 13 : i64, tpu.core_type = #tpu.core_type<sc_vector_subcore>, window_params = [{transform_indices = #map}, {transform_indices = #map}, {transform_indices = #map}, {transform_indices = #map1}, {transform_indices = #map2}]} {
    %mul3A = arith.constant 16 : i32
    %mul3A_0 = arith.muli %arg0, %mul3A : i32
    %add3A = arith.addi %mul3A_0, %arg1 : i32
    "tpu.region"() ({
      %run_scoped3A_110 = tpu.sem_alloc : memref<!tpu.dma_semaphore, #tpu.memory_space<semaphore_mem>>
      %dma_start3A_111 = arith.constant 0 : i32
      %dma_start3A_112 = arith.constant 0 : i32
      %dma_start3A_113 = tpu.memref_slice %arg3[%add3A, %dma_start3A_111, %dma_start3A_112] : memref<32x79x128xi32, #tpu.memory_space<hbm>> -> memref<1x79x128xi32, #tpu.memory_space<hbm>>
      %dma_start3A_114 = tpu.memref_squeeze %dma_start3A_113 : memref<1x79x128xi32, #tpu.memory_space<hbm>> -> memref<79x128xi32, #tpu.memory_space<hbm>>
      %dma_start3A_115 = arith.constant 0 : i32
      %dma_start3A_116 = arith.constant 0 : i32
      %dma_start3A_117 = tpu.memref_slice %arg3[%add3A, %dma_start3A_115, %dma_start3A_116] : memref<32x79x128xi32, #tpu.memory_space<hbm>> -> memref<1x79x128xi32, #tpu.memory_space<hbm>>
      %dma_start3A_118 = tpu.memref_squeeze %dma_start3A_117 : memref<1x79x128xi32, #tpu.memory_space<hbm>> -> memref<79x128xi32, #tpu.memory_space<hbm>>
      tpu.enqueue_dma source(%dma_start3A_118 : memref<79x128xi32, #tpu.memory_space<hbm>>) target(%arg7 : memref<79x128xi32, #tpu.memory_space<vmem>>) target_semaphore(%run_scoped3A_110 : memref<!tpu.dma_semaphore, #tpu.memory_space<semaphore_mem>>)
      %dma_wait3A_119 = arith.constant 0 : i32
      %dma_wait3A_120 = arith.constant 0 : i32
      %dma_wait3A_121 = tpu.memref_slice %arg3[%add3A, %dma_wait3A_119, %dma_wait3A_120] : memref<32x79x128xi32, #tpu.memory_space<hbm>> -> memref<1x79x128xi32, #tpu.memory_space<hbm>>
      %dma_wait3A_122 = tpu.memref_squeeze %dma_wait3A_121 : memref<1x79x128xi32, #tpu.memory_space<hbm>> -> memref<79x128xi32, #tpu.memory_space<hbm>>
      %dma_wait3A_123 = arith.constant 0 : i32
      %dma_wait3A_124 = arith.constant 0 : i32
      %dma_wait3A_125 = tpu.memref_slice %arg3[%add3A, %dma_wait3A_123, %dma_wait3A_124] : memref<32x79x128xi32, #tpu.memory_space<hbm>> -> memref<1x79x128xi32, #tpu.memory_space<hbm>>
      %dma_wait3A_126 = tpu.memref_squeeze %dma_wait3A_125 : memref<1x79x128xi32, #tpu.memory_space<hbm>> -> memref<79x128xi32, #tpu.memory_space<hbm>>
      tpu.wait_dma2 semaphore(%run_scoped3A_110 : memref<!tpu.dma_semaphore, #tpu.memory_space<semaphore_mem>>) src(%dma_wait3A_126 : memref<79x128xi32, #tpu.memory_space<hbm>>) dst(%arg7 : memref<79x128xi32, #tpu.memory_space<vmem>>)
      tpu.yield
    }) : () -> ()
    "tpu.region"() ({
      %run_scoped3A_110 = tpu.sem_alloc : memref<!tpu.dma_semaphore, #tpu.memory_space<semaphore_mem>>
      %dma_start3A_111 = arith.constant 0 : i32
      %dma_start3A_112 = arith.constant 0 : i32
      %dma_start3A_113 = tpu.memref_slice %arg4[%add3A, %dma_start3A_111, %dma_start3A_112] : memref<32x79x128xi32, #tpu.memory_space<hbm>> -> memref<1x79x128xi32, #tpu.memory_space<hbm>>
      %dma_start3A_114 = tpu.memref_squeeze %dma_start3A_113 : memref<1x79x128xi32, #tpu.memory_space<hbm>> -> memref<79x128xi32, #tpu.memory_space<hbm>>
      %dma_start3A_115 = arith.constant 0 : i32
      %dma_start3A_116 = arith.constant 0 : i32
      %dma_start3A_117 = tpu.memref_slice %arg4[%add3A, %dma_start3A_115, %dma_start3A_116] : memref<32x79x128xi32, #tpu.memory_space<hbm>> -> memref<1x79x128xi32, #tpu.memory_space<hbm>>
      %dma_start3A_118 = tpu.memref_squeeze %dma_start3A_117 : memref<1x79x128xi32, #tpu.memory_space<hbm>> -> memref<79x128xi32, #tpu.memory_space<hbm>>
      tpu.enqueue_dma source(%dma_start3A_118 : memref<79x128xi32, #tpu.memory_space<hbm>>) target(%arg8 : memref<79x128xi32, #tpu.memory_space<vmem>>) target_semaphore(%run_scoped3A_110 : memref<!tpu.dma_semaphore, #tpu.memory_space<semaphore_mem>>)
      %dma_wait3A_119 = arith.constant 0 : i32
      %dma_wait3A_120 = arith.constant 0 : i32
      %dma_wait3A_121 = tpu.memref_slice %arg4[%add3A, %dma_wait3A_119, %dma_wait3A_120] : memref<32x79x128xi32, #tpu.memory_space<hbm>> -> memref<1x79x128xi32, #tpu.memory_space<hbm>>
      %dma_wait3A_122 = tpu.memref_squeeze %dma_wait3A_121 : memref<1x79x128xi32, #tpu.memory_space<hbm>> -> memref<79x128xi32, #tpu.memory_space<hbm>>
      %dma_wait3A_123 = arith.constant 0 : i32
      %dma_wait3A_124 = arith.constant 0 : i32
      %dma_wait3A_125 = tpu.memref_slice %arg4[%add3A, %dma_wait3A_123, %dma_wait3A_124] : memref<32x79x128xi32, #tpu.memory_space<hbm>> -> memref<1x79x128xi32, #tpu.memory_space<hbm>>
      %dma_wait3A_126 = tpu.memref_squeeze %dma_wait3A_125 : memref<1x79x128xi32, #tpu.memory_space<hbm>> -> memref<79x128xi32, #tpu.memory_space<hbm>>
      tpu.wait_dma2 semaphore(%run_scoped3A_110 : memref<!tpu.dma_semaphore, #tpu.memory_space<semaphore_mem>>) src(%dma_wait3A_126 : memref<79x128xi32, #tpu.memory_space<hbm>>) dst(%arg8 : memref<79x128xi32, #tpu.memory_space<vmem>>)
      tpu.yield
    }) : () -> ()
    %mul3A_1 = arith.constant 632 : i32
    %mul3A_2 = arith.muli %arg1, %mul3A_1 : i32
    %mul3A_3 = arith.constant 632 : i32
    %mul3A_4 = arith.muli %arg1, %mul3A_3 : i32
    %run_scoped3A = arith.constant 0 : i32
    "tpu.region"() ({
      %run_scoped3A_110 = tpu.sem_alloc : memref<!tpu.dma_semaphore, #tpu.memory_space<semaphore_mem>>
      %dma_start3A_111 = arith.constant 0 : i32
      %dma_start3A_112 = tpu.memref_slice %arg12[%mul3A_4, %dma_start3A_111] : memref<10112x64xf32, #tpu.memory_space<vmem_shared>> -> memref<632x64xf32, #tpu.memory_space<vmem_shared>>
      %dma_start3A_113 = arith.constant 0 : i32
      %dma_start3A_114 = tpu.memref_slice %arg2[%run_scoped3A, %mul3A_2, %dma_start3A_113] : memref<2x10112x64xf32, #tpu.memory_space<hbm>> -> memref<1x632x64xf32, #tpu.memory_space<hbm>>
      %dma_start3A_115 = tpu.memref_squeeze %dma_start3A_114 : memref<1x632x64xf32, #tpu.memory_space<hbm>> -> memref<632x64xf32, #tpu.memory_space<hbm>>
      tpu.enqueue_dma source(%dma_start3A_115 : memref<632x64xf32, #tpu.memory_space<hbm>>) target(%dma_start3A_112 : memref<632x64xf32, #tpu.memory_space<vmem_shared>>) target_semaphore(%run_scoped3A_110 : memref<!tpu.dma_semaphore, #tpu.memory_space<semaphore_mem>>)
      %dma_wait3A_116 = arith.constant 0 : i32
      %dma_wait3A_117 = tpu.memref_slice %arg12[%mul3A_4, %dma_wait3A_116] : memref<10112x64xf32, #tpu.memory_space<vmem_shared>> -> memref<632x64xf32, #tpu.memory_space<vmem_shared>>
      %dma_wait3A_118 = arith.constant 0 : i32
      %dma_wait3A_119 = tpu.memref_slice %arg2[%run_scoped3A, %mul3A_2, %dma_wait3A_118] : memref<2x10112x64xf32, #tpu.memory_space<hbm>> -> memref<1x632x64xf32, #tpu.memory_space<hbm>>
      %dma_wait3A_120 = tpu.memref_squeeze %dma_wait3A_119 : memref<1x632x64xf32, #tpu.memory_space<hbm>> -> memref<632x64xf32, #tpu.memory_space<hbm>>
      tpu.wait_dma2 semaphore(%run_scoped3A_110 : memref<!tpu.dma_semaphore, #tpu.memory_space<semaphore_mem>>) src(%dma_wait3A_120 : memref<632x64xf32, #tpu.memory_space<hbm>>) dst(%dma_wait3A_117 : memref<632x64xf32, #tpu.memory_space<vmem_shared>>)
      tpu.yield
    }) : () -> ()
    %mul3A_5 = arith.constant 632 : i32
    %mul3A_6 = arith.muli %arg1, %mul3A_5 : i32
    %mul3A_7 = arith.constant 632 : i32
    %mul3A_8 = arith.muli %arg1, %mul3A_7 : i32
    "tpu.region"() ({
      %run_scoped3A_110 = tpu.sem_alloc : memref<!tpu.dma_semaphore, #tpu.memory_space<semaphore_mem>>
      %dma_start3A_111 = arith.constant 0 : i32
      %dma_start3A_112 = tpu.memref_slice %arg13[%mul3A_8, %dma_start3A_111] : memref<10112x64xf32, #tpu.memory_space<vmem_shared>> -> memref<632x64xf32, #tpu.memory_space<vmem_shared>>
      %dma_start3A_113 = arith.constant 0 : i32
      %dma_start3A_114 = tpu.memref_slice %arg5[%mul3A_6, %dma_start3A_113] : memref<10112x64xf32, #tpu.memory_space<hbm>> -> memref<632x64xf32, #tpu.memory_space<hbm>>
      tpu.enqueue_dma source(%dma_start3A_114 : memref<632x64xf32, #tpu.memory_space<hbm>>) target(%dma_start3A_112 : memref<632x64xf32, #tpu.memory_space<vmem_shared>>) target_semaphore(%run_scoped3A_110 : memref<!tpu.dma_semaphore, #tpu.memory_space<semaphore_mem>>)
      %dma_wait3A_115 = arith.constant 0 : i32
      %dma_wait3A_116 = tpu.memref_slice %arg13[%mul3A_8, %dma_wait3A_115] : memref<10112x64xf32, #tpu.memory_space<vmem_shared>> -> memref<632x64xf32, #tpu.memory_space<vmem_shared>>
      %dma_wait3A_117 = arith.constant 0 : i32
      %dma_wait3A_118 = tpu.memref_slice %arg5[%mul3A_6, %dma_wait3A_117] : memref<10112x64xf32, #tpu.memory_space<hbm>> -> memref<632x64xf32, #tpu.memory_space<hbm>>
      tpu.wait_dma2 semaphore(%run_scoped3A_110 : memref<!tpu.dma_semaphore, #tpu.memory_space<semaphore_mem>>) src(%dma_wait3A_118 : memref<632x64xf32, #tpu.memory_space<hbm>>) dst(%dma_wait3A_116 : memref<632x64xf32, #tpu.memory_space<vmem_shared>>)
      tpu.yield
    }) : () -> ()
    %barrier3A = arith.constant 0 : index
    tpu.barrier barrier_id(%barrier3A)
    %dma_start3A = arith.constant 0 : i32
    %dma_start3A_9 = arith.constant 0 : i32
    %dma_start3A_10 = tpu.memref_slice %arg7[%dma_start3A, %dma_start3A_9] : memref<79x128xi32, #tpu.memory_space<vmem>> -> memref<1x128xi32, #tpu.memory_space<vmem>>
    %dma_start3A_11 = tpu.memref_squeeze %dma_start3A_10 : memref<1x128xi32, #tpu.memory_space<vmem>> -> memref<128xi32, #tpu.memory_space<vmem>>
    %dma_start3A_12 = arith.constant 0 : i32
    %dma_start3A_13 = arith.constant 0 : i32
    %dma_start3A_14 = tpu.memref_slice %arg12[%dma_start3A_12, %dma_start3A_13] : memref<10112x64xf32, #tpu.memory_space<vmem_shared>> -> memref<10112x64xf32, #tpu.memory_space<vmem_shared>>
    tpu.enqueue_indirect_dma source(%dma_start3A_14 : memref<10112x64xf32, #tpu.memory_space<vmem_shared>>) target(%arg9 : memref<128x64xf32, #tpu.memory_space<vmem>>) offsets(%dma_start3A_11 : memref<128xi32, #tpu.memory_space<vmem>>) semaphore(%arg14 : memref<!tpu.dma_semaphore, #tpu.memory_space<semaphore_mem>>)
    %dma_start3A_15 = arith.constant 1 : i32
    %dma_start3A_16 = arith.constant 0 : i32
    %dma_start3A_17 = tpu.memref_slice %arg7[%dma_start3A_15, %dma_start3A_16] : memref<79x128xi32, #tpu.memory_space<vmem>> -> memref<1x128xi32, #tpu.memory_space<vmem>>
    %dma_start3A_18 = tpu.memref_squeeze %dma_start3A_17 : memref<1x128xi32, #tpu.memory_space<vmem>> -> memref<128xi32, #tpu.memory_space<vmem>>
    %dma_start3A_19 = arith.constant 0 : i32
    %dma_start3A_20 = arith.constant 0 : i32
    %dma_start3A_21 = tpu.memref_slice %arg12[%dma_start3A_19, %dma_start3A_20] : memref<10112x64xf32, #tpu.memory_space<vmem_shared>> -> memref<10112x64xf32, #tpu.memory_space<vmem_shared>>
    tpu.enqueue_indirect_dma source(%dma_start3A_21 : memref<10112x64xf32, #tpu.memory_space<vmem_shared>>) target(%arg10 : memref<128x64xf32, #tpu.memory_space<vmem>>) offsets(%dma_start3A_18 : memref<128xi32, #tpu.memory_space<vmem>>) semaphore(%arg15 : memref<!tpu.dma_semaphore, #tpu.memory_space<semaphore_mem>>)
    %scan3A = arith.constant 0 : i32
    %scan3A_22 = arith.constant 0 : i32
    %scan3A_23 = arith.constant 27 : i32
    %scan3A_24 = arith.addi %scan3A_22, %scan3A_23 : i32
    %scan3A_25 = arith.constant 1 : i32
    scf.for %scan3A_110 = %scan3A_22 to %scan3A_24 step %scan3A_25  : i32 {
      %mul3A_111 = arith.constant 3 : i32
      %mul3A_112 = arith.muli %scan3A_110, %mul3A_111 : i32
      %add3A_113 = arith.constant 0 : i32
      %add3A_114 = arith.addi %mul3A_112, %add3A_113 : i32
      %lt3A = arith.constant 79 : i32
      %lt3A_115 = arith.cmpi slt, %add3A_114, %lt3A : i32
      %convert_element_type3A = arith.extui %lt3A_115 : i1 to i32
      %cond3A = arith.constant 0 : i32
      %cond3A_116 = arith.cmpi ne, %convert_element_type3A, %cond3A : i32
      scf.if %cond3A_116 {
        %dma_wait3A_131 = arith.constant 0 : i32
        %dma_wait3A_132 = tpu.memref_slice %arg7[%add3A_114, %dma_wait3A_131] : memref<79x128xi32, #tpu.memory_space<vmem>> -> memref<1x128xi32, #tpu.memory_space<vmem>>
        %dma_wait3A_133 = tpu.memref_squeeze %dma_wait3A_132 : memref<1x128xi32, #tpu.memory_space<vmem>> -> memref<128xi32, #tpu.memory_space<vmem>>
        %dma_wait3A_134 = arith.constant 0 : i32
        %dma_wait3A_135 = arith.constant 0 : i32
        %dma_wait3A_136 = tpu.memref_slice %arg12[%dma_wait3A_134, %dma_wait3A_135] : memref<10112x64xf32, #tpu.memory_space<vmem_shared>> -> memref<10112x64xf32, #tpu.memory_space<vmem_shared>>
        tpu.wait_indirect_dma semaphore(%arg14 : memref<!tpu.dma_semaphore, #tpu.memory_space<semaphore_mem>>) src(%dma_wait3A_136 : memref<10112x64xf32, #tpu.memory_space<vmem_shared>>) dst(%arg9 : memref<128x64xf32, #tpu.memory_space<vmem>>)
        %dma_start3A_137 = arith.constant 0 : i32
        %dma_start3A_138 = tpu.memref_slice %arg8[%add3A_114, %dma_start3A_137] : memref<79x128xi32, #tpu.memory_space<vmem>> -> memref<1x128xi32, #tpu.memory_space<vmem>>
        %dma_start3A_139 = tpu.memref_squeeze %dma_start3A_138 : memref<1x128xi32, #tpu.memory_space<vmem>> -> memref<128xi32, #tpu.memory_space<vmem>>
        %dma_start3A_140 = arith.constant 0 : i32
        %dma_start3A_141 = arith.constant 0 : i32
        %dma_start3A_142 = tpu.memref_slice %arg13[%dma_start3A_140, %dma_start3A_141] : memref<10112x64xf32, #tpu.memory_space<vmem_shared>> -> memref<10112x64xf32, #tpu.memory_space<vmem_shared>>
        tpu.enqueue_indirect_dma source(%arg9 : memref<128x64xf32, #tpu.memory_space<vmem>>) target(%dma_start3A_142 : memref<10112x64xf32, #tpu.memory_space<vmem_shared>>) offsets(%dma_start3A_139 : memref<128xi32, #tpu.memory_space<vmem>>) semaphore(%arg17 : memref<!tpu.dma_semaphore, #tpu.memory_space<semaphore_mem>>) {add = true}
        %add3A_143 = arith.constant 3 : i32
        %add3A_144 = arith.addi %add3A_114, %add3A_143 : i32
        %sub3A = arith.constant 1 : i32
        %sub3A_145 = arith.subi %add3A_144, %sub3A : i32
        %lt3A_146 = arith.constant 79 : i32
        %lt3A_147 = arith.cmpi slt, %sub3A_145, %lt3A_146 : i32
        %convert_element_type3A_148 = arith.extui %lt3A_147 : i1 to i32
        %cond3A_149 = arith.constant 0 : i32
        %cond3A_150 = arith.cmpi ne, %convert_element_type3A_148, %cond3A_149 : i32
        scf.if %cond3A_150 {
          %gt3A = arith.constant 0 : i32
          %gt3A_151 = arith.cmpi sgt, %add3A_114, %gt3A : i32
          %convert_element_type3A_152 = arith.extui %gt3A_151 : i1 to i32
          %cond3A_153 = arith.constant 0 : i32
          %cond3A_154 = arith.cmpi ne, %convert_element_type3A_152, %cond3A_153 : i32
          scf.if %cond3A_154 {
            %dma_wait3A_165 = arith.constant 0 : i32
            %dma_wait3A_166 = arith.constant 0 : i32
            %dma_wait3A_167 = tpu.memref_slice %arg8[%dma_wait3A_165, %dma_wait3A_166] : memref<79x128xi32, #tpu.memory_space<vmem>> -> memref<1x128xi32, #tpu.memory_space<vmem>>
            %dma_wait3A_168 = tpu.memref_squeeze %dma_wait3A_167 : memref<1x128xi32, #tpu.memory_space<vmem>> -> memref<128xi32, #tpu.memory_space<vmem>>
            %dma_wait3A_169 = arith.constant 0 : i32
            %dma_wait3A_170 = arith.constant 0 : i32
            %dma_wait3A_171 = tpu.memref_slice %arg13[%dma_wait3A_169, %dma_wait3A_170] : memref<10112x64xf32, #tpu.memory_space<vmem_shared>> -> memref<10112x64xf32, #tpu.memory_space<vmem_shared>>
            tpu.wait_indirect_dma semaphore(%arg19 : memref<!tpu.dma_semaphore, #tpu.memory_space<semaphore_mem>>) src(%arg11 : memref<128x64xf32, #tpu.memory_space<vmem>>) dst(%dma_wait3A_171 : memref<10112x64xf32, #tpu.memory_space<vmem_shared>>)
          } else {
          }
          %add3A_155 = arith.constant 3 : i32
          %add3A_156 = arith.addi %add3A_114, %add3A_155 : i32
          %sub3A_157 = arith.constant 1 : i32
          %sub3A_158 = arith.subi %add3A_156, %sub3A_157 : i32
          %dma_start3A_159 = arith.constant 0 : i32
          %dma_start3A_160 = tpu.memref_slice %arg7[%sub3A_158, %dma_start3A_159] : memref<79x128xi32, #tpu.memory_space<vmem>> -> memref<1x128xi32, #tpu.memory_space<vmem>>
          %dma_start3A_161 = tpu.memref_squeeze %dma_start3A_160 : memref<1x128xi32, #tpu.memory_space<vmem>> -> memref<128xi32, #tpu.memory_space<vmem>>
          %dma_start3A_162 = arith.constant 0 : i32
          %dma_start3A_163 = arith.constant 0 : i32
          %dma_start3A_164 = tpu.memref_slice %arg12[%dma_start3A_162, %dma_start3A_163] : memref<10112x64xf32, #tpu.memory_space<vmem_shared>> -> memref<10112x64xf32, #tpu.memory_space<vmem_shared>>
          tpu.enqueue_indirect_dma source(%dma_start3A_164 : memref<10112x64xf32, #tpu.memory_space<vmem_shared>>) target(%arg11 : memref<128x64xf32, #tpu.memory_space<vmem>>) offsets(%dma_start3A_161 : memref<128xi32, #tpu.memory_space<vmem>>) semaphore(%arg16 : memref<!tpu.dma_semaphore, #tpu.memory_space<semaphore_mem>>)
        } else {
        }
      } else {
      }
      %add3A_117 = arith.constant 1 : i32
      %add3A_118 = arith.addi %mul3A_112, %add3A_117 : i32
      %lt3A_119 = arith.constant 79 : i32
      %lt3A_120 = arith.cmpi slt, %add3A_118, %lt3A_119 : i32
      %convert_element_type3A_121 = arith.extui %lt3A_120 : i1 to i32
      %cond3A_122 = arith.constant 0 : i32
      %cond3A_123 = arith.cmpi ne, %convert_element_type3A_121, %cond3A_122 : i32
      scf.if %cond3A_123 {
        %dma_wait3A_131 = arith.constant 0 : i32
        %dma_wait3A_132 = tpu.memref_slice %arg7[%add3A_118, %dma_wait3A_131] : memref<79x128xi32, #tpu.memory_space<vmem>> -> memref<1x128xi32, #tpu.memory_space<vmem>>
        %dma_wait3A_133 = tpu.memref_squeeze %dma_wait3A_132 : memref<1x128xi32, #tpu.memory_space<vmem>> -> memref<128xi32, #tpu.memory_space<vmem>>
        %dma_wait3A_134 = arith.constant 0 : i32
        %dma_wait3A_135 = arith.constant 0 : i32
        %dma_wait3A_136 = tpu.memref_slice %arg12[%dma_wait3A_134, %dma_wait3A_135] : memref<10112x64xf32, #tpu.memory_space<vmem_shared>> -> memref<10112x64xf32, #tpu.memory_space<vmem_shared>>
        tpu.wait_indirect_dma semaphore(%arg15 : memref<!tpu.dma_semaphore, #tpu.memory_space<semaphore_mem>>) src(%dma_wait3A_136 : memref<10112x64xf32, #tpu.memory_space<vmem_shared>>) dst(%arg10 : memref<128x64xf32, #tpu.memory_space<vmem>>)
        %dma_start3A_137 = arith.constant 0 : i32
        %dma_start3A_138 = tpu.memref_slice %arg8[%add3A_118, %dma_start3A_137] : memref<79x128xi32, #tpu.memory_space<vmem>> -> memref<1x128xi32, #tpu.memory_space<vmem>>
        %dma_start3A_139 = tpu.memref_squeeze %dma_start3A_138 : memref<1x128xi32, #tpu.memory_space<vmem>> -> memref<128xi32, #tpu.memory_space<vmem>>
        %dma_start3A_140 = arith.constant 0 : i32
        %dma_start3A_141 = arith.constant 0 : i32
        %dma_start3A_142 = tpu.memref_slice %arg13[%dma_start3A_140, %dma_start3A_141] : memref<10112x64xf32, #tpu.memory_space<vmem_shared>> -> memref<10112x64xf32, #tpu.memory_space<vmem_shared>>
        tpu.enqueue_indirect_dma source(%arg10 : memref<128x64xf32, #tpu.memory_space<vmem>>) target(%dma_start3A_142 : memref<10112x64xf32, #tpu.memory_space<vmem_shared>>) offsets(%dma_start3A_139 : memref<128xi32, #tpu.memory_space<vmem>>) semaphore(%arg18 : memref<!tpu.dma_semaphore, #tpu.memory_space<semaphore_mem>>) {add = true}
        %add3A_143 = arith.constant 3 : i32
        %add3A_144 = arith.addi %add3A_118, %add3A_143 : i32
        %sub3A = arith.constant 1 : i32
        %sub3A_145 = arith.subi %add3A_144, %sub3A : i32
        %lt3A_146 = arith.constant 79 : i32
        %lt3A_147 = arith.cmpi slt, %sub3A_145, %lt3A_146 : i32
        %convert_element_type3A_148 = arith.extui %lt3A_147 : i1 to i32
        %cond3A_149 = arith.constant 0 : i32
        %cond3A_150 = arith.cmpi ne, %convert_element_type3A_148, %cond3A_149 : i32
        scf.if %cond3A_150 {
          %gt3A = arith.constant 0 : i32
          %gt3A_151 = arith.cmpi sgt, %add3A_118, %gt3A : i32
          %convert_element_type3A_152 = arith.extui %gt3A_151 : i1 to i32
          %cond3A_153 = arith.constant 0 : i32
          %cond3A_154 = arith.cmpi ne, %convert_element_type3A_152, %cond3A_153 : i32
          scf.if %cond3A_154 {
            %dma_wait3A_165 = arith.constant 0 : i32
            %dma_wait3A_166 = arith.constant 0 : i32
            %dma_wait3A_167 = tpu.memref_slice %arg8[%dma_wait3A_165, %dma_wait3A_166] : memref<79x128xi32, #tpu.memory_space<vmem>> -> memref<1x128xi32, #tpu.memory_space<vmem>>
            %dma_wait3A_168 = tpu.memref_squeeze %dma_wait3A_167 : memref<1x128xi32, #tpu.memory_space<vmem>> -> memref<128xi32, #tpu.memory_space<vmem>>
            %dma_wait3A_169 = arith.constant 0 : i32
            %dma_wait3A_170 = arith.constant 0 : i32
            %dma_wait3A_171 = tpu.memref_slice %arg13[%dma_wait3A_169, %dma_wait3A_170] : memref<10112x64xf32, #tpu.memory_space<vmem_shared>> -> memref<10112x64xf32, #tpu.memory_space<vmem_shared>>
            tpu.wait_indirect_dma semaphore(%arg17 : memref<!tpu.dma_semaphore, #tpu.memory_space<semaphore_mem>>) src(%arg9 : memref<128x64xf32, #tpu.memory_space<vmem>>) dst(%dma_wait3A_171 : memref<10112x64xf32, #tpu.memory_space<vmem_shared>>)
          } else {
          }
          %add3A_155 = arith.constant 3 : i32
          %add3A_156 = arith.addi %add3A_118, %add3A_155 : i32
          %sub3A_157 = arith.constant 1 : i32
          %sub3A_158 = arith.subi %add3A_156, %sub3A_157 : i32
          %dma_start3A_159 = arith.constant 0 : i32
          %dma_start3A_160 = tpu.memref_slice %arg7[%sub3A_158, %dma_start3A_159] : memref<79x128xi32, #tpu.memory_space<vmem>> -> memref<1x128xi32, #tpu.memory_space<vmem>>
          %dma_start3A_161 = tpu.memref_squeeze %dma_start3A_160 : memref<1x128xi32, #tpu.memory_space<vmem>> -> memref<128xi32, #tpu.memory_space<vmem>>
          %dma_start3A_162 = arith.constant 0 : i32
          %dma_start3A_163 = arith.constant 0 : i32
          %dma_start3A_164 = tpu.memref_slice %arg12[%dma_start3A_162, %dma_start3A_163] : memref<10112x64xf32, #tpu.memory_space<vmem_shared>> -> memref<10112x64xf32, #tpu.memory_space<vmem_shared>>
          tpu.enqueue_indirect_dma source(%dma_start3A_164 : memref<10112x64xf32, #tpu.memory_space<vmem_shared>>) target(%arg9 : memref<128x64xf32, #tpu.memory_space<vmem>>) offsets(%dma_start3A_161 : memref<128xi32, #tpu.memory_space<vmem>>) semaphore(%arg14 : memref<!tpu.dma_semaphore, #tpu.memory_space<semaphore_mem>>)
        } else {
        }
      } else {
      }
      %add3A_124 = arith.constant 2 : i32
      %add3A_125 = arith.addi %mul3A_112, %add3A_124 : i32
      %lt3A_126 = arith.constant 79 : i32
      %lt3A_127 = arith.cmpi slt, %add3A_125, %lt3A_126 : i32
      %convert_element_type3A_128 = arith.extui %lt3A_127 : i1 to i32
      %cond3A_129 = arith.constant 0 : i32
      %cond3A_130 = arith.cmpi ne, %convert_element_type3A_128, %cond3A_129 : i32
      scf.if %cond3A_130 {
        %dma_wait3A_131 = arith.constant 0 : i32
        %dma_wait3A_132 = tpu.memref_slice %arg7[%add3A_125, %dma_wait3A_131] : memref<79x128xi32, #tpu.memory_space<vmem>> -> memref<1x128xi32, #tpu.memory_space<vmem>>
        %dma_wait3A_133 = tpu.memref_squeeze %dma_wait3A_132 : memref<1x128xi32, #tpu.memory_space<vmem>> -> memref<128xi32, #tpu.memory_space<vmem>>
        %dma_wait3A_134 = arith.constant 0 : i32
        %dma_wait3A_135 = arith.constant 0 : i32
        %dma_wait3A_136 = tpu.memref_slice %arg12[%dma_wait3A_134, %dma_wait3A_135] : memref<10112x64xf32, #tpu.memory_space<vmem_shared>> -> memref<10112x64xf32, #tpu.memory_space<vmem_shared>>
        tpu.wait_indirect_dma semaphore(%arg16 : memref<!tpu.dma_semaphore, #tpu.memory_space<semaphore_mem>>) src(%dma_wait3A_136 : memref<10112x64xf32, #tpu.memory_space<vmem_shared>>) dst(%arg11 : memref<128x64xf32, #tpu.memory_space<vmem>>)
        %dma_start3A_137 = arith.constant 0 : i32
        %dma_start3A_138 = tpu.memref_slice %arg8[%add3A_125, %dma_start3A_137] : memref<79x128xi32, #tpu.memory_space<vmem>> -> memref<1x128xi32, #tpu.memory_space<vmem>>
        %dma_start3A_139 = tpu.memref_squeeze %dma_start3A_138 : memref<1x128xi32, #tpu.memory_space<vmem>> -> memref<128xi32, #tpu.memory_space<vmem>>
        %dma_start3A_140 = arith.constant 0 : i32
        %dma_start3A_141 = arith.constant 0 : i32
        %dma_start3A_142 = tpu.memref_slice %arg13[%dma_start3A_140, %dma_start3A_141] : memref<10112x64xf32, #tpu.memory_space<vmem_shared>> -> memref<10112x64xf32, #tpu.memory_space<vmem_shared>>
        tpu.enqueue_indirect_dma source(%arg11 : memref<128x64xf32, #tpu.memory_space<vmem>>) target(%dma_start3A_142 : memref<10112x64xf32, #tpu.memory_space<vmem_shared>>) offsets(%dma_start3A_139 : memref<128xi32, #tpu.memory_space<vmem>>) semaphore(%arg19 : memref<!tpu.dma_semaphore, #tpu.memory_space<semaphore_mem>>) {add = true}
        %add3A_143 = arith.constant 3 : i32
        %add3A_144 = arith.addi %add3A_125, %add3A_143 : i32
        %sub3A = arith.constant 1 : i32
        %sub3A_145 = arith.subi %add3A_144, %sub3A : i32
        %lt3A_146 = arith.constant 79 : i32
        %lt3A_147 = arith.cmpi slt, %sub3A_145, %lt3A_146 : i32
        %convert_element_type3A_148 = arith.extui %lt3A_147 : i1 to i32
        %cond3A_149 = arith.constant 0 : i32
        %cond3A_150 = arith.cmpi ne, %convert_element_type3A_148, %cond3A_149 : i32
        scf.if %cond3A_150 {
          %gt3A = arith.constant 0 : i32
          %gt3A_151 = arith.cmpi sgt, %add3A_125, %gt3A : i32
          %convert_element_type3A_152 = arith.extui %gt3A_151 : i1 to i32
          %cond3A_153 = arith.constant 0 : i32
          %cond3A_154 = arith.cmpi ne, %convert_element_type3A_152, %cond3A_153 : i32
          scf.if %cond3A_154 {
            %dma_wait3A_165 = arith.constant 0 : i32
            %dma_wait3A_166 = arith.constant 0 : i32
            %dma_wait3A_167 = tpu.memref_slice %arg8[%dma_wait3A_165, %dma_wait3A_166] : memref<79x128xi32, #tpu.memory_space<vmem>> -> memref<1x128xi32, #tpu.memory_space<vmem>>
            %dma_wait3A_168 = tpu.memref_squeeze %dma_wait3A_167 : memref<1x128xi32, #tpu.memory_space<vmem>> -> memref<128xi32, #tpu.memory_space<vmem>>
            %dma_wait3A_169 = arith.constant 0 : i32
            %dma_wait3A_170 = arith.constant 0 : i32
            %dma_wait3A_171 = tpu.memref_slice %arg13[%dma_wait3A_169, %dma_wait3A_170] : memref<10112x64xf32, #tpu.memory_space<vmem_shared>> -> memref<10112x64xf32, #tpu.memory_space<vmem_shared>>
            tpu.wait_indirect_dma semaphore(%arg18 : memref<!tpu.dma_semaphore, #tpu.memory_space<semaphore_mem>>) src(%arg10 : memref<128x64xf32, #tpu.memory_space<vmem>>) dst(%dma_wait3A_171 : memref<10112x64xf32, #tpu.memory_space<vmem_shared>>)
          } else {
          }
          %add3A_155 = arith.constant 3 : i32
          %add3A_156 = arith.addi %add3A_125, %add3A_155 : i32
          %sub3A_157 = arith.constant 1 : i32
          %sub3A_158 = arith.subi %add3A_156, %sub3A_157 : i32
          %dma_start3A_159 = arith.constant 0 : i32
          %dma_start3A_160 = tpu.memref_slice %arg7[%sub3A_158, %dma_start3A_159] : memref<79x128xi32, #tpu.memory_space<vmem>> -> memref<1x128xi32, #tpu.memory_space<vmem>>
          %dma_start3A_161 = tpu.memref_squeeze %dma_start3A_160 : memref<1x128xi32, #tpu.memory_space<vmem>> -> memref<128xi32, #tpu.memory_space<vmem>>
          %dma_start3A_162 = arith.constant 0 : i32
          %dma_start3A_163 = arith.constant 0 : i32
          %dma_start3A_164 = tpu.memref_slice %arg12[%dma_start3A_162, %dma_start3A_163] : memref<10112x64xf32, #tpu.memory_space<vmem_shared>> -> memref<10112x64xf32, #tpu.memory_space<vmem_shared>>
          tpu.enqueue_indirect_dma source(%dma_start3A_164 : memref<10112x64xf32, #tpu.memory_space<vmem_shared>>) target(%arg10 : memref<128x64xf32, #tpu.memory_space<vmem>>) offsets(%dma_start3A_161 : memref<128xi32, #tpu.memory_space<vmem>>) semaphore(%arg15 : memref<!tpu.dma_semaphore, #tpu.memory_space<semaphore_mem>>)
        } else {
        }
      } else {
      }
    }
    %scan3A_26 = arith.constant 27 : i32
    %dma_wait3A = arith.constant 0 : i32
    %dma_wait3A_27 = arith.constant 0 : i32
    %dma_wait3A_28 = tpu.memref_slice %arg8[%dma_wait3A, %dma_wait3A_27] : memref<79x128xi32, #tpu.memory_space<vmem>> -> memref<1x128xi32, #tpu.memory_space<vmem>>
    %dma_wait3A_29 = tpu.memref_squeeze %dma_wait3A_28 : memref<1x128xi32, #tpu.memory_space<vmem>> -> memref<128xi32, #tpu.memory_space<vmem>>
    %dma_wait3A_30 = arith.constant 0 : i32
    %dma_wait3A_31 = arith.constant 0 : i32
    %dma_wait3A_32 = tpu.memref_slice %arg13[%dma_wait3A_30, %dma_wait3A_31] : memref<10112x64xf32, #tpu.memory_space<vmem_shared>> -> memref<10112x64xf32, #tpu.memory_space<vmem_shared>>
    tpu.wait_indirect_dma semaphore(%arg17 : memref<!tpu.dma_semaphore, #tpu.memory_space<semaphore_mem>>) src(%arg9 : memref<128x64xf32, #tpu.memory_space<vmem>>) dst(%dma_wait3A_32 : memref<10112x64xf32, #tpu.memory_space<vmem_shared>>)
    %dma_wait3A_33 = arith.constant 0 : i32
    %dma_wait3A_34 = arith.constant 0 : i32
    %dma_wait3A_35 = tpu.memref_slice %arg8[%dma_wait3A_33, %dma_wait3A_34] : memref<79x128xi32, #tpu.memory_space<vmem>> -> memref<1x128xi32, #tpu.memory_space<vmem>>
    %dma_wait3A_36 = tpu.memref_squeeze %dma_wait3A_35 : memref<1x128xi32, #tpu.memory_space<vmem>> -> memref<128xi32, #tpu.memory_space<vmem>>
    %dma_wait3A_37 = arith.constant 0 : i32
    %dma_wait3A_38 = arith.constant 0 : i32
    %dma_wait3A_39 = tpu.memref_slice %arg13[%dma_wait3A_37, %dma_wait3A_38] : memref<10112x64xf32, #tpu.memory_space<vmem_shared>> -> memref<10112x64xf32, #tpu.memory_space<vmem_shared>>
    tpu.wait_indirect_dma semaphore(%arg18 : memref<!tpu.dma_semaphore, #tpu.memory_space<semaphore_mem>>) src(%arg10 : memref<128x64xf32, #tpu.memory_space<vmem>>) dst(%dma_wait3A_39 : memref<10112x64xf32, #tpu.memory_space<vmem_shared>>)
    %dma_wait3A_40 = arith.constant 0 : i32
    %dma_wait3A_41 = arith.constant 0 : i32
    %dma_wait3A_42 = tpu.memref_slice %arg8[%dma_wait3A_40, %dma_wait3A_41] : memref<79x128xi32, #tpu.memory_space<vmem>> -> memref<1x128xi32, #tpu.memory_space<vmem>>
    %dma_wait3A_43 = tpu.memref_squeeze %dma_wait3A_42 : memref<1x128xi32, #tpu.memory_space<vmem>> -> memref<128xi32, #tpu.memory_space<vmem>>
    %dma_wait3A_44 = arith.constant 0 : i32
    %dma_wait3A_45 = arith.constant 0 : i32
    %dma_wait3A_46 = tpu.memref_slice %arg13[%dma_wait3A_44, %dma_wait3A_45] : memref<10112x64xf32, #tpu.memory_space<vmem_shared>> -> memref<10112x64xf32, #tpu.memory_space<vmem_shared>>
    tpu.wait_indirect_dma semaphore(%arg19 : memref<!tpu.dma_semaphore, #tpu.memory_space<semaphore_mem>>) src(%arg11 : memref<128x64xf32, #tpu.memory_space<vmem>>) dst(%dma_wait3A_46 : memref<10112x64xf32, #tpu.memory_space<vmem_shared>>)
    %barrier3A_47 = arith.constant 0 : index
    tpu.barrier barrier_id(%barrier3A_47)
    %mul3A_48 = arith.constant 632 : i32
    %mul3A_49 = arith.muli %arg1, %mul3A_48 : i32
    %mul3A_50 = arith.constant 632 : i32
    %mul3A_51 = arith.muli %arg1, %mul3A_50 : i32
    %run_scoped3A_52 = arith.constant 0 : i32
    "tpu.region"() ({
      %run_scoped3A_110 = tpu.sem_alloc : memref<!tpu.dma_semaphore, #tpu.memory_space<semaphore_mem>>
      %dma_start3A_111 = arith.constant 0 : i32
      %dma_start3A_112 = tpu.memref_slice %arg6[%arg0, %run_scoped3A_52, %mul3A_51, %dma_start3A_111] : memref<2x2x10112x64xf32, #tpu.memory_space<hbm>> -> memref<1x1x632x64xf32, #tpu.memory_space<hbm>>
      %dma_start3A_113 = tpu.memref_squeeze %dma_start3A_112 : memref<1x1x632x64xf32, #tpu.memory_space<hbm>> -> memref<632x64xf32, #tpu.memory_space<hbm>>
      %dma_start3A_114 = arith.constant 0 : i32
      %dma_start3A_115 = tpu.memref_slice %arg13[%mul3A_49, %dma_start3A_114] : memref<10112x64xf32, #tpu.memory_space<vmem_shared>> -> memref<632x64xf32, #tpu.memory_space<vmem_shared>>
      tpu.enqueue_dma source(%dma_start3A_115 : memref<632x64xf32, #tpu.memory_space<vmem_shared>>) target(%dma_start3A_113 : memref<632x64xf32, #tpu.memory_space<hbm>>) target_semaphore(%run_scoped3A_110 : memref<!tpu.dma_semaphore, #tpu.memory_space<semaphore_mem>>)
      %dma_wait3A_116 = arith.constant 0 : i32
      %dma_wait3A_117 = tpu.memref_slice %arg6[%arg0, %run_scoped3A_52, %mul3A_51, %dma_wait3A_116] : memref<2x2x10112x64xf32, #tpu.memory_space<hbm>> -> memref<1x1x632x64xf32, #tpu.memory_space<hbm>>
      %dma_wait3A_118 = tpu.memref_squeeze %dma_wait3A_117 : memref<1x1x632x64xf32, #tpu.memory_space<hbm>> -> memref<632x64xf32, #tpu.memory_space<hbm>>
      %dma_wait3A_119 = arith.constant 0 : i32
      %dma_wait3A_120 = tpu.memref_slice %arg13[%mul3A_49, %dma_wait3A_119] : memref<10112x64xf32, #tpu.memory_space<vmem_shared>> -> memref<632x64xf32, #tpu.memory_space<vmem_shared>>
      tpu.wait_dma2 semaphore(%run_scoped3A_110 : memref<!tpu.dma_semaphore, #tpu.memory_space<semaphore_mem>>) src(%dma_wait3A_120 : memref<632x64xf32, #tpu.memory_space<vmem_shared>>) dst(%dma_wait3A_118 : memref<632x64xf32, #tpu.memory_space<hbm>>)
      tpu.yield
    }) : () -> ()
    %mul3A_53 = arith.constant 632 : i32
    %mul3A_54 = arith.muli %arg1, %mul3A_53 : i32
    %mul3A_55 = arith.constant 632 : i32
    %mul3A_56 = arith.muli %arg1, %mul3A_55 : i32
    %run_scoped3A_57 = arith.constant 1 : i32
    "tpu.region"() ({
      %run_scoped3A_110 = tpu.sem_alloc : memref<!tpu.dma_semaphore, #tpu.memory_space<semaphore_mem>>
      %dma_start3A_111 = arith.constant 0 : i32
      %dma_start3A_112 = tpu.memref_slice %arg12[%mul3A_56, %dma_start3A_111] : memref<10112x64xf32, #tpu.memory_space<vmem_shared>> -> memref<632x64xf32, #tpu.memory_space<vmem_shared>>
      %dma_start3A_113 = arith.constant 0 : i32
      %dma_start3A_114 = tpu.memref_slice %arg2[%run_scoped3A_57, %mul3A_54, %dma_start3A_113] : memref<2x10112x64xf32, #tpu.memory_space<hbm>> -> memref<1x632x64xf32, #tpu.memory_space<hbm>>
      %dma_start3A_115 = tpu.memref_squeeze %dma_start3A_114 : memref<1x632x64xf32, #tpu.memory_space<hbm>> -> memref<632x64xf32, #tpu.memory_space<hbm>>
      tpu.enqueue_dma source(%dma_start3A_115 : memref<632x64xf32, #tpu.memory_space<hbm>>) target(%dma_start3A_112 : memref<632x64xf32, #tpu.memory_space<vmem_shared>>) target_semaphore(%run_scoped3A_110 : memref<!tpu.dma_semaphore, #tpu.memory_space<semaphore_mem>>)
      %dma_wait3A_116 = arith.constant 0 : i32
      %dma_wait3A_117 = tpu.memref_slice %arg12[%mul3A_56, %dma_wait3A_116] : memref<10112x64xf32, #tpu.memory_space<vmem_shared>> -> memref<632x64xf32, #tpu.memory_space<vmem_shared>>
      %dma_wait3A_118 = arith.constant 0 : i32
      %dma_wait3A_119 = tpu.memref_slice %arg2[%run_scoped3A_57, %mul3A_54, %dma_wait3A_118] : memref<2x10112x64xf32, #tpu.memory_space<hbm>> -> memref<1x632x64xf32, #tpu.memory_space<hbm>>
      %dma_wait3A_120 = tpu.memref_squeeze %dma_wait3A_119 : memref<1x632x64xf32, #tpu.memory_space<hbm>> -> memref<632x64xf32, #tpu.memory_space<hbm>>
      tpu.wait_dma2 semaphore(%run_scoped3A_110 : memref<!tpu.dma_semaphore, #tpu.memory_space<semaphore_mem>>) src(%dma_wait3A_120 : memref<632x64xf32, #tpu.memory_space<hbm>>) dst(%dma_wait3A_117 : memref<632x64xf32, #tpu.memory_space<vmem_shared>>)
      tpu.yield
    }) : () -> ()
    %mul3A_58 = arith.constant 632 : i32
    %mul3A_59 = arith.muli %arg1, %mul3A_58 : i32
    %mul3A_60 = arith.constant 632 : i32
    %mul3A_61 = arith.muli %arg1, %mul3A_60 : i32
    "tpu.region"() ({
      %run_scoped3A_110 = tpu.sem_alloc : memref<!tpu.dma_semaphore, #tpu.memory_space<semaphore_mem>>
      %dma_start3A_111 = arith.constant 0 : i32
      %dma_start3A_112 = tpu.memref_slice %arg13[%mul3A_61, %dma_start3A_111] : memref<10112x64xf32, #tpu.memory_space<vmem_shared>> -> memref<632x64xf32, #tpu.memory_space<vmem_shared>>
      %dma_start3A_113 = arith.constant 0 : i32
      %dma_start3A_114 = tpu.memref_slice %arg5[%mul3A_59, %dma_start3A_113] : memref<10112x64xf32, #tpu.memory_space<hbm>> -> memref<632x64xf32, #tpu.memory_space<hbm>>
      tpu.enqueue_dma source(%dma_start3A_114 : memref<632x64xf32, #tpu.memory_space<hbm>>) target(%dma_start3A_112 : memref<632x64xf32, #tpu.memory_space<vmem_shared>>) target_semaphore(%run_scoped3A_110 : memref<!tpu.dma_semaphore, #tpu.memory_space<semaphore_mem>>)
      %dma_wait3A_115 = arith.constant 0 : i32
      %dma_wait3A_116 = tpu.memref_slice %arg13[%mul3A_61, %dma_wait3A_115] : memref<10112x64xf32, #tpu.memory_space<vmem_shared>> -> memref<632x64xf32, #tpu.memory_space<vmem_shared>>
      %dma_wait3A_117 = arith.constant 0 : i32
      %dma_wait3A_118 = tpu.memref_slice %arg5[%mul3A_59, %dma_wait3A_117] : memref<10112x64xf32, #tpu.memory_space<hbm>> -> memref<632x64xf32, #tpu.memory_space<hbm>>
      tpu.wait_dma2 semaphore(%run_scoped3A_110 : memref<!tpu.dma_semaphore, #tpu.memory_space<semaphore_mem>>) src(%dma_wait3A_118 : memref<632x64xf32, #tpu.memory_space<hbm>>) dst(%dma_wait3A_116 : memref<632x64xf32, #tpu.memory_space<vmem_shared>>)
      tpu.yield
    }) : () -> ()
    %barrier3A_62 = arith.constant 0 : index
    tpu.barrier barrier_id(%barrier3A_62)
    %dma_start3A_63 = arith.constant 0 : i32
    %dma_start3A_64 = arith.constant 0 : i32
    %dma_start3A_65 = tpu.memref_slice %arg7[%dma_start3A_63, %dma_start3A_64] : memref<79x128xi32, #tpu.memory_space<vmem>> -> memref<1x128xi32, #tpu.memory_space<vmem>>
    %dma_start3A_66 = tpu.memref_squeeze %dma_start3A_65 : memref<1x128xi32, #tpu.memory_space<vmem>> -> memref<128xi32, #tpu.memory_space<vmem>>
    %dma_start3A_67 = arith.constant 0 : i32
    %dma_start3A_68 = arith.constant 0 : i32
    %dma_start3A_69 = tpu.memref_slice %arg12[%dma_start3A_67, %dma_start3A_68] : memref<10112x64xf32, #tpu.memory_space<vmem_shared>> -> memref<10112x64xf32, #tpu.memory_space<vmem_shared>>
    tpu.enqueue_indirect_dma source(%dma_start3A_69 : memref<10112x64xf32, #tpu.memory_space<vmem_shared>>) target(%arg9 : memref<128x64xf32, #tpu.memory_space<vmem>>) offsets(%dma_start3A_66 : memref<128xi32, #tpu.memory_space<vmem>>) semaphore(%arg14 : memref<!tpu.dma_semaphore, #tpu.memory_space<semaphore_mem>>)
    %dma_start3A_70 = arith.constant 1 : i32
    %dma_start3A_71 = arith.constant 0 : i32
    %dma_start3A_72 = tpu.memref_slice %arg7[%dma_start3A_70, %dma_start3A_71] : memref<79x128xi32, #tpu.memory_space<vmem>> -> memref<1x128xi32, #tpu.memory_space<vmem>>
    %dma_start3A_73 = tpu.memref_squeeze %dma_start3A_72 : memref<1x128xi32, #tpu.memory_space<vmem>> -> memref<128xi32, #tpu.memory_space<vmem>>
    %dma_start3A_74 = arith.constant 0 : i32
    %dma_start3A_75 = arith.constant 0 : i32
    %dma_start3A_76 = tpu.memref_slice %arg12[%dma_start3A_74, %dma_start3A_75] : memref<10112x64xf32, #tpu.memory_space<vmem_shared>> -> memref<10112x64xf32, #tpu.memory_space<vmem_shared>>
    tpu.enqueue_indirect_dma source(%dma_start3A_76 : memref<10112x64xf32, #tpu.memory_space<vmem_shared>>) target(%arg10 : memref<128x64xf32, #tpu.memory_space<vmem>>) offsets(%dma_start3A_73 : memref<128xi32, #tpu.memory_space<vmem>>) semaphore(%arg15 : memref<!tpu.dma_semaphore, #tpu.memory_space<semaphore_mem>>)
    %scan3A_77 = arith.constant 0 : i32
    %scan3A_78 = arith.constant 0 : i32
    %scan3A_79 = arith.constant 27 : i32
    %scan3A_80 = arith.addi %scan3A_78, %scan3A_79 : i32
    %scan3A_81 = arith.constant 1 : i32
    scf.for %scan3A_110 = %scan3A_78 to %scan3A_80 step %scan3A_81  : i32 {
      %mul3A_111 = arith.constant 3 : i32
      %mul3A_112 = arith.muli %scan3A_110, %mul3A_111 : i32
      %add3A_113 = arith.constant 0 : i32
      %add3A_114 = arith.addi %mul3A_112, %add3A_113 : i32
      %lt3A = arith.constant 79 : i32
      %lt3A_115 = arith.cmpi slt, %add3A_114, %lt3A : i32
      %convert_element_type3A = arith.extui %lt3A_115 : i1 to i32
      %cond3A = arith.constant 0 : i32
      %cond3A_116 = arith.cmpi ne, %convert_element_type3A, %cond3A : i32
      scf.if %cond3A_116 {
        %dma_wait3A_131 = arith.constant 0 : i32
        %dma_wait3A_132 = tpu.memref_slice %arg7[%add3A_114, %dma_wait3A_131] : memref<79x128xi32, #tpu.memory_space<vmem>> -> memref<1x128xi32, #tpu.memory_space<vmem>>
        %dma_wait3A_133 = tpu.memref_squeeze %dma_wait3A_132 : memref<1x128xi32, #tpu.memory_space<vmem>> -> memref<128xi32, #tpu.memory_space<vmem>>
        %dma_wait3A_134 = arith.constant 0 : i32
        %dma_wait3A_135 = arith.constant 0 : i32
        %dma_wait3A_136 = tpu.memref_slice %arg12[%dma_wait3A_134, %dma_wait3A_135] : memref<10112x64xf32, #tpu.memory_space<vmem_shared>> -> memref<10112x64xf32, #tpu.memory_space<vmem_shared>>
        tpu.wait_indirect_dma semaphore(%arg14 : memref<!tpu.dma_semaphore, #tpu.memory_space<semaphore_mem>>) src(%dma_wait3A_136 : memref<10112x64xf32, #tpu.memory_space<vmem_shared>>) dst(%arg9 : memref<128x64xf32, #tpu.memory_space<vmem>>)
        %dma_start3A_137 = arith.constant 0 : i32
        %dma_start3A_138 = tpu.memref_slice %arg8[%add3A_114, %dma_start3A_137] : memref<79x128xi32, #tpu.memory_space<vmem>> -> memref<1x128xi32, #tpu.memory_space<vmem>>
        %dma_start3A_139 = tpu.memref_squeeze %dma_start3A_138 : memref<1x128xi32, #tpu.memory_space<vmem>> -> memref<128xi32, #tpu.memory_space<vmem>>
        %dma_start3A_140 = arith.constant 0 : i32
        %dma_start3A_141 = arith.constant 0 : i32
        %dma_start3A_142 = tpu.memref_slice %arg13[%dma_start3A_140, %dma_start3A_141] : memref<10112x64xf32, #tpu.memory_space<vmem_shared>> -> memref<10112x64xf32, #tpu.memory_space<vmem_shared>>
        tpu.enqueue_indirect_dma source(%arg9 : memref<128x64xf32, #tpu.memory_space<vmem>>) target(%dma_start3A_142 : memref<10112x64xf32, #tpu.memory_space<vmem_shared>>) offsets(%dma_start3A_139 : memref<128xi32, #tpu.memory_space<vmem>>) semaphore(%arg17 : memref<!tpu.dma_semaphore, #tpu.memory_space<semaphore_mem>>) {add = true}
        %add3A_143 = arith.constant 3 : i32
        %add3A_144 = arith.addi %add3A_114, %add3A_143 : i32
        %sub3A = arith.constant 1 : i32
        %sub3A_145 = arith.subi %add3A_144, %sub3A : i32
        %lt3A_146 = arith.constant 79 : i32
        %lt3A_147 = arith.cmpi slt, %sub3A_145, %lt3A_146 : i32
        %convert_element_type3A_148 = arith.extui %lt3A_147 : i1 to i32
        %cond3A_149 = arith.constant 0 : i32
        %cond3A_150 = arith.cmpi ne, %convert_element_type3A_148, %cond3A_149 : i32
        scf.if %cond3A_150 {
          %gt3A = arith.constant 0 : i32
          %gt3A_151 = arith.cmpi sgt, %add3A_114, %gt3A : i32
          %convert_element_type3A_152 = arith.extui %gt3A_151 : i1 to i32
          %cond3A_153 = arith.constant 0 : i32
          %cond3A_154 = arith.cmpi ne, %convert_element_type3A_152, %cond3A_153 : i32
          scf.if %cond3A_154 {
            %dma_wait3A_165 = arith.constant 0 : i32
            %dma_wait3A_166 = arith.constant 0 : i32
            %dma_wait3A_167 = tpu.memref_slice %arg8[%dma_wait3A_165, %dma_wait3A_166] : memref<79x128xi32, #tpu.memory_space<vmem>> -> memref<1x128xi32, #tpu.memory_space<vmem>>
            %dma_wait3A_168 = tpu.memref_squeeze %dma_wait3A_167 : memref<1x128xi32, #tpu.memory_space<vmem>> -> memref<128xi32, #tpu.memory_space<vmem>>
            %dma_wait3A_169 = arith.constant 0 : i32
            %dma_wait3A_170 = arith.constant 0 : i32
            %dma_wait3A_171 = tpu.memref_slice %arg13[%dma_wait3A_169, %dma_wait3A_170] : memref<10112x64xf32, #tpu.memory_space<vmem_shared>> -> memref<10112x64xf32, #tpu.memory_space<vmem_shared>>
            tpu.wait_indirect_dma semaphore(%arg19 : memref<!tpu.dma_semaphore, #tpu.memory_space<semaphore_mem>>) src(%arg11 : memref<128x64xf32, #tpu.memory_space<vmem>>) dst(%dma_wait3A_171 : memref<10112x64xf32, #tpu.memory_space<vmem_shared>>)
          } else {
          }
          %add3A_155 = arith.constant 3 : i32
          %add3A_156 = arith.addi %add3A_114, %add3A_155 : i32
          %sub3A_157 = arith.constant 1 : i32
          %sub3A_158 = arith.subi %add3A_156, %sub3A_157 : i32
          %dma_start3A_159 = arith.constant 0 : i32
          %dma_start3A_160 = tpu.memref_slice %arg7[%sub3A_158, %dma_start3A_159] : memref<79x128xi32, #tpu.memory_space<vmem>> -> memref<1x128xi32, #tpu.memory_space<vmem>>
          %dma_start3A_161 = tpu.memref_squeeze %dma_start3A_160 : memref<1x128xi32, #tpu.memory_space<vmem>> -> memref<128xi32, #tpu.memory_space<vmem>>
          %dma_start3A_162 = arith.constant 0 : i32
          %dma_start3A_163 = arith.constant 0 : i32
          %dma_start3A_164 = tpu.memref_slice %arg12[%dma_start3A_162, %dma_start3A_163] : memref<10112x64xf32, #tpu.memory_space<vmem_shared>> -> memref<10112x64xf32, #tpu.memory_space<vmem_shared>>
          tpu.enqueue_indirect_dma source(%dma_start3A_164 : memref<10112x64xf32, #tpu.memory_space<vmem_shared>>) target(%arg11 : memref<128x64xf32, #tpu.memory_space<vmem>>) offsets(%dma_start3A_161 : memref<128xi32, #tpu.memory_space<vmem>>) semaphore(%arg16 : memref<!tpu.dma_semaphore, #tpu.memory_space<semaphore_mem>>)
        } else {
        }
      } else {
      }
      %add3A_117 = arith.constant 1 : i32
      %add3A_118 = arith.addi %mul3A_112, %add3A_117 : i32
      %lt3A_119 = arith.constant 79 : i32
      %lt3A_120 = arith.cmpi slt, %add3A_118, %lt3A_119 : i32
      %convert_element_type3A_121 = arith.extui %lt3A_120 : i1 to i32
      %cond3A_122 = arith.constant 0 : i32
      %cond3A_123 = arith.cmpi ne, %convert_element_type3A_121, %cond3A_122 : i32
      scf.if %cond3A_123 {
        %dma_wait3A_131 = arith.constant 0 : i32
        %dma_wait3A_132 = tpu.memref_slice %arg7[%add3A_118, %dma_wait3A_131] : memref<79x128xi32, #tpu.memory_space<vmem>> -> memref<1x128xi32, #tpu.memory_space<vmem>>
        %dma_wait3A_133 = tpu.memref_squeeze %dma_wait3A_132 : memref<1x128xi32, #tpu.memory_space<vmem>> -> memref<128xi32, #tpu.memory_space<vmem>>
        %dma_wait3A_134 = arith.constant 0 : i32
        %dma_wait3A_135 = arith.constant 0 : i32
        %dma_wait3A_136 = tpu.memref_slice %arg12[%dma_wait3A_134, %dma_wait3A_135] : memref<10112x64xf32, #tpu.memory_space<vmem_shared>> -> memref<10112x64xf32, #tpu.memory_space<vmem_shared>>
        tpu.wait_indirect_dma semaphore(%arg15 : memref<!tpu.dma_semaphore, #tpu.memory_space<semaphore_mem>>) src(%dma_wait3A_136 : memref<10112x64xf32, #tpu.memory_space<vmem_shared>>) dst(%arg10 : memref<128x64xf32, #tpu.memory_space<vmem>>)
        %dma_start3A_137 = arith.constant 0 : i32
        %dma_start3A_138 = tpu.memref_slice %arg8[%add3A_118, %dma_start3A_137] : memref<79x128xi32, #tpu.memory_space<vmem>> -> memref<1x128xi32, #tpu.memory_space<vmem>>
        %dma_start3A_139 = tpu.memref_squeeze %dma_start3A_138 : memref<1x128xi32, #tpu.memory_space<vmem>> -> memref<128xi32, #tpu.memory_space<vmem>>
        %dma_start3A_140 = arith.constant 0 : i32
        %dma_start3A_141 = arith.constant 0 : i32
        %dma_start3A_142 = tpu.memref_slice %arg13[%dma_start3A_140, %dma_start3A_141] : memref<10112x64xf32, #tpu.memory_space<vmem_shared>> -> memref<10112x64xf32, #tpu.memory_space<vmem_shared>>
        tpu.enqueue_indirect_dma source(%arg10 : memref<128x64xf32, #tpu.memory_space<vmem>>) target(%dma_start3A_142 : memref<10112x64xf32, #tpu.memory_space<vmem_shared>>) offsets(%dma_start3A_139 : memref<128xi32, #tpu.memory_space<vmem>>) semaphore(%arg18 : memref<!tpu.dma_semaphore, #tpu.memory_space<semaphore_mem>>) {add = true}
        %add3A_143 = arith.constant 3 : i32
        %add3A_144 = arith.addi %add3A_118, %add3A_143 : i32
        %sub3A = arith.constant 1 : i32
        %sub3A_145 = arith.subi %add3A_144, %sub3A : i32
        %lt3A_146 = arith.constant 79 : i32
        %lt3A_147 = arith.cmpi slt, %sub3A_145, %lt3A_146 : i32
        %convert_element_type3A_148 = arith.extui %lt3A_147 : i1 to i32
        %cond3A_149 = arith.constant 0 : i32
        %cond3A_150 = arith.cmpi ne, %convert_element_type3A_148, %cond3A_149 : i32
        scf.if %cond3A_150 {
          %gt3A = arith.constant 0 : i32
          %gt3A_151 = arith.cmpi sgt, %add3A_118, %gt3A : i32
          %convert_element_type3A_152 = arith.extui %gt3A_151 : i1 to i32
          %cond3A_153 = arith.constant 0 : i32
          %cond3A_154 = arith.cmpi ne, %convert_element_type3A_152, %cond3A_153 : i32
          scf.if %cond3A_154 {
            %dma_wait3A_165 = arith.constant 0 : i32
            %dma_wait3A_166 = arith.constant 0 : i32
            %dma_wait3A_167 = tpu.memref_slice %arg8[%dma_wait3A_165, %dma_wait3A_166] : memref<79x128xi32, #tpu.memory_space<vmem>> -> memref<1x128xi32, #tpu.memory_space<vmem>>
            %dma_wait3A_168 = tpu.memref_squeeze %dma_wait3A_167 : memref<1x128xi32, #tpu.memory_space<vmem>> -> memref<128xi32, #tpu.memory_space<vmem>>
            %dma_wait3A_169 = arith.constant 0 : i32
            %dma_wait3A_170 = arith.constant 0 : i32
            %dma_wait3A_171 = tpu.memref_slice %arg13[%dma_wait3A_169, %dma_wait3A_170] : memref<10112x64xf32, #tpu.memory_space<vmem_shared>> -> memref<10112x64xf32, #tpu.memory_space<vmem_shared>>
            tpu.wait_indirect_dma semaphore(%arg17 : memref<!tpu.dma_semaphore, #tpu.memory_space<semaphore_mem>>) src(%arg9 : memref<128x64xf32, #tpu.memory_space<vmem>>) dst(%dma_wait3A_171 : memref<10112x64xf32, #tpu.memory_space<vmem_shared>>)
          } else {
          }
          %add3A_155 = arith.constant 3 : i32
          %add3A_156 = arith.addi %add3A_118, %add3A_155 : i32
          %sub3A_157 = arith.constant 1 : i32
          %sub3A_158 = arith.subi %add3A_156, %sub3A_157 : i32
          %dma_start3A_159 = arith.constant 0 : i32
          %dma_start3A_160 = tpu.memref_slice %arg7[%sub3A_158, %dma_start3A_159] : memref<79x128xi32, #tpu.memory_space<vmem>> -> memref<1x128xi32, #tpu.memory_space<vmem>>
          %dma_start3A_161 = tpu.memref_squeeze %dma_start3A_160 : memref<1x128xi32, #tpu.memory_space<vmem>> -> memref<128xi32, #tpu.memory_space<vmem>>
          %dma_start3A_162 = arith.constant 0 : i32
          %dma_start3A_163 = arith.constant 0 : i32
          %dma_start3A_164 = tpu.memref_slice %arg12[%dma_start3A_162, %dma_start3A_163] : memref<10112x64xf32, #tpu.memory_space<vmem_shared>> -> memref<10112x64xf32, #tpu.memory_space<vmem_shared>>
          tpu.enqueue_indirect_dma source(%dma_start3A_164 : memref<10112x64xf32, #tpu.memory_space<vmem_shared>>) target(%arg9 : memref<128x64xf32, #tpu.memory_space<vmem>>) offsets(%dma_start3A_161 : memref<128xi32, #tpu.memory_space<vmem>>) semaphore(%arg14 : memref<!tpu.dma_semaphore, #tpu.memory_space<semaphore_mem>>)
        } else {
        }
      } else {
      }
      %add3A_124 = arith.constant 2 : i32
      %add3A_125 = arith.addi %mul3A_112, %add3A_124 : i32
      %lt3A_126 = arith.constant 79 : i32
      %lt3A_127 = arith.cmpi slt, %add3A_125, %lt3A_126 : i32
      %convert_element_type3A_128 = arith.extui %lt3A_127 : i1 to i32
      %cond3A_129 = arith.constant 0 : i32
      %cond3A_130 = arith.cmpi ne, %convert_element_type3A_128, %cond3A_129 : i32
      scf.if %cond3A_130 {
        %dma_wait3A_131 = arith.constant 0 : i32
        %dma_wait3A_132 = tpu.memref_slice %arg7[%add3A_125, %dma_wait3A_131] : memref<79x128xi32, #tpu.memory_space<vmem>> -> memref<1x128xi32, #tpu.memory_space<vmem>>
        %dma_wait3A_133 = tpu.memref_squeeze %dma_wait3A_132 : memref<1x128xi32, #tpu.memory_space<vmem>> -> memref<128xi32, #tpu.memory_space<vmem>>
        %dma_wait3A_134 = arith.constant 0 : i32
        %dma_wait3A_135 = arith.constant 0 : i32
        %dma_wait3A_136 = tpu.memref_slice %arg12[%dma_wait3A_134, %dma_wait3A_135] : memref<10112x64xf32, #tpu.memory_space<vmem_shared>> -> memref<10112x64xf32, #tpu.memory_space<vmem_shared>>
        tpu.wait_indirect_dma semaphore(%arg16 : memref<!tpu.dma_semaphore, #tpu.memory_space<semaphore_mem>>) src(%dma_wait3A_136 : memref<10112x64xf32, #tpu.memory_space<vmem_shared>>) dst(%arg11 : memref<128x64xf32, #tpu.memory_space<vmem>>)
        %dma_start3A_137 = arith.constant 0 : i32
        %dma_start3A_138 = tpu.memref_slice %arg8[%add3A_125, %dma_start3A_137] : memref<79x128xi32, #tpu.memory_space<vmem>> -> memref<1x128xi32, #tpu.memory_space<vmem>>
        %dma_start3A_139 = tpu.memref_squeeze %dma_start3A_138 : memref<1x128xi32, #tpu.memory_space<vmem>> -> memref<128xi32, #tpu.memory_space<vmem>>
        %dma_start3A_140 = arith.constant 0 : i32
        %dma_start3A_141 = arith.constant 0 : i32
        %dma_start3A_142 = tpu.memref_slice %arg13[%dma_start3A_140, %dma_start3A_141] : memref<10112x64xf32, #tpu.memory_space<vmem_shared>> -> memref<10112x64xf32, #tpu.memory_space<vmem_shared>>
        tpu.enqueue_indirect_dma source(%arg11 : memref<128x64xf32, #tpu.memory_space<vmem>>) target(%dma_start3A_142 : memref<10112x64xf32, #tpu.memory_space<vmem_shared>>) offsets(%dma_start3A_139 : memref<128xi32, #tpu.memory_space<vmem>>) semaphore(%arg19 : memref<!tpu.dma_semaphore, #tpu.memory_space<semaphore_mem>>) {add = true}
        %add3A_143 = arith.constant 3 : i32
        %add3A_144 = arith.addi %add3A_125, %add3A_143 : i32
        %sub3A = arith.constant 1 : i32
        %sub3A_145 = arith.subi %add3A_144, %sub3A : i32
        %lt3A_146 = arith.constant 79 : i32
        %lt3A_147 = arith.cmpi slt, %sub3A_145, %lt3A_146 : i32
        %convert_element_type3A_148 = arith.extui %lt3A_147 : i1 to i32
        %cond3A_149 = arith.constant 0 : i32
        %cond3A_150 = arith.cmpi ne, %convert_element_type3A_148, %cond3A_149 : i32
        scf.if %cond3A_150 {
          %gt3A = arith.constant 0 : i32
          %gt3A_151 = arith.cmpi sgt, %add3A_125, %gt3A : i32
          %convert_element_type3A_152 = arith.extui %gt3A_151 : i1 to i32
          %cond3A_153 = arith.constant 0 : i32
          %cond3A_154 = arith.cmpi ne, %convert_element_type3A_152, %cond3A_153 : i32
          scf.if %cond3A_154 {
            %dma_wait3A_165 = arith.constant 0 : i32
            %dma_wait3A_166 = arith.constant 0 : i32
            %dma_wait3A_167 = tpu.memref_slice %arg8[%dma_wait3A_165, %dma_wait3A_166] : memref<79x128xi32, #tpu.memory_space<vmem>> -> memref<1x128xi32, #tpu.memory_space<vmem>>
            %dma_wait3A_168 = tpu.memref_squeeze %dma_wait3A_167 : memref<1x128xi32, #tpu.memory_space<vmem>> -> memref<128xi32, #tpu.memory_space<vmem>>
            %dma_wait3A_169 = arith.constant 0 : i32
            %dma_wait3A_170 = arith.constant 0 : i32
            %dma_wait3A_171 = tpu.memref_slice %arg13[%dma_wait3A_169, %dma_wait3A_170] : memref<10112x64xf32, #tpu.memory_space<vmem_shared>> -> memref<10112x64xf32, #tpu.memory_space<vmem_shared>>
            tpu.wait_indirect_dma semaphore(%arg18 : memref<!tpu.dma_semaphore, #tpu.memory_space<semaphore_mem>>) src(%arg10 : memref<128x64xf32, #tpu.memory_space<vmem>>) dst(%dma_wait3A_171 : memref<10112x64xf32, #tpu.memory_space<vmem_shared>>)
          } else {
          }
          %add3A_155 = arith.constant 3 : i32
          %add3A_156 = arith.addi %add3A_125, %add3A_155 : i32
          %sub3A_157 = arith.constant 1 : i32
          %sub3A_158 = arith.subi %add3A_156, %sub3A_157 : i32
          %dma_start3A_159 = arith.constant 0 : i32
          %dma_start3A_160 = tpu.memref_slice %arg7[%sub3A_158, %dma_start3A_159] : memref<79x128xi32, #tpu.memory_space<vmem>> -> memref<1x128xi32, #tpu.memory_space<vmem>>
          %dma_start3A_161 = tpu.memref_squeeze %dma_start3A_160 : memref<1x128xi32, #tpu.memory_space<vmem>> -> memref<128xi32, #tpu.memory_space<vmem>>
          %dma_start3A_162 = arith.constant 0 : i32
          %dma_start3A_163 = arith.constant 0 : i32
          %dma_start3A_164 = tpu.memref_slice %arg12[%dma_start3A_162, %dma_start3A_163] : memref<10112x64xf32, #tpu.memory_space<vmem_shared>> -> memref<10112x64xf32, #tpu.memory_space<vmem_shared>>
          tpu.enqueue_indirect_dma source(%dma_start3A_164 : memref<10112x64xf32, #tpu.memory_space<vmem_shared>>) target(%arg10 : memref<128x64xf32, #tpu.memory_space<vmem>>) offsets(%dma_start3A_161 : memref<128xi32, #tpu.memory_space<vmem>>) semaphore(%arg15 : memref<!tpu.dma_semaphore, #tpu.memory_space<semaphore_mem>>)
        } else {
        }
      } else {
      }
    }
    %scan3A_82 = arith.constant 27 : i32
    %dma_wait3A_83 = arith.constant 0 : i32
    %dma_wait3A_84 = arith.constant 0 : i32
    %dma_wait3A_85 = tpu.memref_slice %arg8[%dma_wait3A_83, %dma_wait3A_84] : memref<79x128xi32, #tpu.memory_space<vmem>> -> memref<1x128xi32, #tpu.memory_space<vmem>>
    %dma_wait3A_86 = tpu.memref_squeeze %dma_wait3A_85 : memref<1x128xi32, #tpu.memory_space<vmem>> -> memref<128xi32, #tpu.memory_space<vmem>>
    %dma_wait3A_87 = arith.constant 0 : i32
    %dma_wait3A_88 = arith.constant 0 : i32
    %dma_wait3A_89 = tpu.memref_slice %arg13[%dma_wait3A_87, %dma_wait3A_88] : memref<10112x64xf32, #tpu.memory_space<vmem_shared>> -> memref<10112x64xf32, #tpu.memory_space<vmem_shared>>
    tpu.wait_indirect_dma semaphore(%arg17 : memref<!tpu.dma_semaphore, #tpu.memory_space<semaphore_mem>>) src(%arg9 : memref<128x64xf32, #tpu.memory_space<vmem>>) dst(%dma_wait3A_89 : memref<10112x64xf32, #tpu.memory_space<vmem_shared>>)
    %dma_wait3A_90 = arith.constant 0 : i32
    %dma_wait3A_91 = arith.constant 0 : i32
    %dma_wait3A_92 = tpu.memref_slice %arg8[%dma_wait3A_90, %dma_wait3A_91] : memref<79x128xi32, #tpu.memory_space<vmem>> -> memref<1x128xi32, #tpu.memory_space<vmem>>
    %dma_wait3A_93 = tpu.memref_squeeze %dma_wait3A_92 : memref<1x128xi32, #tpu.memory_space<vmem>> -> memref<128xi32, #tpu.memory_space<vmem>>
    %dma_wait3A_94 = arith.constant 0 : i32
    %dma_wait3A_95 = arith.constant 0 : i32
    %dma_wait3A_96 = tpu.memref_slice %arg13[%dma_wait3A_94, %dma_wait3A_95] : memref<10112x64xf32, #tpu.memory_space<vmem_shared>> -> memref<10112x64xf32, #tpu.memory_space<vmem_shared>>
    tpu.wait_indirect_dma semaphore(%arg18 : memref<!tpu.dma_semaphore, #tpu.memory_space<semaphore_mem>>) src(%arg10 : memref<128x64xf32, #tpu.memory_space<vmem>>) dst(%dma_wait3A_96 : memref<10112x64xf32, #tpu.memory_space<vmem_shared>>)
    %dma_wait3A_97 = arith.constant 0 : i32
    %dma_wait3A_98 = arith.constant 0 : i32
    %dma_wait3A_99 = tpu.memref_slice %arg8[%dma_wait3A_97, %dma_wait3A_98] : memref<79x128xi32, #tpu.memory_space<vmem>> -> memref<1x128xi32, #tpu.memory_space<vmem>>
    %dma_wait3A_100 = tpu.memref_squeeze %dma_wait3A_99 : memref<1x128xi32, #tpu.memory_space<vmem>> -> memref<128xi32, #tpu.memory_space<vmem>>
    %dma_wait3A_101 = arith.constant 0 : i32
    %dma_wait3A_102 = arith.constant 0 : i32
    %dma_wait3A_103 = tpu.memref_slice %arg13[%dma_wait3A_101, %dma_wait3A_102] : memref<10112x64xf32, #tpu.memory_space<vmem_shared>> -> memref<10112x64xf32, #tpu.memory_space<vmem_shared>>
    tpu.wait_indirect_dma semaphore(%arg19 : memref<!tpu.dma_semaphore, #tpu.memory_space<semaphore_mem>>) src(%arg11 : memref<128x64xf32, #tpu.memory_space<vmem>>) dst(%dma_wait3A_103 : memref<10112x64xf32, #tpu.memory_space<vmem_shared>>)
    %barrier3A_104 = arith.constant 0 : index
    tpu.barrier barrier_id(%barrier3A_104)
    %mul3A_105 = arith.constant 632 : i32
    %mul3A_106 = arith.muli %arg1, %mul3A_105 : i32
    %mul3A_107 = arith.constant 632 : i32
    %mul3A_108 = arith.muli %arg1, %mul3A_107 : i32
    %run_scoped3A_109 = arith.constant 1 : i32
    "tpu.region"() ({
      %run_scoped3A_110 = tpu.sem_alloc : memref<!tpu.dma_semaphore, #tpu.memory_space<semaphore_mem>>
      %dma_start3A_111 = arith.constant 0 : i32
      %dma_start3A_112 = tpu.memref_slice %arg6[%arg0, %run_scoped3A_109, %mul3A_108, %dma_start3A_111] : memref<2x2x10112x64xf32, #tpu.memory_space<hbm>> -> memref<1x1x632x64xf32, #tpu.memory_space<hbm>>
      %dma_start3A_113 = tpu.memref_squeeze %dma_start3A_112 : memref<1x1x632x64xf32, #tpu.memory_space<hbm>> -> memref<632x64xf32, #tpu.memory_space<hbm>>
      %dma_start3A_114 = arith.constant 0 : i32
      %dma_start3A_115 = tpu.memref_slice %arg13[%mul3A_106, %dma_start3A_114] : memref<10112x64xf32, #tpu.memory_space<vmem_shared>> -> memref<632x64xf32, #tpu.memory_space<vmem_shared>>
      tpu.enqueue_dma source(%dma_start3A_115 : memref<632x64xf32, #tpu.memory_space<vmem_shared>>) target(%dma_start3A_113 : memref<632x64xf32, #tpu.memory_space<hbm>>) target_semaphore(%run_scoped3A_110 : memref<!tpu.dma_semaphore, #tpu.memory_space<semaphore_mem>>)
      %dma_wait3A_116 = arith.constant 0 : i32
      %dma_wait3A_117 = tpu.memref_slice %arg6[%arg0, %run_scoped3A_109, %mul3A_108, %dma_wait3A_116] : memref<2x2x10112x64xf32, #tpu.memory_space<hbm>> -> memref<1x1x632x64xf32, #tpu.memory_space<hbm>>
      %dma_wait3A_118 = tpu.memref_squeeze %dma_wait3A_117 : memref<1x1x632x64xf32, #tpu.memory_space<hbm>> -> memref<632x64xf32, #tpu.memory_space<hbm>>
      %dma_wait3A_119 = arith.constant 0 : i32
      %dma_wait3A_120 = tpu.memref_slice %arg13[%mul3A_106, %dma_wait3A_119] : memref<10112x64xf32, #tpu.memory_space<vmem_shared>> -> memref<632x64xf32, #tpu.memory_space<vmem_shared>>
      tpu.wait_dma2 semaphore(%run_scoped3A_110 : memref<!tpu.dma_semaphore, #tpu.memory_space<semaphore_mem>>) src(%dma_wait3A_120 : memref<632x64xf32, #tpu.memory_space<vmem_shared>>) dst(%dma_wait3A_118 : memref<632x64xf32, #tpu.memory_space<hbm>>)
      tpu.yield
    }) : () -> ()
    return
  }
}

#map = affine_map<(d0, d1) -> (0, 0, 0)>
#map1 = affine_map<(d0, d1) -> (0, 0)>
#map2 = affine_map<(d0, d1) -> (0, 0, 0, 0)>
module attributes {stable_mosaic.version = 14 : i64} {
  func.func @seg(%arg0: i32, %arg1: i32, %arg2: memref<2x10112x64xf32, #tpu.memory_space<hbm>>, %arg3: memref<32x79x128xi32, #tpu.memory_space<hbm>>, %arg4: memref<32x79x128xi32, #tpu.memory_space<hbm>>, %arg5: memref<10112x64xf32, #tpu.memory_space<hbm>>, %arg6: memref<2x2x10112x64xf32, #tpu.memory_space<hbm>>, %arg7: memref<79x128xi32, #tpu.memory_space<vmem>>, %arg8: memref<79x128xi32, #tpu.memory_space<vmem>>, %arg9: memref<128x64xf32, #tpu.memory_space<vmem>>, %arg10: memref<128x64xf32, #tpu.memory_space<vmem>>, %arg11: memref<128x64xf32, #tpu.memory_space<vmem>>, %arg12: memref<10112x64xf32, #tpu.memory_space<vmem_shared>>, %arg13: memref<10112x64xf32, #tpu.memory_space<vmem_shared>>, %arg14: memref<!tpu.dma_semaphore, #tpu.memory_space<semaphore_mem>>, %arg15: memref<!tpu.dma_semaphore, #tpu.memory_space<semaphore_mem>>, %arg16: memref<!tpu.dma_semaphore, #tpu.memory_space<semaphore_mem>>, %arg17: memref<!tpu.dma_semaphore, #tpu.memory_space<semaphore_mem>>, %arg18: memref<!tpu.dma_semaphore, #tpu.memory_space<semaphore_mem>>, %arg19: memref<!tpu.dma_semaphore, #tpu.memory_space<semaphore_mem>>) attributes {dimension_semantics = [#tpu.dimension_semantics<core_parallel>, #tpu.dimension_semantics<subcore_parallel>], iteration_bounds = array<i64: 2, 16>, scalar_prefetch = 0 : i64, scratch_operands = 13 : i64, tpu.core_type = #tpu.core_type<sc_vector_subcore>, window_params = [{transform_indices = #map}, {transform_indices = #map}, {transform_indices = #map}, {transform_indices = #map1}, {transform_indices = #map2}]} {
    %mul3A = arith.constant 16 : i32
    %mul3A_0 = arith.muli %arg0, %mul3A : i32
    %add3A = arith.addi %mul3A_0, %arg1 : i32
    "tpu.region"() ({
      %run_scoped3A_110 = tpu.sem_alloc : memref<!tpu.dma_semaphore, #tpu.memory_space<semaphore_mem>>
      %dma_start3A_111 = arith.constant 0 : i32
      %dma_start3A_112 = arith.constant 0 : i32
      %dma_start3A_113 = tpu.memref_slice %arg3[%add3A, %dma_start3A_111, %dma_start3A_112] : memref<32x79x128xi32, #tpu.memory_space<hbm>> -> memref<1x79x128xi32, #tpu.memory_space<hbm>>
      %dma_start3A_114 = tpu.memref_squeeze %dma_start3A_113 : memref<1x79x128xi32, #tpu.memory_space<hbm>> -> memref<79x128xi32, #tpu.memory_space<hbm>>
      %dma_start3A_115 = arith.constant 0 : i32
      %dma_start3A_116 = arith.constant 0 : i32
      %dma_start3A_117 = tpu.memref_slice %arg3[%add3A, %dma_start3A_115, %dma_start3A_116] : memref<32x79x128xi32, #tpu.memory_space<hbm>> -> memref<1x79x128xi32, #tpu.memory_space<hbm>>
      %dma_start3A_118 = tpu.memref_squeeze %dma_start3A_117 : memref<1x79x128xi32, #tpu.memory_space<hbm>> -> memref<79x128xi32, #tpu.memory_space<hbm>>
      tpu.enqueue_dma source(%dma_start3A_118 : memref<79x128xi32, #tpu.memory_space<hbm>>) target(%arg7 : memref<79x128xi32, #tpu.memory_space<vmem>>) target_semaphore(%run_scoped3A_110 : memref<!tpu.dma_semaphore, #tpu.memory_space<semaphore_mem>>)
      %dma_wait3A_119 = arith.constant 0 : i32
      %dma_wait3A_120 = arith.constant 0 : i32
      %dma_wait3A_121 = tpu.memref_slice %arg3[%add3A, %dma_wait3A_119, %dma_wait3A_120] : memref<32x79x128xi32, #tpu.memory_space<hbm>> -> memref<1x79x128xi32, #tpu.memory_space<hbm>>
      %dma_wait3A_122 = tpu.memref_squeeze %dma_wait3A_121 : memref<1x79x128xi32, #tpu.memory_space<hbm>> -> memref<79x128xi32, #tpu.memory_space<hbm>>
      %dma_wait3A_123 = arith.constant 0 : i32
      %dma_wait3A_124 = arith.constant 0 : i32
      %dma_wait3A_125 = tpu.memref_slice %arg3[%add3A, %dma_wait3A_123, %dma_wait3A_124] : memref<32x79x128xi32, #tpu.memory_space<hbm>> -> memref<1x79x128xi32, #tpu.memory_space<hbm>>
      %dma_wait3A_126 = tpu.memref_squeeze %dma_wait3A_125 : memref<1x79x128xi32, #tpu.memory_space<hbm>> -> memref<79x128xi32, #tpu.memory_space<hbm>>
      tpu.wait_dma2 semaphore(%run_scoped3A_110 : memref<!tpu.dma_semaphore, #tpu.memory_space<semaphore_mem>>) src(%dma_wait3A_126 : memref<79x128xi32, #tpu.memory_space<hbm>>) dst(%arg7 : memref<79x128xi32, #tpu.memory_space<vmem>>)
      tpu.yield
    }) : () -> ()
    "tpu.region"() ({
      %run_scoped3A_110 = tpu.sem_alloc : memref<!tpu.dma_semaphore, #tpu.memory_space<semaphore_mem>>
      %dma_start3A_111 = arith.constant 0 : i32
      %dma_start3A_112 = arith.constant 0 : i32
      %dma_start3A_113 = tpu.memref_slice %arg4[%add3A, %dma_start3A_111, %dma_start3A_112] : memref<32x79x128xi32, #tpu.memory_space<hbm>> -> memref<1x79x128xi32, #tpu.memory_space<hbm>>
      %dma_start3A_114 = tpu.memref_squeeze %dma_start3A_113 : memref<1x79x128xi32, #tpu.memory_space<hbm>> -> memref<79x128xi32, #tpu.memory_space<hbm>>
      %dma_start3A_115 = arith.constant 0 : i32
      %dma_start3A_116 = arith.constant 0 : i32
      %dma_start3A_117 = tpu.memref_slice %arg4[%add3A, %dma_start3A_115, %dma_start3A_116] : memref<32x79x128xi32, #tpu.memory_space<hbm>> -> memref<1x79x128xi32, #tpu.memory_space<hbm>>
      %dma_start3A_118 = tpu.memref_squeeze %dma_start3A_117 : memref<1x79x128xi32, #tpu.memory_space<hbm>> -> memref<79x128xi32, #tpu.memory_space<hbm>>
      tpu.enqueue_dma source(%dma_start3A_118 : memref<79x128xi32, #tpu.memory_space<hbm>>) target(%arg8 : memref<79x128xi32, #tpu.memory_space<vmem>>) target_semaphore(%run_scoped3A_110 : memref<!tpu.dma_semaphore, #tpu.memory_space<semaphore_mem>>)
      %dma_wait3A_119 = arith.constant 0 : i32
      %dma_wait3A_120 = arith.constant 0 : i32
      %dma_wait3A_121 = tpu.memref_slice %arg4[%add3A, %dma_wait3A_119, %dma_wait3A_120] : memref<32x79x128xi32, #tpu.memory_space<hbm>> -> memref<1x79x128xi32, #tpu.memory_space<hbm>>
      %dma_wait3A_122 = tpu.memref_squeeze %dma_wait3A_121 : memref<1x79x128xi32, #tpu.memory_space<hbm>> -> memref<79x128xi32, #tpu.memory_space<hbm>>
      %dma_wait3A_123 = arith.constant 0 : i32
      %dma_wait3A_124 = arith.constant 0 : i32
      %dma_wait3A_125 = tpu.memref_slice %arg4[%add3A, %dma_wait3A_123, %dma_wait3A_124] : memref<32x79x128xi32, #tpu.memory_space<hbm>> -> memref<1x79x128xi32, #tpu.memory_space<hbm>>
      %dma_wait3A_126 = tpu.memref_squeeze %dma_wait3A_125 : memref<1x79x128xi32, #tpu.memory_space<hbm>> -> memref<79x128xi32, #tpu.memory_space<hbm>>
      tpu.wait_dma2 semaphore(%run_scoped3A_110 : memref<!tpu.dma_semaphore, #tpu.memory_space<semaphore_mem>>) src(%dma_wait3A_126 : memref<79x128xi32, #tpu.memory_space<hbm>>) dst(%arg8 : memref<79x128xi32, #tpu.memory_space<vmem>>)
      tpu.yield
    }) : () -> ()
    %mul3A_1 = arith.constant 632 : i32
    %mul3A_2 = arith.muli %arg1, %mul3A_1 : i32
    %mul3A_3 = arith.constant 632 : i32
    %mul3A_4 = arith.muli %arg1, %mul3A_3 : i32
    %run_scoped3A = arith.constant 0 : i32
    "tpu.region"() ({
      %run_scoped3A_110 = tpu.sem_alloc : memref<!tpu.dma_semaphore, #tpu.memory_space<semaphore_mem>>
      %dma_start3A_111 = arith.constant 0 : i32
      %dma_start3A_112 = tpu.memref_slice %arg12[%mul3A_4, %dma_start3A_111] : memref<10112x64xf32, #tpu.memory_space<vmem_shared>> -> memref<632x64xf32, #tpu.memory_space<vmem_shared>>
      %dma_start3A_113 = arith.constant 0 : i32
      %dma_start3A_114 = tpu.memref_slice %arg2[%run_scoped3A, %mul3A_2, %dma_start3A_113] : memref<2x10112x64xf32, #tpu.memory_space<hbm>> -> memref<1x632x64xf32, #tpu.memory_space<hbm>>
      %dma_start3A_115 = tpu.memref_squeeze %dma_start3A_114 : memref<1x632x64xf32, #tpu.memory_space<hbm>> -> memref<632x64xf32, #tpu.memory_space<hbm>>
      tpu.enqueue_dma source(%dma_start3A_115 : memref<632x64xf32, #tpu.memory_space<hbm>>) target(%dma_start3A_112 : memref<632x64xf32, #tpu.memory_space<vmem_shared>>) target_semaphore(%run_scoped3A_110 : memref<!tpu.dma_semaphore, #tpu.memory_space<semaphore_mem>>)
      %dma_wait3A_116 = arith.constant 0 : i32
      %dma_wait3A_117 = tpu.memref_slice %arg12[%mul3A_4, %dma_wait3A_116] : memref<10112x64xf32, #tpu.memory_space<vmem_shared>> -> memref<632x64xf32, #tpu.memory_space<vmem_shared>>
      %dma_wait3A_118 = arith.constant 0 : i32
      %dma_wait3A_119 = tpu.memref_slice %arg2[%run_scoped3A, %mul3A_2, %dma_wait3A_118] : memref<2x10112x64xf32, #tpu.memory_space<hbm>> -> memref<1x632x64xf32, #tpu.memory_space<hbm>>
      %dma_wait3A_120 = tpu.memref_squeeze %dma_wait3A_119 : memref<1x632x64xf32, #tpu.memory_space<hbm>> -> memref<632x64xf32, #tpu.memory_space<hbm>>
      tpu.wait_dma2 semaphore(%run_scoped3A_110 : memref<!tpu.dma_semaphore, #tpu.memory_space<semaphore_mem>>) src(%dma_wait3A_120 : memref<632x64xf32, #tpu.memory_space<hbm>>) dst(%dma_wait3A_117 : memref<632x64xf32, #tpu.memory_space<vmem_shared>>)
      tpu.yield
    }) : () -> ()
    %mul3A_5 = arith.constant 632 : i32
    %mul3A_6 = arith.muli %arg1, %mul3A_5 : i32
    %mul3A_7 = arith.constant 632 : i32
    %mul3A_8 = arith.muli %arg1, %mul3A_7 : i32
    "tpu.region"() ({
      %run_scoped3A_110 = tpu.sem_alloc : memref<!tpu.dma_semaphore, #tpu.memory_space<semaphore_mem>>
      %dma_start3A_111 = arith.constant 0 : i32
      %dma_start3A_112 = tpu.memref_slice %arg13[%mul3A_8, %dma_start3A_111] : memref<10112x64xf32, #tpu.memory_space<vmem_shared>> -> memref<632x64xf32, #tpu.memory_space<vmem_shared>>
      %dma_start3A_113 = arith.constant 0 : i32
      %dma_start3A_114 = tpu.memref_slice %arg5[%mul3A_6, %dma_start3A_113] : memref<10112x64xf32, #tpu.memory_space<hbm>> -> memref<632x64xf32, #tpu.memory_space<hbm>>
      tpu.enqueue_dma source(%dma_start3A_114 : memref<632x64xf32, #tpu.memory_space<hbm>>) target(%dma_start3A_112 : memref<632x64xf32, #tpu.memory_space<vmem_shared>>) target_semaphore(%run_scoped3A_110 : memref<!tpu.dma_semaphore, #tpu.memory_space<semaphore_mem>>)
      %dma_wait3A_115 = arith.constant 0 : i32
      %dma_wait3A_116 = tpu.memref_slice %arg13[%mul3A_8, %dma_wait3A_115] : memref<10112x64xf32, #tpu.memory_space<vmem_shared>> -> memref<632x64xf32, #tpu.memory_space<vmem_shared>>
      %dma_wait3A_117 = arith.constant 0 : i32
      %dma_wait3A_118 = tpu.memref_slice %arg5[%mul3A_6, %dma_wait3A_117] : memref<10112x64xf32, #tpu.memory_space<hbm>> -> memref<632x64xf32, #tpu.memory_space<hbm>>
      tpu.wait_dma2 semaphore(%run_scoped3A_110 : memref<!tpu.dma_semaphore, #tpu.memory_space<semaphore_mem>>) src(%dma_wait3A_118 : memref<632x64xf32, #tpu.memory_space<hbm>>) dst(%dma_wait3A_116 : memref<632x64xf32, #tpu.memory_space<vmem_shared>>)
      tpu.yield
    }) : () -> ()
    %barrier3A = arith.constant 0 : index
    tpu.barrier barrier_id(%barrier3A)
    %dma_start3A = arith.constant 0 : i32
    %dma_start3A_9 = arith.constant 0 : i32
    %dma_start3A_10 = tpu.memref_slice %arg7[%dma_start3A, %dma_start3A_9] : memref<79x128xi32, #tpu.memory_space<vmem>> -> memref<1x128xi32, #tpu.memory_space<vmem>>
    %dma_start3A_11 = tpu.memref_squeeze %dma_start3A_10 : memref<1x128xi32, #tpu.memory_space<vmem>> -> memref<128xi32, #tpu.memory_space<vmem>>
    %dma_start3A_12 = arith.constant 0 : i32
    %dma_start3A_13 = arith.constant 0 : i32
    %dma_start3A_14 = tpu.memref_slice %arg12[%dma_start3A_12, %dma_start3A_13] : memref<10112x64xf32, #tpu.memory_space<vmem_shared>> -> memref<10112x64xf32, #tpu.memory_space<vmem_shared>>
    tpu.enqueue_indirect_dma source(%dma_start3A_14 : memref<10112x64xf32, #tpu.memory_space<vmem_shared>>) target(%arg9 : memref<128x64xf32, #tpu.memory_space<vmem>>) offsets(%dma_start3A_11 : memref<128xi32, #tpu.memory_space<vmem>>) semaphore(%arg14 : memref<!tpu.dma_semaphore, #tpu.memory_space<semaphore_mem>>)
    %dma_start3A_15 = arith.constant 1 : i32
    %dma_start3A_16 = arith.constant 0 : i32
    %dma_start3A_17 = tpu.memref_slice %arg7[%dma_start3A_15, %dma_start3A_16] : memref<79x128xi32, #tpu.memory_space<vmem>> -> memref<1x128xi32, #tpu.memory_space<vmem>>
    %dma_start3A_18 = tpu.memref_squeeze %dma_start3A_17 : memref<1x128xi32, #tpu.memory_space<vmem>> -> memref<128xi32, #tpu.memory_space<vmem>>
    %dma_start3A_19 = arith.constant 0 : i32
    %dma_start3A_20 = arith.constant 0 : i32
    %dma_start3A_21 = tpu.memref_slice %arg12[%dma_start3A_19, %dma_start3A_20] : memref<10112x64xf32, #tpu.memory_space<vmem_shared>> -> memref<10112x64xf32, #tpu.memory_space<vmem_shared>>
    tpu.enqueue_indirect_dma source(%dma_start3A_21 : memref<10112x64xf32, #tpu.memory_space<vmem_shared>>) target(%arg10 : memref<128x64xf32, #tpu.memory_space<vmem>>) offsets(%dma_start3A_18 : memref<128xi32, #tpu.memory_space<vmem>>) semaphore(%arg15 : memref<!tpu.dma_semaphore, #tpu.memory_space<semaphore_mem>>)
    %scan3A = arith.constant 0 : i32
    %scan3A_22 = arith.constant 0 : i32
    %scan3A_23 = arith.constant 27 : i32
    %scan3A_24 = arith.addi %scan3A_22, %scan3A_23 : i32
    %scan3A_25 = arith.constant 1 : i32
    scf.for %scan3A_110 = %scan3A_22 to %scan3A_24 step %scan3A_25  : i32 {
      %mul3A_111 = arith.constant 3 : i32
      %mul3A_112 = arith.muli %scan3A_110, %mul3A_111 : i32
      %add3A_113 = arith.constant 0 : i32
      %add3A_114 = arith.addi %mul3A_112, %add3A_113 : i32
      %lt3A = arith.constant 79 : i32
      %lt3A_115 = arith.cmpi slt, %add3A_114, %lt3A : i32
      %convert_element_type3A = arith.extui %lt3A_115 : i1 to i32
      %cond3A = arith.constant 0 : i32
      %cond3A_116 = arith.cmpi ne, %convert_element_type3A, %cond3A : i32
      scf.if %cond3A_116 {
        %dma_wait3A_131 = arith.constant 0 : i32
        %dma_wait3A_132 = tpu.memref_slice %arg7[%add3A_114, %dma_wait3A_131] : memref<79x128xi32, #tpu.memory_space<vmem>> -> memref<1x128xi32, #tpu.memory_space<vmem>>
        %dma_wait3A_133 = tpu.memref_squeeze %dma_wait3A_132 : memref<1x128xi32, #tpu.memory_space<vmem>> -> memref<128xi32, #tpu.memory_space<vmem>>
        %dma_wait3A_134 = arith.constant 0 : i32
        %dma_wait3A_135 = arith.constant 0 : i32
        %dma_wait3A_136 = tpu.memref_slice %arg12[%dma_wait3A_134, %dma_wait3A_135] : memref<10112x64xf32, #tpu.memory_space<vmem_shared>> -> memref<10112x64xf32, #tpu.memory_space<vmem_shared>>
        tpu.wait_indirect_dma semaphore(%arg14 : memref<!tpu.dma_semaphore, #tpu.memory_space<semaphore_mem>>) src(%dma_wait3A_136 : memref<10112x64xf32, #tpu.memory_space<vmem_shared>>) dst(%arg9 : memref<128x64xf32, #tpu.memory_space<vmem>>)
        %dma_start3A_137 = arith.constant 0 : i32
        %dma_start3A_138 = tpu.memref_slice %arg8[%add3A_114, %dma_start3A_137] : memref<79x128xi32, #tpu.memory_space<vmem>> -> memref<1x128xi32, #tpu.memory_space<vmem>>
        %dma_start3A_139 = tpu.memref_squeeze %dma_start3A_138 : memref<1x128xi32, #tpu.memory_space<vmem>> -> memref<128xi32, #tpu.memory_space<vmem>>
        %dma_start3A_140 = arith.constant 0 : i32
        %dma_start3A_141 = arith.constant 0 : i32
        %dma_start3A_142 = tpu.memref_slice %arg13[%dma_start3A_140, %dma_start3A_141] : memref<10112x64xf32, #tpu.memory_space<vmem_shared>> -> memref<10112x64xf32, #tpu.memory_space<vmem_shared>>
        tpu.enqueue_indirect_dma source(%arg9 : memref<128x64xf32, #tpu.memory_space<vmem>>) target(%dma_start3A_142 : memref<10112x64xf32, #tpu.memory_space<vmem_shared>>) offsets(%dma_start3A_139 : memref<128xi32, #tpu.memory_space<vmem>>) semaphore(%arg17 : memref<!tpu.dma_semaphore, #tpu.memory_space<semaphore_mem>>) {add = true}
        %add3A_143 = arith.constant 3 : i32
        %add3A_144 = arith.addi %add3A_114, %add3A_143 : i32
        %sub3A = arith.constant 1 : i32
        %sub3A_145 = arith.subi %add3A_144, %sub3A : i32
        %lt3A_146 = arith.constant 79 : i32
        %lt3A_147 = arith.cmpi slt, %sub3A_145, %lt3A_146 : i32
        %convert_element_type3A_148 = arith.extui %lt3A_147 : i1 to i32
        %cond3A_149 = arith.constant 0 : i32
        %cond3A_150 = arith.cmpi ne, %convert_element_type3A_148, %cond3A_149 : i32
        scf.if %cond3A_150 {
          %gt3A = arith.constant 0 : i32
          %gt3A_151 = arith.cmpi sgt, %add3A_114, %gt3A : i32
          %convert_element_type3A_152 = arith.extui %gt3A_151 : i1 to i32
          %cond3A_153 = arith.constant 0 : i32
          %cond3A_154 = arith.cmpi ne, %convert_element_type3A_152, %cond3A_153 : i32
          scf.if %cond3A_154 {
            %dma_wait3A_165 = arith.constant 0 : i32
            %dma_wait3A_166 = arith.constant 0 : i32
            %dma_wait3A_167 = tpu.memref_slice %arg8[%dma_wait3A_165, %dma_wait3A_166] : memref<79x128xi32, #tpu.memory_space<vmem>> -> memref<1x128xi32, #tpu.memory_space<vmem>>
            %dma_wait3A_168 = tpu.memref_squeeze %dma_wait3A_167 : memref<1x128xi32, #tpu.memory_space<vmem>> -> memref<128xi32, #tpu.memory_space<vmem>>
            %dma_wait3A_169 = arith.constant 0 : i32
            %dma_wait3A_170 = arith.constant 0 : i32
            %dma_wait3A_171 = tpu.memref_slice %arg13[%dma_wait3A_169, %dma_wait3A_170] : memref<10112x64xf32, #tpu.memory_space<vmem_shared>> -> memref<10112x64xf32, #tpu.memory_space<vmem_shared>>
            tpu.wait_indirect_dma semaphore(%arg19 : memref<!tpu.dma_semaphore, #tpu.memory_space<semaphore_mem>>) src(%arg11 : memref<128x64xf32, #tpu.memory_space<vmem>>) dst(%dma_wait3A_171 : memref<10112x64xf32, #tpu.memory_space<vmem_shared>>)
          } else {
          }
          %add3A_155 = arith.constant 3 : i32
          %add3A_156 = arith.addi %add3A_114, %add3A_155 : i32
          %sub3A_157 = arith.constant 1 : i32
          %sub3A_158 = arith.subi %add3A_156, %sub3A_157 : i32
          %dma_start3A_159 = arith.constant 0 : i32
          %dma_start3A_160 = tpu.memref_slice %arg7[%sub3A_158, %dma_start3A_159] : memref<79x128xi32, #tpu.memory_space<vmem>> -> memref<1x128xi32, #tpu.memory_space<vmem>>
          %dma_start3A_161 = tpu.memref_squeeze %dma_start3A_160 : memref<1x128xi32, #tpu.memory_space<vmem>> -> memref<128xi32, #tpu.memory_space<vmem>>
          %dma_start3A_162 = arith.constant 0 : i32
          %dma_start3A_163 = arith.constant 0 : i32
          %dma_start3A_164 = tpu.memref_slice %arg12[%dma_start3A_162, %dma_start3A_163] : memref<10112x64xf32, #tpu.memory_space<vmem_shared>> -> memref<10112x64xf32, #tpu.memory_space<vmem_shared>>
          tpu.enqueue_indirect_dma source(%dma_start3A_164 : memref<10112x64xf32, #tpu.memory_space<vmem_shared>>) target(%arg11 : memref<128x64xf32, #tpu.memory_space<vmem>>) offsets(%dma_start3A_161 : memref<128xi32, #tpu.memory_space<vmem>>) semaphore(%arg16 : memref<!tpu.dma_semaphore, #tpu.memory_space<semaphore_mem>>)
        } else {
        }
      } else {
      }
      %add3A_117 = arith.constant 1 : i32
      %add3A_118 = arith.addi %mul3A_112, %add3A_117 : i32
      %lt3A_119 = arith.constant 79 : i32
      %lt3A_120 = arith.cmpi slt, %add3A_118, %lt3A_119 : i32
      %convert_element_type3A_121 = arith.extui %lt3A_120 : i1 to i32
      %cond3A_122 = arith.constant 0 : i32
      %cond3A_123 = arith.cmpi ne, %convert_element_type3A_121, %cond3A_122 : i32
      scf.if %cond3A_123 {
        %dma_wait3A_131 = arith.constant 0 : i32
        %dma_wait3A_132 = tpu.memref_slice %arg7[%add3A_118, %dma_wait3A_131] : memref<79x128xi32, #tpu.memory_space<vmem>> -> memref<1x128xi32, #tpu.memory_space<vmem>>
        %dma_wait3A_133 = tpu.memref_squeeze %dma_wait3A_132 : memref<1x128xi32, #tpu.memory_space<vmem>> -> memref<128xi32, #tpu.memory_space<vmem>>
        %dma_wait3A_134 = arith.constant 0 : i32
        %dma_wait3A_135 = arith.constant 0 : i32
        %dma_wait3A_136 = tpu.memref_slice %arg12[%dma_wait3A_134, %dma_wait3A_135] : memref<10112x64xf32, #tpu.memory_space<vmem_shared>> -> memref<10112x64xf32, #tpu.memory_space<vmem_shared>>
        tpu.wait_indirect_dma semaphore(%arg15 : memref<!tpu.dma_semaphore, #tpu.memory_space<semaphore_mem>>) src(%dma_wait3A_136 : memref<10112x64xf32, #tpu.memory_space<vmem_shared>>) dst(%arg10 : memref<128x64xf32, #tpu.memory_space<vmem>>)
        %dma_start3A_137 = arith.constant 0 : i32
        %dma_start3A_138 = tpu.memref_slice %arg8[%add3A_118, %dma_start3A_137] : memref<79x128xi32, #tpu.memory_space<vmem>> -> memref<1x128xi32, #tpu.memory_space<vmem>>
        %dma_start3A_139 = tpu.memref_squeeze %dma_start3A_138 : memref<1x128xi32, #tpu.memory_space<vmem>> -> memref<128xi32, #tpu.memory_space<vmem>>
        %dma_start3A_140 = arith.constant 0 : i32
        %dma_start3A_141 = arith.constant 0 : i32
        %dma_start3A_142 = tpu.memref_slice %arg13[%dma_start3A_140, %dma_start3A_141] : memref<10112x64xf32, #tpu.memory_space<vmem_shared>> -> memref<10112x64xf32, #tpu.memory_space<vmem_shared>>
        tpu.enqueue_indirect_dma source(%arg10 : memref<128x64xf32, #tpu.memory_space<vmem>>) target(%dma_start3A_142 : memref<10112x64xf32, #tpu.memory_space<vmem_shared>>) offsets(%dma_start3A_139 : memref<128xi32, #tpu.memory_space<vmem>>) semaphore(%arg18 : memref<!tpu.dma_semaphore, #tpu.memory_space<semaphore_mem>>) {add = true}
        %add3A_143 = arith.constant 3 : i32
        %add3A_144 = arith.addi %add3A_118, %add3A_143 : i32
        %sub3A = arith.constant 1 : i32
        %sub3A_145 = arith.subi %add3A_144, %sub3A : i32
        %lt3A_146 = arith.constant 79 : i32
        %lt3A_147 = arith.cmpi slt, %sub3A_145, %lt3A_146 : i32
        %convert_element_type3A_148 = arith.extui %lt3A_147 : i1 to i32
        %cond3A_149 = arith.constant 0 : i32
        %cond3A_150 = arith.cmpi ne, %convert_element_type3A_148, %cond3A_149 : i32
        scf.if %cond3A_150 {
          %gt3A = arith.constant 0 : i32
          %gt3A_151 = arith.cmpi sgt, %add3A_118, %gt3A : i32
          %convert_element_type3A_152 = arith.extui %gt3A_151 : i1 to i32
          %cond3A_153 = arith.constant 0 : i32
          %cond3A_154 = arith.cmpi ne, %convert_element_type3A_152, %cond3A_153 : i32
          scf.if %cond3A_154 {
            %dma_wait3A_165 = arith.constant 0 : i32
            %dma_wait3A_166 = arith.constant 0 : i32
            %dma_wait3A_167 = tpu.memref_slice %arg8[%dma_wait3A_165, %dma_wait3A_166] : memref<79x128xi32, #tpu.memory_space<vmem>> -> memref<1x128xi32, #tpu.memory_space<vmem>>
            %dma_wait3A_168 = tpu.memref_squeeze %dma_wait3A_167 : memref<1x128xi32, #tpu.memory_space<vmem>> -> memref<128xi32, #tpu.memory_space<vmem>>
            %dma_wait3A_169 = arith.constant 0 : i32
            %dma_wait3A_170 = arith.constant 0 : i32
            %dma_wait3A_171 = tpu.memref_slice %arg13[%dma_wait3A_169, %dma_wait3A_170] : memref<10112x64xf32, #tpu.memory_space<vmem_shared>> -> memref<10112x64xf32, #tpu.memory_space<vmem_shared>>
            tpu.wait_indirect_dma semaphore(%arg17 : memref<!tpu.dma_semaphore, #tpu.memory_space<semaphore_mem>>) src(%arg9 : memref<128x64xf32, #tpu.memory_space<vmem>>) dst(%dma_wait3A_171 : memref<10112x64xf32, #tpu.memory_space<vmem_shared>>)
          } else {
          }
          %add3A_155 = arith.constant 3 : i32
          %add3A_156 = arith.addi %add3A_118, %add3A_155 : i32
          %sub3A_157 = arith.constant 1 : i32
          %sub3A_158 = arith.subi %add3A_156, %sub3A_157 : i32
          %dma_start3A_159 = arith.constant 0 : i32
          %dma_start3A_160 = tpu.memref_slice %arg7[%sub3A_158, %dma_start3A_159] : memref<79x128xi32, #tpu.memory_space<vmem>> -> memref<1x128xi32, #tpu.memory_space<vmem>>
          %dma_start3A_161 = tpu.memref_squeeze %dma_start3A_160 : memref<1x128xi32, #tpu.memory_space<vmem>> -> memref<128xi32, #tpu.memory_space<vmem>>
          %dma_start3A_162 = arith.constant 0 : i32
          %dma_start3A_163 = arith.constant 0 : i32
          %dma_start3A_164 = tpu.memref_slice %arg12[%dma_start3A_162, %dma_start3A_163] : memref<10112x64xf32, #tpu.memory_space<vmem_shared>> -> memref<10112x64xf32, #tpu.memory_space<vmem_shared>>
          tpu.enqueue_indirect_dma source(%dma_start3A_164 : memref<10112x64xf32, #tpu.memory_space<vmem_shared>>) target(%arg9 : memref<128x64xf32, #tpu.memory_space<vmem>>) offsets(%dma_start3A_161 : memref<128xi32, #tpu.memory_space<vmem>>) semaphore(%arg14 : memref<!tpu.dma_semaphore, #tpu.memory_space<semaphore_mem>>)
        } else {
        }
      } else {
      }
      %add3A_124 = arith.constant 2 : i32
      %add3A_125 = arith.addi %mul3A_112, %add3A_124 : i32
      %lt3A_126 = arith.constant 79 : i32
      %lt3A_127 = arith.cmpi slt, %add3A_125, %lt3A_126 : i32
      %convert_element_type3A_128 = arith.extui %lt3A_127 : i1 to i32
      %cond3A_129 = arith.constant 0 : i32
      %cond3A_130 = arith.cmpi ne, %convert_element_type3A_128, %cond3A_129 : i32
      scf.if %cond3A_130 {
        %dma_wait3A_131 = arith.constant 0 : i32
        %dma_wait3A_132 = tpu.memref_slice %arg7[%add3A_125, %dma_wait3A_131] : memref<79x128xi32, #tpu.memory_space<vmem>> -> memref<1x128xi32, #tpu.memory_space<vmem>>
        %dma_wait3A_133 = tpu.memref_squeeze %dma_wait3A_132 : memref<1x128xi32, #tpu.memory_space<vmem>> -> memref<128xi32, #tpu.memory_space<vmem>>
        %dma_wait3A_134 = arith.constant 0 : i32
        %dma_wait3A_135 = arith.constant 0 : i32
        %dma_wait3A_136 = tpu.memref_slice %arg12[%dma_wait3A_134, %dma_wait3A_135] : memref<10112x64xf32, #tpu.memory_space<vmem_shared>> -> memref<10112x64xf32, #tpu.memory_space<vmem_shared>>
        tpu.wait_indirect_dma semaphore(%arg16 : memref<!tpu.dma_semaphore, #tpu.memory_space<semaphore_mem>>) src(%dma_wait3A_136 : memref<10112x64xf32, #tpu.memory_space<vmem_shared>>) dst(%arg11 : memref<128x64xf32, #tpu.memory_space<vmem>>)
        %dma_start3A_137 = arith.constant 0 : i32
        %dma_start3A_138 = tpu.memref_slice %arg8[%add3A_125, %dma_start3A_137] : memref<79x128xi32, #tpu.memory_space<vmem>> -> memref<1x128xi32, #tpu.memory_space<vmem>>
        %dma_start3A_139 = tpu.memref_squeeze %dma_start3A_138 : memref<1x128xi32, #tpu.memory_space<vmem>> -> memref<128xi32, #tpu.memory_space<vmem>>
        %dma_start3A_140 = arith.constant 0 : i32
        %dma_start3A_141 = arith.constant 0 : i32
        %dma_start3A_142 = tpu.memref_slice %arg13[%dma_start3A_140, %dma_start3A_141] : memref<10112x64xf32, #tpu.memory_space<vmem_shared>> -> memref<10112x64xf32, #tpu.memory_space<vmem_shared>>
        tpu.enqueue_indirect_dma source(%arg11 : memref<128x64xf32, #tpu.memory_space<vmem>>) target(%dma_start3A_142 : memref<10112x64xf32, #tpu.memory_space<vmem_shared>>) offsets(%dma_start3A_139 : memref<128xi32, #tpu.memory_space<vmem>>) semaphore(%arg19 : memref<!tpu.dma_semaphore, #tpu.memory_space<semaphore_mem>>) {add = true}
        %add3A_143 = arith.constant 3 : i32
        %add3A_144 = arith.addi %add3A_125, %add3A_143 : i32
        %sub3A = arith.constant 1 : i32
        %sub3A_145 = arith.subi %add3A_144, %sub3A : i32
        %lt3A_146 = arith.constant 79 : i32
        %lt3A_147 = arith.cmpi slt, %sub3A_145, %lt3A_146 : i32
        %convert_element_type3A_148 = arith.extui %lt3A_147 : i1 to i32
        %cond3A_149 = arith.constant 0 : i32
        %cond3A_150 = arith.cmpi ne, %convert_element_type3A_148, %cond3A_149 : i32
        scf.if %cond3A_150 {
          %gt3A = arith.constant 0 : i32
          %gt3A_151 = arith.cmpi sgt, %add3A_125, %gt3A : i32
          %convert_element_type3A_152 = arith.extui %gt3A_151 : i1 to i32
          %cond3A_153 = arith.constant 0 : i32
          %cond3A_154 = arith.cmpi ne, %convert_element_type3A_152, %cond3A_153 : i32
          scf.if %cond3A_154 {
            %dma_wait3A_165 = arith.constant 0 : i32
            %dma_wait3A_166 = arith.constant 0 : i32
            %dma_wait3A_167 = tpu.memref_slice %arg8[%dma_wait3A_165, %dma_wait3A_166] : memref<79x128xi32, #tpu.memory_space<vmem>> -> memref<1x128xi32, #tpu.memory_space<vmem>>
            %dma_wait3A_168 = tpu.memref_squeeze %dma_wait3A_167 : memref<1x128xi32, #tpu.memory_space<vmem>> -> memref<128xi32, #tpu.memory_space<vmem>>
            %dma_wait3A_169 = arith.constant 0 : i32
            %dma_wait3A_170 = arith.constant 0 : i32
            %dma_wait3A_171 = tpu.memref_slice %arg13[%dma_wait3A_169, %dma_wait3A_170] : memref<10112x64xf32, #tpu.memory_space<vmem_shared>> -> memref<10112x64xf32, #tpu.memory_space<vmem_shared>>
            tpu.wait_indirect_dma semaphore(%arg18 : memref<!tpu.dma_semaphore, #tpu.memory_space<semaphore_mem>>) src(%arg10 : memref<128x64xf32, #tpu.memory_space<vmem>>) dst(%dma_wait3A_171 : memref<10112x64xf32, #tpu.memory_space<vmem_shared>>)
          } else {
          }
          %add3A_155 = arith.constant 3 : i32
          %add3A_156 = arith.addi %add3A_125, %add3A_155 : i32
          %sub3A_157 = arith.constant 1 : i32
          %sub3A_158 = arith.subi %add3A_156, %sub3A_157 : i32
          %dma_start3A_159 = arith.constant 0 : i32
          %dma_start3A_160 = tpu.memref_slice %arg7[%sub3A_158, %dma_start3A_159] : memref<79x128xi32, #tpu.memory_space<vmem>> -> memref<1x128xi32, #tpu.memory_space<vmem>>
          %dma_start3A_161 = tpu.memref_squeeze %dma_start3A_160 : memref<1x128xi32, #tpu.memory_space<vmem>> -> memref<128xi32, #tpu.memory_space<vmem>>
          %dma_start3A_162 = arith.constant 0 : i32
          %dma_start3A_163 = arith.constant 0 : i32
          %dma_start3A_164 = tpu.memref_slice %arg12[%dma_start3A_162, %dma_start3A_163] : memref<10112x64xf32, #tpu.memory_space<vmem_shared>> -> memref<10112x64xf32, #tpu.memory_space<vmem_shared>>
          tpu.enqueue_indirect_dma source(%dma_start3A_164 : memref<10112x64xf32, #tpu.memory_space<vmem_shared>>) target(%arg10 : memref<128x64xf32, #tpu.memory_space<vmem>>) offsets(%dma_start3A_161 : memref<128xi32, #tpu.memory_space<vmem>>) semaphore(%arg15 : memref<!tpu.dma_semaphore, #tpu.memory_space<semaphore_mem>>)
        } else {
        }
      } else {
      }
    }
    %scan3A_26 = arith.constant 27 : i32
    %dma_wait3A = arith.constant 0 : i32
    %dma_wait3A_27 = arith.constant 0 : i32
    %dma_wait3A_28 = tpu.memref_slice %arg8[%dma_wait3A, %dma_wait3A_27] : memref<79x128xi32, #tpu.memory_space<vmem>> -> memref<1x128xi32, #tpu.memory_space<vmem>>
    %dma_wait3A_29 = tpu.memref_squeeze %dma_wait3A_28 : memref<1x128xi32, #tpu.memory_space<vmem>> -> memref<128xi32, #tpu.memory_space<vmem>>
    %dma_wait3A_30 = arith.constant 0 : i32
    %dma_wait3A_31 = arith.constant 0 : i32
    %dma_wait3A_32 = tpu.memref_slice %arg13[%dma_wait3A_30, %dma_wait3A_31] : memref<10112x64xf32, #tpu.memory_space<vmem_shared>> -> memref<10112x64xf32, #tpu.memory_space<vmem_shared>>
    tpu.wait_indirect_dma semaphore(%arg17 : memref<!tpu.dma_semaphore, #tpu.memory_space<semaphore_mem>>) src(%arg9 : memref<128x64xf32, #tpu.memory_space<vmem>>) dst(%dma_wait3A_32 : memref<10112x64xf32, #tpu.memory_space<vmem_shared>>)
    %dma_wait3A_33 = arith.constant 0 : i32
    %dma_wait3A_34 = arith.constant 0 : i32
    %dma_wait3A_35 = tpu.memref_slice %arg8[%dma_wait3A_33, %dma_wait3A_34] : memref<79x128xi32, #tpu.memory_space<vmem>> -> memref<1x128xi32, #tpu.memory_space<vmem>>
    %dma_wait3A_36 = tpu.memref_squeeze %dma_wait3A_35 : memref<1x128xi32, #tpu.memory_space<vmem>> -> memref<128xi32, #tpu.memory_space<vmem>>
    %dma_wait3A_37 = arith.constant 0 : i32
    %dma_wait3A_38 = arith.constant 0 : i32
    %dma_wait3A_39 = tpu.memref_slice %arg13[%dma_wait3A_37, %dma_wait3A_38] : memref<10112x64xf32, #tpu.memory_space<vmem_shared>> -> memref<10112x64xf32, #tpu.memory_space<vmem_shared>>
    tpu.wait_indirect_dma semaphore(%arg18 : memref<!tpu.dma_semaphore, #tpu.memory_space<semaphore_mem>>) src(%arg10 : memref<128x64xf32, #tpu.memory_space<vmem>>) dst(%dma_wait3A_39 : memref<10112x64xf32, #tpu.memory_space<vmem_shared>>)
    %dma_wait3A_40 = arith.constant 0 : i32
    %dma_wait3A_41 = arith.constant 0 : i32
    %dma_wait3A_42 = tpu.memref_slice %arg8[%dma_wait3A_40, %dma_wait3A_41] : memref<79x128xi32, #tpu.memory_space<vmem>> -> memref<1x128xi32, #tpu.memory_space<vmem>>
    %dma_wait3A_43 = tpu.memref_squeeze %dma_wait3A_42 : memref<1x128xi32, #tpu.memory_space<vmem>> -> memref<128xi32, #tpu.memory_space<vmem>>
    %dma_wait3A_44 = arith.constant 0 : i32
    %dma_wait3A_45 = arith.constant 0 : i32
    %dma_wait3A_46 = tpu.memref_slice %arg13[%dma_wait3A_44, %dma_wait3A_45] : memref<10112x64xf32, #tpu.memory_space<vmem_shared>> -> memref<10112x64xf32, #tpu.memory_space<vmem_shared>>
    tpu.wait_indirect_dma semaphore(%arg19 : memref<!tpu.dma_semaphore, #tpu.memory_space<semaphore_mem>>) src(%arg11 : memref<128x64xf32, #tpu.memory_space<vmem>>) dst(%dma_wait3A_46 : memref<10112x64xf32, #tpu.memory_space<vmem_shared>>)
    %barrier3A_47 = arith.constant 0 : index
    tpu.barrier barrier_id(%barrier3A_47)
    %mul3A_48 = arith.constant 632 : i32
    %mul3A_49 = arith.muli %arg1, %mul3A_48 : i32
    %mul3A_50 = arith.constant 632 : i32
    %mul3A_51 = arith.muli %arg1, %mul3A_50 : i32
    %run_scoped3A_52 = arith.constant 0 : i32
    "tpu.region"() ({
      %run_scoped3A_110 = tpu.sem_alloc : memref<!tpu.dma_semaphore, #tpu.memory_space<semaphore_mem>>
      %dma_start3A_111 = arith.constant 0 : i32
      %dma_start3A_112 = tpu.memref_slice %arg6[%arg0, %run_scoped3A_52, %mul3A_51, %dma_start3A_111] : memref<2x2x10112x64xf32, #tpu.memory_space<hbm>> -> memref<1x1x632x64xf32, #tpu.memory_space<hbm>>
      %dma_start3A_113 = tpu.memref_squeeze %dma_start3A_112 : memref<1x1x632x64xf32, #tpu.memory_space<hbm>> -> memref<632x64xf32, #tpu.memory_space<hbm>>
      %dma_start3A_114 = arith.constant 0 : i32
      %dma_start3A_115 = tpu.memref_slice %arg13[%mul3A_49, %dma_start3A_114] : memref<10112x64xf32, #tpu.memory_space<vmem_shared>> -> memref<632x64xf32, #tpu.memory_space<vmem_shared>>
      tpu.enqueue_dma source(%dma_start3A_115 : memref<632x64xf32, #tpu.memory_space<vmem_shared>>) target(%dma_start3A_113 : memref<632x64xf32, #tpu.memory_space<hbm>>) target_semaphore(%run_scoped3A_110 : memref<!tpu.dma_semaphore, #tpu.memory_space<semaphore_mem>>)
      %dma_wait3A_116 = arith.constant 0 : i32
      %dma_wait3A_117 = tpu.memref_slice %arg6[%arg0, %run_scoped3A_52, %mul3A_51, %dma_wait3A_116] : memref<2x2x10112x64xf32, #tpu.memory_space<hbm>> -> memref<1x1x632x64xf32, #tpu.memory_space<hbm>>
      %dma_wait3A_118 = tpu.memref_squeeze %dma_wait3A_117 : memref<1x1x632x64xf32, #tpu.memory_space<hbm>> -> memref<632x64xf32, #tpu.memory_space<hbm>>
      %dma_wait3A_119 = arith.constant 0 : i32
      %dma_wait3A_120 = tpu.memref_slice %arg13[%mul3A_49, %dma_wait3A_119] : memref<10112x64xf32, #tpu.memory_space<vmem_shared>> -> memref<632x64xf32, #tpu.memory_space<vmem_shared>>
      tpu.wait_dma2 semaphore(%run_scoped3A_110 : memref<!tpu.dma_semaphore, #tpu.memory_space<semaphore_mem>>) src(%dma_wait3A_120 : memref<632x64xf32, #tpu.memory_space<vmem_shared>>) dst(%dma_wait3A_118 : memref<632x64xf32, #tpu.memory_space<hbm>>)
      tpu.yield
    }) : () -> ()
    %mul3A_53 = arith.constant 632 : i32
    %mul3A_54 = arith.muli %arg1, %mul3A_53 : i32
    %mul3A_55 = arith.constant 632 : i32
    %mul3A_56 = arith.muli %arg1, %mul3A_55 : i32
    %run_scoped3A_57 = arith.constant 1 : i32
    "tpu.region"() ({
      %run_scoped3A_110 = tpu.sem_alloc : memref<!tpu.dma_semaphore, #tpu.memory_space<semaphore_mem>>
      %dma_start3A_111 = arith.constant 0 : i32
      %dma_start3A_112 = tpu.memref_slice %arg12[%mul3A_56, %dma_start3A_111] : memref<10112x64xf32, #tpu.memory_space<vmem_shared>> -> memref<632x64xf32, #tpu.memory_space<vmem_shared>>
      %dma_start3A_113 = arith.constant 0 : i32
      %dma_start3A_114 = tpu.memref_slice %arg2[%run_scoped3A_57, %mul3A_54, %dma_start3A_113] : memref<2x10112x64xf32, #tpu.memory_space<hbm>> -> memref<1x632x64xf32, #tpu.memory_space<hbm>>
      %dma_start3A_115 = tpu.memref_squeeze %dma_start3A_114 : memref<1x632x64xf32, #tpu.memory_space<hbm>> -> memref<632x64xf32, #tpu.memory_space<hbm>>
      tpu.enqueue_dma source(%dma_start3A_115 : memref<632x64xf32, #tpu.memory_space<hbm>>) target(%dma_start3A_112 : memref<632x64xf32, #tpu.memory_space<vmem_shared>>) target_semaphore(%run_scoped3A_110 : memref<!tpu.dma_semaphore, #tpu.memory_space<semaphore_mem>>)
      %dma_wait3A_116 = arith.constant 0 : i32
      %dma_wait3A_117 = tpu.memref_slice %arg12[%mul3A_56, %dma_wait3A_116] : memref<10112x64xf32, #tpu.memory_space<vmem_shared>> -> memref<632x64xf32, #tpu.memory_space<vmem_shared>>
      %dma_wait3A_118 = arith.constant 0 : i32
      %dma_wait3A_119 = tpu.memref_slice %arg2[%run_scoped3A_57, %mul3A_54, %dma_wait3A_118] : memref<2x10112x64xf32, #tpu.memory_space<hbm>> -> memref<1x632x64xf32, #tpu.memory_space<hbm>>
      %dma_wait3A_120 = tpu.memref_squeeze %dma_wait3A_119 : memref<1x632x64xf32, #tpu.memory_space<hbm>> -> memref<632x64xf32, #tpu.memory_space<hbm>>
      tpu.wait_dma2 semaphore(%run_scoped3A_110 : memref<!tpu.dma_semaphore, #tpu.memory_space<semaphore_mem>>) src(%dma_wait3A_120 : memref<632x64xf32, #tpu.memory_space<hbm>>) dst(%dma_wait3A_117 : memref<632x64xf32, #tpu.memory_space<vmem_shared>>)
      tpu.yield
    }) : () -> ()
    %mul3A_58 = arith.constant 632 : i32
    %mul3A_59 = arith.muli %arg1, %mul3A_58 : i32
    %mul3A_60 = arith.constant 632 : i32
    %mul3A_61 = arith.muli %arg1, %mul3A_60 : i32
    "tpu.region"() ({
      %run_scoped3A_110 = tpu.sem_alloc : memref<!tpu.dma_semaphore, #tpu.memory_space<semaphore_mem>>
      %dma_start3A_111 = arith.constant 0 : i32
      %dma_start3A_112 = tpu.memref_slice %arg13[%mul3A_61, %dma_start3A_111] : memref<10112x64xf32, #tpu.memory_space<vmem_shared>> -> memref<632x64xf32, #tpu.memory_space<vmem_shared>>
      %dma_start3A_113 = arith.constant 0 : i32
      %dma_start3A_114 = tpu.memref_slice %arg5[%mul3A_59, %dma_start3A_113] : memref<10112x64xf32, #tpu.memory_space<hbm>> -> memref<632x64xf32, #tpu.memory_space<hbm>>
      tpu.enqueue_dma source(%dma_start3A_114 : memref<632x64xf32, #tpu.memory_space<hbm>>) target(%dma_start3A_112 : memref<632x64xf32, #tpu.memory_space<vmem_shared>>) target_semaphore(%run_scoped3A_110 : memref<!tpu.dma_semaphore, #tpu.memory_space<semaphore_mem>>)
      %dma_wait3A_115 = arith.constant 0 : i32
      %dma_wait3A_116 = tpu.memref_slice %arg13[%mul3A_61, %dma_wait3A_115] : memref<10112x64xf32, #tpu.memory_space<vmem_shared>> -> memref<632x64xf32, #tpu.memory_space<vmem_shared>>
      %dma_wait3A_117 = arith.constant 0 : i32
      %dma_wait3A_118 = tpu.memref_slice %arg5[%mul3A_59, %dma_wait3A_117] : memref<10112x64xf32, #tpu.memory_space<hbm>> -> memref<632x64xf32, #tpu.memory_space<hbm>>
      tpu.wait_dma2 semaphore(%run_scoped3A_110 : memref<!tpu.dma_semaphore, #tpu.memory_space<semaphore_mem>>) src(%dma_wait3A_118 : memref<632x64xf32, #tpu.memory_space<hbm>>) dst(%dma_wait3A_116 : memref<632x64xf32, #tpu.memory_space<vmem_shared>>)
      tpu.yield
    }) : () -> ()
    %barrier3A_62 = arith.constant 0 : index
    tpu.barrier barrier_id(%barrier3A_62)
    %dma_start3A_63 = arith.constant 0 : i32
    %dma_start3A_64 = arith.constant 0 : i32
    %dma_start3A_65 = tpu.memref_slice %arg7[%dma_start3A_63, %dma_start3A_64] : memref<79x128xi32, #tpu.memory_space<vmem>> -> memref<1x128xi32, #tpu.memory_space<vmem>>
    %dma_start3A_66 = tpu.memref_squeeze %dma_start3A_65 : memref<1x128xi32, #tpu.memory_space<vmem>> -> memref<128xi32, #tpu.memory_space<vmem>>
    %dma_start3A_67 = arith.constant 0 : i32
    %dma_start3A_68 = arith.constant 0 : i32
    %dma_start3A_69 = tpu.memref_slice %arg12[%dma_start3A_67, %dma_start3A_68] : memref<10112x64xf32, #tpu.memory_space<vmem_shared>> -> memref<10112x64xf32, #tpu.memory_space<vmem_shared>>
    tpu.enqueue_indirect_dma source(%dma_start3A_69 : memref<10112x64xf32, #tpu.memory_space<vmem_shared>>) target(%arg9 : memref<128x64xf32, #tpu.memory_space<vmem>>) offsets(%dma_start3A_66 : memref<128xi32, #tpu.memory_space<vmem>>) semaphore(%arg14 : memref<!tpu.dma_semaphore, #tpu.memory_space<semaphore_mem>>)
    %dma_start3A_70 = arith.constant 1 : i32
    %dma_start3A_71 = arith.constant 0 : i32
    %dma_start3A_72 = tpu.memref_slice %arg7[%dma_start3A_70, %dma_start3A_71] : memref<79x128xi32, #tpu.memory_space<vmem>> -> memref<1x128xi32, #tpu.memory_space<vmem>>
    %dma_start3A_73 = tpu.memref_squeeze %dma_start3A_72 : memref<1x128xi32, #tpu.memory_space<vmem>> -> memref<128xi32, #tpu.memory_space<vmem>>
    %dma_start3A_74 = arith.constant 0 : i32
    %dma_start3A_75 = arith.constant 0 : i32
    %dma_start3A_76 = tpu.memref_slice %arg12[%dma_start3A_74, %dma_start3A_75] : memref<10112x64xf32, #tpu.memory_space<vmem_shared>> -> memref<10112x64xf32, #tpu.memory_space<vmem_shared>>
    tpu.enqueue_indirect_dma source(%dma_start3A_76 : memref<10112x64xf32, #tpu.memory_space<vmem_shared>>) target(%arg10 : memref<128x64xf32, #tpu.memory_space<vmem>>) offsets(%dma_start3A_73 : memref<128xi32, #tpu.memory_space<vmem>>) semaphore(%arg15 : memref<!tpu.dma_semaphore, #tpu.memory_space<semaphore_mem>>)
    %scan3A_77 = arith.constant 0 : i32
    %scan3A_78 = arith.constant 0 : i32
    %scan3A_79 = arith.constant 27 : i32
    %scan3A_80 = arith.addi %scan3A_78, %scan3A_79 : i32
    %scan3A_81 = arith.constant 1 : i32
    scf.for %scan3A_110 = %scan3A_78 to %scan3A_80 step %scan3A_81  : i32 {
      %mul3A_111 = arith.constant 3 : i32
      %mul3A_112 = arith.muli %scan3A_110, %mul3A_111 : i32
      %add3A_113 = arith.constant 0 : i32
      %add3A_114 = arith.addi %mul3A_112, %add3A_113 : i32
      %lt3A = arith.constant 79 : i32
      %lt3A_115 = arith.cmpi slt, %add3A_114, %lt3A : i32
      %convert_element_type3A = arith.extui %lt3A_115 : i1 to i32
      %cond3A = arith.constant 0 : i32
      %cond3A_116 = arith.cmpi ne, %convert_element_type3A, %cond3A : i32
      scf.if %cond3A_116 {
        %dma_wait3A_131 = arith.constant 0 : i32
        %dma_wait3A_132 = tpu.memref_slice %arg7[%add3A_114, %dma_wait3A_131] : memref<79x128xi32, #tpu.memory_space<vmem>> -> memref<1x128xi32, #tpu.memory_space<vmem>>
        %dma_wait3A_133 = tpu.memref_squeeze %dma_wait3A_132 : memref<1x128xi32, #tpu.memory_space<vmem>> -> memref<128xi32, #tpu.memory_space<vmem>>
        %dma_wait3A_134 = arith.constant 0 : i32
        %dma_wait3A_135 = arith.constant 0 : i32
        %dma_wait3A_136 = tpu.memref_slice %arg12[%dma_wait3A_134, %dma_wait3A_135] : memref<10112x64xf32, #tpu.memory_space<vmem_shared>> -> memref<10112x64xf32, #tpu.memory_space<vmem_shared>>
        tpu.wait_indirect_dma semaphore(%arg14 : memref<!tpu.dma_semaphore, #tpu.memory_space<semaphore_mem>>) src(%dma_wait3A_136 : memref<10112x64xf32, #tpu.memory_space<vmem_shared>>) dst(%arg9 : memref<128x64xf32, #tpu.memory_space<vmem>>)
        %dma_start3A_137 = arith.constant 0 : i32
        %dma_start3A_138 = tpu.memref_slice %arg8[%add3A_114, %dma_start3A_137] : memref<79x128xi32, #tpu.memory_space<vmem>> -> memref<1x128xi32, #tpu.memory_space<vmem>>
        %dma_start3A_139 = tpu.memref_squeeze %dma_start3A_138 : memref<1x128xi32, #tpu.memory_space<vmem>> -> memref<128xi32, #tpu.memory_space<vmem>>
        %dma_start3A_140 = arith.constant 0 : i32
        %dma_start3A_141 = arith.constant 0 : i32
        %dma_start3A_142 = tpu.memref_slice %arg13[%dma_start3A_140, %dma_start3A_141] : memref<10112x64xf32, #tpu.memory_space<vmem_shared>> -> memref<10112x64xf32, #tpu.memory_space<vmem_shared>>
        tpu.enqueue_indirect_dma source(%arg9 : memref<128x64xf32, #tpu.memory_space<vmem>>) target(%dma_start3A_142 : memref<10112x64xf32, #tpu.memory_space<vmem_shared>>) offsets(%dma_start3A_139 : memref<128xi32, #tpu.memory_space<vmem>>) semaphore(%arg17 : memref<!tpu.dma_semaphore, #tpu.memory_space<semaphore_mem>>) {add = true}
        %add3A_143 = arith.constant 3 : i32
        %add3A_144 = arith.addi %add3A_114, %add3A_143 : i32
        %sub3A = arith.constant 1 : i32
        %sub3A_145 = arith.subi %add3A_144, %sub3A : i32
        %lt3A_146 = arith.constant 79 : i32
        %lt3A_147 = arith.cmpi slt, %sub3A_145, %lt3A_146 : i32
        %convert_element_type3A_148 = arith.extui %lt3A_147 : i1 to i32
        %cond3A_149 = arith.constant 0 : i32
        %cond3A_150 = arith.cmpi ne, %convert_element_type3A_148, %cond3A_149 : i32
        scf.if %cond3A_150 {
          %gt3A = arith.constant 0 : i32
          %gt3A_151 = arith.cmpi sgt, %add3A_114, %gt3A : i32
          %convert_element_type3A_152 = arith.extui %gt3A_151 : i1 to i32
          %cond3A_153 = arith.constant 0 : i32
          %cond3A_154 = arith.cmpi ne, %convert_element_type3A_152, %cond3A_153 : i32
          scf.if %cond3A_154 {
            %dma_wait3A_165 = arith.constant 0 : i32
            %dma_wait3A_166 = arith.constant 0 : i32
            %dma_wait3A_167 = tpu.memref_slice %arg8[%dma_wait3A_165, %dma_wait3A_166] : memref<79x128xi32, #tpu.memory_space<vmem>> -> memref<1x128xi32, #tpu.memory_space<vmem>>
            %dma_wait3A_168 = tpu.memref_squeeze %dma_wait3A_167 : memref<1x128xi32, #tpu.memory_space<vmem>> -> memref<128xi32, #tpu.memory_space<vmem>>
            %dma_wait3A_169 = arith.constant 0 : i32
            %dma_wait3A_170 = arith.constant 0 : i32
            %dma_wait3A_171 = tpu.memref_slice %arg13[%dma_wait3A_169, %dma_wait3A_170] : memref<10112x64xf32, #tpu.memory_space<vmem_shared>> -> memref<10112x64xf32, #tpu.memory_space<vmem_shared>>
            tpu.wait_indirect_dma semaphore(%arg19 : memref<!tpu.dma_semaphore, #tpu.memory_space<semaphore_mem>>) src(%arg11 : memref<128x64xf32, #tpu.memory_space<vmem>>) dst(%dma_wait3A_171 : memref<10112x64xf32, #tpu.memory_space<vmem_shared>>)
          } else {
          }
          %add3A_155 = arith.constant 3 : i32
          %add3A_156 = arith.addi %add3A_114, %add3A_155 : i32
          %sub3A_157 = arith.constant 1 : i32
          %sub3A_158 = arith.subi %add3A_156, %sub3A_157 : i32
          %dma_start3A_159 = arith.constant 0 : i32
          %dma_start3A_160 = tpu.memref_slice %arg7[%sub3A_158, %dma_start3A_159] : memref<79x128xi32, #tpu.memory_space<vmem>> -> memref<1x128xi32, #tpu.memory_space<vmem>>
          %dma_start3A_161 = tpu.memref_squeeze %dma_start3A_160 : memref<1x128xi32, #tpu.memory_space<vmem>> -> memref<128xi32, #tpu.memory_space<vmem>>
          %dma_start3A_162 = arith.constant 0 : i32
          %dma_start3A_163 = arith.constant 0 : i32
          %dma_start3A_164 = tpu.memref_slice %arg12[%dma_start3A_162, %dma_start3A_163] : memref<10112x64xf32, #tpu.memory_space<vmem_shared>> -> memref<10112x64xf32, #tpu.memory_space<vmem_shared>>
          tpu.enqueue_indirect_dma source(%dma_start3A_164 : memref<10112x64xf32, #tpu.memory_space<vmem_shared>>) target(%arg11 : memref<128x64xf32, #tpu.memory_space<vmem>>) offsets(%dma_start3A_161 : memref<128xi32, #tpu.memory_space<vmem>>) semaphore(%arg16 : memref<!tpu.dma_semaphore, #tpu.memory_space<semaphore_mem>>)
        } else {
        }
      } else {
      }
      %add3A_117 = arith.constant 1 : i32
      %add3A_118 = arith.addi %mul3A_112, %add3A_117 : i32
      %lt3A_119 = arith.constant 79 : i32
      %lt3A_120 = arith.cmpi slt, %add3A_118, %lt3A_119 : i32
      %convert_element_type3A_121 = arith.extui %lt3A_120 : i1 to i32
      %cond3A_122 = arith.constant 0 : i32
      %cond3A_123 = arith.cmpi ne, %convert_element_type3A_121, %cond3A_122 : i32
      scf.if %cond3A_123 {
        %dma_wait3A_131 = arith.constant 0 : i32
        %dma_wait3A_132 = tpu.memref_slice %arg7[%add3A_118, %dma_wait3A_131] : memref<79x128xi32, #tpu.memory_space<vmem>> -> memref<1x128xi32, #tpu.memory_space<vmem>>
        %dma_wait3A_133 = tpu.memref_squeeze %dma_wait3A_132 : memref<1x128xi32, #tpu.memory_space<vmem>> -> memref<128xi32, #tpu.memory_space<vmem>>
        %dma_wait3A_134 = arith.constant 0 : i32
        %dma_wait3A_135 = arith.constant 0 : i32
        %dma_wait3A_136 = tpu.memref_slice %arg12[%dma_wait3A_134, %dma_wait3A_135] : memref<10112x64xf32, #tpu.memory_space<vmem_shared>> -> memref<10112x64xf32, #tpu.memory_space<vmem_shared>>
        tpu.wait_indirect_dma semaphore(%arg15 : memref<!tpu.dma_semaphore, #tpu.memory_space<semaphore_mem>>) src(%dma_wait3A_136 : memref<10112x64xf32, #tpu.memory_space<vmem_shared>>) dst(%arg10 : memref<128x64xf32, #tpu.memory_space<vmem>>)
        %dma_start3A_137 = arith.constant 0 : i32
        %dma_start3A_138 = tpu.memref_slice %arg8[%add3A_118, %dma_start3A_137] : memref<79x128xi32, #tpu.memory_space<vmem>> -> memref<1x128xi32, #tpu.memory_space<vmem>>
        %dma_start3A_139 = tpu.memref_squeeze %dma_start3A_138 : memref<1x128xi32, #tpu.memory_space<vmem>> -> memref<128xi32, #tpu.memory_space<vmem>>
        %dma_start3A_140 = arith.constant 0 : i32
        %dma_start3A_141 = arith.constant 0 : i32
        %dma_start3A_142 = tpu.memref_slice %arg13[%dma_start3A_140, %dma_start3A_141] : memref<10112x64xf32, #tpu.memory_space<vmem_shared>> -> memref<10112x64xf32, #tpu.memory_space<vmem_shared>>
        tpu.enqueue_indirect_dma source(%arg10 : memref<128x64xf32, #tpu.memory_space<vmem>>) target(%dma_start3A_142 : memref<10112x64xf32, #tpu.memory_space<vmem_shared>>) offsets(%dma_start3A_139 : memref<128xi32, #tpu.memory_space<vmem>>) semaphore(%arg18 : memref<!tpu.dma_semaphore, #tpu.memory_space<semaphore_mem>>) {add = true}
        %add3A_143 = arith.constant 3 : i32
        %add3A_144 = arith.addi %add3A_118, %add3A_143 : i32
        %sub3A = arith.constant 1 : i32
        %sub3A_145 = arith.subi %add3A_144, %sub3A : i32
        %lt3A_146 = arith.constant 79 : i32
        %lt3A_147 = arith.cmpi slt, %sub3A_145, %lt3A_146 : i32
        %convert_element_type3A_148 = arith.extui %lt3A_147 : i1 to i32
        %cond3A_149 = arith.constant 0 : i32
        %cond3A_150 = arith.cmpi ne, %convert_element_type3A_148, %cond3A_149 : i32
        scf.if %cond3A_150 {
          %gt3A = arith.constant 0 : i32
          %gt3A_151 = arith.cmpi sgt, %add3A_118, %gt3A : i32
          %convert_element_type3A_152 = arith.extui %gt3A_151 : i1 to i32
          %cond3A_153 = arith.constant 0 : i32
          %cond3A_154 = arith.cmpi ne, %convert_element_type3A_152, %cond3A_153 : i32
          scf.if %cond3A_154 {
            %dma_wait3A_165 = arith.constant 0 : i32
            %dma_wait3A_166 = arith.constant 0 : i32
            %dma_wait3A_167 = tpu.memref_slice %arg8[%dma_wait3A_165, %dma_wait3A_166] : memref<79x128xi32, #tpu.memory_space<vmem>> -> memref<1x128xi32, #tpu.memory_space<vmem>>
            %dma_wait3A_168 = tpu.memref_squeeze %dma_wait3A_167 : memref<1x128xi32, #tpu.memory_space<vmem>> -> memref<128xi32, #tpu.memory_space<vmem>>
            %dma_wait3A_169 = arith.constant 0 : i32
            %dma_wait3A_170 = arith.constant 0 : i32
            %dma_wait3A_171 = tpu.memref_slice %arg13[%dma_wait3A_169, %dma_wait3A_170] : memref<10112x64xf32, #tpu.memory_space<vmem_shared>> -> memref<10112x64xf32, #tpu.memory_space<vmem_shared>>
            tpu.wait_indirect_dma semaphore(%arg17 : memref<!tpu.dma_semaphore, #tpu.memory_space<semaphore_mem>>) src(%arg9 : memref<128x64xf32, #tpu.memory_space<vmem>>) dst(%dma_wait3A_171 : memref<10112x64xf32, #tpu.memory_space<vmem_shared>>)
          } else {
          }
          %add3A_155 = arith.constant 3 : i32
          %add3A_156 = arith.addi %add3A_118, %add3A_155 : i32
          %sub3A_157 = arith.constant 1 : i32
          %sub3A_158 = arith.subi %add3A_156, %sub3A_157 : i32
          %dma_start3A_159 = arith.constant 0 : i32
          %dma_start3A_160 = tpu.memref_slice %arg7[%sub3A_158, %dma_start3A_159] : memref<79x128xi32, #tpu.memory_space<vmem>> -> memref<1x128xi32, #tpu.memory_space<vmem>>
          %dma_start3A_161 = tpu.memref_squeeze %dma_start3A_160 : memref<1x128xi32, #tpu.memory_space<vmem>> -> memref<128xi32, #tpu.memory_space<vmem>>
          %dma_start3A_162 = arith.constant 0 : i32
          %dma_start3A_163 = arith.constant 0 : i32
          %dma_start3A_164 = tpu.memref_slice %arg12[%dma_start3A_162, %dma_start3A_163] : memref<10112x64xf32, #tpu.memory_space<vmem_shared>> -> memref<10112x64xf32, #tpu.memory_space<vmem_shared>>
          tpu.enqueue_indirect_dma source(%dma_start3A_164 : memref<10112x64xf32, #tpu.memory_space<vmem_shared>>) target(%arg9 : memref<128x64xf32, #tpu.memory_space<vmem>>) offsets(%dma_start3A_161 : memref<128xi32, #tpu.memory_space<vmem>>) semaphore(%arg14 : memref<!tpu.dma_semaphore, #tpu.memory_space<semaphore_mem>>)
        } else {
        }
      } else {
      }
      %add3A_124 = arith.constant 2 : i32
      %add3A_125 = arith.addi %mul3A_112, %add3A_124 : i32
      %lt3A_126 = arith.constant 79 : i32
      %lt3A_127 = arith.cmpi slt, %add3A_125, %lt3A_126 : i32
      %convert_element_type3A_128 = arith.extui %lt3A_127 : i1 to i32
      %cond3A_129 = arith.constant 0 : i32
      %cond3A_130 = arith.cmpi ne, %convert_element_type3A_128, %cond3A_129 : i32
      scf.if %cond3A_130 {
        %dma_wait3A_131 = arith.constant 0 : i32
        %dma_wait3A_132 = tpu.memref_slice %arg7[%add3A_125, %dma_wait3A_131] : memref<79x128xi32, #tpu.memory_space<vmem>> -> memref<1x128xi32, #tpu.memory_space<vmem>>
        %dma_wait3A_133 = tpu.memref_squeeze %dma_wait3A_132 : memref<1x128xi32, #tpu.memory_space<vmem>> -> memref<128xi32, #tpu.memory_space<vmem>>
        %dma_wait3A_134 = arith.constant 0 : i32
        %dma_wait3A_135 = arith.constant 0 : i32
        %dma_wait3A_136 = tpu.memref_slice %arg12[%dma_wait3A_134, %dma_wait3A_135] : memref<10112x64xf32, #tpu.memory_space<vmem_shared>> -> memref<10112x64xf32, #tpu.memory_space<vmem_shared>>
        tpu.wait_indirect_dma semaphore(%arg16 : memref<!tpu.dma_semaphore, #tpu.memory_space<semaphore_mem>>) src(%dma_wait3A_136 : memref<10112x64xf32, #tpu.memory_space<vmem_shared>>) dst(%arg11 : memref<128x64xf32, #tpu.memory_space<vmem>>)
        %dma_start3A_137 = arith.constant 0 : i32
        %dma_start3A_138 = tpu.memref_slice %arg8[%add3A_125, %dma_start3A_137] : memref<79x128xi32, #tpu.memory_space<vmem>> -> memref<1x128xi32, #tpu.memory_space<vmem>>
        %dma_start3A_139 = tpu.memref_squeeze %dma_start3A_138 : memref<1x128xi32, #tpu.memory_space<vmem>> -> memref<128xi32, #tpu.memory_space<vmem>>
        %dma_start3A_140 = arith.constant 0 : i32
        %dma_start3A_141 = arith.constant 0 : i32
        %dma_start3A_142 = tpu.memref_slice %arg13[%dma_start3A_140, %dma_start3A_141] : memref<10112x64xf32, #tpu.memory_space<vmem_shared>> -> memref<10112x64xf32, #tpu.memory_space<vmem_shared>>
        tpu.enqueue_indirect_dma source(%arg11 : memref<128x64xf32, #tpu.memory_space<vmem>>) target(%dma_start3A_142 : memref<10112x64xf32, #tpu.memory_space<vmem_shared>>) offsets(%dma_start3A_139 : memref<128xi32, #tpu.memory_space<vmem>>) semaphore(%arg19 : memref<!tpu.dma_semaphore, #tpu.memory_space<semaphore_mem>>) {add = true}
        %add3A_143 = arith.constant 3 : i32
        %add3A_144 = arith.addi %add3A_125, %add3A_143 : i32
        %sub3A = arith.constant 1 : i32
        %sub3A_145 = arith.subi %add3A_144, %sub3A : i32
        %lt3A_146 = arith.constant 79 : i32
        %lt3A_147 = arith.cmpi slt, %sub3A_145, %lt3A_146 : i32
        %convert_element_type3A_148 = arith.extui %lt3A_147 : i1 to i32
        %cond3A_149 = arith.constant 0 : i32
        %cond3A_150 = arith.cmpi ne, %convert_element_type3A_148, %cond3A_149 : i32
        scf.if %cond3A_150 {
          %gt3A = arith.constant 0 : i32
          %gt3A_151 = arith.cmpi sgt, %add3A_125, %gt3A : i32
          %convert_element_type3A_152 = arith.extui %gt3A_151 : i1 to i32
          %cond3A_153 = arith.constant 0 : i32
          %cond3A_154 = arith.cmpi ne, %convert_element_type3A_152, %cond3A_153 : i32
          scf.if %cond3A_154 {
            %dma_wait3A_165 = arith.constant 0 : i32
            %dma_wait3A_166 = arith.constant 0 : i32
            %dma_wait3A_167 = tpu.memref_slice %arg8[%dma_wait3A_165, %dma_wait3A_166] : memref<79x128xi32, #tpu.memory_space<vmem>> -> memref<1x128xi32, #tpu.memory_space<vmem>>
            %dma_wait3A_168 = tpu.memref_squeeze %dma_wait3A_167 : memref<1x128xi32, #tpu.memory_space<vmem>> -> memref<128xi32, #tpu.memory_space<vmem>>
            %dma_wait3A_169 = arith.constant 0 : i32
            %dma_wait3A_170 = arith.constant 0 : i32
            %dma_wait3A_171 = tpu.memref_slice %arg13[%dma_wait3A_169, %dma_wait3A_170] : memref<10112x64xf32, #tpu.memory_space<vmem_shared>> -> memref<10112x64xf32, #tpu.memory_space<vmem_shared>>
            tpu.wait_indirect_dma semaphore(%arg18 : memref<!tpu.dma_semaphore, #tpu.memory_space<semaphore_mem>>) src(%arg10 : memref<128x64xf32, #tpu.memory_space<vmem>>) dst(%dma_wait3A_171 : memref<10112x64xf32, #tpu.memory_space<vmem_shared>>)
          } else {
          }
          %add3A_155 = arith.constant 3 : i32
          %add3A_156 = arith.addi %add3A_125, %add3A_155 : i32
          %sub3A_157 = arith.constant 1 : i32
          %sub3A_158 = arith.subi %add3A_156, %sub3A_157 : i32
          %dma_start3A_159 = arith.constant 0 : i32
          %dma_start3A_160 = tpu.memref_slice %arg7[%sub3A_158, %dma_start3A_159] : memref<79x128xi32, #tpu.memory_space<vmem>> -> memref<1x128xi32, #tpu.memory_space<vmem>>
          %dma_start3A_161 = tpu.memref_squeeze %dma_start3A_160 : memref<1x128xi32, #tpu.memory_space<vmem>> -> memref<128xi32, #tpu.memory_space<vmem>>
          %dma_start3A_162 = arith.constant 0 : i32
          %dma_start3A_163 = arith.constant 0 : i32
          %dma_start3A_164 = tpu.memref_slice %arg12[%dma_start3A_162, %dma_start3A_163] : memref<10112x64xf32, #tpu.memory_space<vmem_shared>> -> memref<10112x64xf32, #tpu.memory_space<vmem_shared>>
          tpu.enqueue_indirect_dma source(%dma_start3A_164 : memref<10112x64xf32, #tpu.memory_space<vmem_shared>>) target(%arg10 : memref<128x64xf32, #tpu.memory_space<vmem>>) offsets(%dma_start3A_161 : memref<128xi32, #tpu.memory_space<vmem>>) semaphore(%arg15 : memref<!tpu.dma_semaphore, #tpu.memory_space<semaphore_mem>>)
        } else {
        }
      } else {
      }
    }
    %scan3A_82 = arith.constant 27 : i32
    %dma_wait3A_83 = arith.constant 0 : i32
    %dma_wait3A_84 = arith.constant 0 : i32
    %dma_wait3A_85 = tpu.memref_slice %arg8[%dma_wait3A_83, %dma_wait3A_84] : memref<79x128xi32, #tpu.memory_space<vmem>> -> memref<1x128xi32, #tpu.memory_space<vmem>>
    %dma_wait3A_86 = tpu.memref_squeeze %dma_wait3A_85 : memref<1x128xi32, #tpu.memory_space<vmem>> -> memref<128xi32, #tpu.memory_space<vmem>>
    %dma_wait3A_87 = arith.constant 0 : i32
    %dma_wait3A_88 = arith.constant 0 : i32
    %dma_wait3A_89 = tpu.memref_slice %arg13[%dma_wait3A_87, %dma_wait3A_88] : memref<10112x64xf32, #tpu.memory_space<vmem_shared>> -> memref<10112x64xf32, #tpu.memory_space<vmem_shared>>
    tpu.wait_indirect_dma semaphore(%arg17 : memref<!tpu.dma_semaphore, #tpu.memory_space<semaphore_mem>>) src(%arg9 : memref<128x64xf32, #tpu.memory_space<vmem>>) dst(%dma_wait3A_89 : memref<10112x64xf32, #tpu.memory_space<vmem_shared>>)
    %dma_wait3A_90 = arith.constant 0 : i32
    %dma_wait3A_91 = arith.constant 0 : i32
    %dma_wait3A_92 = tpu.memref_slice %arg8[%dma_wait3A_90, %dma_wait3A_91] : memref<79x128xi32, #tpu.memory_space<vmem>> -> memref<1x128xi32, #tpu.memory_space<vmem>>
    %dma_wait3A_93 = tpu.memref_squeeze %dma_wait3A_92 : memref<1x128xi32, #tpu.memory_space<vmem>> -> memref<128xi32, #tpu.memory_space<vmem>>
    %dma_wait3A_94 = arith.constant 0 : i32
    %dma_wait3A_95 = arith.constant 0 : i32
    %dma_wait3A_96 = tpu.memref_slice %arg13[%dma_wait3A_94, %dma_wait3A_95] : memref<10112x64xf32, #tpu.memory_space<vmem_shared>> -> memref<10112x64xf32, #tpu.memory_space<vmem_shared>>
    tpu.wait_indirect_dma semaphore(%arg18 : memref<!tpu.dma_semaphore, #tpu.memory_space<semaphore_mem>>) src(%arg10 : memref<128x64xf32, #tpu.memory_space<vmem>>) dst(%dma_wait3A_96 : memref<10112x64xf32, #tpu.memory_space<vmem_shared>>)
    %dma_wait3A_97 = arith.constant 0 : i32
    %dma_wait3A_98 = arith.constant 0 : i32
    %dma_wait3A_99 = tpu.memref_slice %arg8[%dma_wait3A_97, %dma_wait3A_98] : memref<79x128xi32, #tpu.memory_space<vmem>> -> memref<1x128xi32, #tpu.memory_space<vmem>>
    %dma_wait3A_100 = tpu.memref_squeeze %dma_wait3A_99 : memref<1x128xi32, #tpu.memory_space<vmem>> -> memref<128xi32, #tpu.memory_space<vmem>>
    %dma_wait3A_101 = arith.constant 0 : i32
    %dma_wait3A_102 = arith.constant 0 : i32
    %dma_wait3A_103 = tpu.memref_slice %arg13[%dma_wait3A_101, %dma_wait3A_102] : memref<10112x64xf32, #tpu.memory_space<vmem_shared>> -> memref<10112x64xf32, #tpu.memory_space<vmem_shared>>
    tpu.wait_indirect_dma semaphore(%arg19 : memref<!tpu.dma_semaphore, #tpu.memory_space<semaphore_mem>>) src(%arg11 : memref<128x64xf32, #tpu.memory_space<vmem>>) dst(%dma_wait3A_103 : memref<10112x64xf32, #tpu.memory_space<vmem_shared>>)
    %barrier3A_104 = arith.constant 0 : index
    tpu.barrier barrier_id(%barrier3A_104)
    %mul3A_105 = arith.constant 632 : i32
    %mul3A_106 = arith.muli %arg1, %mul3A_105 : i32
    %mul3A_107 = arith.constant 632 : i32
    %mul3A_108 = arith.muli %arg1, %mul3A_107 : i32
    %run_scoped3A_109 = arith.constant 1 : i32
    "tpu.region"() ({
      %run_scoped3A_110 = tpu.sem_alloc : memref<!tpu.dma_semaphore, #tpu.memory_space<semaphore_mem>>
      %dma_start3A_111 = arith.constant 0 : i32
      %dma_start3A_112 = tpu.memref_slice %arg6[%arg0, %run_scoped3A_109, %mul3A_108, %dma_start3A_111] : memref<2x2x10112x64xf32, #tpu.memory_space<hbm>> -> memref<1x1x632x64xf32, #tpu.memory_space<hbm>>
      %dma_start3A_113 = tpu.memref_squeeze %dma_start3A_112 : memref<1x1x632x64xf32, #tpu.memory_space<hbm>> -> memref<632x64xf32, #tpu.memory_space<hbm>>
      %dma_start3A_114 = arith.constant 0 : i32
      %dma_start3A_115 = tpu.memref_slice %arg13[%mul3A_106, %dma_start3A_114] : memref<10112x64xf32, #tpu.memory_space<vmem_shared>> -> memref<632x64xf32, #tpu.memory_space<vmem_shared>>
      tpu.enqueue_dma source(%dma_start3A_115 : memref<632x64xf32, #tpu.memory_space<vmem_shared>>) target(%dma_start3A_113 : memref<632x64xf32, #tpu.memory_space<hbm>>) target_semaphore(%run_scoped3A_110 : memref<!tpu.dma_semaphore, #tpu.memory_space<semaphore_mem>>)
      %dma_wait3A_116 = arith.constant 0 : i32
      %dma_wait3A_117 = tpu.memref_slice %arg6[%arg0, %run_scoped3A_109, %mul3A_108, %dma_wait3A_116] : memref<2x2x10112x64xf32, #tpu.memory_space<hbm>> -> memref<1x1x632x64xf32, #tpu.memory_space<hbm>>
      %dma_wait3A_118 = tpu.memref_squeeze %dma_wait3A_117 : memref<1x1x632x64xf32, #tpu.memory_space<hbm>> -> memref<632x64xf32, #tpu.memory_space<hbm>>
      %dma_wait3A_119 = arith.constant 0 : i32
      %dma_wait3A_120 = tpu.memref_slice %arg13[%mul3A_106, %dma_wait3A_119] : memref<10112x64xf32, #tpu.memory_space<vmem_shared>> -> memref<632x64xf32, #tpu.memory_space<vmem_shared>>
      tpu.wait_dma2 semaphore(%run_scoped3A_110 : memref<!tpu.dma_semaphore, #tpu.memory_space<semaphore_mem>>) src(%dma_wait3A_120 : memref<632x64xf32, #tpu.memory_space<vmem_shared>>) dst(%dma_wait3A_118 : memref<632x64xf32, #tpu.memory_space<hbm>>)
      tpu.yield
    }) : () -> ()
    return
  }
}

#map = affine_map<(d0, d1) -> (0, 0, 0)>
#map1 = affine_map<(d0, d1) -> (0, 0)>
#map2 = affine_map<(d0, d1) -> (0, 0, 0, 0)>
module attributes {stable_mosaic.version = 14 : i64} {
  func.func @seg(%arg0: i32, %arg1: i32, %arg2: memref<1x10112x64xf32, #tpu.memory_space<hbm>>, %arg3: memref<32x79x128xi32, #tpu.memory_space<hbm>>, %arg4: memref<32x79x128xi32, #tpu.memory_space<hbm>>, %arg5: memref<10112x64xf32, #tpu.memory_space<hbm>>, %arg6: memref<2x1x10112x64xf32, #tpu.memory_space<hbm>>, %arg7: memref<79x128xi32, #tpu.memory_space<vmem>>, %arg8: memref<79x128xi32, #tpu.memory_space<vmem>>, %arg9: memref<128x64xf32, #tpu.memory_space<vmem>>, %arg10: memref<128x64xf32, #tpu.memory_space<vmem>>, %arg11: memref<128x64xf32, #tpu.memory_space<vmem>>, %arg12: memref<10112x64xf32, #tpu.memory_space<vmem_shared>>, %arg13: memref<10112x64xf32, #tpu.memory_space<vmem_shared>>, %arg14: memref<!tpu.dma_semaphore, #tpu.memory_space<semaphore_mem>>, %arg15: memref<!tpu.dma_semaphore, #tpu.memory_space<semaphore_mem>>, %arg16: memref<!tpu.dma_semaphore, #tpu.memory_space<semaphore_mem>>, %arg17: memref<!tpu.dma_semaphore, #tpu.memory_space<semaphore_mem>>, %arg18: memref<!tpu.dma_semaphore, #tpu.memory_space<semaphore_mem>>, %arg19: memref<!tpu.dma_semaphore, #tpu.memory_space<semaphore_mem>>) attributes {dimension_semantics = [#tpu.dimension_semantics<core_parallel>, #tpu.dimension_semantics<subcore_parallel>], iteration_bounds = array<i64: 2, 16>, scalar_prefetch = 0 : i64, scratch_operands = 13 : i64, tpu.core_type = #tpu.core_type<sc_vector_subcore>, window_params = [{transform_indices = #map}, {transform_indices = #map}, {transform_indices = #map}, {transform_indices = #map1}, {transform_indices = #map2}]} {
    %mul3A = arith.constant 16 : i32
    %mul3A_0 = arith.muli %arg0, %mul3A : i32
    %add3A = arith.addi %mul3A_0, %arg1 : i32
    "tpu.region"() ({
      %run_scoped3A_53 = tpu.sem_alloc : memref<!tpu.dma_semaphore, #tpu.memory_space<semaphore_mem>>
      %dma_start3A_54 = arith.constant 0 : i32
      %dma_start3A_55 = arith.constant 0 : i32
      %dma_start3A_56 = tpu.memref_slice %arg3[%add3A, %dma_start3A_54, %dma_start3A_55] : memref<32x79x128xi32, #tpu.memory_space<hbm>> -> memref<1x79x128xi32, #tpu.memory_space<hbm>>
      %dma_start3A_57 = tpu.memref_squeeze %dma_start3A_56 : memref<1x79x128xi32, #tpu.memory_space<hbm>> -> memref<79x128xi32, #tpu.memory_space<hbm>>
      %dma_start3A_58 = arith.constant 0 : i32
      %dma_start3A_59 = arith.constant 0 : i32
      %dma_start3A_60 = tpu.memref_slice %arg3[%add3A, %dma_start3A_58, %dma_start3A_59] : memref<32x79x128xi32, #tpu.memory_space<hbm>> -> memref<1x79x128xi32, #tpu.memory_space<hbm>>
      %dma_start3A_61 = tpu.memref_squeeze %dma_start3A_60 : memref<1x79x128xi32, #tpu.memory_space<hbm>> -> memref<79x128xi32, #tpu.memory_space<hbm>>
      tpu.enqueue_dma source(%dma_start3A_61 : memref<79x128xi32, #tpu.memory_space<hbm>>) target(%arg7 : memref<79x128xi32, #tpu.memory_space<vmem>>) target_semaphore(%run_scoped3A_53 : memref<!tpu.dma_semaphore, #tpu.memory_space<semaphore_mem>>)
      %dma_wait3A_62 = arith.constant 0 : i32
      %dma_wait3A_63 = arith.constant 0 : i32
      %dma_wait3A_64 = tpu.memref_slice %arg3[%add3A, %dma_wait3A_62, %dma_wait3A_63] : memref<32x79x128xi32, #tpu.memory_space<hbm>> -> memref<1x79x128xi32, #tpu.memory_space<hbm>>
      %dma_wait3A_65 = tpu.memref_squeeze %dma_wait3A_64 : memref<1x79x128xi32, #tpu.memory_space<hbm>> -> memref<79x128xi32, #tpu.memory_space<hbm>>
      %dma_wait3A_66 = arith.constant 0 : i32
      %dma_wait3A_67 = arith.constant 0 : i32
      %dma_wait3A_68 = tpu.memref_slice %arg3[%add3A, %dma_wait3A_66, %dma_wait3A_67] : memref<32x79x128xi32, #tpu.memory_space<hbm>> -> memref<1x79x128xi32, #tpu.memory_space<hbm>>
      %dma_wait3A_69 = tpu.memref_squeeze %dma_wait3A_68 : memref<1x79x128xi32, #tpu.memory_space<hbm>> -> memref<79x128xi32, #tpu.memory_space<hbm>>
      tpu.wait_dma2 semaphore(%run_scoped3A_53 : memref<!tpu.dma_semaphore, #tpu.memory_space<semaphore_mem>>) src(%dma_wait3A_69 : memref<79x128xi32, #tpu.memory_space<hbm>>) dst(%arg7 : memref<79x128xi32, #tpu.memory_space<vmem>>)
      tpu.yield
    }) : () -> ()
    "tpu.region"() ({
      %run_scoped3A_53 = tpu.sem_alloc : memref<!tpu.dma_semaphore, #tpu.memory_space<semaphore_mem>>
      %dma_start3A_54 = arith.constant 0 : i32
      %dma_start3A_55 = arith.constant 0 : i32
      %dma_start3A_56 = tpu.memref_slice %arg4[%add3A, %dma_start3A_54, %dma_start3A_55] : memref<32x79x128xi32, #tpu.memory_space<hbm>> -> memref<1x79x128xi32, #tpu.memory_space<hbm>>
      %dma_start3A_57 = tpu.memref_squeeze %dma_start3A_56 : memref<1x79x128xi32, #tpu.memory_space<hbm>> -> memref<79x128xi32, #tpu.memory_space<hbm>>
      %dma_start3A_58 = arith.constant 0 : i32
      %dma_start3A_59 = arith.constant 0 : i32
      %dma_start3A_60 = tpu.memref_slice %arg4[%add3A, %dma_start3A_58, %dma_start3A_59] : memref<32x79x128xi32, #tpu.memory_space<hbm>> -> memref<1x79x128xi32, #tpu.memory_space<hbm>>
      %dma_start3A_61 = tpu.memref_squeeze %dma_start3A_60 : memref<1x79x128xi32, #tpu.memory_space<hbm>> -> memref<79x128xi32, #tpu.memory_space<hbm>>
      tpu.enqueue_dma source(%dma_start3A_61 : memref<79x128xi32, #tpu.memory_space<hbm>>) target(%arg8 : memref<79x128xi32, #tpu.memory_space<vmem>>) target_semaphore(%run_scoped3A_53 : memref<!tpu.dma_semaphore, #tpu.memory_space<semaphore_mem>>)
      %dma_wait3A_62 = arith.constant 0 : i32
      %dma_wait3A_63 = arith.constant 0 : i32
      %dma_wait3A_64 = tpu.memref_slice %arg4[%add3A, %dma_wait3A_62, %dma_wait3A_63] : memref<32x79x128xi32, #tpu.memory_space<hbm>> -> memref<1x79x128xi32, #tpu.memory_space<hbm>>
      %dma_wait3A_65 = tpu.memref_squeeze %dma_wait3A_64 : memref<1x79x128xi32, #tpu.memory_space<hbm>> -> memref<79x128xi32, #tpu.memory_space<hbm>>
      %dma_wait3A_66 = arith.constant 0 : i32
      %dma_wait3A_67 = arith.constant 0 : i32
      %dma_wait3A_68 = tpu.memref_slice %arg4[%add3A, %dma_wait3A_66, %dma_wait3A_67] : memref<32x79x128xi32, #tpu.memory_space<hbm>> -> memref<1x79x128xi32, #tpu.memory_space<hbm>>
      %dma_wait3A_69 = tpu.memref_squeeze %dma_wait3A_68 : memref<1x79x128xi32, #tpu.memory_space<hbm>> -> memref<79x128xi32, #tpu.memory_space<hbm>>
      tpu.wait_dma2 semaphore(%run_scoped3A_53 : memref<!tpu.dma_semaphore, #tpu.memory_space<semaphore_mem>>) src(%dma_wait3A_69 : memref<79x128xi32, #tpu.memory_space<hbm>>) dst(%arg8 : memref<79x128xi32, #tpu.memory_space<vmem>>)
      tpu.yield
    }) : () -> ()
    %mul3A_1 = arith.constant 632 : i32
    %mul3A_2 = arith.muli %arg1, %mul3A_1 : i32
    %mul3A_3 = arith.constant 632 : i32
    %mul3A_4 = arith.muli %arg1, %mul3A_3 : i32
    %run_scoped3A = arith.constant 0 : i32
    "tpu.region"() ({
      %run_scoped3A_53 = tpu.sem_alloc : memref<!tpu.dma_semaphore, #tpu.memory_space<semaphore_mem>>
      %dma_start3A_54 = arith.constant 0 : i32
      %dma_start3A_55 = tpu.memref_slice %arg12[%mul3A_4, %dma_start3A_54] : memref<10112x64xf32, #tpu.memory_space<vmem_shared>> -> memref<632x64xf32, #tpu.memory_space<vmem_shared>>
      %dma_start3A_56 = arith.constant 0 : i32
      %dma_start3A_57 = tpu.memref_slice %arg2[%run_scoped3A, %mul3A_2, %dma_start3A_56] : memref<1x10112x64xf32, #tpu.memory_space<hbm>> -> memref<1x632x64xf32, #tpu.memory_space<hbm>>
      %dma_start3A_58 = tpu.memref_squeeze %dma_start3A_57 : memref<1x632x64xf32, #tpu.memory_space<hbm>> -> memref<632x64xf32, #tpu.memory_space<hbm>>
      tpu.enqueue_dma source(%dma_start3A_58 : memref<632x64xf32, #tpu.memory_space<hbm>>) target(%dma_start3A_55 : memref<632x64xf32, #tpu.memory_space<vmem_shared>>) target_semaphore(%run_scoped3A_53 : memref<!tpu.dma_semaphore, #tpu.memory_space<semaphore_mem>>)
      %dma_wait3A_59 = arith.constant 0 : i32
      %dma_wait3A_60 = tpu.memref_slice %arg12[%mul3A_4, %dma_wait3A_59] : memref<10112x64xf32, #tpu.memory_space<vmem_shared>> -> memref<632x64xf32, #tpu.memory_space<vmem_shared>>
      %dma_wait3A_61 = arith.constant 0 : i32
      %dma_wait3A_62 = tpu.memref_slice %arg2[%run_scoped3A, %mul3A_2, %dma_wait3A_61] : memref<1x10112x64xf32, #tpu.memory_space<hbm>> -> memref<1x632x64xf32, #tpu.memory_space<hbm>>
      %dma_wait3A_63 = tpu.memref_squeeze %dma_wait3A_62 : memref<1x632x64xf32, #tpu.memory_space<hbm>> -> memref<632x64xf32, #tpu.memory_space<hbm>>
      tpu.wait_dma2 semaphore(%run_scoped3A_53 : memref<!tpu.dma_semaphore, #tpu.memory_space<semaphore_mem>>) src(%dma_wait3A_63 : memref<632x64xf32, #tpu.memory_space<hbm>>) dst(%dma_wait3A_60 : memref<632x64xf32, #tpu.memory_space<vmem_shared>>)
      tpu.yield
    }) : () -> ()
    %mul3A_5 = arith.constant 632 : i32
    %mul3A_6 = arith.muli %arg1, %mul3A_5 : i32
    %mul3A_7 = arith.constant 632 : i32
    %mul3A_8 = arith.muli %arg1, %mul3A_7 : i32
    "tpu.region"() ({
      %run_scoped3A_53 = tpu.sem_alloc : memref<!tpu.dma_semaphore, #tpu.memory_space<semaphore_mem>>
      %dma_start3A_54 = arith.constant 0 : i32
      %dma_start3A_55 = tpu.memref_slice %arg13[%mul3A_8, %dma_start3A_54] : memref<10112x64xf32, #tpu.memory_space<vmem_shared>> -> memref<632x64xf32, #tpu.memory_space<vmem_shared>>
      %dma_start3A_56 = arith.constant 0 : i32
      %dma_start3A_57 = tpu.memref_slice %arg5[%mul3A_6, %dma_start3A_56] : memref<10112x64xf32, #tpu.memory_space<hbm>> -> memref<632x64xf32, #tpu.memory_space<hbm>>
      tpu.enqueue_dma source(%dma_start3A_57 : memref<632x64xf32, #tpu.memory_space<hbm>>) target(%dma_start3A_55 : memref<632x64xf32, #tpu.memory_space<vmem_shared>>) target_semaphore(%run_scoped3A_53 : memref<!tpu.dma_semaphore, #tpu.memory_space<semaphore_mem>>)
      %dma_wait3A_58 = arith.constant 0 : i32
      %dma_wait3A_59 = tpu.memref_slice %arg13[%mul3A_8, %dma_wait3A_58] : memref<10112x64xf32, #tpu.memory_space<vmem_shared>> -> memref<632x64xf32, #tpu.memory_space<vmem_shared>>
      %dma_wait3A_60 = arith.constant 0 : i32
      %dma_wait3A_61 = tpu.memref_slice %arg5[%mul3A_6, %dma_wait3A_60] : memref<10112x64xf32, #tpu.memory_space<hbm>> -> memref<632x64xf32, #tpu.memory_space<hbm>>
      tpu.wait_dma2 semaphore(%run_scoped3A_53 : memref<!tpu.dma_semaphore, #tpu.memory_space<semaphore_mem>>) src(%dma_wait3A_61 : memref<632x64xf32, #tpu.memory_space<hbm>>) dst(%dma_wait3A_59 : memref<632x64xf32, #tpu.memory_space<vmem_shared>>)
      tpu.yield
    }) : () -> ()
    %barrier3A = arith.constant 0 : index
    tpu.barrier barrier_id(%barrier3A)
    %dma_start3A = arith.constant 0 : i32
    %dma_start3A_9 = arith.constant 0 : i32
    %dma_start3A_10 = tpu.memref_slice %arg7[%dma_start3A, %dma_start3A_9] : memref<79x128xi32, #tpu.memory_space<vmem>> -> memref<1x128xi32, #tpu.memory_space<vmem>>
    %dma_start3A_11 = tpu.memref_squeeze %dma_start3A_10 : memref<1x128xi32, #tpu.memory_space<vmem>> -> memref<128xi32, #tpu.memory_space<vmem>>
    %dma_start3A_12 = arith.constant 0 : i32
    %dma_start3A_13 = arith.constant 0 : i32
    %dma_start3A_14 = tpu.memref_slice %arg12[%dma_start3A_12, %dma_start3A_13] : memref<10112x64xf32, #tpu.memory_space<vmem_shared>> -> memref<10112x64xf32, #tpu.memory_space<vmem_shared>>
    tpu.enqueue_indirect_dma source(%dma_start3A_14 : memref<10112x64xf32, #tpu.memory_space<vmem_shared>>) target(%arg9 : memref<128x64xf32, #tpu.memory_space<vmem>>) offsets(%dma_start3A_11 : memref<128xi32, #tpu.memory_space<vmem>>) semaphore(%arg14 : memref<!tpu.dma_semaphore, #tpu.memory_space<semaphore_mem>>)
    %dma_start3A_15 = arith.constant 1 : i32
    %dma_start3A_16 = arith.constant 0 : i32
    %dma_start3A_17 = tpu.memref_slice %arg7[%dma_start3A_15, %dma_start3A_16] : memref<79x128xi32, #tpu.memory_space<vmem>> -> memref<1x128xi32, #tpu.memory_space<vmem>>
    %dma_start3A_18 = tpu.memref_squeeze %dma_start3A_17 : memref<1x128xi32, #tpu.memory_space<vmem>> -> memref<128xi32, #tpu.memory_space<vmem>>
    %dma_start3A_19 = arith.constant 0 : i32
    %dma_start3A_20 = arith.constant 0 : i32
    %dma_start3A_21 = tpu.memref_slice %arg12[%dma_start3A_19, %dma_start3A_20] : memref<10112x64xf32, #tpu.memory_space<vmem_shared>> -> memref<10112x64xf32, #tpu.memory_space<vmem_shared>>
    tpu.enqueue_indirect_dma source(%dma_start3A_21 : memref<10112x64xf32, #tpu.memory_space<vmem_shared>>) target(%arg10 : memref<128x64xf32, #tpu.memory_space<vmem>>) offsets(%dma_start3A_18 : memref<128xi32, #tpu.memory_space<vmem>>) semaphore(%arg15 : memref<!tpu.dma_semaphore, #tpu.memory_space<semaphore_mem>>)
    %scan3A = arith.constant 0 : i32
    %scan3A_22 = arith.constant 0 : i32
    %scan3A_23 = arith.constant 27 : i32
    %scan3A_24 = arith.addi %scan3A_22, %scan3A_23 : i32
    %scan3A_25 = arith.constant 1 : i32
    scf.for %scan3A_53 = %scan3A_22 to %scan3A_24 step %scan3A_25  : i32 {
      %mul3A_54 = arith.constant 3 : i32
      %mul3A_55 = arith.muli %scan3A_53, %mul3A_54 : i32
      %add3A_56 = arith.constant 0 : i32
      %add3A_57 = arith.addi %mul3A_55, %add3A_56 : i32
      %lt3A = arith.constant 79 : i32
      %lt3A_58 = arith.cmpi slt, %add3A_57, %lt3A : i32
      %convert_element_type3A = arith.extui %lt3A_58 : i1 to i32
      %cond3A = arith.constant 0 : i32
      %cond3A_59 = arith.cmpi ne, %convert_element_type3A, %cond3A : i32
      scf.if %cond3A_59 {
        %dma_wait3A_74 = arith.constant 0 : i32
        %dma_wait3A_75 = tpu.memref_slice %arg7[%add3A_57, %dma_wait3A_74] : memref<79x128xi32, #tpu.memory_space<vmem>> -> memref<1x128xi32, #tpu.memory_space<vmem>>
        %dma_wait3A_76 = tpu.memref_squeeze %dma_wait3A_75 : memref<1x128xi32, #tpu.memory_space<vmem>> -> memref<128xi32, #tpu.memory_space<vmem>>
        %dma_wait3A_77 = arith.constant 0 : i32
        %dma_wait3A_78 = arith.constant 0 : i32
        %dma_wait3A_79 = tpu.memref_slice %arg12[%dma_wait3A_77, %dma_wait3A_78] : memref<10112x64xf32, #tpu.memory_space<vmem_shared>> -> memref<10112x64xf32, #tpu.memory_space<vmem_shared>>
        tpu.wait_indirect_dma semaphore(%arg14 : memref<!tpu.dma_semaphore, #tpu.memory_space<semaphore_mem>>) src(%dma_wait3A_79 : memref<10112x64xf32, #tpu.memory_space<vmem_shared>>) dst(%arg9 : memref<128x64xf32, #tpu.memory_space<vmem>>)
        %dma_start3A_80 = arith.constant 0 : i32
        %dma_start3A_81 = tpu.memref_slice %arg8[%add3A_57, %dma_start3A_80] : memref<79x128xi32, #tpu.memory_space<vmem>> -> memref<1x128xi32, #tpu.memory_space<vmem>>
        %dma_start3A_82 = tpu.memref_squeeze %dma_start3A_81 : memref<1x128xi32, #tpu.memory_space<vmem>> -> memref<128xi32, #tpu.memory_space<vmem>>
        %dma_start3A_83 = arith.constant 0 : i32
        %dma_start3A_84 = arith.constant 0 : i32
        %dma_start3A_85 = tpu.memref_slice %arg13[%dma_start3A_83, %dma_start3A_84] : memref<10112x64xf32, #tpu.memory_space<vmem_shared>> -> memref<10112x64xf32, #tpu.memory_space<vmem_shared>>
        tpu.enqueue_indirect_dma source(%arg9 : memref<128x64xf32, #tpu.memory_space<vmem>>) target(%dma_start3A_85 : memref<10112x64xf32, #tpu.memory_space<vmem_shared>>) offsets(%dma_start3A_82 : memref<128xi32, #tpu.memory_space<vmem>>) semaphore(%arg17 : memref<!tpu.dma_semaphore, #tpu.memory_space<semaphore_mem>>) {add = true}
        %add3A_86 = arith.constant 3 : i32
        %add3A_87 = arith.addi %add3A_57, %add3A_86 : i32
        %sub3A = arith.constant 1 : i32
        %sub3A_88 = arith.subi %add3A_87, %sub3A : i32
        %lt3A_89 = arith.constant 79 : i32
        %lt3A_90 = arith.cmpi slt, %sub3A_88, %lt3A_89 : i32
        %convert_element_type3A_91 = arith.extui %lt3A_90 : i1 to i32
        %cond3A_92 = arith.constant 0 : i32
        %cond3A_93 = arith.cmpi ne, %convert_element_type3A_91, %cond3A_92 : i32
        scf.if %cond3A_93 {
          %gt3A = arith.constant 0 : i32
          %gt3A_94 = arith.cmpi sgt, %add3A_57, %gt3A : i32
          %convert_element_type3A_95 = arith.extui %gt3A_94 : i1 to i32
          %cond3A_96 = arith.constant 0 : i32
          %cond3A_97 = arith.cmpi ne, %convert_element_type3A_95, %cond3A_96 : i32
          scf.if %cond3A_97 {
            %dma_wait3A_108 = arith.constant 0 : i32
            %dma_wait3A_109 = arith.constant 0 : i32
            %dma_wait3A_110 = tpu.memref_slice %arg8[%dma_wait3A_108, %dma_wait3A_109] : memref<79x128xi32, #tpu.memory_space<vmem>> -> memref<1x128xi32, #tpu.memory_space<vmem>>
            %dma_wait3A_111 = tpu.memref_squeeze %dma_wait3A_110 : memref<1x128xi32, #tpu.memory_space<vmem>> -> memref<128xi32, #tpu.memory_space<vmem>>
            %dma_wait3A_112 = arith.constant 0 : i32
            %dma_wait3A_113 = arith.constant 0 : i32
            %dma_wait3A_114 = tpu.memref_slice %arg13[%dma_wait3A_112, %dma_wait3A_113] : memref<10112x64xf32, #tpu.memory_space<vmem_shared>> -> memref<10112x64xf32, #tpu.memory_space<vmem_shared>>
            tpu.wait_indirect_dma semaphore(%arg19 : memref<!tpu.dma_semaphore, #tpu.memory_space<semaphore_mem>>) src(%arg11 : memref<128x64xf32, #tpu.memory_space<vmem>>) dst(%dma_wait3A_114 : memref<10112x64xf32, #tpu.memory_space<vmem_shared>>)
          } else {
          }
          %add3A_98 = arith.constant 3 : i32
          %add3A_99 = arith.addi %add3A_57, %add3A_98 : i32
          %sub3A_100 = arith.constant 1 : i32
          %sub3A_101 = arith.subi %add3A_99, %sub3A_100 : i32
          %dma_start3A_102 = arith.constant 0 : i32
          %dma_start3A_103 = tpu.memref_slice %arg7[%sub3A_101, %dma_start3A_102] : memref<79x128xi32, #tpu.memory_space<vmem>> -> memref<1x128xi32, #tpu.memory_space<vmem>>
          %dma_start3A_104 = tpu.memref_squeeze %dma_start3A_103 : memref<1x128xi32, #tpu.memory_space<vmem>> -> memref<128xi32, #tpu.memory_space<vmem>>
          %dma_start3A_105 = arith.constant 0 : i32
          %dma_start3A_106 = arith.constant 0 : i32
          %dma_start3A_107 = tpu.memref_slice %arg12[%dma_start3A_105, %dma_start3A_106] : memref<10112x64xf32, #tpu.memory_space<vmem_shared>> -> memref<10112x64xf32, #tpu.memory_space<vmem_shared>>
          tpu.enqueue_indirect_dma source(%dma_start3A_107 : memref<10112x64xf32, #tpu.memory_space<vmem_shared>>) target(%arg11 : memref<128x64xf32, #tpu.memory_space<vmem>>) offsets(%dma_start3A_104 : memref<128xi32, #tpu.memory_space<vmem>>) semaphore(%arg16 : memref<!tpu.dma_semaphore, #tpu.memory_space<semaphore_mem>>)
        } else {
        }
      } else {
      }
      %add3A_60 = arith.constant 1 : i32
      %add3A_61 = arith.addi %mul3A_55, %add3A_60 : i32
      %lt3A_62 = arith.constant 79 : i32
      %lt3A_63 = arith.cmpi slt, %add3A_61, %lt3A_62 : i32
      %convert_element_type3A_64 = arith.extui %lt3A_63 : i1 to i32
      %cond3A_65 = arith.constant 0 : i32
      %cond3A_66 = arith.cmpi ne, %convert_element_type3A_64, %cond3A_65 : i32
      scf.if %cond3A_66 {
        %dma_wait3A_74 = arith.constant 0 : i32
        %dma_wait3A_75 = tpu.memref_slice %arg7[%add3A_61, %dma_wait3A_74] : memref<79x128xi32, #tpu.memory_space<vmem>> -> memref<1x128xi32, #tpu.memory_space<vmem>>
        %dma_wait3A_76 = tpu.memref_squeeze %dma_wait3A_75 : memref<1x128xi32, #tpu.memory_space<vmem>> -> memref<128xi32, #tpu.memory_space<vmem>>
        %dma_wait3A_77 = arith.constant 0 : i32
        %dma_wait3A_78 = arith.constant 0 : i32
        %dma_wait3A_79 = tpu.memref_slice %arg12[%dma_wait3A_77, %dma_wait3A_78] : memref<10112x64xf32, #tpu.memory_space<vmem_shared>> -> memref<10112x64xf32, #tpu.memory_space<vmem_shared>>
        tpu.wait_indirect_dma semaphore(%arg15 : memref<!tpu.dma_semaphore, #tpu.memory_space<semaphore_mem>>) src(%dma_wait3A_79 : memref<10112x64xf32, #tpu.memory_space<vmem_shared>>) dst(%arg10 : memref<128x64xf32, #tpu.memory_space<vmem>>)
        %dma_start3A_80 = arith.constant 0 : i32
        %dma_start3A_81 = tpu.memref_slice %arg8[%add3A_61, %dma_start3A_80] : memref<79x128xi32, #tpu.memory_space<vmem>> -> memref<1x128xi32, #tpu.memory_space<vmem>>
        %dma_start3A_82 = tpu.memref_squeeze %dma_start3A_81 : memref<1x128xi32, #tpu.memory_space<vmem>> -> memref<128xi32, #tpu.memory_space<vmem>>
        %dma_start3A_83 = arith.constant 0 : i32
        %dma_start3A_84 = arith.constant 0 : i32
        %dma_start3A_85 = tpu.memref_slice %arg13[%dma_start3A_83, %dma_start3A_84] : memref<10112x64xf32, #tpu.memory_space<vmem_shared>> -> memref<10112x64xf32, #tpu.memory_space<vmem_shared>>
        tpu.enqueue_indirect_dma source(%arg10 : memref<128x64xf32, #tpu.memory_space<vmem>>) target(%dma_start3A_85 : memref<10112x64xf32, #tpu.memory_space<vmem_shared>>) offsets(%dma_start3A_82 : memref<128xi32, #tpu.memory_space<vmem>>) semaphore(%arg18 : memref<!tpu.dma_semaphore, #tpu.memory_space<semaphore_mem>>) {add = true}
        %add3A_86 = arith.constant 3 : i32
        %add3A_87 = arith.addi %add3A_61, %add3A_86 : i32
        %sub3A = arith.constant 1 : i32
        %sub3A_88 = arith.subi %add3A_87, %sub3A : i32
        %lt3A_89 = arith.constant 79 : i32
        %lt3A_90 = arith.cmpi slt, %sub3A_88, %lt3A_89 : i32
        %convert_element_type3A_91 = arith.extui %lt3A_90 : i1 to i32
        %cond3A_92 = arith.constant 0 : i32
        %cond3A_93 = arith.cmpi ne, %convert_element_type3A_91, %cond3A_92 : i32
        scf.if %cond3A_93 {
          %gt3A = arith.constant 0 : i32
          %gt3A_94 = arith.cmpi sgt, %add3A_61, %gt3A : i32
          %convert_element_type3A_95 = arith.extui %gt3A_94 : i1 to i32
          %cond3A_96 = arith.constant 0 : i32
          %cond3A_97 = arith.cmpi ne, %convert_element_type3A_95, %cond3A_96 : i32
          scf.if %cond3A_97 {
            %dma_wait3A_108 = arith.constant 0 : i32
            %dma_wait3A_109 = arith.constant 0 : i32
            %dma_wait3A_110 = tpu.memref_slice %arg8[%dma_wait3A_108, %dma_wait3A_109] : memref<79x128xi32, #tpu.memory_space<vmem>> -> memref<1x128xi32, #tpu.memory_space<vmem>>
            %dma_wait3A_111 = tpu.memref_squeeze %dma_wait3A_110 : memref<1x128xi32, #tpu.memory_space<vmem>> -> memref<128xi32, #tpu.memory_space<vmem>>
            %dma_wait3A_112 = arith.constant 0 : i32
            %dma_wait3A_113 = arith.constant 0 : i32
            %dma_wait3A_114 = tpu.memref_slice %arg13[%dma_wait3A_112, %dma_wait3A_113] : memref<10112x64xf32, #tpu.memory_space<vmem_shared>> -> memref<10112x64xf32, #tpu.memory_space<vmem_shared>>
            tpu.wait_indirect_dma semaphore(%arg17 : memref<!tpu.dma_semaphore, #tpu.memory_space<semaphore_mem>>) src(%arg9 : memref<128x64xf32, #tpu.memory_space<vmem>>) dst(%dma_wait3A_114 : memref<10112x64xf32, #tpu.memory_space<vmem_shared>>)
          } else {
          }
          %add3A_98 = arith.constant 3 : i32
          %add3A_99 = arith.addi %add3A_61, %add3A_98 : i32
          %sub3A_100 = arith.constant 1 : i32
          %sub3A_101 = arith.subi %add3A_99, %sub3A_100 : i32
          %dma_start3A_102 = arith.constant 0 : i32
          %dma_start3A_103 = tpu.memref_slice %arg7[%sub3A_101, %dma_start3A_102] : memref<79x128xi32, #tpu.memory_space<vmem>> -> memref<1x128xi32, #tpu.memory_space<vmem>>
          %dma_start3A_104 = tpu.memref_squeeze %dma_start3A_103 : memref<1x128xi32, #tpu.memory_space<vmem>> -> memref<128xi32, #tpu.memory_space<vmem>>
          %dma_start3A_105 = arith.constant 0 : i32
          %dma_start3A_106 = arith.constant 0 : i32
          %dma_start3A_107 = tpu.memref_slice %arg12[%dma_start3A_105, %dma_start3A_106] : memref<10112x64xf32, #tpu.memory_space<vmem_shared>> -> memref<10112x64xf32, #tpu.memory_space<vmem_shared>>
          tpu.enqueue_indirect_dma source(%dma_start3A_107 : memref<10112x64xf32, #tpu.memory_space<vmem_shared>>) target(%arg9 : memref<128x64xf32, #tpu.memory_space<vmem>>) offsets(%dma_start3A_104 : memref<128xi32, #tpu.memory_space<vmem>>) semaphore(%arg14 : memref<!tpu.dma_semaphore, #tpu.memory_space<semaphore_mem>>)
        } else {
        }
      } else {
      }
      %add3A_67 = arith.constant 2 : i32
      %add3A_68 = arith.addi %mul3A_55, %add3A_67 : i32
      %lt3A_69 = arith.constant 79 : i32
      %lt3A_70 = arith.cmpi slt, %add3A_68, %lt3A_69 : i32
      %convert_element_type3A_71 = arith.extui %lt3A_70 : i1 to i32
      %cond3A_72 = arith.constant 0 : i32
      %cond3A_73 = arith.cmpi ne, %convert_element_type3A_71, %cond3A_72 : i32
      scf.if %cond3A_73 {
        %dma_wait3A_74 = arith.constant 0 : i32
        %dma_wait3A_75 = tpu.memref_slice %arg7[%add3A_68, %dma_wait3A_74] : memref<79x128xi32, #tpu.memory_space<vmem>> -> memref<1x128xi32, #tpu.memory_space<vmem>>
        %dma_wait3A_76 = tpu.memref_squeeze %dma_wait3A_75 : memref<1x128xi32, #tpu.memory_space<vmem>> -> memref<128xi32, #tpu.memory_space<vmem>>
        %dma_wait3A_77 = arith.constant 0 : i32
        %dma_wait3A_78 = arith.constant 0 : i32
        %dma_wait3A_79 = tpu.memref_slice %arg12[%dma_wait3A_77, %dma_wait3A_78] : memref<10112x64xf32, #tpu.memory_space<vmem_shared>> -> memref<10112x64xf32, #tpu.memory_space<vmem_shared>>
        tpu.wait_indirect_dma semaphore(%arg16 : memref<!tpu.dma_semaphore, #tpu.memory_space<semaphore_mem>>) src(%dma_wait3A_79 : memref<10112x64xf32, #tpu.memory_space<vmem_shared>>) dst(%arg11 : memref<128x64xf32, #tpu.memory_space<vmem>>)
        %dma_start3A_80 = arith.constant 0 : i32
        %dma_start3A_81 = tpu.memref_slice %arg8[%add3A_68, %dma_start3A_80] : memref<79x128xi32, #tpu.memory_space<vmem>> -> memref<1x128xi32, #tpu.memory_space<vmem>>
        %dma_start3A_82 = tpu.memref_squeeze %dma_start3A_81 : memref<1x128xi32, #tpu.memory_space<vmem>> -> memref<128xi32, #tpu.memory_space<vmem>>
        %dma_start3A_83 = arith.constant 0 : i32
        %dma_start3A_84 = arith.constant 0 : i32
        %dma_start3A_85 = tpu.memref_slice %arg13[%dma_start3A_83, %dma_start3A_84] : memref<10112x64xf32, #tpu.memory_space<vmem_shared>> -> memref<10112x64xf32, #tpu.memory_space<vmem_shared>>
        tpu.enqueue_indirect_dma source(%arg11 : memref<128x64xf32, #tpu.memory_space<vmem>>) target(%dma_start3A_85 : memref<10112x64xf32, #tpu.memory_space<vmem_shared>>) offsets(%dma_start3A_82 : memref<128xi32, #tpu.memory_space<vmem>>) semaphore(%arg19 : memref<!tpu.dma_semaphore, #tpu.memory_space<semaphore_mem>>) {add = true}
        %add3A_86 = arith.constant 3 : i32
        %add3A_87 = arith.addi %add3A_68, %add3A_86 : i32
        %sub3A = arith.constant 1 : i32
        %sub3A_88 = arith.subi %add3A_87, %sub3A : i32
        %lt3A_89 = arith.constant 79 : i32
        %lt3A_90 = arith.cmpi slt, %sub3A_88, %lt3A_89 : i32
        %convert_element_type3A_91 = arith.extui %lt3A_90 : i1 to i32
        %cond3A_92 = arith.constant 0 : i32
        %cond3A_93 = arith.cmpi ne, %convert_element_type3A_91, %cond3A_92 : i32
        scf.if %cond3A_93 {
          %gt3A = arith.constant 0 : i32
          %gt3A_94 = arith.cmpi sgt, %add3A_68, %gt3A : i32
          %convert_element_type3A_95 = arith.extui %gt3A_94 : i1 to i32
          %cond3A_96 = arith.constant 0 : i32
          %cond3A_97 = arith.cmpi ne, %convert_element_type3A_95, %cond3A_96 : i32
          scf.if %cond3A_97 {
            %dma_wait3A_108 = arith.constant 0 : i32
            %dma_wait3A_109 = arith.constant 0 : i32
            %dma_wait3A_110 = tpu.memref_slice %arg8[%dma_wait3A_108, %dma_wait3A_109] : memref<79x128xi32, #tpu.memory_space<vmem>> -> memref<1x128xi32, #tpu.memory_space<vmem>>
            %dma_wait3A_111 = tpu.memref_squeeze %dma_wait3A_110 : memref<1x128xi32, #tpu.memory_space<vmem>> -> memref<128xi32, #tpu.memory_space<vmem>>
            %dma_wait3A_112 = arith.constant 0 : i32
            %dma_wait3A_113 = arith.constant 0 : i32
            %dma_wait3A_114 = tpu.memref_slice %arg13[%dma_wait3A_112, %dma_wait3A_113] : memref<10112x64xf32, #tpu.memory_space<vmem_shared>> -> memref<10112x64xf32, #tpu.memory_space<vmem_shared>>
            tpu.wait_indirect_dma semaphore(%arg18 : memref<!tpu.dma_semaphore, #tpu.memory_space<semaphore_mem>>) src(%arg10 : memref<128x64xf32, #tpu.memory_space<vmem>>) dst(%dma_wait3A_114 : memref<10112x64xf32, #tpu.memory_space<vmem_shared>>)
          } else {
          }
          %add3A_98 = arith.constant 3 : i32
          %add3A_99 = arith.addi %add3A_68, %add3A_98 : i32
          %sub3A_100 = arith.constant 1 : i32
          %sub3A_101 = arith.subi %add3A_99, %sub3A_100 : i32
          %dma_start3A_102 = arith.constant 0 : i32
          %dma_start3A_103 = tpu.memref_slice %arg7[%sub3A_101, %dma_start3A_102] : memref<79x128xi32, #tpu.memory_space<vmem>> -> memref<1x128xi32, #tpu.memory_space<vmem>>
          %dma_start3A_104 = tpu.memref_squeeze %dma_start3A_103 : memref<1x128xi32, #tpu.memory_space<vmem>> -> memref<128xi32, #tpu.memory_space<vmem>>
          %dma_start3A_105 = arith.constant 0 : i32
          %dma_start3A_106 = arith.constant 0 : i32
          %dma_start3A_107 = tpu.memref_slice %arg12[%dma_start3A_105, %dma_start3A_106] : memref<10112x64xf32, #tpu.memory_space<vmem_shared>> -> memref<10112x64xf32, #tpu.memory_space<vmem_shared>>
          tpu.enqueue_indirect_dma source(%dma_start3A_107 : memref<10112x64xf32, #tpu.memory_space<vmem_shared>>) target(%arg10 : memref<128x64xf32, #tpu.memory_space<vmem>>) offsets(%dma_start3A_104 : memref<128xi32, #tpu.memory_space<vmem>>) semaphore(%arg15 : memref<!tpu.dma_semaphore, #tpu.memory_space<semaphore_mem>>)
        } else {
        }
      } else {
      }
    }
    %scan3A_26 = arith.constant 27 : i32
    %dma_wait3A = arith.constant 0 : i32
    %dma_wait3A_27 = arith.constant 0 : i32
    %dma_wait3A_28 = tpu.memref_slice %arg8[%dma_wait3A, %dma_wait3A_27] : memref<79x128xi32, #tpu.memory_space<vmem>> -> memref<1x128xi32, #tpu.memory_space<vmem>>
    %dma_wait3A_29 = tpu.memref_squeeze %dma_wait3A_28 : memref<1x128xi32, #tpu.memory_space<vmem>> -> memref<128xi32, #tpu.memory_space<vmem>>
    %dma_wait3A_30 = arith.constant 0 : i32
    %dma_wait3A_31 = arith.constant 0 : i32
    %dma_wait3A_32 = tpu.memref_slice %arg13[%dma_wait3A_30, %dma_wait3A_31] : memref<10112x64xf32, #tpu.memory_space<vmem_shared>> -> memref<10112x64xf32, #tpu.memory_space<vmem_shared>>
    tpu.wait_indirect_dma semaphore(%arg17 : memref<!tpu.dma_semaphore, #tpu.memory_space<semaphore_mem>>) src(%arg9 : memref<128x64xf32, #tpu.memory_space<vmem>>) dst(%dma_wait3A_32 : memref<10112x64xf32, #tpu.memory_space<vmem_shared>>)
    %dma_wait3A_33 = arith.constant 0 : i32
    %dma_wait3A_34 = arith.constant 0 : i32
    %dma_wait3A_35 = tpu.memref_slice %arg8[%dma_wait3A_33, %dma_wait3A_34] : memref<79x128xi32, #tpu.memory_space<vmem>> -> memref<1x128xi32, #tpu.memory_space<vmem>>
    %dma_wait3A_36 = tpu.memref_squeeze %dma_wait3A_35 : memref<1x128xi32, #tpu.memory_space<vmem>> -> memref<128xi32, #tpu.memory_space<vmem>>
    %dma_wait3A_37 = arith.constant 0 : i32
    %dma_wait3A_38 = arith.constant 0 : i32
    %dma_wait3A_39 = tpu.memref_slice %arg13[%dma_wait3A_37, %dma_wait3A_38] : memref<10112x64xf32, #tpu.memory_space<vmem_shared>> -> memref<10112x64xf32, #tpu.memory_space<vmem_shared>>
    tpu.wait_indirect_dma semaphore(%arg18 : memref<!tpu.dma_semaphore, #tpu.memory_space<semaphore_mem>>) src(%arg10 : memref<128x64xf32, #tpu.memory_space<vmem>>) dst(%dma_wait3A_39 : memref<10112x64xf32, #tpu.memory_space<vmem_shared>>)
    %dma_wait3A_40 = arith.constant 0 : i32
    %dma_wait3A_41 = arith.constant 0 : i32
    %dma_wait3A_42 = tpu.memref_slice %arg8[%dma_wait3A_40, %dma_wait3A_41] : memref<79x128xi32, #tpu.memory_space<vmem>> -> memref<1x128xi32, #tpu.memory_space<vmem>>
    %dma_wait3A_43 = tpu.memref_squeeze %dma_wait3A_42 : memref<1x128xi32, #tpu.memory_space<vmem>> -> memref<128xi32, #tpu.memory_space<vmem>>
    %dma_wait3A_44 = arith.constant 0 : i32
    %dma_wait3A_45 = arith.constant 0 : i32
    %dma_wait3A_46 = tpu.memref_slice %arg13[%dma_wait3A_44, %dma_wait3A_45] : memref<10112x64xf32, #tpu.memory_space<vmem_shared>> -> memref<10112x64xf32, #tpu.memory_space<vmem_shared>>
    tpu.wait_indirect_dma semaphore(%arg19 : memref<!tpu.dma_semaphore, #tpu.memory_space<semaphore_mem>>) src(%arg11 : memref<128x64xf32, #tpu.memory_space<vmem>>) dst(%dma_wait3A_46 : memref<10112x64xf32, #tpu.memory_space<vmem_shared>>)
    %barrier3A_47 = arith.constant 0 : index
    tpu.barrier barrier_id(%barrier3A_47)
    %mul3A_48 = arith.constant 632 : i32
    %mul3A_49 = arith.muli %arg1, %mul3A_48 : i32
    %mul3A_50 = arith.constant 632 : i32
    %mul3A_51 = arith.muli %arg1, %mul3A_50 : i32
    %run_scoped3A_52 = arith.constant 0 : i32
    "tpu.region"() ({
      %run_scoped3A_53 = tpu.sem_alloc : memref<!tpu.dma_semaphore, #tpu.memory_space<semaphore_mem>>
      %dma_start3A_54 = arith.constant 0 : i32
      %dma_start3A_55 = tpu.memref_slice %arg6[%arg0, %run_scoped3A_52, %mul3A_51, %dma_start3A_54] : memref<2x1x10112x64xf32, #tpu.memory_space<hbm>> -> memref<1x1x632x64xf32, #tpu.memory_space<hbm>>
      %dma_start3A_56 = tpu.memref_squeeze %dma_start3A_55 : memref<1x1x632x64xf32, #tpu.memory_space<hbm>> -> memref<632x64xf32, #tpu.memory_space<hbm>>
      %dma_start3A_57 = arith.constant 0 : i32
      %dma_start3A_58 = tpu.memref_slice %arg13[%mul3A_49, %dma_start3A_57] : memref<10112x64xf32, #tpu.memory_space<vmem_shared>> -> memref<632x64xf32, #tpu.memory_space<vmem_shared>>
      tpu.enqueue_dma source(%dma_start3A_58 : memref<632x64xf32, #tpu.memory_space<vmem_shared>>) target(%dma_start3A_56 : memref<632x64xf32, #tpu.memory_space<hbm>>) target_semaphore(%run_scoped3A_53 : memref<!tpu.dma_semaphore, #tpu.memory_space<semaphore_mem>>)
      %dma_wait3A_59 = arith.constant 0 : i32
      %dma_wait3A_60 = tpu.memref_slice %arg6[%arg0, %run_scoped3A_52, %mul3A_51, %dma_wait3A_59] : memref<2x1x10112x64xf32, #tpu.memory_space<hbm>> -> memref<1x1x632x64xf32, #tpu.memory_space<hbm>>
      %dma_wait3A_61 = tpu.memref_squeeze %dma_wait3A_60 : memref<1x1x632x64xf32, #tpu.memory_space<hbm>> -> memref<632x64xf32, #tpu.memory_space<hbm>>
      %dma_wait3A_62 = arith.constant 0 : i32
      %dma_wait3A_63 = tpu.memref_slice %arg13[%mul3A_49, %dma_wait3A_62] : memref<10112x64xf32, #tpu.memory_space<vmem_shared>> -> memref<632x64xf32, #tpu.memory_space<vmem_shared>>
      tpu.wait_dma2 semaphore(%run_scoped3A_53 : memref<!tpu.dma_semaphore, #tpu.memory_space<semaphore_mem>>) src(%dma_wait3A_63 : memref<632x64xf32, #tpu.memory_space<vmem_shared>>) dst(%dma_wait3A_61 : memref<632x64xf32, #tpu.memory_space<hbm>>)
      tpu.yield
    }) : () -> ()
    return
  }
}

#map = affine_map<(d0, d1) -> (0, 0, 0)>
#map1 = affine_map<(d0, d1) -> (0, 0)>
#map2 = affine_map<(d0, d1) -> (0, 0, 0, 0)>
module attributes {stable_mosaic.version = 14 : i64} {
  func.func @seg(%arg0: i32, %arg1: i32, %arg2: memref<1x10112x64xf32, #tpu.memory_space<hbm>>, %arg3: memref<32x79x128xi32, #tpu.memory_space<hbm>>, %arg4: memref<32x79x128xi32, #tpu.memory_space<hbm>>, %arg5: memref<10112x64xf32, #tpu.memory_space<hbm>>, %arg6: memref<2x1x10112x64xf32, #tpu.memory_space<hbm>>, %arg7: memref<79x128xi32, #tpu.memory_space<vmem>>, %arg8: memref<79x128xi32, #tpu.memory_space<vmem>>, %arg9: memref<128x64xf32, #tpu.memory_space<vmem>>, %arg10: memref<128x64xf32, #tpu.memory_space<vmem>>, %arg11: memref<128x64xf32, #tpu.memory_space<vmem>>, %arg12: memref<10112x64xf32, #tpu.memory_space<vmem_shared>>, %arg13: memref<10112x64xf32, #tpu.memory_space<vmem_shared>>, %arg14: memref<!tpu.dma_semaphore, #tpu.memory_space<semaphore_mem>>, %arg15: memref<!tpu.dma_semaphore, #tpu.memory_space<semaphore_mem>>, %arg16: memref<!tpu.dma_semaphore, #tpu.memory_space<semaphore_mem>>, %arg17: memref<!tpu.dma_semaphore, #tpu.memory_space<semaphore_mem>>, %arg18: memref<!tpu.dma_semaphore, #tpu.memory_space<semaphore_mem>>, %arg19: memref<!tpu.dma_semaphore, #tpu.memory_space<semaphore_mem>>) attributes {dimension_semantics = [#tpu.dimension_semantics<core_parallel>, #tpu.dimension_semantics<subcore_parallel>], iteration_bounds = array<i64: 2, 16>, scalar_prefetch = 0 : i64, scratch_operands = 13 : i64, tpu.core_type = #tpu.core_type<sc_vector_subcore>, window_params = [{transform_indices = #map}, {transform_indices = #map}, {transform_indices = #map}, {transform_indices = #map1}, {transform_indices = #map2}]} {
    %mul3A = arith.constant 16 : i32
    %mul3A_0 = arith.muli %arg0, %mul3A : i32
    %add3A = arith.addi %mul3A_0, %arg1 : i32
    "tpu.region"() ({
      %run_scoped3A_53 = tpu.sem_alloc : memref<!tpu.dma_semaphore, #tpu.memory_space<semaphore_mem>>
      %dma_start3A_54 = arith.constant 0 : i32
      %dma_start3A_55 = arith.constant 0 : i32
      %dma_start3A_56 = tpu.memref_slice %arg3[%add3A, %dma_start3A_54, %dma_start3A_55] : memref<32x79x128xi32, #tpu.memory_space<hbm>> -> memref<1x79x128xi32, #tpu.memory_space<hbm>>
      %dma_start3A_57 = tpu.memref_squeeze %dma_start3A_56 : memref<1x79x128xi32, #tpu.memory_space<hbm>> -> memref<79x128xi32, #tpu.memory_space<hbm>>
      %dma_start3A_58 = arith.constant 0 : i32
      %dma_start3A_59 = arith.constant 0 : i32
      %dma_start3A_60 = tpu.memref_slice %arg3[%add3A, %dma_start3A_58, %dma_start3A_59] : memref<32x79x128xi32, #tpu.memory_space<hbm>> -> memref<1x79x128xi32, #tpu.memory_space<hbm>>
      %dma_start3A_61 = tpu.memref_squeeze %dma_start3A_60 : memref<1x79x128xi32, #tpu.memory_space<hbm>> -> memref<79x128xi32, #tpu.memory_space<hbm>>
      tpu.enqueue_dma source(%dma_start3A_61 : memref<79x128xi32, #tpu.memory_space<hbm>>) target(%arg7 : memref<79x128xi32, #tpu.memory_space<vmem>>) target_semaphore(%run_scoped3A_53 : memref<!tpu.dma_semaphore, #tpu.memory_space<semaphore_mem>>)
      %dma_wait3A_62 = arith.constant 0 : i32
      %dma_wait3A_63 = arith.constant 0 : i32
      %dma_wait3A_64 = tpu.memref_slice %arg3[%add3A, %dma_wait3A_62, %dma_wait3A_63] : memref<32x79x128xi32, #tpu.memory_space<hbm>> -> memref<1x79x128xi32, #tpu.memory_space<hbm>>
      %dma_wait3A_65 = tpu.memref_squeeze %dma_wait3A_64 : memref<1x79x128xi32, #tpu.memory_space<hbm>> -> memref<79x128xi32, #tpu.memory_space<hbm>>
      %dma_wait3A_66 = arith.constant 0 : i32
      %dma_wait3A_67 = arith.constant 0 : i32
      %dma_wait3A_68 = tpu.memref_slice %arg3[%add3A, %dma_wait3A_66, %dma_wait3A_67] : memref<32x79x128xi32, #tpu.memory_space<hbm>> -> memref<1x79x128xi32, #tpu.memory_space<hbm>>
      %dma_wait3A_69 = tpu.memref_squeeze %dma_wait3A_68 : memref<1x79x128xi32, #tpu.memory_space<hbm>> -> memref<79x128xi32, #tpu.memory_space<hbm>>
      tpu.wait_dma2 semaphore(%run_scoped3A_53 : memref<!tpu.dma_semaphore, #tpu.memory_space<semaphore_mem>>) src(%dma_wait3A_69 : memref<79x128xi32, #tpu.memory_space<hbm>>) dst(%arg7 : memref<79x128xi32, #tpu.memory_space<vmem>>)
      tpu.yield
    }) : () -> ()
    "tpu.region"() ({
      %run_scoped3A_53 = tpu.sem_alloc : memref<!tpu.dma_semaphore, #tpu.memory_space<semaphore_mem>>
      %dma_start3A_54 = arith.constant 0 : i32
      %dma_start3A_55 = arith.constant 0 : i32
      %dma_start3A_56 = tpu.memref_slice %arg4[%add3A, %dma_start3A_54, %dma_start3A_55] : memref<32x79x128xi32, #tpu.memory_space<hbm>> -> memref<1x79x128xi32, #tpu.memory_space<hbm>>
      %dma_start3A_57 = tpu.memref_squeeze %dma_start3A_56 : memref<1x79x128xi32, #tpu.memory_space<hbm>> -> memref<79x128xi32, #tpu.memory_space<hbm>>
      %dma_start3A_58 = arith.constant 0 : i32
      %dma_start3A_59 = arith.constant 0 : i32
      %dma_start3A_60 = tpu.memref_slice %arg4[%add3A, %dma_start3A_58, %dma_start3A_59] : memref<32x79x128xi32, #tpu.memory_space<hbm>> -> memref<1x79x128xi32, #tpu.memory_space<hbm>>
      %dma_start3A_61 = tpu.memref_squeeze %dma_start3A_60 : memref<1x79x128xi32, #tpu.memory_space<hbm>> -> memref<79x128xi32, #tpu.memory_space<hbm>>
      tpu.enqueue_dma source(%dma_start3A_61 : memref<79x128xi32, #tpu.memory_space<hbm>>) target(%arg8 : memref<79x128xi32, #tpu.memory_space<vmem>>) target_semaphore(%run_scoped3A_53 : memref<!tpu.dma_semaphore, #tpu.memory_space<semaphore_mem>>)
      %dma_wait3A_62 = arith.constant 0 : i32
      %dma_wait3A_63 = arith.constant 0 : i32
      %dma_wait3A_64 = tpu.memref_slice %arg4[%add3A, %dma_wait3A_62, %dma_wait3A_63] : memref<32x79x128xi32, #tpu.memory_space<hbm>> -> memref<1x79x128xi32, #tpu.memory_space<hbm>>
      %dma_wait3A_65 = tpu.memref_squeeze %dma_wait3A_64 : memref<1x79x128xi32, #tpu.memory_space<hbm>> -> memref<79x128xi32, #tpu.memory_space<hbm>>
      %dma_wait3A_66 = arith.constant 0 : i32
      %dma_wait3A_67 = arith.constant 0 : i32
      %dma_wait3A_68 = tpu.memref_slice %arg4[%add3A, %dma_wait3A_66, %dma_wait3A_67] : memref<32x79x128xi32, #tpu.memory_space<hbm>> -> memref<1x79x128xi32, #tpu.memory_space<hbm>>
      %dma_wait3A_69 = tpu.memref_squeeze %dma_wait3A_68 : memref<1x79x128xi32, #tpu.memory_space<hbm>> -> memref<79x128xi32, #tpu.memory_space<hbm>>
      tpu.wait_dma2 semaphore(%run_scoped3A_53 : memref<!tpu.dma_semaphore, #tpu.memory_space<semaphore_mem>>) src(%dma_wait3A_69 : memref<79x128xi32, #tpu.memory_space<hbm>>) dst(%arg8 : memref<79x128xi32, #tpu.memory_space<vmem>>)
      tpu.yield
    }) : () -> ()
    %mul3A_1 = arith.constant 632 : i32
    %mul3A_2 = arith.muli %arg1, %mul3A_1 : i32
    %mul3A_3 = arith.constant 632 : i32
    %mul3A_4 = arith.muli %arg1, %mul3A_3 : i32
    %run_scoped3A = arith.constant 0 : i32
    "tpu.region"() ({
      %run_scoped3A_53 = tpu.sem_alloc : memref<!tpu.dma_semaphore, #tpu.memory_space<semaphore_mem>>
      %dma_start3A_54 = arith.constant 0 : i32
      %dma_start3A_55 = tpu.memref_slice %arg12[%mul3A_4, %dma_start3A_54] : memref<10112x64xf32, #tpu.memory_space<vmem_shared>> -> memref<632x64xf32, #tpu.memory_space<vmem_shared>>
      %dma_start3A_56 = arith.constant 0 : i32
      %dma_start3A_57 = tpu.memref_slice %arg2[%run_scoped3A, %mul3A_2, %dma_start3A_56] : memref<1x10112x64xf32, #tpu.memory_space<hbm>> -> memref<1x632x64xf32, #tpu.memory_space<hbm>>
      %dma_start3A_58 = tpu.memref_squeeze %dma_start3A_57 : memref<1x632x64xf32, #tpu.memory_space<hbm>> -> memref<632x64xf32, #tpu.memory_space<hbm>>
      tpu.enqueue_dma source(%dma_start3A_58 : memref<632x64xf32, #tpu.memory_space<hbm>>) target(%dma_start3A_55 : memref<632x64xf32, #tpu.memory_space<vmem_shared>>) target_semaphore(%run_scoped3A_53 : memref<!tpu.dma_semaphore, #tpu.memory_space<semaphore_mem>>)
      %dma_wait3A_59 = arith.constant 0 : i32
      %dma_wait3A_60 = tpu.memref_slice %arg12[%mul3A_4, %dma_wait3A_59] : memref<10112x64xf32, #tpu.memory_space<vmem_shared>> -> memref<632x64xf32, #tpu.memory_space<vmem_shared>>
      %dma_wait3A_61 = arith.constant 0 : i32
      %dma_wait3A_62 = tpu.memref_slice %arg2[%run_scoped3A, %mul3A_2, %dma_wait3A_61] : memref<1x10112x64xf32, #tpu.memory_space<hbm>> -> memref<1x632x64xf32, #tpu.memory_space<hbm>>
      %dma_wait3A_63 = tpu.memref_squeeze %dma_wait3A_62 : memref<1x632x64xf32, #tpu.memory_space<hbm>> -> memref<632x64xf32, #tpu.memory_space<hbm>>
      tpu.wait_dma2 semaphore(%run_scoped3A_53 : memref<!tpu.dma_semaphore, #tpu.memory_space<semaphore_mem>>) src(%dma_wait3A_63 : memref<632x64xf32, #tpu.memory_space<hbm>>) dst(%dma_wait3A_60 : memref<632x64xf32, #tpu.memory_space<vmem_shared>>)
      tpu.yield
    }) : () -> ()
    %mul3A_5 = arith.constant 632 : i32
    %mul3A_6 = arith.muli %arg1, %mul3A_5 : i32
    %mul3A_7 = arith.constant 632 : i32
    %mul3A_8 = arith.muli %arg1, %mul3A_7 : i32
    "tpu.region"() ({
      %run_scoped3A_53 = tpu.sem_alloc : memref<!tpu.dma_semaphore, #tpu.memory_space<semaphore_mem>>
      %dma_start3A_54 = arith.constant 0 : i32
      %dma_start3A_55 = tpu.memref_slice %arg13[%mul3A_8, %dma_start3A_54] : memref<10112x64xf32, #tpu.memory_space<vmem_shared>> -> memref<632x64xf32, #tpu.memory_space<vmem_shared>>
      %dma_start3A_56 = arith.constant 0 : i32
      %dma_start3A_57 = tpu.memref_slice %arg5[%mul3A_6, %dma_start3A_56] : memref<10112x64xf32, #tpu.memory_space<hbm>> -> memref<632x64xf32, #tpu.memory_space<hbm>>
      tpu.enqueue_dma source(%dma_start3A_57 : memref<632x64xf32, #tpu.memory_space<hbm>>) target(%dma_start3A_55 : memref<632x64xf32, #tpu.memory_space<vmem_shared>>) target_semaphore(%run_scoped3A_53 : memref<!tpu.dma_semaphore, #tpu.memory_space<semaphore_mem>>)
      %dma_wait3A_58 = arith.constant 0 : i32
      %dma_wait3A_59 = tpu.memref_slice %arg13[%mul3A_8, %dma_wait3A_58] : memref<10112x64xf32, #tpu.memory_space<vmem_shared>> -> memref<632x64xf32, #tpu.memory_space<vmem_shared>>
      %dma_wait3A_60 = arith.constant 0 : i32
      %dma_wait3A_61 = tpu.memref_slice %arg5[%mul3A_6, %dma_wait3A_60] : memref<10112x64xf32, #tpu.memory_space<hbm>> -> memref<632x64xf32, #tpu.memory_space<hbm>>
      tpu.wait_dma2 semaphore(%run_scoped3A_53 : memref<!tpu.dma_semaphore, #tpu.memory_space<semaphore_mem>>) src(%dma_wait3A_61 : memref<632x64xf32, #tpu.memory_space<hbm>>) dst(%dma_wait3A_59 : memref<632x64xf32, #tpu.memory_space<vmem_shared>>)
      tpu.yield
    }) : () -> ()
    %barrier3A = arith.constant 0 : index
    tpu.barrier barrier_id(%barrier3A)
    %dma_start3A = arith.constant 0 : i32
    %dma_start3A_9 = arith.constant 0 : i32
    %dma_start3A_10 = tpu.memref_slice %arg7[%dma_start3A, %dma_start3A_9] : memref<79x128xi32, #tpu.memory_space<vmem>> -> memref<1x128xi32, #tpu.memory_space<vmem>>
    %dma_start3A_11 = tpu.memref_squeeze %dma_start3A_10 : memref<1x128xi32, #tpu.memory_space<vmem>> -> memref<128xi32, #tpu.memory_space<vmem>>
    %dma_start3A_12 = arith.constant 0 : i32
    %dma_start3A_13 = arith.constant 0 : i32
    %dma_start3A_14 = tpu.memref_slice %arg12[%dma_start3A_12, %dma_start3A_13] : memref<10112x64xf32, #tpu.memory_space<vmem_shared>> -> memref<10112x64xf32, #tpu.memory_space<vmem_shared>>
    tpu.enqueue_indirect_dma source(%dma_start3A_14 : memref<10112x64xf32, #tpu.memory_space<vmem_shared>>) target(%arg9 : memref<128x64xf32, #tpu.memory_space<vmem>>) offsets(%dma_start3A_11 : memref<128xi32, #tpu.memory_space<vmem>>) semaphore(%arg14 : memref<!tpu.dma_semaphore, #tpu.memory_space<semaphore_mem>>)
    %dma_start3A_15 = arith.constant 1 : i32
    %dma_start3A_16 = arith.constant 0 : i32
    %dma_start3A_17 = tpu.memref_slice %arg7[%dma_start3A_15, %dma_start3A_16] : memref<79x128xi32, #tpu.memory_space<vmem>> -> memref<1x128xi32, #tpu.memory_space<vmem>>
    %dma_start3A_18 = tpu.memref_squeeze %dma_start3A_17 : memref<1x128xi32, #tpu.memory_space<vmem>> -> memref<128xi32, #tpu.memory_space<vmem>>
    %dma_start3A_19 = arith.constant 0 : i32
    %dma_start3A_20 = arith.constant 0 : i32
    %dma_start3A_21 = tpu.memref_slice %arg12[%dma_start3A_19, %dma_start3A_20] : memref<10112x64xf32, #tpu.memory_space<vmem_shared>> -> memref<10112x64xf32, #tpu.memory_space<vmem_shared>>
    tpu.enqueue_indirect_dma source(%dma_start3A_21 : memref<10112x64xf32, #tpu.memory_space<vmem_shared>>) target(%arg10 : memref<128x64xf32, #tpu.memory_space<vmem>>) offsets(%dma_start3A_18 : memref<128xi32, #tpu.memory_space<vmem>>) semaphore(%arg15 : memref<!tpu.dma_semaphore, #tpu.memory_space<semaphore_mem>>)
    %scan3A = arith.constant 0 : i32
    %scan3A_22 = arith.constant 0 : i32
    %scan3A_23 = arith.constant 27 : i32
    %scan3A_24 = arith.addi %scan3A_22, %scan3A_23 : i32
    %scan3A_25 = arith.constant 1 : i32
    scf.for %scan3A_53 = %scan3A_22 to %scan3A_24 step %scan3A_25  : i32 {
      %mul3A_54 = arith.constant 3 : i32
      %mul3A_55 = arith.muli %scan3A_53, %mul3A_54 : i32
      %add3A_56 = arith.constant 0 : i32
      %add3A_57 = arith.addi %mul3A_55, %add3A_56 : i32
      %lt3A = arith.constant 79 : i32
      %lt3A_58 = arith.cmpi slt, %add3A_57, %lt3A : i32
      %convert_element_type3A = arith.extui %lt3A_58 : i1 to i32
      %cond3A = arith.constant 0 : i32
      %cond3A_59 = arith.cmpi ne, %convert_element_type3A, %cond3A : i32
      scf.if %cond3A_59 {
        %dma_wait3A_74 = arith.constant 0 : i32
        %dma_wait3A_75 = tpu.memref_slice %arg7[%add3A_57, %dma_wait3A_74] : memref<79x128xi32, #tpu.memory_space<vmem>> -> memref<1x128xi32, #tpu.memory_space<vmem>>
        %dma_wait3A_76 = tpu.memref_squeeze %dma_wait3A_75 : memref<1x128xi32, #tpu.memory_space<vmem>> -> memref<128xi32, #tpu.memory_space<vmem>>
        %dma_wait3A_77 = arith.constant 0 : i32
        %dma_wait3A_78 = arith.constant 0 : i32
        %dma_wait3A_79 = tpu.memref_slice %arg12[%dma_wait3A_77, %dma_wait3A_78] : memref<10112x64xf32, #tpu.memory_space<vmem_shared>> -> memref<10112x64xf32, #tpu.memory_space<vmem_shared>>
        tpu.wait_indirect_dma semaphore(%arg14 : memref<!tpu.dma_semaphore, #tpu.memory_space<semaphore_mem>>) src(%dma_wait3A_79 : memref<10112x64xf32, #tpu.memory_space<vmem_shared>>) dst(%arg9 : memref<128x64xf32, #tpu.memory_space<vmem>>)
        %dma_start3A_80 = arith.constant 0 : i32
        %dma_start3A_81 = tpu.memref_slice %arg8[%add3A_57, %dma_start3A_80] : memref<79x128xi32, #tpu.memory_space<vmem>> -> memref<1x128xi32, #tpu.memory_space<vmem>>
        %dma_start3A_82 = tpu.memref_squeeze %dma_start3A_81 : memref<1x128xi32, #tpu.memory_space<vmem>> -> memref<128xi32, #tpu.memory_space<vmem>>
        %dma_start3A_83 = arith.constant 0 : i32
        %dma_start3A_84 = arith.constant 0 : i32
        %dma_start3A_85 = tpu.memref_slice %arg13[%dma_start3A_83, %dma_start3A_84] : memref<10112x64xf32, #tpu.memory_space<vmem_shared>> -> memref<10112x64xf32, #tpu.memory_space<vmem_shared>>
        tpu.enqueue_indirect_dma source(%arg9 : memref<128x64xf32, #tpu.memory_space<vmem>>) target(%dma_start3A_85 : memref<10112x64xf32, #tpu.memory_space<vmem_shared>>) offsets(%dma_start3A_82 : memref<128xi32, #tpu.memory_space<vmem>>) semaphore(%arg17 : memref<!tpu.dma_semaphore, #tpu.memory_space<semaphore_mem>>) {add = true}
        %add3A_86 = arith.constant 3 : i32
        %add3A_87 = arith.addi %add3A_57, %add3A_86 : i32
        %sub3A = arith.constant 1 : i32
        %sub3A_88 = arith.subi %add3A_87, %sub3A : i32
        %lt3A_89 = arith.constant 79 : i32
        %lt3A_90 = arith.cmpi slt, %sub3A_88, %lt3A_89 : i32
        %convert_element_type3A_91 = arith.extui %lt3A_90 : i1 to i32
        %cond3A_92 = arith.constant 0 : i32
        %cond3A_93 = arith.cmpi ne, %convert_element_type3A_91, %cond3A_92 : i32
        scf.if %cond3A_93 {
          %gt3A = arith.constant 0 : i32
          %gt3A_94 = arith.cmpi sgt, %add3A_57, %gt3A : i32
          %convert_element_type3A_95 = arith.extui %gt3A_94 : i1 to i32
          %cond3A_96 = arith.constant 0 : i32
          %cond3A_97 = arith.cmpi ne, %convert_element_type3A_95, %cond3A_96 : i32
          scf.if %cond3A_97 {
            %dma_wait3A_108 = arith.constant 0 : i32
            %dma_wait3A_109 = arith.constant 0 : i32
            %dma_wait3A_110 = tpu.memref_slice %arg8[%dma_wait3A_108, %dma_wait3A_109] : memref<79x128xi32, #tpu.memory_space<vmem>> -> memref<1x128xi32, #tpu.memory_space<vmem>>
            %dma_wait3A_111 = tpu.memref_squeeze %dma_wait3A_110 : memref<1x128xi32, #tpu.memory_space<vmem>> -> memref<128xi32, #tpu.memory_space<vmem>>
            %dma_wait3A_112 = arith.constant 0 : i32
            %dma_wait3A_113 = arith.constant 0 : i32
            %dma_wait3A_114 = tpu.memref_slice %arg13[%dma_wait3A_112, %dma_wait3A_113] : memref<10112x64xf32, #tpu.memory_space<vmem_shared>> -> memref<10112x64xf32, #tpu.memory_space<vmem_shared>>
            tpu.wait_indirect_dma semaphore(%arg19 : memref<!tpu.dma_semaphore, #tpu.memory_space<semaphore_mem>>) src(%arg11 : memref<128x64xf32, #tpu.memory_space<vmem>>) dst(%dma_wait3A_114 : memref<10112x64xf32, #tpu.memory_space<vmem_shared>>)
          } else {
          }
          %add3A_98 = arith.constant 3 : i32
          %add3A_99 = arith.addi %add3A_57, %add3A_98 : i32
          %sub3A_100 = arith.constant 1 : i32
          %sub3A_101 = arith.subi %add3A_99, %sub3A_100 : i32
          %dma_start3A_102 = arith.constant 0 : i32
          %dma_start3A_103 = tpu.memref_slice %arg7[%sub3A_101, %dma_start3A_102] : memref<79x128xi32, #tpu.memory_space<vmem>> -> memref<1x128xi32, #tpu.memory_space<vmem>>
          %dma_start3A_104 = tpu.memref_squeeze %dma_start3A_103 : memref<1x128xi32, #tpu.memory_space<vmem>> -> memref<128xi32, #tpu.memory_space<vmem>>
          %dma_start3A_105 = arith.constant 0 : i32
          %dma_start3A_106 = arith.constant 0 : i32
          %dma_start3A_107 = tpu.memref_slice %arg12[%dma_start3A_105, %dma_start3A_106] : memref<10112x64xf32, #tpu.memory_space<vmem_shared>> -> memref<10112x64xf32, #tpu.memory_space<vmem_shared>>
          tpu.enqueue_indirect_dma source(%dma_start3A_107 : memref<10112x64xf32, #tpu.memory_space<vmem_shared>>) target(%arg11 : memref<128x64xf32, #tpu.memory_space<vmem>>) offsets(%dma_start3A_104 : memref<128xi32, #tpu.memory_space<vmem>>) semaphore(%arg16 : memref<!tpu.dma_semaphore, #tpu.memory_space<semaphore_mem>>)
        } else {
        }
      } else {
      }
      %add3A_60 = arith.constant 1 : i32
      %add3A_61 = arith.addi %mul3A_55, %add3A_60 : i32
      %lt3A_62 = arith.constant 79 : i32
      %lt3A_63 = arith.cmpi slt, %add3A_61, %lt3A_62 : i32
      %convert_element_type3A_64 = arith.extui %lt3A_63 : i1 to i32
      %cond3A_65 = arith.constant 0 : i32
      %cond3A_66 = arith.cmpi ne, %convert_element_type3A_64, %cond3A_65 : i32
      scf.if %cond3A_66 {
        %dma_wait3A_74 = arith.constant 0 : i32
        %dma_wait3A_75 = tpu.memref_slice %arg7[%add3A_61, %dma_wait3A_74] : memref<79x128xi32, #tpu.memory_space<vmem>> -> memref<1x128xi32, #tpu.memory_space<vmem>>
        %dma_wait3A_76 = tpu.memref_squeeze %dma_wait3A_75 : memref<1x128xi32, #tpu.memory_space<vmem>> -> memref<128xi32, #tpu.memory_space<vmem>>
        %dma_wait3A_77 = arith.constant 0 : i32
        %dma_wait3A_78 = arith.constant 0 : i32
        %dma_wait3A_79 = tpu.memref_slice %arg12[%dma_wait3A_77, %dma_wait3A_78] : memref<10112x64xf32, #tpu.memory_space<vmem_shared>> -> memref<10112x64xf32, #tpu.memory_space<vmem_shared>>
        tpu.wait_indirect_dma semaphore(%arg15 : memref<!tpu.dma_semaphore, #tpu.memory_space<semaphore_mem>>) src(%dma_wait3A_79 : memref<10112x64xf32, #tpu.memory_space<vmem_shared>>) dst(%arg10 : memref<128x64xf32, #tpu.memory_space<vmem>>)
        %dma_start3A_80 = arith.constant 0 : i32
        %dma_start3A_81 = tpu.memref_slice %arg8[%add3A_61, %dma_start3A_80] : memref<79x128xi32, #tpu.memory_space<vmem>> -> memref<1x128xi32, #tpu.memory_space<vmem>>
        %dma_start3A_82 = tpu.memref_squeeze %dma_start3A_81 : memref<1x128xi32, #tpu.memory_space<vmem>> -> memref<128xi32, #tpu.memory_space<vmem>>
        %dma_start3A_83 = arith.constant 0 : i32
        %dma_start3A_84 = arith.constant 0 : i32
        %dma_start3A_85 = tpu.memref_slice %arg13[%dma_start3A_83, %dma_start3A_84] : memref<10112x64xf32, #tpu.memory_space<vmem_shared>> -> memref<10112x64xf32, #tpu.memory_space<vmem_shared>>
        tpu.enqueue_indirect_dma source(%arg10 : memref<128x64xf32, #tpu.memory_space<vmem>>) target(%dma_start3A_85 : memref<10112x64xf32, #tpu.memory_space<vmem_shared>>) offsets(%dma_start3A_82 : memref<128xi32, #tpu.memory_space<vmem>>) semaphore(%arg18 : memref<!tpu.dma_semaphore, #tpu.memory_space<semaphore_mem>>) {add = true}
        %add3A_86 = arith.constant 3 : i32
        %add3A_87 = arith.addi %add3A_61, %add3A_86 : i32
        %sub3A = arith.constant 1 : i32
        %sub3A_88 = arith.subi %add3A_87, %sub3A : i32
        %lt3A_89 = arith.constant 79 : i32
        %lt3A_90 = arith.cmpi slt, %sub3A_88, %lt3A_89 : i32
        %convert_element_type3A_91 = arith.extui %lt3A_90 : i1 to i32
        %cond3A_92 = arith.constant 0 : i32
        %cond3A_93 = arith.cmpi ne, %convert_element_type3A_91, %cond3A_92 : i32
        scf.if %cond3A_93 {
          %gt3A = arith.constant 0 : i32
          %gt3A_94 = arith.cmpi sgt, %add3A_61, %gt3A : i32
          %convert_element_type3A_95 = arith.extui %gt3A_94 : i1 to i32
          %cond3A_96 = arith.constant 0 : i32
          %cond3A_97 = arith.cmpi ne, %convert_element_type3A_95, %cond3A_96 : i32
          scf.if %cond3A_97 {
            %dma_wait3A_108 = arith.constant 0 : i32
            %dma_wait3A_109 = arith.constant 0 : i32
            %dma_wait3A_110 = tpu.memref_slice %arg8[%dma_wait3A_108, %dma_wait3A_109] : memref<79x128xi32, #tpu.memory_space<vmem>> -> memref<1x128xi32, #tpu.memory_space<vmem>>
            %dma_wait3A_111 = tpu.memref_squeeze %dma_wait3A_110 : memref<1x128xi32, #tpu.memory_space<vmem>> -> memref<128xi32, #tpu.memory_space<vmem>>
            %dma_wait3A_112 = arith.constant 0 : i32
            %dma_wait3A_113 = arith.constant 0 : i32
            %dma_wait3A_114 = tpu.memref_slice %arg13[%dma_wait3A_112, %dma_wait3A_113] : memref<10112x64xf32, #tpu.memory_space<vmem_shared>> -> memref<10112x64xf32, #tpu.memory_space<vmem_shared>>
            tpu.wait_indirect_dma semaphore(%arg17 : memref<!tpu.dma_semaphore, #tpu.memory_space<semaphore_mem>>) src(%arg9 : memref<128x64xf32, #tpu.memory_space<vmem>>) dst(%dma_wait3A_114 : memref<10112x64xf32, #tpu.memory_space<vmem_shared>>)
          } else {
          }
          %add3A_98 = arith.constant 3 : i32
          %add3A_99 = arith.addi %add3A_61, %add3A_98 : i32
          %sub3A_100 = arith.constant 1 : i32
          %sub3A_101 = arith.subi %add3A_99, %sub3A_100 : i32
          %dma_start3A_102 = arith.constant 0 : i32
          %dma_start3A_103 = tpu.memref_slice %arg7[%sub3A_101, %dma_start3A_102] : memref<79x128xi32, #tpu.memory_space<vmem>> -> memref<1x128xi32, #tpu.memory_space<vmem>>
          %dma_start3A_104 = tpu.memref_squeeze %dma_start3A_103 : memref<1x128xi32, #tpu.memory_space<vmem>> -> memref<128xi32, #tpu.memory_space<vmem>>
          %dma_start3A_105 = arith.constant 0 : i32
          %dma_start3A_106 = arith.constant 0 : i32
          %dma_start3A_107 = tpu.memref_slice %arg12[%dma_start3A_105, %dma_start3A_106] : memref<10112x64xf32, #tpu.memory_space<vmem_shared>> -> memref<10112x64xf32, #tpu.memory_space<vmem_shared>>
          tpu.enqueue_indirect_dma source(%dma_start3A_107 : memref<10112x64xf32, #tpu.memory_space<vmem_shared>>) target(%arg9 : memref<128x64xf32, #tpu.memory_space<vmem>>) offsets(%dma_start3A_104 : memref<128xi32, #tpu.memory_space<vmem>>) semaphore(%arg14 : memref<!tpu.dma_semaphore, #tpu.memory_space<semaphore_mem>>)
        } else {
        }
      } else {
      }
      %add3A_67 = arith.constant 2 : i32
      %add3A_68 = arith.addi %mul3A_55, %add3A_67 : i32
      %lt3A_69 = arith.constant 79 : i32
      %lt3A_70 = arith.cmpi slt, %add3A_68, %lt3A_69 : i32
      %convert_element_type3A_71 = arith.extui %lt3A_70 : i1 to i32
      %cond3A_72 = arith.constant 0 : i32
      %cond3A_73 = arith.cmpi ne, %convert_element_type3A_71, %cond3A_72 : i32
      scf.if %cond3A_73 {
        %dma_wait3A_74 = arith.constant 0 : i32
        %dma_wait3A_75 = tpu.memref_slice %arg7[%add3A_68, %dma_wait3A_74] : memref<79x128xi32, #tpu.memory_space<vmem>> -> memref<1x128xi32, #tpu.memory_space<vmem>>
        %dma_wait3A_76 = tpu.memref_squeeze %dma_wait3A_75 : memref<1x128xi32, #tpu.memory_space<vmem>> -> memref<128xi32, #tpu.memory_space<vmem>>
        %dma_wait3A_77 = arith.constant 0 : i32
        %dma_wait3A_78 = arith.constant 0 : i32
        %dma_wait3A_79 = tpu.memref_slice %arg12[%dma_wait3A_77, %dma_wait3A_78] : memref<10112x64xf32, #tpu.memory_space<vmem_shared>> -> memref<10112x64xf32, #tpu.memory_space<vmem_shared>>
        tpu.wait_indirect_dma semaphore(%arg16 : memref<!tpu.dma_semaphore, #tpu.memory_space<semaphore_mem>>) src(%dma_wait3A_79 : memref<10112x64xf32, #tpu.memory_space<vmem_shared>>) dst(%arg11 : memref<128x64xf32, #tpu.memory_space<vmem>>)
        %dma_start3A_80 = arith.constant 0 : i32
        %dma_start3A_81 = tpu.memref_slice %arg8[%add3A_68, %dma_start3A_80] : memref<79x128xi32, #tpu.memory_space<vmem>> -> memref<1x128xi32, #tpu.memory_space<vmem>>
        %dma_start3A_82 = tpu.memref_squeeze %dma_start3A_81 : memref<1x128xi32, #tpu.memory_space<vmem>> -> memref<128xi32, #tpu.memory_space<vmem>>
        %dma_start3A_83 = arith.constant 0 : i32
        %dma_start3A_84 = arith.constant 0 : i32
        %dma_start3A_85 = tpu.memref_slice %arg13[%dma_start3A_83, %dma_start3A_84] : memref<10112x64xf32, #tpu.memory_space<vmem_shared>> -> memref<10112x64xf32, #tpu.memory_space<vmem_shared>>
        tpu.enqueue_indirect_dma source(%arg11 : memref<128x64xf32, #tpu.memory_space<vmem>>) target(%dma_start3A_85 : memref<10112x64xf32, #tpu.memory_space<vmem_shared>>) offsets(%dma_start3A_82 : memref<128xi32, #tpu.memory_space<vmem>>) semaphore(%arg19 : memref<!tpu.dma_semaphore, #tpu.memory_space<semaphore_mem>>) {add = true}
        %add3A_86 = arith.constant 3 : i32
        %add3A_87 = arith.addi %add3A_68, %add3A_86 : i32
        %sub3A = arith.constant 1 : i32
        %sub3A_88 = arith.subi %add3A_87, %sub3A : i32
        %lt3A_89 = arith.constant 79 : i32
        %lt3A_90 = arith.cmpi slt, %sub3A_88, %lt3A_89 : i32
        %convert_element_type3A_91 = arith.extui %lt3A_90 : i1 to i32
        %cond3A_92 = arith.constant 0 : i32
        %cond3A_93 = arith.cmpi ne, %convert_element_type3A_91, %cond3A_92 : i32
        scf.if %cond3A_93 {
          %gt3A = arith.constant 0 : i32
          %gt3A_94 = arith.cmpi sgt, %add3A_68, %gt3A : i32
          %convert_element_type3A_95 = arith.extui %gt3A_94 : i1 to i32
          %cond3A_96 = arith.constant 0 : i32
          %cond3A_97 = arith.cmpi ne, %convert_element_type3A_95, %cond3A_96 : i32
          scf.if %cond3A_97 {
            %dma_wait3A_108 = arith.constant 0 : i32
            %dma_wait3A_109 = arith.constant 0 : i32
            %dma_wait3A_110 = tpu.memref_slice %arg8[%dma_wait3A_108, %dma_wait3A_109] : memref<79x128xi32, #tpu.memory_space<vmem>> -> memref<1x128xi32, #tpu.memory_space<vmem>>
            %dma_wait3A_111 = tpu.memref_squeeze %dma_wait3A_110 : memref<1x128xi32, #tpu.memory_space<vmem>> -> memref<128xi32, #tpu.memory_space<vmem>>
            %dma_wait3A_112 = arith.constant 0 : i32
            %dma_wait3A_113 = arith.constant 0 : i32
            %dma_wait3A_114 = tpu.memref_slice %arg13[%dma_wait3A_112, %dma_wait3A_113] : memref<10112x64xf32, #tpu.memory_space<vmem_shared>> -> memref<10112x64xf32, #tpu.memory_space<vmem_shared>>
            tpu.wait_indirect_dma semaphore(%arg18 : memref<!tpu.dma_semaphore, #tpu.memory_space<semaphore_mem>>) src(%arg10 : memref<128x64xf32, #tpu.memory_space<vmem>>) dst(%dma_wait3A_114 : memref<10112x64xf32, #tpu.memory_space<vmem_shared>>)
          } else {
          }
          %add3A_98 = arith.constant 3 : i32
          %add3A_99 = arith.addi %add3A_68, %add3A_98 : i32
          %sub3A_100 = arith.constant 1 : i32
          %sub3A_101 = arith.subi %add3A_99, %sub3A_100 : i32
          %dma_start3A_102 = arith.constant 0 : i32
          %dma_start3A_103 = tpu.memref_slice %arg7[%sub3A_101, %dma_start3A_102] : memref<79x128xi32, #tpu.memory_space<vmem>> -> memref<1x128xi32, #tpu.memory_space<vmem>>
          %dma_start3A_104 = tpu.memref_squeeze %dma_start3A_103 : memref<1x128xi32, #tpu.memory_space<vmem>> -> memref<128xi32, #tpu.memory_space<vmem>>
          %dma_start3A_105 = arith.constant 0 : i32
          %dma_start3A_106 = arith.constant 0 : i32
          %dma_start3A_107 = tpu.memref_slice %arg12[%dma_start3A_105, %dma_start3A_106] : memref<10112x64xf32, #tpu.memory_space<vmem_shared>> -> memref<10112x64xf32, #tpu.memory_space<vmem_shared>>
          tpu.enqueue_indirect_dma source(%dma_start3A_107 : memref<10112x64xf32, #tpu.memory_space<vmem_shared>>) target(%arg10 : memref<128x64xf32, #tpu.memory_space<vmem>>) offsets(%dma_start3A_104 : memref<128xi32, #tpu.memory_space<vmem>>) semaphore(%arg15 : memref<!tpu.dma_semaphore, #tpu.memory_space<semaphore_mem>>)
        } else {
        }
      } else {
      }
    }
    %scan3A_26 = arith.constant 27 : i32
    %dma_wait3A = arith.constant 0 : i32
    %dma_wait3A_27 = arith.constant 0 : i32
    %dma_wait3A_28 = tpu.memref_slice %arg8[%dma_wait3A, %dma_wait3A_27] : memref<79x128xi32, #tpu.memory_space<vmem>> -> memref<1x128xi32, #tpu.memory_space<vmem>>
    %dma_wait3A_29 = tpu.memref_squeeze %dma_wait3A_28 : memref<1x128xi32, #tpu.memory_space<vmem>> -> memref<128xi32, #tpu.memory_space<vmem>>
    %dma_wait3A_30 = arith.constant 0 : i32
    %dma_wait3A_31 = arith.constant 0 : i32
    %dma_wait3A_32 = tpu.memref_slice %arg13[%dma_wait3A_30, %dma_wait3A_31] : memref<10112x64xf32, #tpu.memory_space<vmem_shared>> -> memref<10112x64xf32, #tpu.memory_space<vmem_shared>>
    tpu.wait_indirect_dma semaphore(%arg17 : memref<!tpu.dma_semaphore, #tpu.memory_space<semaphore_mem>>) src(%arg9 : memref<128x64xf32, #tpu.memory_space<vmem>>) dst(%dma_wait3A_32 : memref<10112x64xf32, #tpu.memory_space<vmem_shared>>)
    %dma_wait3A_33 = arith.constant 0 : i32
    %dma_wait3A_34 = arith.constant 0 : i32
    %dma_wait3A_35 = tpu.memref_slice %arg8[%dma_wait3A_33, %dma_wait3A_34] : memref<79x128xi32, #tpu.memory_space<vmem>> -> memref<1x128xi32, #tpu.memory_space<vmem>>
    %dma_wait3A_36 = tpu.memref_squeeze %dma_wait3A_35 : memref<1x128xi32, #tpu.memory_space<vmem>> -> memref<128xi32, #tpu.memory_space<vmem>>
    %dma_wait3A_37 = arith.constant 0 : i32
    %dma_wait3A_38 = arith.constant 0 : i32
    %dma_wait3A_39 = tpu.memref_slice %arg13[%dma_wait3A_37, %dma_wait3A_38] : memref<10112x64xf32, #tpu.memory_space<vmem_shared>> -> memref<10112x64xf32, #tpu.memory_space<vmem_shared>>
    tpu.wait_indirect_dma semaphore(%arg18 : memref<!tpu.dma_semaphore, #tpu.memory_space<semaphore_mem>>) src(%arg10 : memref<128x64xf32, #tpu.memory_space<vmem>>) dst(%dma_wait3A_39 : memref<10112x64xf32, #tpu.memory_space<vmem_shared>>)
    %dma_wait3A_40 = arith.constant 0 : i32
    %dma_wait3A_41 = arith.constant 0 : i32
    %dma_wait3A_42 = tpu.memref_slice %arg8[%dma_wait3A_40, %dma_wait3A_41] : memref<79x128xi32, #tpu.memory_space<vmem>> -> memref<1x128xi32, #tpu.memory_space<vmem>>
    %dma_wait3A_43 = tpu.memref_squeeze %dma_wait3A_42 : memref<1x128xi32, #tpu.memory_space<vmem>> -> memref<128xi32, #tpu.memory_space<vmem>>
    %dma_wait3A_44 = arith.constant 0 : i32
    %dma_wait3A_45 = arith.constant 0 : i32
    %dma_wait3A_46 = tpu.memref_slice %arg13[%dma_wait3A_44, %dma_wait3A_45] : memref<10112x64xf32, #tpu.memory_space<vmem_shared>> -> memref<10112x64xf32, #tpu.memory_space<vmem_shared>>
    tpu.wait_indirect_dma semaphore(%arg19 : memref<!tpu.dma_semaphore, #tpu.memory_space<semaphore_mem>>) src(%arg11 : memref<128x64xf32, #tpu.memory_space<vmem>>) dst(%dma_wait3A_46 : memref<10112x64xf32, #tpu.memory_space<vmem_shared>>)
    %barrier3A_47 = arith.constant 0 : index
    tpu.barrier barrier_id(%barrier3A_47)
    %mul3A_48 = arith.constant 632 : i32
    %mul3A_49 = arith.muli %arg1, %mul3A_48 : i32
    %mul3A_50 = arith.constant 632 : i32
    %mul3A_51 = arith.muli %arg1, %mul3A_50 : i32
    %run_scoped3A_52 = arith.constant 0 : i32
    "tpu.region"() ({
      %run_scoped3A_53 = tpu.sem_alloc : memref<!tpu.dma_semaphore, #tpu.memory_space<semaphore_mem>>
      %dma_start3A_54 = arith.constant 0 : i32
      %dma_start3A_55 = tpu.memref_slice %arg6[%arg0, %run_scoped3A_52, %mul3A_51, %dma_start3A_54] : memref<2x1x10112x64xf32, #tpu.memory_space<hbm>> -> memref<1x1x632x64xf32, #tpu.memory_space<hbm>>
      %dma_start3A_56 = tpu.memref_squeeze %dma_start3A_55 : memref<1x1x632x64xf32, #tpu.memory_space<hbm>> -> memref<632x64xf32, #tpu.memory_space<hbm>>
      %dma_start3A_57 = arith.constant 0 : i32
      %dma_start3A_58 = tpu.memref_slice %arg13[%mul3A_49, %dma_start3A_57] : memref<10112x64xf32, #tpu.memory_space<vmem_shared>> -> memref<632x64xf32, #tpu.memory_space<vmem_shared>>
      tpu.enqueue_dma source(%dma_start3A_58 : memref<632x64xf32, #tpu.memory_space<vmem_shared>>) target(%dma_start3A_56 : memref<632x64xf32, #tpu.memory_space<hbm>>) target_semaphore(%run_scoped3A_53 : memref<!tpu.dma_semaphore, #tpu.memory_space<semaphore_mem>>)
      %dma_wait3A_59 = arith.constant 0 : i32
      %dma_wait3A_60 = tpu.memref_slice %arg6[%arg0, %run_scoped3A_52, %mul3A_51, %dma_wait3A_59] : memref<2x1x10112x64xf32, #tpu.memory_space<hbm>> -> memref<1x1x632x64xf32, #tpu.memory_space<hbm>>
      %dma_wait3A_61 = tpu.memref_squeeze %dma_wait3A_60 : memref<1x1x632x64xf32, #tpu.memory_space<hbm>> -> memref<632x64xf32, #tpu.memory_space<hbm>>
      %dma_wait3A_62 = arith.constant 0 : i32
      %dma_wait3A_63 = tpu.memref_slice %arg13[%mul3A_49, %dma_wait3A_62] : memref<10112x64xf32, #tpu.memory_space<vmem_shared>> -> memref<632x64xf32, #tpu.memory_space<vmem_shared>>
      tpu.wait_dma2 semaphore(%run_scoped3A_53 : memref<!tpu.dma_semaphore, #tpu.memory_space<semaphore_mem>>) src(%dma_wait3A_63 : memref<632x64xf32, #tpu.memory_space<vmem_shared>>) dst(%dma_wait3A_61 : memref<632x64xf32, #tpu.memory_space<hbm>>)
      tpu.yield
    }) : () -> ()
    return
  }
}

module attributes {stable_mosaic.version = 14 : i64} {
  func.func @_mm_body(%arg0: memref<10112x128xf32, #tpu.memory_space<vmem>>, %arg1: memref<128x64xf32, #tpu.memory_space<vmem>>, %arg2: memref<10112x64xf32, #tpu.memory_space<vmem>>) attributes {dimension_semantics = [], scalar_prefetch = 0 : i64, scratch_operands = 0 : i64, tpu.core_type = #tpu.core_type<tc>} {
    %get3A = arith.constant 0 : index
    %get3A_0 = arith.constant 0 : index
    %get3A_1 = vector.load %arg0[%get3A, %get3A_0] : memref<10112x128xf32, #tpu.memory_space<vmem>>, vector<10112x128xf32>
    %get3A_2 = arith.constant 0 : index
    %get3A_3 = arith.constant 0 : index
    %get3A_4 = vector.load %arg1[%get3A_2, %get3A_3] : memref<128x64xf32, #tpu.memory_space<vmem>>, vector<128x64xf32>
    %dot_general3A = arith.constant dense<0.000000e+00> : vector<10112x64xf32>
    %dot_general3A_5 = tpu.matmul %get3A_1, %get3A_4, %dot_general3A {dimension_numbers = #tpu.dot_dimension_numbers<[1], [0], [0], [1], [0, 0, 1, 1], [], []>, transpose_lhs_hint = false} : vector<10112x128xf32>, vector<128x64xf32>, vector<10112x64xf32> -> vector<10112x64xf32>
    %swap3A = arith.constant 0 : index
    %swap3A_6 = arith.constant 0 : index
    %swap3A_7 = vector.load %arg2[%swap3A, %swap3A_6] : memref<10112x64xf32, #tpu.memory_space<vmem>>, vector<10112x64xf32>
    tpu.vector_store %arg2[%swap3A, %swap3A_6], %dot_general3A_5 {strides = array<i32>} : memref<10112x64xf32, #tpu.memory_space<vmem>>, vector<10112x64xf32>,
    return
  }
}

module attributes {stable_mosaic.version = 14 : i64} {
  func.func @_sinv_body(%arg0: memref<2x2x10112x16xf32, #tpu.memory_space<vmem>>, %arg1: memref<10112x16xf32, #tpu.memory_space<vmem>>, %arg2: memref<10112x16xf32, #tpu.memory_space<vmem>>) attributes {dimension_semantics = [], scalar_prefetch = 0 : i64, scratch_operands = 0 : i64, tpu.core_type = #tpu.core_type<tc>} {
    %get3A = arith.constant 0 : index
    %get3A_0 = arith.constant 0 : index
    %get3A_1 = arith.constant 0 : index
    %get3A_2 = arith.constant 0 : index
    %get3A_3 = vector.load %arg0[%get3A, %get3A_0, %get3A_1, %get3A_2] : memref<2x2x10112x16xf32, #tpu.memory_space<vmem>>, vector<1x1x10112x16xf32>
    %get3A_4 = vector.shape_cast %get3A_3 : vector<1x1x10112x16xf32> to vector<10112x16xf32>
    %get3A_5 = arith.constant 1 : index
    %get3A_6 = arith.constant 0 : index
    %get3A_7 = arith.constant 0 : index
    %get3A_8 = arith.constant 0 : index
    %get3A_9 = vector.load %arg0[%get3A_5, %get3A_6, %get3A_7, %get3A_8] : memref<2x2x10112x16xf32, #tpu.memory_space<vmem>>, vector<1x1x10112x16xf32>
    %get3A_10 = vector.shape_cast %get3A_9 : vector<1x1x10112x16xf32> to vector<10112x16xf32>
    %add3A = arith.addf %get3A_4, %get3A_10 : vector<10112x16xf32>
    %gt3A = arith.constant 0.000000e+00 : f32
    %gt3A_11 = vector.broadcast %gt3A : f32 to vector<10112x16xf32>
    %gt3A_12 = arith.cmpf ogt, %add3A, %gt3A_11 : vector<10112x16xf32>
    %div3A = arith.constant 1.000000e+00 : f32
    %div3A_13 = vector.broadcast %div3A : f32 to vector<10112x16xf32>
    %div3A_14 = arith.divf %div3A_13, %add3A : vector<10112x16xf32>
    %jit3A = arith.constant 0.000000e+00 : f32
    %broadcast_in_dim3A = vector.broadcast %jit3A : f32 to vector<10112x16xf32>
    %select_n3A = arith.select %gt3A_12, %div3A_14, %broadcast_in_dim3A : vector<10112x16xi1>, vector<10112x16xf32>
    %swap3A = arith.constant 0 : index
    %swap3A_15 = arith.constant 0 : index
    %swap3A_16 = vector.load %arg1[%swap3A, %swap3A_15] : memref<10112x16xf32, #tpu.memory_space<vmem>>, vector<10112x16xf32>
    tpu.vector_store %arg1[%swap3A, %swap3A_15], %select_n3A {strides = array<i32>} : memref<10112x16xf32, #tpu.memory_space<vmem>>, vector<10112x16xf32>,
    %get3A_17 = arith.constant 0 : index
    %get3A_18 = arith.constant 1 : index
    %get3A_19 = arith.constant 0 : index
    %get3A_20 = arith.constant 0 : index
    %get3A_21 = vector.load %arg0[%get3A_17, %get3A_18, %get3A_19, %get3A_20] : memref<2x2x10112x16xf32, #tpu.memory_space<vmem>>, vector<1x1x10112x16xf32>
    %get3A_22 = vector.shape_cast %get3A_21 : vector<1x1x10112x16xf32> to vector<10112x16xf32>
    %get3A_23 = arith.constant 1 : index
    %get3A_24 = arith.constant 1 : index
    %get3A_25 = arith.constant 0 : index
    %get3A_26 = arith.constant 0 : index
    %get3A_27 = vector.load %arg0[%get3A_23, %get3A_24, %get3A_25, %get3A_26] : memref<2x2x10112x16xf32, #tpu.memory_space<vmem>>, vector<1x1x10112x16xf32>
    %get3A_28 = vector.shape_cast %get3A_27 : vector<1x1x10112x16xf32> to vector<10112x16xf32>
    %add3A_29 = arith.addf %get3A_22, %get3A_28 : vector<10112x16xf32>
    %gt3A_30 = arith.constant 0.000000e+00 : f32
    %gt3A_31 = vector.broadcast %gt3A_30 : f32 to vector<10112x16xf32>
    %gt3A_32 = arith.cmpf ogt, %add3A_29, %gt3A_31 : vector<10112x16xf32>
    %div3A_33 = arith.constant 1.000000e+00 : f32
    %div3A_34 = vector.broadcast %div3A_33 : f32 to vector<10112x16xf32>
    %div3A_35 = arith.divf %div3A_34, %add3A_29 : vector<10112x16xf32>
    %jit3A_36 = arith.constant 0.000000e+00 : f32
    %broadcast_in_dim3A_37 = vector.broadcast %jit3A_36 : f32 to vector<10112x16xf32>
    %select_n3A_38 = arith.select %gt3A_32, %div3A_35, %broadcast_in_dim3A_37 : vector<10112x16xi1>, vector<10112x16xf32>
    %swap3A_39 = arith.constant 0 : index
    %swap3A_40 = arith.constant 0 : index
    %swap3A_41 = vector.load %arg2[%swap3A_39, %swap3A_40] : memref<10112x16xf32, #tpu.memory_space<vmem>>, vector<10112x16xf32>
    tpu.vector_store %arg2[%swap3A_39, %swap3A_40], %select_n3A_38 {strides = array<i32>} : memref<10112x16xf32, #tpu.memory_space<vmem>>, vector<10112x16xf32>,
    return
  }
}

module attributes {stable_mosaic.version = 14 : i64} {
  func.func @_scale_body(%arg0: memref<2x1x10112x64xf32, #tpu.memory_space<vmem>>, %arg1: memref<10112x16xf32, #tpu.memory_space<vmem>>, %arg2: memref<1x10112x64xf32, #tpu.memory_space<vmem>>) attributes {dimension_semantics = [], scalar_prefetch = 0 : i64, scratch_operands = 0 : i64, tpu.core_type = #tpu.core_type<tc>} {
    %get3A = arith.constant 0 : index
    %get3A_0 = arith.constant 0 : index
    %get3A_1 = vector.load %arg1[%get3A, %get3A_0] : memref<10112x16xf32, #tpu.memory_space<vmem>>, vector<10112x16xf32>
    %slice3A = vector.extract_strided_slice %get3A_1 {offsets = [0, 0], sizes = [10112, 1], strides = [1, 1]} : vector<10112x16xf32> to vector<10112x1xf32>
    %broadcast_in_dim3A = vector.shape_cast %slice3A : vector<10112x1xf32> to vector<1x10112x1xf32>
    %get3A_2 = arith.constant 0 : index
    %get3A_3 = arith.constant 0 : index
    %get3A_4 = arith.constant 0 : index
    %get3A_5 = arith.constant 0 : index
    %get3A_6 = vector.load %arg0[%get3A_2, %get3A_3, %get3A_4, %get3A_5] : memref<2x1x10112x64xf32, #tpu.memory_space<vmem>>, vector<1x1x10112x64xf32>
    %get3A_7 = vector.shape_cast %get3A_6 : vector<1x1x10112x64xf32> to vector<1x10112x64xf32>
    %get3A_8 = arith.constant 1 : index
    %get3A_9 = arith.constant 0 : index
    %get3A_10 = arith.constant 0 : index
    %get3A_11 = arith.constant 0 : index
    %get3A_12 = vector.load %arg0[%get3A_8, %get3A_9, %get3A_10, %get3A_11] : memref<2x1x10112x64xf32, #tpu.memory_space<vmem>>, vector<1x1x10112x64xf32>
    %get3A_13 = vector.shape_cast %get3A_12 : vector<1x1x10112x64xf32> to vector<1x10112x64xf32>
    %add3A = arith.addf %get3A_7, %get3A_13 : vector<1x10112x64xf32>
    %mul3A = vector.broadcast %broadcast_in_dim3A : vector<1x10112x1xf32> to vector<1x10112x64xf32>
    %mul3A_14 = arith.mulf %mul3A, %add3A : vector<1x10112x64xf32>
    %swap3A = arith.constant 0 : index
    %swap3A_15 = arith.constant 0 : index
    %swap3A_16 = arith.constant 0 : index
    %swap3A_17 = vector.load %arg2[%swap3A, %swap3A_15, %swap3A_16] : memref<1x10112x64xf32, #tpu.memory_space<vmem>>, vector<1x10112x64xf32>
    tpu.vector_store %arg2[%swap3A, %swap3A_15, %swap3A_16], %mul3A_14 {strides = array<i32>} : memref<1x10112x64xf32, #tpu.memory_space<vmem>>, vector<1x10112x64xf32>,
    return
  }
}

module attributes {stable_mosaic.version = 14 : i64} {
  func.func @_post_body(%arg0: memref<2x1x10112x64xf32, #tpu.memory_space<vmem>>, %arg1: memref<10112x16xf32, #tpu.memory_space<vmem>>, %arg2: memref<1x64xf32, #tpu.memory_space<vmem>>, %arg3: memref<1x64xf32, #tpu.memory_space<vmem>>, %arg4: memref<1x64xf32, #tpu.memory_space<vmem>>, %arg5: memref<64x128xf32, #tpu.memory_space<vmem>>, %arg6: memref<2x10112x64xf32, #tpu.memory_space<vmem>>) attributes {dimension_semantics = [], scalar_prefetch = 0 : i64, scratch_operands = 0 : i64, tpu.core_type = #tpu.core_type<tc>} {
    %get3A = arith.constant 0 : index
    %get3A_0 = arith.constant 0 : index
    %get3A_1 = vector.load %arg1[%get3A, %get3A_0] : memref<10112x16xf32, #tpu.memory_space<vmem>>, vector<10112x16xf32>
    %slice3A = vector.extract_strided_slice %get3A_1 {offsets = [0, 0], sizes = [10112, 1], strides = [1, 1]} : vector<10112x16xf32> to vector<10112x1xf32>
    %broadcast_in_dim3A = vector.shape_cast %slice3A : vector<10112x1xf32> to vector<1x10112x1xf32>
    %get3A_2 = arith.constant 0 : index
    %get3A_3 = arith.constant 0 : index
    %get3A_4 = arith.constant 0 : index
    %get3A_5 = arith.constant 0 : index
    %get3A_6 = vector.load %arg0[%get3A_2, %get3A_3, %get3A_4, %get3A_5] : memref<2x1x10112x64xf32, #tpu.memory_space<vmem>>, vector<1x1x10112x64xf32>
    %get3A_7 = vector.shape_cast %get3A_6 : vector<1x1x10112x64xf32> to vector<1x10112x64xf32>
    %get3A_8 = arith.constant 1 : index
    %get3A_9 = arith.constant 0 : index
    %get3A_10 = arith.constant 0 : index
    %get3A_11 = arith.constant 0 : index
    %get3A_12 = vector.load %arg0[%get3A_8, %get3A_9, %get3A_10, %get3A_11] : memref<2x1x10112x64xf32, #tpu.memory_space<vmem>>, vector<1x1x10112x64xf32>
    %get3A_13 = vector.shape_cast %get3A_12 : vector<1x1x10112x64xf32> to vector<1x10112x64xf32>
    %add3A = arith.addf %get3A_7, %get3A_13 : vector<1x10112x64xf32>
    %mul3A = vector.broadcast %broadcast_in_dim3A : vector<1x10112x1xf32> to vector<1x10112x64xf32>
    %mul3A_14 = arith.mulf %mul3A, %add3A : vector<1x10112x64xf32>
    %squeeze3A = vector.shape_cast %mul3A_14 : vector<1x10112x64xf32> to vector<10112x64xf32>
    %get3A_15 = arith.constant 0 : index
    %get3A_16 = arith.constant 0 : index
    %get3A_17 = vector.load %arg2[%get3A_15, %get3A_16] : memref<1x64xf32, #tpu.memory_space<vmem>>, vector<1x64xf32>
    %add3A_18 = vector.broadcast %get3A_17 : vector<1x64xf32> to vector<10112x64xf32>
    %add3A_19 = arith.addf %squeeze3A, %add3A_18 : vector<10112x64xf32>
    %get3A_20 = arith.constant 0 : index
    %get3A_21 = arith.constant 0 : index
    %get3A_22 = vector.load %arg3[%get3A_20, %get3A_21] : memref<1x64xf32, #tpu.memory_space<vmem>>, vector<1x64xf32>
    %get3A_23 = arith.constant 0 : index
    %get3A_24 = arith.constant 0 : index
    %get3A_25 = vector.load %arg4[%get3A_23, %get3A_24] : memref<1x64xf32, #tpu.memory_space<vmem>>, vector<1x64xf32>
    %reduce_sum3A = arith.constant dense<0.000000e+00> : vector<64xf32>
    %reduce_sum3A_26 = vector.multi_reduction <add>, %add3A_19, %reduce_sum3A [0] : vector<10112x64xf32> to vector<64xf32>
    %div3A = arith.constant 1.011200e+04 : f32
    %div3A_27 = vector.broadcast %div3A : f32 to vector<64xf32>
    %div3A_28 = arith.divf %reduce_sum3A_26, %div3A_27 : vector<64xf32>
    %jit3A = arith.constant 0 : i32
    %reduce_sum3A_29 = arith.constant dense<0.000000e+00> : vector<64xf32>
    %reduce_sum3A_30 = vector.multi_reduction <add>, %add3A_19, %reduce_sum3A_29 [0] : vector<10112x64xf32> to vector<64xf32>
    %broadcast_in_dim3A_31 = vector.shape_cast %reduce_sum3A_30 : vector<64xf32> to vector<1x64xf32>
    %div3A_32 = arith.constant 1.011200e+04 : f32
    %div3A_33 = vector.broadcast %div3A_32 : f32 to vector<1x64xf32>
    %div3A_34 = arith.divf %broadcast_in_dim3A_31, %div3A_33 : vector<1x64xf32>
    %sub3A = vector.broadcast %div3A_34 : vector<1x64xf32> to vector<10112x64xf32>
    %sub3A_35 = arith.subf %add3A_19, %sub3A : vector<10112x64xf32>
    %square3A = arith.mulf %sub3A_35, %sub3A_35 : vector<10112x64xf32>
    %convert_element_type3A = arith.sitofp %jit3A : i32 to f32
    %sub3A_36 = arith.constant 1.011200e+04 : f32
    %sub3A_37 = arith.subf %sub3A_36, %convert_element_type3A : f32
    %reduce_sum3A_38 = arith.constant dense<0.000000e+00> : vector<64xf32>
    %reduce_sum3A_39 = vector.multi_reduction <add>, %square3A, %reduce_sum3A_38 [0] : vector<10112x64xf32> to vector<64xf32>
    %div3A_40 = vector.broadcast %sub3A_37 : f32 to vector<64xf32>
    %div3A_41 = arith.divf %reduce_sum3A_39, %div3A_40 : vector<64xf32>
    %gt3A = arith.constant 0.000000e+00 : f32
    %gt3A_42 = arith.cmpf ogt, %sub3A_37, %gt3A : f32
    %jit3A_43 = arith.constant 0x7FC00000 : f32
    %broadcast_in_dim3A_44 = vector.broadcast %jit3A_43 : f32 to vector<64xf32>
    %select_n3A = arith.select %gt3A_42, %div3A_41, %broadcast_in_dim3A_44 : vector<64xf32>
    %broadcast_in_dim3A_45 = vector.shape_cast %div3A_28 : vector<64xf32> to vector<1x64xf32>
    %sub3A_46 = vector.broadcast %broadcast_in_dim3A_45 : vector<1x64xf32> to vector<10112x64xf32>
    %sub3A_47 = arith.subf %add3A_19, %sub3A_46 : vector<10112x64xf32>
    %mul3A_48 = vector.broadcast %get3A_22 : vector<1x64xf32> to vector<10112x64xf32>
    %mul3A_49 = arith.mulf %mul3A_48, %sub3A_47 : vector<10112x64xf32>
    %add3A_50 = arith.constant 9.99999974E-6 : f32
    %add3A_51 = vector.broadcast %add3A_50 : f32 to vector<64xf32>
    %add3A_52 = arith.addf %select_n3A, %add3A_51 : vector<64xf32>
    %sqrt3A = math.sqrt %add3A_52 : vector<64xf32>
    %broadcast_in_dim3A_53 = vector.shape_cast %sqrt3A : vector<64xf32> to vector<1x64xf32>
    %div3A_54 = vector.broadcast %broadcast_in_dim3A_53 : vector<1x64xf32> to vector<10112x64xf32>
    %div3A_55 = arith.divf %mul3A_49, %div3A_54 : vector<10112x64xf32>
    %add3A_56 = vector.broadcast %get3A_25 : vector<1x64xf32> to vector<10112x64xf32>
    %add3A_57 = arith.addf %div3A_55, %add3A_56 : vector<10112x64xf32>
    %max3A = arith.constant 0.000000e+00 : f32
    %max3A_58 = vector.broadcast %max3A : f32 to vector<10112x64xf32>
    %max3A_59 = arith.maximumf %add3A_57, %max3A_58 : vector<10112x64xf32>
    %get3A_60 = arith.constant 0 : index
    %get3A_61 = arith.constant 0 : index
    %get3A_62 = vector.load %arg5[%get3A_60, %get3A_61] : memref<64x128xf32, #tpu.memory_space<vmem>>, vector<64x128xf32>
    %dot_general3A = arith.constant dense<0.000000e+00> : vector<10112x128xf32>
    %dot_general3A_63 = tpu.matmul %max3A_59, %get3A_62, %dot_general3A {dimension_numbers = #tpu.dot_dimension_numbers<[1], [0], [0], [1], [0, 0, 1, 1], [], []>, transpose_lhs_hint = false} : vector<10112x64xf32>, vector<64x128xf32>, vector<10112x128xf32> -> vector<10112x128xf32>
    %slice3A_64 = vector.extract_strided_slice %dot_general3A_63 {offsets = [0, 0], sizes = [10112, 64], strides = [1, 1]} : vector<10112x128xf32> to vector<10112x64xf32>
    %swap3A = arith.constant 0 : index
    %swap3A_65 = arith.constant 0 : index
    %swap3A_66 = arith.constant 0 : index
    %swap3A_67 = vector.load %arg6[%swap3A, %swap3A_65, %swap3A_66] : memref<2x10112x64xf32, #tpu.memory_space<vmem>>, vector<1x10112x64xf32>
    %swap3A_68 = vector.shape_cast %swap3A_67 : vector<1x10112x64xf32> to vector<10112x64xf32>
    %swap3A_69 = vector.shape_cast %slice3A_64 : vector<10112x64xf32> to vector<1x10112x64xf32>
    tpu.vector_store %arg6[%swap3A, %swap3A_65, %swap3A_66], %swap3A_69 {strides = array<i32>} : memref<2x10112x64xf32, #tpu.memory_space<vmem>>, vector<1x10112x64xf32>,
    %slice3A_70 = vector.extract_strided_slice %dot_general3A_63 {offsets = [0, 64], sizes = [10112, 64], strides = [1, 1]} : vector<10112x128xf32> to vector<10112x64xf32>
    %swap3A_71 = arith.constant 1 : index
    %swap3A_72 = arith.constant 0 : index
    %swap3A_73 = arith.constant 0 : index
    %swap3A_74 = vector.load %arg6[%swap3A_71, %swap3A_72, %swap3A_73] : memref<2x10112x64xf32, #tpu.memory_space<vmem>>, vector<1x10112x64xf32>
    %swap3A_75 = vector.shape_cast %swap3A_74 : vector<1x10112x64xf32> to vector<10112x64xf32>
    %swap3A_76 = vector.shape_cast %slice3A_70 : vector<10112x64xf32> to vector<1x10112x64xf32>
    tpu.vector_store %arg6[%swap3A_71, %swap3A_72, %swap3A_73], %swap3A_76 {strides = array<i32>} : memref<2x10112x64xf32, #tpu.memory_space<vmem>>, vector<1x10112x64xf32>,
    return
  }
}

module attributes {stable_mosaic.version = 14 : i64} {
  func.func @_scale_body(%arg0: memref<2x2x10112x64xf32, #tpu.memory_space<vmem>>, %arg1: memref<10112x16xf32, #tpu.memory_space<vmem>>, %arg2: memref<2x10112x64xf32, #tpu.memory_space<vmem>>) attributes {dimension_semantics = [], scalar_prefetch = 0 : i64, scratch_operands = 0 : i64, tpu.core_type = #tpu.core_type<tc>} {
    %get3A = arith.constant 0 : index
    %get3A_0 = arith.constant 0 : index
    %get3A_1 = vector.load %arg1[%get3A, %get3A_0] : memref<10112x16xf32, #tpu.memory_space<vmem>>, vector<10112x16xf32>
    %slice3A = vector.extract_strided_slice %get3A_1 {offsets = [0, 0], sizes = [10112, 1], strides = [1, 1]} : vector<10112x16xf32> to vector<10112x1xf32>
    %broadcast_in_dim3A = vector.shape_cast %slice3A : vector<10112x1xf32> to vector<1x10112x1xf32>
    %get3A_2 = arith.constant 0 : index
    %get3A_3 = arith.constant 0 : index
    %get3A_4 = arith.constant 0 : index
    %get3A_5 = arith.constant 0 : index
    %get3A_6 = vector.load %arg0[%get3A_2, %get3A_3, %get3A_4, %get3A_5] : memref<2x2x10112x64xf32, #tpu.memory_space<vmem>>, vector<1x2x10112x64xf32>
    %get3A_7 = vector.shape_cast %get3A_6 : vector<1x2x10112x64xf32> to vector<2x10112x64xf32>
    %get3A_8 = arith.constant 1 : index
    %get3A_9 = arith.constant 0 : index
    %get3A_10 = arith.constant 0 : index
    %get3A_11 = arith.constant 0 : index
    %get3A_12 = vector.load %arg0[%get3A_8, %get3A_9, %get3A_10, %get3A_11] : memref<2x2x10112x64xf32, #tpu.memory_space<vmem>>, vector<1x2x10112x64xf32>
    %get3A_13 = vector.shape_cast %get3A_12 : vector<1x2x10112x64xf32> to vector<2x10112x64xf32>
    %add3A = arith.addf %get3A_7, %get3A_13 : vector<2x10112x64xf32>
    %mul3A = vector.broadcast %broadcast_in_dim3A : vector<1x10112x1xf32> to vector<2x10112x64xf32>
    %mul3A_14 = arith.mulf %mul3A, %add3A : vector<2x10112x64xf32>
    %swap3A = arith.constant 0 : index
    %swap3A_15 = arith.constant 0 : index
    %swap3A_16 = arith.constant 0 : index
    %swap3A_17 = vector.load %arg2[%swap3A, %swap3A_15, %swap3A_16] : memref<2x10112x64xf32, #tpu.memory_space<vmem>>, vector<2x10112x64xf32>
    tpu.vector_store %arg2[%swap3A, %swap3A_15, %swap3A_16], %mul3A_14 {strides = array<i32>} : memref<2x10112x64xf32, #tpu.memory_space<vmem>>, vector<2x10112x64xf32>,
    return
  }
}

module attributes {stable_mosaic.version = 14 : i64} {
  func.func @_post_body(%arg0: memref<2x2x10112x64xf32, #tpu.memory_space<vmem>>, %arg1: memref<10112x16xf32, #tpu.memory_space<vmem>>, %arg2: memref<1x128xf32, #tpu.memory_space<vmem>>, %arg3: memref<1x128xf32, #tpu.memory_space<vmem>>, %arg4: memref<1x128xf32, #tpu.memory_space<vmem>>, %arg5: memref<128x64xf32, #tpu.memory_space<vmem>>, %arg6: memref<1x10112x64xf32, #tpu.memory_space<vmem>>) attributes {dimension_semantics = [], scalar_prefetch = 0 : i64, scratch_operands = 0 : i64, tpu.core_type = #tpu.core_type<tc>} {
    %get3A = arith.constant 0 : index
    %get3A_0 = arith.constant 0 : index
    %get3A_1 = vector.load %arg1[%get3A, %get3A_0] : memref<10112x16xf32, #tpu.memory_space<vmem>>, vector<10112x16xf32>
    %slice3A = vector.extract_strided_slice %get3A_1 {offsets = [0, 0], sizes = [10112, 1], strides = [1, 1]} : vector<10112x16xf32> to vector<10112x1xf32>
    %broadcast_in_dim3A = vector.shape_cast %slice3A : vector<10112x1xf32> to vector<1x10112x1xf32>
    %get3A_2 = arith.constant 0 : index
    %get3A_3 = arith.constant 0 : index
    %get3A_4 = arith.constant 0 : index
    %get3A_5 = arith.constant 0 : index
    %get3A_6 = vector.load %arg0[%get3A_2, %get3A_3, %get3A_4, %get3A_5] : memref<2x2x10112x64xf32, #tpu.memory_space<vmem>>, vector<1x2x10112x64xf32>
    %get3A_7 = vector.shape_cast %get3A_6 : vector<1x2x10112x64xf32> to vector<2x10112x64xf32>
    %get3A_8 = arith.constant 1 : index
    %get3A_9 = arith.constant 0 : index
    %get3A_10 = arith.constant 0 : index
    %get3A_11 = arith.constant 0 : index
    %get3A_12 = vector.load %arg0[%get3A_8, %get3A_9, %get3A_10, %get3A_11] : memref<2x2x10112x64xf32, #tpu.memory_space<vmem>>, vector<1x2x10112x64xf32>
    %get3A_13 = vector.shape_cast %get3A_12 : vector<1x2x10112x64xf32> to vector<2x10112x64xf32>
    %add3A = arith.addf %get3A_7, %get3A_13 : vector<2x10112x64xf32>
    %mul3A = vector.broadcast %broadcast_in_dim3A : vector<1x10112x1xf32> to vector<2x10112x64xf32>
    %mul3A_14 = arith.mulf %mul3A, %add3A : vector<2x10112x64xf32>
    %slice3A_15 = vector.extract_strided_slice %mul3A_14 {offsets = [0, 0, 0], sizes = [1, 10112, 64], strides = [1, 1, 1]} : vector<2x10112x64xf32> to vector<1x10112x64xf32>
    %squeeze3A = vector.shape_cast %slice3A_15 : vector<1x10112x64xf32> to vector<10112x64xf32>
    %slice3A_16 = vector.extract_strided_slice %mul3A_14 {offsets = [1, 0, 0], sizes = [1, 10112, 64], strides = [1, 1, 1]} : vector<2x10112x64xf32> to vector<1x10112x64xf32>
    %squeeze3A_17 = vector.shape_cast %slice3A_16 : vector<1x10112x64xf32> to vector<10112x64xf32>
    %concatenate3A = tpu.concatenate %squeeze3A, %squeeze3A_17 in 1 : vector<10112x64xf32>, vector<10112x64xf32> -> vector<10112x128xf32>
    %get3A_18 = arith.constant 0 : index
    %get3A_19 = arith.constant 0 : index
    %get3A_20 = vector.load %arg2[%get3A_18, %get3A_19] : memref<1x128xf32, #tpu.memory_space<vmem>>, vector<1x128xf32>
    %add3A_21 = vector.broadcast %get3A_20 : vector<1x128xf32> to vector<10112x128xf32>
    %add3A_22 = arith.addf %concatenate3A, %add3A_21 : vector<10112x128xf32>
    %get3A_23 = arith.constant 0 : index
    %get3A_24 = arith.constant 0 : index
    %get3A_25 = vector.load %arg3[%get3A_23, %get3A_24] : memref<1x128xf32, #tpu.memory_space<vmem>>, vector<1x128xf32>
    %get3A_26 = arith.constant 0 : index
    %get3A_27 = arith.constant 0 : index
    %get3A_28 = vector.load %arg4[%get3A_26, %get3A_27] : memref<1x128xf32, #tpu.memory_space<vmem>>, vector<1x128xf32>
    %reduce_sum3A = arith.constant dense<0.000000e+00> : vector<128xf32>
    %reduce_sum3A_29 = vector.multi_reduction <add>, %add3A_22, %reduce_sum3A [0] : vector<10112x128xf32> to vector<128xf32>
    %div3A = arith.constant 1.011200e+04 : f32
    %div3A_30 = vector.broadcast %div3A : f32 to vector<128xf32>
    %div3A_31 = arith.divf %reduce_sum3A_29, %div3A_30 : vector<128xf32>
    %jit3A = arith.constant 0 : i32
    %reduce_sum3A_32 = arith.constant dense<0.000000e+00> : vector<128xf32>
    %reduce_sum3A_33 = vector.multi_reduction <add>, %add3A_22, %reduce_sum3A_32 [0] : vector<10112x128xf32> to vector<128xf32>
    %broadcast_in_dim3A_34 = vector.shape_cast %reduce_sum3A_33 : vector<128xf32> to vector<1x128xf32>
    %div3A_35 = arith.constant 1.011200e+04 : f32
    %div3A_36 = vector.broadcast %div3A_35 : f32 to vector<1x128xf32>
    %div3A_37 = arith.divf %broadcast_in_dim3A_34, %div3A_36 : vector<1x128xf32>
    %sub3A = vector.broadcast %div3A_37 : vector<1x128xf32> to vector<10112x128xf32>
    %sub3A_38 = arith.subf %add3A_22, %sub3A : vector<10112x128xf32>
    %square3A = arith.mulf %sub3A_38, %sub3A_38 : vector<10112x128xf32>
    %convert_element_type3A = arith.sitofp %jit3A : i32 to f32
    %sub3A_39 = arith.constant 1.011200e+04 : f32
    %sub3A_40 = arith.subf %sub3A_39, %convert_element_type3A : f32
    %reduce_sum3A_41 = arith.constant dense<0.000000e+00> : vector<128xf32>
    %reduce_sum3A_42 = vector.multi_reduction <add>, %square3A, %reduce_sum3A_41 [0] : vector<10112x128xf32> to vector<128xf32>
    %div3A_43 = vector.broadcast %sub3A_40 : f32 to vector<128xf32>
    %div3A_44 = arith.divf %reduce_sum3A_42, %div3A_43 : vector<128xf32>
    %gt3A = arith.constant 0.000000e+00 : f32
    %gt3A_45 = arith.cmpf ogt, %sub3A_40, %gt3A : f32
    %jit3A_46 = arith.constant 0x7FC00000 : f32
    %broadcast_in_dim3A_47 = vector.broadcast %jit3A_46 : f32 to vector<128xf32>
    %select_n3A = arith.select %gt3A_45, %div3A_44, %broadcast_in_dim3A_47 : vector<128xf32>
    %broadcast_in_dim3A_48 = vector.shape_cast %div3A_31 : vector<128xf32> to vector<1x128xf32>
    %sub3A_49 = vector.broadcast %broadcast_in_dim3A_48 : vector<1x128xf32> to vector<10112x128xf32>
    %sub3A_50 = arith.subf %add3A_22, %sub3A_49 : vector<10112x128xf32>
    %mul3A_51 = vector.broadcast %get3A_25 : vector<1x128xf32> to vector<10112x128xf32>
    %mul3A_52 = arith.mulf %mul3A_51, %sub3A_50 : vector<10112x128xf32>
    %add3A_53 = arith.constant 9.99999974E-6 : f32
    %add3A_54 = vector.broadcast %add3A_53 : f32 to vector<128xf32>
    %add3A_55 = arith.addf %select_n3A, %add3A_54 : vector<128xf32>
    %sqrt3A = math.sqrt %add3A_55 : vector<128xf32>
    %broadcast_in_dim3A_56 = vector.shape_cast %sqrt3A : vector<128xf32> to vector<1x128xf32>
    %div3A_57 = vector.broadcast %broadcast_in_dim3A_56 : vector<1x128xf32> to vector<10112x128xf32>
    %div3A_58 = arith.divf %mul3A_52, %div3A_57 : vector<10112x128xf32>
    %add3A_59 = vector.broadcast %get3A_28 : vector<1x128xf32> to vector<10112x128xf32>
    %add3A_60 = arith.addf %div3A_58, %add3A_59 : vector<10112x128xf32>
    %max3A = arith.constant 0.000000e+00 : f32
    %max3A_61 = vector.broadcast %max3A : f32 to vector<10112x128xf32>
    %max3A_62 = arith.maximumf %add3A_60, %max3A_61 : vector<10112x128xf32>
    %get3A_63 = arith.constant 0 : index
    %get3A_64 = arith.constant 0 : index
    %get3A_65 = vector.load %arg5[%get3A_63, %get3A_64] : memref<128x64xf32, #tpu.memory_space<vmem>>, vector<128x64xf32>
    %dot_general3A = arith.constant dense<0.000000e+00> : vector<10112x64xf32>
    %dot_general3A_66 = tpu.matmul %max3A_62, %get3A_65, %dot_general3A {dimension_numbers = #tpu.dot_dimension_numbers<[1], [0], [0], [1], [0, 0, 1, 1], [], []>, transpose_lhs_hint = false} : vector<10112x128xf32>, vector<128x64xf32>, vector<10112x64xf32> -> vector<10112x64xf32>
    %swap3A = arith.constant 0 : index
    %swap3A_67 = arith.constant 0 : index
    %swap3A_68 = arith.constant 0 : index
    %swap3A_69 = vector.load %arg6[%swap3A, %swap3A_67, %swap3A_68] : memref<1x10112x64xf32, #tpu.memory_space<vmem>>, vector<1x10112x64xf32>
    %swap3A_70 = vector.shape_cast %swap3A_69 : vector<1x10112x64xf32> to vector<10112x64xf32>
    %swap3A_71 = vector.shape_cast %dot_general3A_66 : vector<10112x64xf32> to vector<1x10112x64xf32>
    tpu.vector_store %arg6[%swap3A, %swap3A_67, %swap3A_68], %swap3A_71 {strides = array<i32>} : memref<1x10112x64xf32, #tpu.memory_space<vmem>>, vector<1x10112x64xf32>,
    return
  }
}

module attributes {stable_mosaic.version = 14 : i64} {
  func.func @_head_body(%arg0: memref<2x1x10112x64xf32, #tpu.memory_space<vmem>>, %arg1: memref<10112x16xf32, #tpu.memory_space<vmem>>, %arg2: memref<1x64xf32, #tpu.memory_space<vmem>>, %arg3: memref<1x64xf32, #tpu.memory_space<vmem>>, %arg4: memref<1x64xf32, #tpu.memory_space<vmem>>, %arg5: memref<1x64xf32, #tpu.memory_space<vmem>>, %arg6: memref<128x128xf32, #tpu.memory_space<vmem>>, %arg7: memref<1x128xf32, #tpu.memory_space<vmem>>, %arg8: memref<128x10xf32, #tpu.memory_space<vmem>>, %arg9: memref<1x10xf32, #tpu.memory_space<vmem>>, %arg10: memref<10000x10xf32, #tpu.memory_space<vmem>>) attributes {dimension_semantics = [], scalar_prefetch = 0 : i64, scratch_operands = 0 : i64, tpu.core_type = #tpu.core_type<tc>} {
    %get3A = arith.constant 0 : index
    %get3A_0 = arith.constant 0 : index
    %get3A_1 = vector.load %arg1[%get3A, %get3A_0] : memref<10112x16xf32, #tpu.memory_space<vmem>>, vector<10112x16xf32>
    %slice3A = vector.extract_strided_slice %get3A_1 {offsets = [0, 0], sizes = [10112, 1], strides = [1, 1]} : vector<10112x16xf32> to vector<10112x1xf32>
    %broadcast_in_dim3A = vector.shape_cast %slice3A : vector<10112x1xf32> to vector<1x10112x1xf32>
    %get3A_2 = arith.constant 0 : index
    %get3A_3 = arith.constant 0 : index
    %get3A_4 = arith.constant 0 : index
    %get3A_5 = arith.constant 0 : index
    %get3A_6 = vector.load %arg0[%get3A_2, %get3A_3, %get3A_4, %get3A_5] : memref<2x1x10112x64xf32, #tpu.memory_space<vmem>>, vector<1x1x10112x64xf32>
    %get3A_7 = vector.shape_cast %get3A_6 : vector<1x1x10112x64xf32> to vector<1x10112x64xf32>
    %get3A_8 = arith.constant 1 : index
    %get3A_9 = arith.constant 0 : index
    %get3A_10 = arith.constant 0 : index
    %get3A_11 = arith.constant 0 : index
    %get3A_12 = vector.load %arg0[%get3A_8, %get3A_9, %get3A_10, %get3A_11] : memref<2x1x10112x64xf32, #tpu.memory_space<vmem>>, vector<1x1x10112x64xf32>
    %get3A_13 = vector.shape_cast %get3A_12 : vector<1x1x10112x64xf32> to vector<1x10112x64xf32>
    %add3A = arith.addf %get3A_7, %get3A_13 : vector<1x10112x64xf32>
    %mul3A = vector.broadcast %broadcast_in_dim3A : vector<1x10112x1xf32> to vector<1x10112x64xf32>
    %mul3A_14 = arith.mulf %mul3A, %add3A : vector<1x10112x64xf32>
    %squeeze3A = vector.shape_cast %mul3A_14 : vector<1x10112x64xf32> to vector<10112x64xf32>
    %get3A_15 = arith.constant 0 : index
    %get3A_16 = arith.constant 0 : index
    %get3A_17 = vector.load %arg2[%get3A_15, %get3A_16] : memref<1x64xf32, #tpu.memory_space<vmem>>, vector<1x64xf32>
    %add3A_18 = vector.broadcast %get3A_17 : vector<1x64xf32> to vector<10112x64xf32>
    %add3A_19 = arith.addf %squeeze3A, %add3A_18 : vector<10112x64xf32>
    %get3A_20 = arith.constant 0 : index
    %get3A_21 = arith.constant 0 : index
    %get3A_22 = vector.load %arg3[%get3A_20, %get3A_21] : memref<1x64xf32, #tpu.memory_space<vmem>>, vector<1x64xf32>
    %get3A_23 = arith.constant 0 : index
    %get3A_24 = arith.constant 0 : index
    %get3A_25 = vector.load %arg4[%get3A_23, %get3A_24] : memref<1x64xf32, #tpu.memory_space<vmem>>, vector<1x64xf32>
    %reduce_sum3A = arith.constant dense<0.000000e+00> : vector<64xf32>
    %reduce_sum3A_26 = vector.multi_reduction <add>, %add3A_19, %reduce_sum3A [0] : vector<10112x64xf32> to vector<64xf32>
    %div3A = arith.constant 1.011200e+04 : f32
    %div3A_27 = vector.broadcast %div3A : f32 to vector<64xf32>
    %div3A_28 = arith.divf %reduce_sum3A_26, %div3A_27 : vector<64xf32>
    %jit3A = arith.constant 0 : i32
    %reduce_sum3A_29 = arith.constant dense<0.000000e+00> : vector<64xf32>
    %reduce_sum3A_30 = vector.multi_reduction <add>, %add3A_19, %reduce_sum3A_29 [0] : vector<10112x64xf32> to vector<64xf32>
    %broadcast_in_dim3A_31 = vector.shape_cast %reduce_sum3A_30 : vector<64xf32> to vector<1x64xf32>
    %div3A_32 = arith.constant 1.011200e+04 : f32
    %div3A_33 = vector.broadcast %div3A_32 : f32 to vector<1x64xf32>
    %div3A_34 = arith.divf %broadcast_in_dim3A_31, %div3A_33 : vector<1x64xf32>
    %sub3A = vector.broadcast %div3A_34 : vector<1x64xf32> to vector<10112x64xf32>
    %sub3A_35 = arith.subf %add3A_19, %sub3A : vector<10112x64xf32>
    %square3A = arith.mulf %sub3A_35, %sub3A_35 : vector<10112x64xf32>
    %convert_element_type3A = arith.sitofp %jit3A : i32 to f32
    %sub3A_36 = arith.constant 1.011200e+04 : f32
    %sub3A_37 = arith.subf %sub3A_36, %convert_element_type3A : f32
    %reduce_sum3A_38 = arith.constant dense<0.000000e+00> : vector<64xf32>
    %reduce_sum3A_39 = vector.multi_reduction <add>, %square3A, %reduce_sum3A_38 [0] : vector<10112x64xf32> to vector<64xf32>
    %div3A_40 = vector.broadcast %sub3A_37 : f32 to vector<64xf32>
    %div3A_41 = arith.divf %reduce_sum3A_39, %div3A_40 : vector<64xf32>
    %gt3A = arith.constant 0.000000e+00 : f32
    %gt3A_42 = arith.cmpf ogt, %sub3A_37, %gt3A : f32
    %jit3A_43 = arith.constant 0x7FC00000 : f32
    %broadcast_in_dim3A_44 = vector.broadcast %jit3A_43 : f32 to vector<64xf32>
    %select_n3A = arith.select %gt3A_42, %div3A_41, %broadcast_in_dim3A_44 : vector<64xf32>
    %broadcast_in_dim3A_45 = vector.shape_cast %div3A_28 : vector<64xf32> to vector<1x64xf32>
    %sub3A_46 = vector.broadcast %broadcast_in_dim3A_45 : vector<1x64xf32> to vector<10112x64xf32>
    %sub3A_47 = arith.subf %add3A_19, %sub3A_46 : vector<10112x64xf32>
    %mul3A_48 = vector.broadcast %get3A_22 : vector<1x64xf32> to vector<10112x64xf32>
    %mul3A_49 = arith.mulf %mul3A_48, %sub3A_47 : vector<10112x64xf32>
    %add3A_50 = arith.constant 9.99999974E-6 : f32
    %add3A_51 = vector.broadcast %add3A_50 : f32 to vector<64xf32>
    %add3A_52 = arith.addf %select_n3A, %add3A_51 : vector<64xf32>
    %sqrt3A = math.sqrt %add3A_52 : vector<64xf32>
    %broadcast_in_dim3A_53 = vector.shape_cast %sqrt3A : vector<64xf32> to vector<1x64xf32>
    %div3A_54 = vector.broadcast %broadcast_in_dim3A_53 : vector<1x64xf32> to vector<10112x64xf32>
    %div3A_55 = arith.divf %mul3A_49, %div3A_54 : vector<10112x64xf32>
    %add3A_56 = vector.broadcast %get3A_25 : vector<1x64xf32> to vector<10112x64xf32>
    %add3A_57 = arith.addf %div3A_55, %add3A_56 : vector<10112x64xf32>
    %get3A_58 = arith.constant 0 : index
    %get3A_59 = arith.constant 0 : index
    %get3A_60 = vector.load %arg5[%get3A_58, %get3A_59] : memref<1x64xf32, #tpu.memory_space<vmem>>, vector<1x64xf32>
    %max3A = arith.constant 0.000000e+00 : f32
    %max3A_61 = vector.broadcast %max3A : f32 to vector<1x64xf32>
    %max3A_62 = arith.maximumf %get3A_60, %max3A_61 : vector<1x64xf32>
    %mul3A_63 = arith.constant 2.000000e+00 : f32
    %mul3A_64 = vector.broadcast %mul3A_63 : f32 to vector<1x64xf32>
    %mul3A_65 = arith.mulf %max3A_62, %mul3A_64 : vector<1x64xf32>
    %get3A_66 = arith.constant 64 : index
    %get3A_67 = arith.constant 0 : index
    %get3A_68 = vector.load %arg6[%get3A_66, %get3A_67] : memref<128x128xf32, #tpu.memory_space<vmem>>, vector<64x128xf32>
    %dot_general3A = arith.constant dense<0.000000e+00> : vector<1x128xf32>
    %dot_general3A_69 = tpu.matmul %mul3A_65, %get3A_68, %dot_general3A {dimension_numbers = #tpu.dot_dimension_numbers<[1], [0], [0], [1], [0, 0, 1, 1], [], []>, transpose_lhs_hint = false} : vector<1x64xf32>, vector<64x128xf32>, vector<1x128xf32> -> vector<1x128xf32>
    %get3A_70 = arith.constant 0 : index
    %get3A_71 = arith.constant 0 : index
    %get3A_72 = vector.load %arg6[%get3A_70, %get3A_71] : memref<128x128xf32, #tpu.memory_space<vmem>>, vector<64x128xf32>
    %dot_general3A_73 = arith.constant dense<0.000000e+00> : vector<10112x128xf32>
    %dot_general3A_74 = tpu.matmul %add3A_57, %get3A_72, %dot_general3A_73 {dimension_numbers = #tpu.dot_dimension_numbers<[1], [0], [0], [1], [0, 0, 1, 1], [], []>, transpose_lhs_hint = false} : vector<10112x64xf32>, vector<64x128xf32>, vector<10112x128xf32> -> vector<10112x128xf32>
    %add3A_75 = vector.broadcast %dot_general3A_69 : vector<1x128xf32> to vector<10112x128xf32>
    %add3A_76 = arith.addf %dot_general3A_74, %add3A_75 : vector<10112x128xf32>
    %get3A_77 = arith.constant 0 : index
    %get3A_78 = arith.constant 0 : index
    %get3A_79 = vector.load %arg7[%get3A_77, %get3A_78] : memref<1x128xf32, #tpu.memory_space<vmem>>, vector<1x128xf32>
    %add3A_80 = vector.broadcast %get3A_79 : vector<1x128xf32> to vector<10112x128xf32>
    %add3A_81 = arith.addf %add3A_76, %add3A_80 : vector<10112x128xf32>
    %max3A_82 = arith.constant 0.000000e+00 : f32
    %max3A_83 = vector.broadcast %max3A_82 : f32 to vector<10112x128xf32>
    %max3A_84 = arith.maximumf %add3A_81, %max3A_83 : vector<10112x128xf32>
    %get3A_85 = arith.constant 0 : index
    %get3A_86 = arith.constant 0 : index
    %get3A_87 = vector.load %arg8[%get3A_85, %get3A_86] : memref<128x10xf32, #tpu.memory_space<vmem>>, vector<128x10xf32>
    %dot_general3A_88 = arith.constant dense<0.000000e+00> : vector<10112x10xf32>
    %dot_general3A_89 = tpu.matmul %max3A_84, %get3A_87, %dot_general3A_88 {dimension_numbers = #tpu.dot_dimension_numbers<[1], [0], [0], [1], [0, 0, 1, 1], [], []>, transpose_lhs_hint = false} : vector<10112x128xf32>, vector<128x10xf32>, vector<10112x10xf32> -> vector<10112x10xf32>
    %get3A_90 = arith.constant 0 : index
    %get3A_91 = arith.constant 0 : index
    %get3A_92 = vector.load %arg9[%get3A_90, %get3A_91] : memref<1x10xf32, #tpu.memory_space<vmem>>, vector<1x10xf32>
    %add3A_93 = vector.broadcast %get3A_92 : vector<1x10xf32> to vector<10112x10xf32>
    %add3A_94 = arith.addf %dot_general3A_89, %add3A_93 : vector<10112x10xf32>
    %reduce_max3A = arith.constant dense<0xFF800000> : vector<10112xf32>
    %reduce_max3A_95 = vector.multi_reduction <maximumf>, %add3A_94, %reduce_max3A [1] : vector<10112x10xf32> to vector<10112xf32>
    %broadcast_in_dim3A_96 = vector.shape_cast %reduce_max3A_95 : vector<10112xf32> to vector<10112x1xf32>
    %sub3A_97 = vector.broadcast %broadcast_in_dim3A_96 : vector<10112x1xf32> to vector<10112x10xf32>
    %sub3A_98 = arith.subf %add3A_94, %sub3A_97 : vector<10112x10xf32>
    %exp3A = math.exp %sub3A_98 : vector<10112x10xf32>
    %reduce_sum3A_99 = arith.constant dense<0.000000e+00> : vector<10112xf32>
    %reduce_sum3A_100 = vector.multi_reduction <add>, %exp3A, %reduce_sum3A_99 [1] : vector<10112x10xf32> to vector<10112xf32>
    %broadcast_in_dim3A_101 = vector.shape_cast %reduce_sum3A_100 : vector<10112xf32> to vector<10112x1xf32>
    %log3A = math.log %broadcast_in_dim3A_101 : vector<10112x1xf32>
    %sub3A_102 = vector.broadcast %log3A : vector<10112x1xf32> to vector<10112x10xf32>
    %sub3A_103 = arith.subf %sub3A_98, %sub3A_102 : vector<10112x10xf32>
    %slice3A_104 = vector.extract_strided_slice %sub3A_103 {offsets = [0, 0], sizes = [10000, 10], strides = [1, 1]} : vector<10112x10xf32> to vector<10000x10xf32>
    %swap3A = arith.constant 0 : index
    %swap3A_105 = arith.constant 0 : index
    %swap3A_106 = vector.load %arg10[%swap3A, %swap3A_105] : memref<10000x10xf32, #tpu.memory_space<vmem>>, vector<10000x10xf32>
    tpu.vector_store %arg10[%swap3A, %swap3A_105], %slice3A_104 {strides = array<i32>} : memref<10000x10xf32, #tpu.memory_space<vmem>>, vector<10000x10xf32>,
    return
  }
}

</mosaic_0001>

<sc_bundles>
// kernel: kernel.17.cloned.1.call-start
scs
__scs_entry_jumppad:
0x0: {  	(pc) =	sbr.rel $0x88, $3  }
0x1: {  	(tag) =	ssettag $0x0;
	lr =	simm.s32 $0x1  }
0x2: {  	[smem:$0x3F8E] =	sst lr;
	_ =	strace $0xD0000000  }
0x3: {  	_ = 	snop  }
0x4: {  	_ = 	snop  }
0x5: {  	_ = 	snop  }
0x6: {  	_ = 	snop  }
0x7: {  	_ = 	snop  }
__scs_overlays_trampoline_lowered:
0x8: {  	[smem:$0x3F9D] =	sst s0  }
0x9: {  	[smem:$0x3F9E] =	sst s1  }
0xa: {  	[smem:$0x3F9F] =	sst s2  }
0xb: {  	[smem:$0x3FA0] =	sst s3  }
0xc: {  	[smem:$0x3FA1] =	sst s4  }
0xd: {  	[smem:$0x3FA2] =	sst s5  }
0xe: {  	[smem:$0x3FA3] =	sst s6  }
0xf: {  	[smem:$0x3FA4] =	sst s7  }
0x10: {  	[smem:$0x3FA5] =	sst s8  }
0x11: {  	[smem:$0x3FA6] =	sst s9;
	s0 =	simm.s32 @!p0 $0x0  }
0x12: {  	s1 =	sld [smem:$0x3F8C];
	s0 =	simm.s32 @p0 $0x1  }
0x13: {  	[smem:$0x3FA7] =	sst s0;
	s0 =	simm.s32 @!p1 $0x0  }
0x14: {  	s2 =	sld [smem:$0x3F8B];
	s0 =	simm.s32 @p1 $0x1  }
0x15: {  	[smem:$0x3FA8] =	sst s0;
	s0 =	simm.s32 @!p2 $0x0  }
0x16: {  	s3 =	sld [smem:$0x3FDB];
	s0 =	simm.s32 @p2 $0x1  }
0x17: {  	s4 =	simm.s32 $0x1BF5;
	[smem:$0x3FAA] =	sst s0  }
0x18: {  	s0 =	sld [smem:$0x3F8D];
	_ =	swait.ge [sflag:s4], $0x0  }
0x19: {  	s7 =	sld [smem:$0x3F8E]  }
0x1a: {  	s8 =	sadd.s32 $0xFFFFE003, lr  }
0x1b: {  	s9 =	sadd.s32 $0xFFFFFEF7, lr;
	s5 =	simm.s32 $0xFFFFFFFF;
	p2 =	slt.u32 s8, $0xFFFFF086  }
0x1c: {  	p1 =	slt.u32 s9, $0xF7A;
	s5 =	simm.s32 @!p2 $0x0  }
0x1d: {  	s5 =	simm.s32 @p1 $0x1;
	p0 =	seq.s32 s7, s2  }
0x1e: {  	s7 =	smul.u32 @!p0 $0xF7A, s2;
	p2 =	seq.s32 @!p0 s5, $0x0  }
0x1f: {  	s9 =	smul.u32 $0xF7A, s1;
	s8 =	simm.s32 @!p0 $0x1BF5;
	p2 =	por !p2, p0  }
0x20: {  	[sflag:s8] =	ssyncset.s32 @!p0 $0xFFFFF086;
	s6 =	sadd.s32 @!p0 s3, s7;
	s7 =	simm.s32 @!p0 $0x108  }
0x21: {  	s3 =	sadd.s32 s3, s9;
	s6 =	sadd.s32 @!p0 $0x88, s6;
	s7 =	simm.s32 @p2 $0x1082  }
0x22: {  	[simem:s7], [sflag:s8] =	dma.local @!p0 [hbm:s6], $0xF7A  }
0x23: {  	s9 =	sor.u32 $0xD0000000, s2;
	s6 =	simm.s32 $0x108;
	_ =	swait.ge @!p0 [sflag:s8], $0x0  }
0x24: {  	s3 =	sadd.s32 $0x88, s3;
	s6 =	simm.s32 @!p1 $0x1082;
	[sflag:s4] =	ssyncset.s32 $0xFFFFF086  }
0x25: {  	[simem:s6], [sflag:s4] =	dma.local [hbm:s3], $0xF7A  }
0x26: {  	[smem:$0x3F8E] =	sst s1;
	(tag) =	ssettag s2;
	_ =	strace s9  }
0x27: {  	s1 =	sld [smem:$0x3F9E]  }
0x28: {  	s2 =	sld [smem:$0x3F9F]  }
0x29: {  	s4 =	sld [smem:$0x3FA1]  }
0x2a: {  	p0 =	seq.s32 s5, $0x0;
	s5 =	sld [smem:$0x3FA2]  }
0x2b: {  	s6 =	sld [smem:$0x3FA3]  }
0x2c: {  	s7 =	sld [smem:$0x3FA4]  }
0x2d: {  	s3 =	simm.s32 $0x108;
	s8 =	sld [smem:$0x3FA5]  }
0x2e: {  	s3 =	simm.s32 @!p0 $0x1082;
	s9 =	sld [smem:$0x3FA6]  }
0x2f: {  	lr =	sadd.s32 s0, s3;
	s0 =	sld [smem:$0x3F9D]  }
0x30: {  	s3 =	sld [smem:$0x3FA0]  }
0x31: {  	[smem:$0x3FA9] =	sst s10  }
0x32: {  	s10 =	sld [smem:$0x3FA7];
	_ =	sdelay $0x3  }
0x33: {  	p0 =	seq.s32 s10, $0x1;
	s10 =	sld [smem:$0x3FA9];
	_ =	sdelay $0x3  }
0x34: {  	[smem:$0x3FA9] =	sst s10  }
0x35: {  	s10 =	sld [smem:$0x3FA8];
	_ =	sdelay $0x3  }
0x36: {  	p1 =	seq.s32 s10, $0x1;
	s10 =	sld [smem:$0x3FA9];
	_ =	sdelay $0x3  }
0x37: {  	[smem:$0x3FA9] =	sst s10  }
0x38: {  	s10 =	sld [smem:$0x3FAA]  }
0x39: {  	_ = 	snop;
	(pc) =	sbr.ind lr, $3  }
0x3a: {  	_ = 	snop  }
0x3b: {  	_ = 	snop  }
0x3c: {  	p2 =	seq.s32 s10, $0x1;
	s10 =	sld [smem:$0x3FA9]  }
0x3d: {  	_ =	shalt  }
0x3e: {  	_ =	shalt  }
0x3f: {  	_ =	shalt  }
0x40: {  	_ =	shalt  }
0x41: {  	_ =	shalt  }
0x42: {  	_ =	shalt  }
0x43: {  	_ =	shalt  }
0x44: {  	_ =	shalt  }
0x45: {  	_ =	shalt  }
0x46: {  	_ =	shalt  }
0x47: {  	_ =	shalt  }
0x48: {  	_ =	shalt  }
0x49: {  	_ =	shalt  }
0x4a: {  	_ =	shalt  }
0x4b: {  	_ =	shalt  }
0x4c: {  	_ =	shalt  }
0x4d: {  	_ =	shalt  }
0x4e: {  	_ =	shalt  }
0x4f: {  	_ =	shalt  }
0x50: {  	_ =	shalt  }
0x51: {  	_ =	shalt  }
0x52: {  	_ =	shalt  }
0x53: {  	_ =	shalt  }
0x54: {  	_ =	shalt  }
0x55: {  	_ =	shalt  }
0x56: {  	_ =	shalt  }
0x57: {  	_ =	shalt  }
0x58: {  	_ =	shalt  }
0x59: {  	_ =	shalt  }
0x5a: {  	_ =	shalt  }
0x5b: {  	_ =	shalt  }
0x5c: {  	_ =	shalt  }
0x5d: {  	_ =	shalt  }
0x5e: {  	_ =	shalt  }
0x5f: {  	_ =	shalt  }
0x60: {  	_ =	shalt  }
0x61: {  	_ =	shalt  }
0x62: {  	_ =	shalt  }
0x63: {  	_ =	shalt  }
0x64: {  	_ =	shalt  }
0x65: {  	_ =	shalt  }
0x66: {  	_ =	shalt  }
0x67: {  	_ =	shalt  }
0x68: {  	_ =	shalt  }
0x69: {  	_ =	shalt  }
0x6a: {  	_ =	shalt  }
0x6b: {  	_ =	shalt  }
0x6c: {  	_ =	shalt  }
0x6d: {  	_ =	shalt  }
0x6e: {  	_ =	shalt  }
0x6f: {  	_ =	shalt  }
0x70: {  	_ =	shalt  }
0x71: {  	_ =	shalt  }
0x72: {  	_ =	shalt  }
0x73: {  	_ =	shalt  }
0x74: {  	_ =	shalt  }
0x75: {  	_ =	shalt  }
0x76: {  	_ =	shalt  }
0x77: {  	_ =	shalt  }
0x78: {  	_ =	shalt  }
0x79: {  	_ =	shalt  }
0x7a: {  	_ =	shalt  }
0x7b: {  	_ =	shalt  }
0x7c: {  	_ =	shalt  }
0x7d: {  	_ =	shalt  }
0x7e: {  	_ =	shalt  }
0x7f: {  	_ =	shalt  }
0x80: {  	_ =	shalt  }
0x81: {  	_ =	shalt  }
0x82: {  	_ =	shalt  }
0x83: {  	_ =	shalt  }
0x84: {  	_ =	shalt  }
0x85: {  	_ =	shalt  }
0x86: {  	_ =	shalt  }
0x87: {  	_ =	shalt  }
.Lfunc_end0:
.L_simem_size_0:
called_computation_lowered:
.L_overlay_start_0:
0x88: {  	s2 =	sld [smem:$0x3FD9]  }
0x89: {  	s3 =	sld [smem:$0x3FFE];
	_ =	sdelay $0x1  }
0x8a: {  	s1 =	srdreg.scid  }
0x8b: {  	s0 =	sand.u32 $0x1, s1  }
0x8c: {  	s17 =	sshll.u32 s0, $0xA;
	s2 =	sadd.s32 s3, s2  }
0x8d: {  	s2 =	sadd.s32 s2, s17  }
0x8e: {  	[smem:$0x3FB5] =	sst s2  }
0x8f: {  	_ = 	snop  }
0x90: {  	s18 =	sld [smem:$0x3FD0];
	(tm) =	ssettm $0x1  }
0x91: {  	s19 =	sld [smem:$0x3FFB];
	_ =	sdelay $0x3  }
0x92: {  	_ =	strace s19  }
0x93: {  	s2 =	sld [smem:$0x3FFC];
	_ =	sdelay $0x3  }
0x94: {  	_ =	strace s2  }
0x95: {  	s2 =	sld [smem:$0x3FFD];
	_ =	sdelay $0x3  }
0x96: {  	_ =	strace s2  }
0x97: {  	_ =	strace $0x8FFFFFFF  }
0x98: {  	s20 =	sld [smem:$0x3FDB];
	_ =	sdelay $0x1  }
0x99: {  	s4 =	simm.s32 $_scs_section_size  }
0x9a: {  	s5 =	simm.s32 $_size__tile_overlayer_lowered;
	s6 =	simm.s32 $_tile_overlayer_lowered  }
0x9b: {  	s7 =	simm.s32 $0x1BFF;
	s21 =	sshll.u32 s6, $0x1;
	s4 =	sadd.s32 s4, s20  }
0x9c: {  	s22 =	simm.s32 $0x0;
	s5 =	sshll.u32 s5, $0x1;
	s6 =	sadd.s32 s21, s4  }
0x9d: {  	[timem:s22], [sflag:s7] =	dma.local [hbm:s6], s5  }
0x9e: {  	_ =	swait.ge [sflag:s7], s5  }
0x9f: {  	s5 =	ssub.s32 $0x0, s5;
	[sflag:s7] =	ssyncset.done $0x0  }
0xa0: {  	[sflag:s7] =	ssyncadd.s32 s5;
	_ =	sdelay $0x1  }
0xa1: {  	s23 =	simm.s32 $0x1B8B  }
0xa2: {  	_ =	swait.ge [sflag:s23], $0x1  }
0xa3: {  	[sflag:s23] =	ssyncset.done $0x0  }
0xa4: {  	[sflag:s23] =	ssyncadd.s32 $0xFFFFFFFF  }
0xa5: {  	s5 =	sld [smem:$0x0]  }
0xa6: {  	s6 =	sand.u32 $0xFFFFFFFE, s1  }
0xa7: {  	p0 =	sne.s32 s1, s6  }
0xa8: {  	s6 =	sshll.u32 @p0 s6, $0xE  }
0xa9: {  	s6 =	sadd.s32 @p0 $0x11B8D, s6;
	s7 =	sshll.u32 @p0 s5, $0x11  }
0xaa: {  	s6 =	sor.u32 @p0 s7, s6  }
0xab: {  	[sflag:s6] =	ssyncadd.remote.s32 @p0 $0x1;
	_ =	sdelay $0x1  }
0xac: {  	s6 =	simm.s32 @p0 $0x1B8D  }
0xad: {  	_ =	swait.eq @p0 [sflag:s6], $0x1  }
0xae: {  	[sflag:s6] =	ssyncadd.s32 @p0 $0xFFFFFFFF  }
0xaf: {  	s7 =	sshll.u32 @!p0 s1, $0xE  }
0xb0: {  	s7 =	sor.u32 @!p0 $0x4000, s7;
	s6 =	simm.s32 @!p0 $0x1B8D  }
0xb1: {  	s5 =	sshll.u32 @!p0 s5, $0x11;
	s7 =	sadd.s32 @!p0 $0x11B8D, s7;
	_ =	swait.eq @!p0 [sflag:s6], $0x1  }
0xb2: {  	s5 =	sor.u32 @!p0 s5, s7;
	[sflag:s6] =	ssyncadd.s32 @!p0 $0xFFFFFFFF  }
0xb3: {  	s25 =	simm.s32 $0x1B8E;
	s24 =	sld [smem:$0x3FFE];
	[sflag:s5] =	ssyncadd.remote.s32 @!p0 $0x1  }
0xb4: {  	s26 =	simm.s32 $execute0_lowered;
	[smem:$0x3FD2] =	sst s25  }
0xb5: {  	s6 =	sshll.u32 s26, $0x1;
	_ =	strace $0x80000049;
	[dreg:$0x1] =	wrdreg $0xFFFFFFFF  }
0xb6: {  	s28 =	simm.s32 $_size_execute0_lowered;
	s4 =	sadd.s32 s4, s6;
	[dreg:$0x0] =	wrdreg $0x0  }
0xb7: {  	s6 =	sshll.u32 s28, $0x1;
	[dreg:$0x2] =	wrdreg s4  }
0xb8: {  	[dreg:$0x3] =	wrdreg s6  }
0xb9: {  	[dreg:$0x4] =	wrdreg $0xC0  }
0xba: {  	_ =	task [dreg:s22], $0x5FFFF  }
0xbb: {  	[dreg:$0x1] =	wrdreg $0xFFFFFFFF  }
0xbc: {  	[dreg:$0x0] =	wrdreg $0x60  }
0xbd: {  	[dreg:$0x2] =	wrdreg s24  }
0xbe: {  	[dreg:$0x3] =	wrdreg s18  }
0xbf: {  	[dreg:$0x4] =	wrdreg $0x57000  }
0xc0: {  	[dreg:$0x5] =	wrdreg $0x7E800  }
0xc1: {  	[dreg:$0x6] =	wrdreg $0x9  }
0xc2: {  	_ =	task.clear_ibuf [dreg:s22], $0x7FFFF;
	_ =	strace $0x90000049  }
0xc3: {  	s29 =	simm.s32 $0x9;
	_ =	strace $0x8000004B  }
0xc4: {  	_ =	swait.ge [sflag:s29], $0x1  }
0xc5: {  	[sflag:s29] =	ssyncadd.s32 $0xFFFFFFFF  }
0xc6: {  	_ =	strace $0x9000004B  }
0xc7: {  	_ =	sfence  }
0xc8: {  	s30 =	sld [smem:$0x0];
	_ =	sdelay $0x2  }
0xc9: {  	s31 =	sshll.u32 s1, $0xD;
	s1 =	sshrl.u32 s1, $0x2  }
0xca: {  	s4 =	sand.u32 $0x4000, s31;
	s1 =	sadd.s32 s1, s30  }
0xcb: {  	s0 =	sor.u32 s4, s0;
	s1 =	sshll.u32 s1, $0x11  }
0xcc: {  	s0 =	sor.u32 s1, s0  }
0xcd: {  	s0 =	sadd.s32 $0x8F2B, s0  }
0xce: {  	[sflag:s0] =	ssyncadd.remote.s32 $0x1  }
0xcf: {  	_ =	sfence.sel $0xFFFF  }
0xd0: {  	[dreg:$0x0] =	wrdreg $0xFFFFFFFF;
	(pc) =	sbr.abs _section_cstart, $3  }
0xd1: {  	[dreg:$0x1] =	wrdreg $0xFFFFFFFF  }
0xd2: {  	_ =	task.clear_ibuf [dreg:s22], $0x2FFFF;
	_ =	strace $0x9FFFFFFF  }
0xd3: {  	(tm) =	ssettm $0x7FFFFFFF  }
tec
execute0_lowered:
.L_overlay_start_1:
0x0: {  	(tag) =	ssettag $0x1  }
0x1: {  	s6 =	rddreg [dreg:$0x0]  }
0x2: {  	s7 =	rddreg [dreg:$0x1]  }
0x3: {  	s0 =	srdreg.scid;
	s2 =	rddreg [dreg:$0x2]  }
0x4: {  	s3 =	rddreg [dreg:$0x3];
	s4 =	simm.s32 $0x0;
	s16 =	simm.s32 $0x4F00  }
0x5: {  	s17 =	simm.s32 $0x80;
	s18 =	simm.s32 $0x1;
	s19 =	simm.s32 $0x2  }
0x6: {  	s20 =	simm.s32 $0x0;
	s5 =	sand.u32 $0x1, s0;
	s0 =	stileid.u32  }
0x7: {  	[smem:$0x7FF] =	sst s4;
	s1 =	sshll.u32 s5, $0x4;
	s9 =	smul.u32 $0x2780, s0  }
0x8: {  	s10 =	smul.u32 $0x4F000, s5;
	s29 =	ssub.s32 $0x2, s5;
	s5 =	sadd.s32 $0x7A400, s6  }
0x9: {  	s31 =	sshll.u32 s0, $0x6;
	s1 =	sor.u32 s0, s1;
	s12 =	sshrl.u32 s29, $0x1  }
0xa: {  	s8 =	smul.u32 $0x4F0, s1;
	s1 =	rddreg [dreg:$0x4];
	_ =	strace $0x8000004A  }
0xb: {  	s28 =	sadd.s32 s9, s10;
	s12 =	ssub.s32 s29, s12;
	s30 =	sshrl.u32 s9, $0x3  }
0xc: {  	s14 =	sadd.s32 s9, s2;
	s15 =	sadd.s32 s9, s3;
	s12 =	smax.u32 s12, $0x1  }
0xd: {  	s15 =	sshrl.u32 s15, $0x3;
	s11 =	sadd.s32 s8, s6;
	s8 =	sshrl.u32 s28, $0x3  }
0xe: {  	s13 =	sadd.s32 s8, s6;
	s6 =	sadd.s32 s7, s30;
	s7 =	sor.u32 $0x1C03, s31  }
0xf: {  	s8 =	sadd.s32 $0x2B400, s11;
	s9 =	sadd.s32 $0x21600, s11;
	s10 =	sadd.s32 $0x7A600, s13  }
0x10: {  	s11 =	sadd.s32 $0x7F500, s13;
	s13 =	sshrl.u32 s14, $0x3;
	s14 =	simm.s32 $0x3  }
.LBB2_1:
0x11: {  	[spmem:s13], [sflag:s7] =	dma.local [hbm:s6], $0x4F0  }
0x12: {  	_ =	swait.ge [sflag:s14], $0x4F0  }
0x13: {  	[sflag:s14] =	ssyncset.done $0x0  }
0x14: {  	[sflag:s14] =	ssyncadd.s32 $0xFFFFFB10  }
0x15: {  	[spmem:s15], [sflag:s7] =	dma.local [hbm:s6], $0x4F0  }
0x16: {  	_ =	swait.ge [sflag:s14], $0x4F0  }
0x17: {  	[sflag:s14] =	ssyncset.done $0x0  }
0x18: {  	[sflag:s14] =	ssyncadd.s32 $0xFFFFFB10  }
0x19: {  	[tilespmem:s16], [sflag:$0x3] =	stream.linear.gather [hbm4b:s5+s4], $0x800, $0x38;
	[tilespmem:$0xA600] =	vst v63  }
0x1a: {  	_ =	swait.ge [sflag:s14], $0x800  }
0x1b: {  	[sflag:s14] =	ssyncset.done $0x0  }
0x1c: {  	[sflag:s14] =	ssyncadd.s32 $0xFFFFF800  }
0x1d: {  	[tilespmem:s4], [sflag:$0x3] =	stream.linear.gather [hbm4b:s8+s4], $0x2780, $0x38;
	[tilespmem:$0xA600] =	vst v63  }
0x1e: {  	_ =	swait.ge [sflag:s14], $0x2780  }
0x1f: {  	[sflag:s14] =	ssyncset.done $0x0  }
0x20: {  	s21 =	simm.s32 $0x2780;
	[sflag:s14] =	ssyncadd.s32 $0xFFFFD880  }
0x21: {  	[tilespmem:s21], [sflag:$0x3] =	stream.linear.gather [hbm4b:s9+s4], $0x2780, $0x38;
	[tilespmem:$0xA600] =	vst v63  }
0x22: {  	_ =	swait.ge [sflag:s14], $0x2780  }
0x23: {  	[sflag:s14] =	ssyncset.done $0x0  }
0x24: {  	p0 =	por $0x1, $0x1;
	[sflag:s14] =	ssyncadd.s32 $0xFFFFD880  }
0x25: {  	s22 =	simm.s32 @!p0 $0x1;
	[bflag:$0x0] =	sbarrier.arrive $0xFFFF  }
0x26: {  	_ =	swait.ge @!p0 [sflag:s22], $0x800  }
0x27: {  	[sflag:s22] =	ssyncset.done @!p0 $0x0  }
0x28: {  	[sflag:s22] =	ssyncadd.s32 @!p0 $0xFFFFF800;
	s22 =	simm.s32 @!p0 $0x2  }
0x29: {  	_ =	swait.ge @!p0 [sflag:s22], $0x800  }
0x2a: {  	s24 =	simm.s32 $0x2;
	s23 =	simm.s32 $0x0;
	[sflag:s22] =	ssyncset.done @!p0 $0x0  }
0x2b: {  	[sflag:s22] =	ssyncadd.s32 @!p0 $0xFFFFF800;
	p0 =	por $0x1, $0x1;
	s22 =	simm.s32 $0x2800  }
0x2c: {  	[spmem:s2] =	stream.indirect.scatter.add.f32 [tilespmem:s16], [sflag:$0x1], $0x10, s4, s17, $0xb8;
	[tilespmem:$0xA600] =	vst v63  }
.LBB2_2:
0x2d: {  	s25 =	simm.s32 @!p0 $0x1  }
0x2e: {  	s23 =	sadd.s32 $0x80, s23;
	s26 =	smov.u32 s24;
	s24 =	sadd.s32 $0x1, s24  }
0x2f: {  	[spmem:s3] =	stream.indirect.scatter.add.f32 [tilespmem:s16], [sflag:$0x2], $0x10, s21, s17, $0xb8;
	[tilespmem:$0xA600] =	vst v63  }
0x30: {  	p1 =	sne.s32 s24, $0x4F;
	s21 =	smov.u32 s22;
	_ =	swait.ge @!p0 [sflag:s25], $0x800  }
0x31: {  	[sflag:s25] =	ssyncset.done @!p0 $0x0  }
.Ltmp0:
0x32: {  	[sflag:s25] =	ssyncadd.s32 @!p0 $0xFFFFF800;
	s25 =	simm.s32 @!p0 $0x2;
	(pc) =	sbr.rel @p1 .LBB2_2-.Ltmp0, $4  }
0x33: {  	_ =	swait.ge @!p0 [sflag:s25], $0x800  }
0x34: {  	[sflag:s25] =	ssyncset.done @!p0 $0x0  }
0x35: {  	s22 =	sadd.s32 $0x80, s22;
	[sflag:s25] =	ssyncadd.s32 @!p0 $0xFFFFF800;
	p0 =	slt.u32 s26, $0x8  }
0x36: {  	[spmem:s2] =	stream.indirect.scatter.add.f32 [tilespmem:s16], [sflag:$0x1], $0x10, s23, s17, $0xb8;
	[tilespmem:$0xA600] =	vst v63  }
0x37: {  	s24 =	simm.s32 @!p0 $0x1  }
0x38: {  	[spmem:s3] =	stream.indirect.scatter.add.f32 [tilespmem:s16], [sflag:$0x2], $0x10, s21, s17, $0xb8;
	[tilespmem:$0xA600] =	vst v63  }
0x39: {  	_ =	swait.ge @!p0 [sflag:s24], $0x800  }
0x3a: {  	[sflag:s24] =	ssyncset.done @!p0 $0x0  }
0x3b: {  	s21 =	simm.s32 @!p0 $0x2;
	[sflag:s24] =	ssyncadd.s32 @!p0 $0xFFFFF800  }
0x3c: {  	_ =	swait.ge @!p0 [sflag:s21], $0x800  }
0x3d: {  	[sflag:s21] =	ssyncset.done @!p0 $0x0  }
0x3e: {  	s23 =	sadd.s32 $0x80, s23;
	[sflag:s21] =	ssyncadd.s32 @!p0 $0xFFFFF800  }
0x3f: {  	[spmem:s2] =	stream.indirect.scatter.add.f32 [tilespmem:s16], [sflag:$0x1], $0x10, s23, s17, $0xb8;
	[tilespmem:$0xA600] =	vst v63  }
0x40: {  	_ = 	snop  }
0x41: {  	[spmem:s3] =	stream.indirect.scatter.add.f32 [tilespmem:s16], [sflag:$0x2], $0x10, s22, s17, $0xb8;
	[tilespmem:$0xA600] =	vst v63  }
0x42: {  	_ =	swait.ge [sflag:s18], $0x800  }
0x43: {  	[sflag:s18] =	ssyncset.done $0x0  }
0x44: {  	[sflag:s18] =	ssyncadd.s32 $0xFFFFF800  }
0x45: {  	_ =	swait.ge [sflag:s19], $0x800  }
0x46: {  	[sflag:s19] =	ssyncset.done $0x0  }
0x47: {  	[sflag:s19] =	ssyncadd.s32 $0xFFFFF800  }
0x48: {  	_ =	swait.ge [sflag:s18], $0x800  }
0x49: {  	[sflag:s18] =	ssyncset.done $0x0  }
0x4a: {  	[sflag:s18] =	ssyncadd.s32 $0xFFFFF800  }
0x4b: {  	_ =	swait.ge [sflag:s19], $0x800  }
0x4c: {  	[sflag:s19] =	ssyncset.done $0x0  }
0x4d: {  	[sflag:s19] =	ssyncadd.s32 $0xFFFFF800  }
0x4e: {  	_ =	swait.ge [sflag:s18], $0x800  }
0x4f: {  	[sflag:s18] =	ssyncset.done $0x0  }
0x50: {  	[sflag:s18] =	ssyncadd.s32 $0xFFFFF800  }
0x51: {  	_ =	swait.ge [sflag:s19], $0x800  }
0x52: {  	[sflag:s19] =	ssyncset.done $0x0  }
0x53: {  	[sflag:s19] =	ssyncadd.s32 $0xFFFFF800  }
0x54: {  	_ =	swait.ge [sflag:s18], $0x800  }
0x55: {  	[sflag:s18] =	ssyncset.done $0x0  }
0x56: {  	[sflag:s18] =	ssyncadd.s32 $0xFFFFF800  }
0x57: {  	_ =	swait.ge [sflag:s19], $0x800  }
0x58: {  	[sflag:s19] =	ssyncset.done $0x0  }
0x59: {  	[sflag:s19] =	ssyncadd.s32 $0xFFFFF800  }
0x5a: {  	_ =	swait.ge [sflag:s18], $0x800  }
0x5b: {  	[sflag:s18] =	ssyncset.done $0x0  }
0x5c: {  	[sflag:s18] =	ssyncadd.s32 $0xFFFFF800  }
0x5d: {  	_ =	swait.ge [sflag:s19], $0x800  }
0x5e: {  	[sflag:s19] =	ssyncset.done $0x0  }
0x5f: {  	[sflag:s19] =	ssyncadd.s32 $0xFFFFF800  }
0x60: {  	_ =	swait.ge [sflag:s18], $0x800  }
0x61: {  	[sflag:s18] =	ssyncset.done $0x0  }
0x62: {  	[sflag:s18] =	ssyncadd.s32 $0xFFFFF800  }
0x63: {  	_ =	swait.ge [sflag:s19], $0x800  }
0x64: {  	[sflag:s19] =	ssyncset.done $0x0  }
0x65: {  	[sflag:s19] =	ssyncadd.s32 $0xFFFFF800  }
0x66: {  	_ =	swait.ge [sflag:s18], $0x800  }
0x67: {  	[sflag:s18] =	ssyncset.done $0x0  }
0x68: {  	[sflag:s18] =	ssyncadd.s32 $0xFFFFF800  }
0x69: {  	_ =	swait.ge [sflag:s19], $0x800  }
0x6a: {  	[sflag:s19] =	ssyncset.done $0x0  }
0x6b: {  	[sflag:s19] =	ssyncadd.s32 $0xFFFFF800  }
0x6c: {  	_ =	swait.ge [sflag:s18], $0x800  }
0x6d: {  	[sflag:s18] =	ssyncset.done $0x0  }
0x6e: {  	[sflag:s18] =	ssyncadd.s32 $0xFFFFF800  }
0x6f: {  	_ =	swait.ge [sflag:s19], $0x800  }
0x70: {  	[sflag:s19] =	ssyncset.done $0x0  }
0x71: {  	[sflag:s19] =	ssyncadd.s32 $0xFFFFF800  }
0x72: {  	[bflag:$0x0] =	sbarrier.arrive $0xFFFF  }
0x73: {  	[hbm:s10], [sflag:s7] =	dma.local [spmem:s13], $0x4F0  }
0x74: {  	s20 =	sadd.s32 $0x1, s20;
	_ =	swait.ge [sflag:s14], $0x4F0  }
0x75: {  	p0 =	sne.s32 s20, s12;
	[sflag:s14] =	ssyncset.done $0x0  }
.Ltmp1:
0x76: {  	[sflag:s14] =	ssyncadd.s32 $0xFFFFFB10;
	(pc) =	sbr.rel @p0 .LBB2_1-.Ltmp1, $4  }
0x77: {  	[hbm:s11], [sflag:s7] =	dma.local [spmem:s15], $0x4F0  }
0x78: {  	_ =	swait.ge [sflag:s14], $0x4F0  }
0x79: {  	[sflag:s14] =	ssyncset.done $0x0  }
0x7a: {  	[sflag:s14] =	ssyncadd.s32 $0xFFFFFB10  }
0x7b: {  	_ =	sfence.sel $0x180000  }
0x7c: {  	[bflag:$0x0] =	sbarrier.arrive $0xFFFF  }
0x7d: {  	p0 =	sne.s32 s0, $0x0;
	_ =	strace $0x9000004A  }
0x7e: {  	s0 =	sadd.s32 @!p0 $0x100000, s1;
	[bflag:$0x2] =	sbarrier.arrive $0xFFFF  }
0x7f: {  	[sflag:s0] =	ssyncadd.tile.s32 @!p0 $0x1;
	_ =	shalt  }
.Lfunc_end2:
_tile_overlayer_lowered:
.L_overlay_start_2:
0x80: {  	(tag) =	ssettag $0x2  }
0x81: {  	s0 =	rddreg [dreg:$0x0];
	s2 =	stileid.u32  }
0x82: {  	s1 =	rddreg [dreg:$0x1];
	p0 =	sne.s32 s2, $0x0  }
0x83: {  	s3 =	rddreg [dreg:$0x2];
	[bflag:$0x3] =	sbarrier.arrive $0xFFFF;
	s2 =	simm.s32 @!p0 $0x1C03  }
0x84: {  	[timem:s3], [sflag:s2] =	dma.local @!p0 [hbm:s0], s1  }
0x85: {  	s0 =	simm.s32 @!p0 $0x3  }
0x86: {  	_ =	swait.ge @!p0 [sflag:s0], s1  }
0x87: {  	s1 =	ssub.s32 @!p0 $0x0, s1;
	[sflag:s0] =	ssyncset.done @!p0 $0x0  }
0x88: {  	[sflag:s0] =	ssyncadd.s32 @!p0 s1  }
0x89: {  	[bflag:$0x3] =	sbarrier.arrive $0xFFFF  }
0x8a: {  	_ =	shalt  }

// kernel: kernel.20.cloned.1.call-start
scs
__scs_entry_jumppad:
0x0: {  	(pc) =	sbr.rel $0x88, $3  }
0x1: {  	(tag) =	ssettag $0x0;
	lr =	simm.s32 $0x1  }
0x2: {  	[smem:$0x3F8E] =	sst lr;
	_ =	strace $0xD0000000  }
0x3: {  	_ = 	snop  }
0x4: {  	_ = 	snop  }
0x5: {  	_ = 	snop  }
0x6: {  	_ = 	snop  }
0x7: {  	_ = 	snop  }
__scs_overlays_trampoline_lowered:
0x8: {  	[smem:$0x3F9D] =	sst s0  }
0x9: {  	[smem:$0x3F9E] =	sst s1  }
0xa: {  	[smem:$0x3F9F] =	sst s2  }
0xb: {  	[smem:$0x3FA0] =	sst s3  }
0xc: {  	[smem:$0x3FA1] =	sst s4  }
0xd: {  	[smem:$0x3FA2] =	sst s5  }
0xe: {  	[smem:$0x3FA3] =	sst s6  }
0xf: {  	[smem:$0x3FA4] =	sst s7  }
0x10: {  	[smem:$0x3FA5] =	sst s8  }
0x11: {  	[smem:$0x3FA6] =	sst s9;
	s0 =	simm.s32 @!p0 $0x0  }
0x12: {  	s1 =	sld [smem:$0x3F8C];
	s0 =	simm.s32 @p0 $0x1  }
0x13: {  	[smem:$0x3FA7] =	sst s0;
	s0 =	simm.s32 @!p1 $0x0  }
0x14: {  	s2 =	sld [smem:$0x3F8B];
	s0 =	simm.s32 @p1 $0x1  }
0x15: {  	[smem:$0x3FA8] =	sst s0;
	s0 =	simm.s32 @!p2 $0x0  }
0x16: {  	s3 =	sld [smem:$0x3FDB];
	s0 =	simm.s32 @p2 $0x1  }
0x17: {  	s4 =	simm.s32 $0x1BF5;
	[smem:$0x3FAA] =	sst s0  }
0x18: {  	s0 =	sld [smem:$0x3F8D];
	_ =	swait.ge [sflag:s4], $0x0  }
0x19: {  	s7 =	sld [smem:$0x3F8E]  }
0x1a: {  	s8 =	sadd.s32 $0xFFFFE003, lr  }
0x1b: {  	s9 =	sadd.s32 $0xFFFFFEF7, lr;
	s5 =	simm.s32 $0xFFFFFFFF;
	p2 =	slt.u32 s8, $0xFFFFF086  }
0x1c: {  	p1 =	slt.u32 s9, $0xF7A;
	s5 =	simm.s32 @!p2 $0x0  }
0x1d: {  	s5 =	simm.s32 @p1 $0x1;
	p0 =	seq.s32 s7, s2  }
0x1e: {  	s7 =	smul.u32 @!p0 $0xF7A, s2;
	p2 =	seq.s32 @!p0 s5, $0x0  }
0x1f: {  	s9 =	smul.u32 $0xF7A, s1;
	s8 =	simm.s32 @!p0 $0x1BF5;
	p2 =	por !p2, p0  }
0x20: {  	[sflag:s8] =	ssyncset.s32 @!p0 $0xFFFFF086;
	s6 =	sadd.s32 @!p0 s3, s7;
	s7 =	simm.s32 @!p0 $0x108  }
0x21: {  	s3 =	sadd.s32 s3, s9;
	s6 =	sadd.s32 @!p0 $0x88, s6;
	s7 =	simm.s32 @p2 $0x1082  }
0x22: {  	[simem:s7], [sflag:s8] =	dma.local @!p0 [hbm:s6], $0xF7A  }
0x23: {  	s9 =	sor.u32 $0xD0000000, s2;
	s6 =	simm.s32 $0x108;
	_ =	swait.ge @!p0 [sflag:s8], $0x0  }
0x24: {  	s3 =	sadd.s32 $0x88, s3;
	s6 =	simm.s32 @!p1 $0x1082;
	[sflag:s4] =	ssyncset.s32 $0xFFFFF086  }
0x25: {  	[simem:s6], [sflag:s4] =	dma.local [hbm:s3], $0xF7A  }
0x26: {  	[smem:$0x3F8E] =	sst s1;
	(tag) =	ssettag s2;
	_ =	strace s9  }
0x27: {  	s1 =	sld [smem:$0x3F9E]  }
0x28: {  	s2 =	sld [smem:$0x3F9F]  }
0x29: {  	s4 =	sld [smem:$0x3FA1]  }
0x2a: {  	p0 =	seq.s32 s5, $0x0;
	s5 =	sld [smem:$0x3FA2]  }
0x2b: {  	s6 =	sld [smem:$0x3FA3]  }
0x2c: {  	s7 =	sld [smem:$0x3FA4]  }
0x2d: {  	s3 =	simm.s32 $0x108;
	s8 =	sld [smem:$0x3FA5]  }
0x2e: {  	s3 =	simm.s32 @!p0 $0x1082;
	s9 =	sld [smem:$0x3FA6]  }
0x2f: {  	lr =	sadd.s32 s0, s3;
	s0 =	sld [smem:$0x3F9D]  }
0x30: {  	s3 =	sld [smem:$0x3FA0]  }
0x31: {  	[smem:$0x3FA9] =	sst s10  }
0x32: {  	s10 =	sld [smem:$0x3FA7];
	_ =	sdelay $0x3  }
0x33: {  	p0 =	seq.s32 s10, $0x1;
	s10 =	sld [smem:$0x3FA9];
	_ =	sdelay $0x3  }
0x34: {  	[smem:$0x3FA9] =	sst s10  }
0x35: {  	s10 =	sld [smem:$0x3FA8];
	_ =	sdelay $0x3  }
0x36: {  	p1 =	seq.s32 s10, $0x1;
	s10 =	sld [smem:$0x3FA9];
	_ =	sdelay $0x3  }
0x37: {  	[smem:$0x3FA9] =	sst s10  }
0x38: {  	s10 =	sld [smem:$0x3FAA]  }
0x39: {  	_ = 	snop;
	(pc) =	sbr.ind lr, $3  }
0x3a: {  	_ = 	snop  }
0x3b: {  	_ = 	snop  }
0x3c: {  	p2 =	seq.s32 s10, $0x1;
	s10 =	sld [smem:$0x3FA9]  }
0x3d: {  	_ =	shalt  }
0x3e: {  	_ =	shalt  }
0x3f: {  	_ =	shalt  }
0x40: {  	_ =	shalt  }
0x41: {  	_ =	shalt  }
0x42: {  	_ =	shalt  }
0x43: {  	_ =	shalt  }
0x44: {  	_ =	shalt  }
0x45: {  	_ =	shalt  }
0x46: {  	_ =	shalt  }
0x47: {  	_ =	shalt  }
0x48: {  	_ =	shalt  }
0x49: {  	_ =	shalt  }
0x4a: {  	_ =	shalt  }
0x4b: {  	_ =	shalt  }
0x4c: {  	_ =	shalt  }
0x4d: {  	_ =	shalt  }
0x4e: {  	_ =	shalt  }
0x4f: {  	_ =	shalt  }
0x50: {  	_ =	shalt  }
0x51: {  	_ =	shalt  }
0x52: {  	_ =	shalt  }
0x53: {  	_ =	shalt  }
0x54: {  	_ =	shalt  }
0x55: {  	_ =	shalt  }
0x56: {  	_ =	shalt  }
0x57: {  	_ =	shalt  }
0x58: {  	_ =	shalt  }
0x59: {  	_ =	shalt  }
0x5a: {  	_ =	shalt  }
0x5b: {  	_ =	shalt  }
0x5c: {  	_ =	shalt  }
0x5d: {  	_ =	shalt  }
0x5e: {  	_ =	shalt  }
0x5f: {  	_ =	shalt  }
0x60: {  	_ =	shalt  }
0x61: {  	_ =	shalt  }
0x62: {  	_ =	shalt  }
0x63: {  	_ =	shalt  }
0x64: {  	_ =	shalt  }
0x65: {  	_ =	shalt  }
0x66: {  	_ =	shalt  }
0x67: {  	_ =	shalt  }
0x68: {  	_ =	shalt  }
0x69: {  	_ =	shalt  }
0x6a: {  	_ =	shalt  }
0x6b: {  	_ =	shalt  }
0x6c: {  	_ =	shalt  }
0x6d: {  	_ =	shalt  }
0x6e: {  	_ =	shalt  }
0x6f: {  	_ =	shalt  }
0x70: {  	_ =	shalt  }
0x71: {  	_ =	shalt  }
0x72: {  	_ =	shalt  }
0x73: {  	_ =	shalt  }
0x74: {  	_ =	shalt  }
0x75: {  	_ =	shalt  }
0x76: {  	_ =	shalt  }
0x77: {  	_ =	shalt  }
0x78: {  	_ =	shalt  }
0x79: {  	_ =	shalt  }
0x7a: {  	_ =	shalt  }
0x7b: {  	_ =	shalt  }
0x7c: {  	_ =	shalt  }
0x7d: {  	_ =	shalt  }
0x7e: {  	_ =	shalt  }
0x7f: {  	_ =	shalt  }
0x80: {  	_ =	shalt  }
0x81: {  	_ =	shalt  }
0x82: {  	_ =	shalt  }
0x83: {  	_ =	shalt  }
0x84: {  	_ =	shalt  }
0x85: {  	_ =	shalt  }
0x86: {  	_ =	shalt  }
0x87: {  	_ =	shalt  }
.Lfunc_end0:
.L_simem_size_0:
called_computation.1_lowered:
.L_overlay_start_0:
0x88: {  	s2 =	sld [smem:$0x3FD9]  }
0x89: {  	s3 =	sld [smem:$0x3FFE];
	_ =	sdelay $0x1  }
0x8a: {  	s1 =	srdreg.scid  }
0x8b: {  	s0 =	sand.u32 $0x1, s1  }
0x8c: {  	s16 =	sshll.u32 s0, $0xA;
	s2 =	sadd.s32 s3, s2  }
0x8d: {  	s2 =	sadd.s32 s2, s16  }
0x8e: {  	[smem:$0x3FB5] =	sst s2  }
0x8f: {  	_ = 	snop  }
0x90: {  	(tm) =	ssettm $0x1  }
0x91: {  	s17 =	sld [smem:$0x3FFB];
	_ =	sdelay $0x3  }
0x92: {  	_ =	strace s17  }
0x93: {  	s2 =	sld [smem:$0x3FFC];
	_ =	sdelay $0x3  }
0x94: {  	_ =	strace s2  }
0x95: {  	s2 =	sld [smem:$0x3FFD];
	_ =	sdelay $0x3  }
0x96: {  	_ =	strace s2  }
0x97: {  	_ =	strace $0x8FFFFFFF  }
0x98: {  	s18 =	sld [smem:$0x3FDB];
	_ =	sdelay $0x1  }
0x99: {  	s19 =	simm.s32 $_scs_section_size  }
0x9a: {  	s4 =	simm.s32 $_size__tile_overlayer_lowered;
	s5 =	simm.s32 $_tile_overlayer_lowered  }
0x9b: {  	s22 =	simm.s32 $0x1BFF;
	s21 =	sshll.u32 s5, $0x1;
	s2 =	sadd.s32 s19, s18  }
0x9c: {  	s6 =	simm.s32 $0x0;
	s20 =	sshll.u32 s4, $0x1;
	s4 =	sadd.s32 s21, s2  }
0x9d: {  	[timem:s6], [sflag:s22] =	dma.local [hbm:s4], s20  }
0x9e: {  	_ =	swait.ge [sflag:s22], s20  }
0x9f: {  	s3 =	ssub.s32 $0x0, s20;
	[sflag:s22] =	ssyncset.done $0x0  }
0xa0: {  	[sflag:s22] =	ssyncadd.s32 s3;
	_ =	sdelay $0x1  }
0xa1: {  	s23 =	simm.s32 $0x1B8B  }
0xa2: {  	_ =	swait.ge [sflag:s23], $0x1  }
0xa3: {  	[sflag:s23] =	ssyncset.done $0x0  }
0xa4: {  	s25 =	simm.s32 $0x1B8E;
	s24 =	sld [smem:$0x3FFE];
	[sflag:s23] =	ssyncadd.s32 $0xFFFFFFFF  }
0xa5: {  	s26 =	simm.s32 $execute0_lowered;
	[smem:$0x3FD2] =	sst s25  }
0xa6: {  	s4 =	sshll.u32 s26, $0x1;
	_ =	strace $0x80000046;
	[dreg:$0x1] =	wrdreg $0xFFFFFFFF  }
0xa7: {  	s28 =	simm.s32 $_size_execute0_lowered;
	s2 =	sadd.s32 s2, s4;
	[dreg:$0x0] =	wrdreg $0x0  }
0xa8: {  	s4 =	sshll.u32 s28, $0x1;
	[dreg:$0x2] =	wrdreg s2  }
0xa9: {  	[dreg:$0x3] =	wrdreg s4  }
0xaa: {  	[dreg:$0x4] =	wrdreg $0xC0  }
0xab: {  	_ =	task [dreg:s6], $0x5FFFF  }
0xac: {  	[dreg:$0x1] =	wrdreg $0xFFFFFFFF  }
0xad: {  	[dreg:$0x0] =	wrdreg $0x60  }
0xae: {  	[dreg:$0x2] =	wrdreg s24  }
0xaf: {  	[dreg:$0x3] =	wrdreg $0xAF000  }
0xb0: {  	[dreg:$0x4] =	wrdreg $0x14D000  }
0xb1: {  	[dreg:$0x5] =	wrdreg $0xA  }
0xb2: {  	_ =	task.clear_ibuf [dreg:s6], $0x6FFFF;
	_ =	strace $0x90000046  }
0xb3: {  	s29 =	simm.s32 $0xA;
	_ =	strace $0x80000048  }
0xb4: {  	_ =	swait.ge [sflag:s29], $0x1  }
0xb5: {  	[sflag:s29] =	ssyncadd.s32 $0xFFFFFFFF  }
0xb6: {  	_ =	strace $0x90000048  }
0xb7: {  	_ =	sfence  }
0xb8: {  	s30 =	sld [smem:$0x0];
	_ =	sdelay $0x2  }
0xb9: {  	s31 =	sshll.u32 s1, $0xD;
	s1 =	sshrl.u32 s1, $0x2  }
0xba: {  	s3 =	sand.u32 $0x4000, s31;
	s1 =	sadd.s32 s1, s30  }
0xbb: {  	s0 =	sor.u32 s3, s0;
	s1 =	sshll.u32 s1, $0x11  }
0xbc: {  	s0 =	sor.u32 s1, s0  }
0xbd: {  	s0 =	sadd.s32 $0x8F2B, s0  }
0xbe: {  	[sflag:s0] =	ssyncadd.remote.s32 $0x1  }
0xbf: {  	_ =	sfence.sel $0xFFFF  }
0xc0: {  	[dreg:$0x0] =	wrdreg $0xFFFFFFFF;
	(pc) =	sbr.abs _section_cstart, $3  }
0xc1: {  	[dreg:$0x1] =	wrdreg $0xFFFFFFFF  }
0xc2: {  	_ =	task.clear_ibuf [dreg:s6], $0x2FFFF;
	_ =	strace $0x9FFFFFFF  }
0xc3: {  	(tm) =	ssettm $0x7FFFFFFF  }
tec
execute0_lowered:
.L_overlay_start_1:
0x0: {  	(tag) =	ssettag $0x1  }
0x1: {  	s6 =	rddreg [dreg:$0x0]  }
0x2: {  	s2 =	rddreg [dreg:$0x1]  }
0x3: {  	s0 =	srdreg.scid;
	s3 =	rddreg [dreg:$0x2]  }
0x4: {  	s4 =	simm.s32 $0x0;
	s12 =	simm.s32 $0x2780;
	s16 =	simm.s32 $0x80  }
0x5: {  	s17 =	simm.s32 $0x4F00;
	s18 =	simm.s32 $0x6F00;
	s19 =	simm.s32 $0x1  }
0x6: {  	s20 =	simm.s32 $0x8F00;
	s21 =	simm.s32 $0x2;
	s22 =	simm.s32 $0x4  }
0x7: {  	s23 =	simm.s32 $0x3;
	s24 =	simm.s32 $0x5;
	s25 =	simm.s32 $0x6  }
0x8: {  	s26 =	simm.s32 $0x0;
	s5 =	sand.u32 $0x1, s0;
	s0 =	stileid.u32  }
0x9: {  	[smem:$0x7FF] =	sst s4;
	s1 =	sshll.u32 s5, $0x4;
	s8 =	smul.u32 $0x9E00, s0  }
0xa: {  	s9 =	smul.u32 $0x9E000, s5;
	_ =	strace $0x80000047;
	s5 =	ssub.s32 $0x2, s5  }
0xb: {  	s13 =	sshll.u32 s0, $0x6;
	s1 =	sor.u32 s0, s1;
	s11 =	sshrl.u32 s5, $0x1  }
0xc: {  	s13 =	sor.u32 $0x1C07, s13;
	s7 =	smul.u32 $0x4F0, s1;
	s10 =	sshrl.u32 s8, $0x3  }
0xd: {  	s9 =	sadd.s32 s8, s9;
	s11 =	ssub.s32 s5, s11;
	s14 =	sadd.s32 s8, s2  }
.Ltmp0:
0xe: {  	s15 =	sadd.s32 s8, s3;
	s10 =	sadd.s32 s10, s6;
	(pc) =	sbr.rel .LBB2_1-.Ltmp0, $4  }
0xf: {  	s9 =	sshrl.u32 s9, $0x3;
	s14 =	sshrl.u32 s14, $0x3;
	s15 =	sshrl.u32 s15, $0x3  }
0x10: {  	s7 =	sadd.s32 s7, s6;
	s9 =	sadd.s32 s9, s6;
	s8 =	sadd.s32 $0x3F000, s10  }
0x11: {  	s5 =	sadd.s32 $0x17800, s7;
	s6 =	sadd.s32 $0x21600, s7;
	s7 =	sadd.s32 $0x3C00, s10  }
0x12: {  	s9 =	sadd.s32 $0x52C00, s9;
	s10 =	smax.u32 s11, $0x1;
	s11 =	simm.s32 $0x7  }
.LBB2_6:
0x13: {  	_ =	swait.ge [sflag:s22], $0x2000  }
0x14: {  	[sflag:s22] =	ssyncset.done $0x0  }
0x15: {  	[sflag:s22] =	ssyncadd.s32 $0xFFFFE000  }
0x16: {  	_ =	swait.ge [sflag:s24], $0x2000  }
0x17: {  	[sflag:s24] =	ssyncset.done $0x0  }
0x18: {  	[sflag:s24] =	ssyncadd.s32 $0xFFFFE000  }
0x19: {  	_ =	swait.ge [sflag:s25], $0x2000  }
0x1a: {  	s26 =	sadd.s32 $0x1, s26;
	[sflag:s25] =	ssyncset.done $0x0  }
0x1b: {  	p0 =	sne.s32 s26, s10;
	[sflag:s25] =	ssyncadd.s32 $0xFFFFE000  }
.Ltmp1:
0x1c: {  	[bflag:$0x0] =	sbarrier.arrive $0xFFFF;
	(pc) =	sbr.rel @!p0 .LBB2_7-.Ltmp1, $4  }
0x1d: {  	[hbm:s9], [sflag:s13] =	dma.local [spmem:s15], $0x13C0  }
0x1e: {  	_ =	swait.ge [sflag:s11], $0x13C0  }
0x1f: {  	[sflag:s11] =	ssyncset.done $0x0  }
0x20: {  	[sflag:s11] =	ssyncadd.s32 $0xFFFFEC40  }
.LBB2_1:
0x21: {  	[tilespmem:s4], [sflag:$0x7] =	stream.linear.gather [hbm4b:s5+s4], $0x2780, $0x38;
	[tilespmem:$0x1EB00] =	vst v63  }
0x22: {  	_ =	swait.ge [sflag:s11], $0x2780  }
0x23: {  	[sflag:s11] =	ssyncset.done $0x0  }
0x24: {  	[sflag:s11] =	ssyncadd.s32 $0xFFFFD880  }
0x25: {  	[tilespmem:s12], [sflag:$0x7] =	stream.linear.gather [hbm4b:s6+s4], $0x2780, $0x38;
	[tilespmem:$0x1EB00] =	vst v63  }
0x26: {  	_ =	swait.ge [sflag:s11], $0x2780  }
0x27: {  	[sflag:s11] =	ssyncset.done $0x0  }
0x28: {  	[sflag:s11] =	ssyncadd.s32 $0xFFFFD880  }
0x29: {  	[spmem:s14], [sflag:s13] =	dma.local [hbm:s7], $0x13C0  }
0x2a: {  	_ =	swait.ge [sflag:s11], $0x13C0  }
0x2b: {  	[sflag:s11] =	ssyncset.done $0x0  }
0x2c: {  	[sflag:s11] =	ssyncadd.s32 $0xFFFFEC40  }
0x2d: {  	[spmem:s15], [sflag:s13] =	dma.local [hbm:s8], $0x13C0  }
0x2e: {  	_ =	swait.ge [sflag:s11], $0x13C0  }
0x2f: {  	[sflag:s11] =	ssyncset.done $0x0  }
.Ltmp2:
0x30: {  	[sflag:s11] =	ssyncadd.s32 $0xFFFFEC40;
	(pc) =	sbr.rel .LBB2_2-.Ltmp2, $4  }
0x31: {  	[bflag:$0x0] =	sbarrier.arrive $0xFFFF  }
0x32: {  	[tilespmem:s17], [sflag:$0x1] =	stream.indirect.gather [spmem:s2], $0x40, s4, s16, $0xb8;
	[tilespmem:$0x1EB00] =	vst v63  }
0x33: {  	s28 =	simm.s32 $0x0;
	s29 =	simm.s32 $0x0  }
0x34: {  	[tilespmem:s18], [sflag:$0x2] =	stream.indirect.gather [spmem:s2], $0x40, s16, s16, $0xb8;
	[tilespmem:$0x1EB00] =	vst v63  }
.LBB2_5:
0x35: {  	s31 =	sadd.s32 $0x100, s30  }
0x36: {  	[tilespmem:s20], [sflag:$0x3] =	stream.indirect.gather [spmem:s2], $0x40, s31, s16, $0xb8;
	[tilespmem:$0x1EB00] =	vst v63  }
0x37: {  	_ =	swait.ge [sflag:s21], $0x2000  }
0x38: {  	[sflag:s21] =	ssyncset.done $0x0  }
0x39: {  	s1 =	sadd.s32 $0x2800, s30;
	[sflag:s21] =	ssyncadd.s32 $0xFFFFE000  }
0x3a: {  	[spmem:s3] =	stream.indirect.scatter.add.f32 [tilespmem:s18], [sflag:$0x5], $0x40, s1, s16, $0xb8;
	[tilespmem:$0x1EB00] =	vst v63  }
0x3b: {  	_ =	swait.ge [sflag:s22], $0x2000  }
0x3c: {  	[sflag:s22] =	ssyncset.done $0x0  }
0x3d: {  	s1 =	sadd.s32 $0x180, s30;
	[sflag:s22] =	ssyncadd.s32 $0xFFFFE000  }
0x3e: {  	[tilespmem:s17], [sflag:$0x1] =	stream.indirect.gather [spmem:s2], $0x40, s1, s16, $0xb8;
	[tilespmem:$0x1EB00] =	vst v63  }
0x3f: {  	_ =	swait.ge [sflag:s23], $0x2000  }
0x40: {  	p0 =	sgt.u32 s29, $0x18;
	[sflag:s23] =	ssyncset.done $0x0  }
0x41: {  	s31 =	sadd.s32 $0x2880, s30;
	s30 =	simm.s32 @!p0 $0x5;
	[sflag:s23] =	ssyncadd.s32 $0xFFFFE000  }
0x42: {  	[spmem:s3] =	stream.indirect.scatter.add.f32 [tilespmem:s20], [sflag:$0x6], $0x40, s31, s16, $0xb8;
	[tilespmem:$0x1EB00] =	vst v63  }
0x43: {  	_ =	swait.ge @!p0 [sflag:s30], $0x2000  }
0x44: {  	[sflag:s30] =	ssyncset.done @!p0 $0x0  }
0x45: {  	s1 =	simm.s32 @!p0 $0x6F00;
	[sflag:s30] =	ssyncadd.s32 @!p0 $0xFFFFE000;
	s30 =	sshra.s32 @!p0 s28, $0x2  }
0x46: {  	s31 =	simm.s32 @!p0 $0x80;
	s28 =	sadd.s32 $0x600, s28;
	s30 =	sadd.s32 @!p0 $0x200, s30  }
0x47: {  	[tilespmem:s1], [sflag:$0x2] =	stream.indirect.gather @!p0 [spmem:s2], $0x40, s30, s31, $0xb8;
	[tilespmem:$0x1EB00] =	vst v63  }
0x48: {  	p0 =	sne.s32 s28, $0xA200  }
.Ltmp3:
0x49: {  	_ = 	snop;
	(pc) =	sbr.rel @!p0 .LBB2_6-.Ltmp3, $2  }
0x4a: {  	_ =	sdelay $0x2  }
0x4b: {  	s29 =	sadd.s32 $0x1, s29  }
.LBB2_2:
0x4c: {  	p0 =	seq.s32 s29, $0x0  }
.Ltmp4:
0x4d: {  	_ = 	snop;
	(pc) =	sbr.rel @p0 .LBB2_5-.Ltmp4, $4  }
0x4e: {  	_ =	swait.ge [sflag:s19], $0x2000  }
0x4f: {  	s30 =	sshra.s32 s28, $0x2;
	[sflag:s19] =	ssyncset.done $0x0  }
0x50: {  	s31 =	sadd.s32 $0x2780, s30;
	[sflag:s19] =	ssyncadd.s32 $0xFFFFE000  }
0x51: {  	[spmem:s3] =	stream.indirect.scatter.add.f32 [tilespmem:s17], [sflag:$0x4], $0x40, s31, s16, $0xb8;
	[tilespmem:$0x1EB00] =	vst v63  }
0x52: {  	p0 =	seq.s32 s29, $0x1A  }
.Ltmp5:
0x53: {  	_ = 	snop;
	(pc) =	sbr.rel @p0 .LBB2_6-.Ltmp5, $1  }
0x54: {  	_ =	sdelay $0x3  }
.Ltmp6:
0x55: {  	(pc) =	sbr.rel .LBB2_5-.Ltmp6, $4  }
0x56: {  	_ = 	snop  }
0x57: {  	_ =	swait.ge [sflag:s25], $0x2000  }
0x58: {  	[sflag:s25] =	ssyncset.done $0x0  }
0x59: {  	[sflag:s25] =	ssyncadd.s32 $0xFFFFE000  }
.LBB2_7:
0x5a: {  	_ =	sfence.sel $0x180000  }
0x5b: {  	[bflag:$0x0] =	sbarrier.arrive $0xFFFF  }
0x5c: {  	_ =	strace $0x90000047  }
0x5d: {  	[bflag:$0x2] =	sbarrier.arrive $0xFFFF  }
0x5e: {  	p0 =	sne.s32 s0, $0x0;
	s0 =	rddreg [dreg:$0x3]  }
0x5f: {  	s0 =	sadd.s32 @!p0 $0x100000, s0  }
0x60: {  	[sflag:s0] =	ssyncadd.tile.s32 @!p0 $0x1;
	_ =	shalt  }
.Lfunc_end2:
_tile_overlayer_lowered:
.L_overlay_start_2:
0x61: {  	(tag) =	ssettag $0x2  }
0x62: {  	s0 =	rddreg [dreg:$0x0];
	s2 =	stileid.u32  }
0x63: {  	s1 =	rddreg [dreg:$0x1];
	p0 =	sne.s32 s2, $0x0  }
0x64: {  	s3 =	rddreg [dreg:$0x2];
	[bflag:$0x3] =	sbarrier.arrive $0xFFFF;
	s2 =	simm.s32 @!p0 $0x1C07  }
0x65: {  	[timem:s3], [sflag:s2] =	dma.local @!p0 [hbm:s0], s1  }
0x66: {  	s0 =	simm.s32 @!p0 $0x7  }
0x67: {  	_ =	swait.ge @!p0 [sflag:s0], s1  }
0x68: {  	s1 =	ssub.s32 @!p0 $0x0, s1;
	[sflag:s0] =	ssyncset.done @!p0 $0x0  }
0x69: {  	[sflag:s0] =	ssyncadd.s32 @!p0 s1  }
0x6a: {  	[bflag:$0x3] =	sbarrier.arrive $0xFFFF  }
0x6b: {  	_ =	shalt  }

// kernel: kernel.23.cloned.1.call-start
scs
__scs_entry_jumppad:
0x0: {  	(pc) =	sbr.rel $0x88, $3  }
0x1: {  	(tag) =	ssettag $0x0;
	lr =	simm.s32 $0x1  }
0x2: {  	[smem:$0x3F8E] =	sst lr;
	_ =	strace $0xD0000000  }
0x3: {  	_ = 	snop  }
0x4: {  	_ = 	snop  }
0x5: {  	_ = 	snop  }
0x6: {  	_ = 	snop  }
0x7: {  	_ = 	snop  }
__scs_overlays_trampoline_lowered:
0x8: {  	[smem:$0x3F9D] =	sst s0  }
0x9: {  	[smem:$0x3F9E] =	sst s1  }
0xa: {  	[smem:$0x3F9F] =	sst s2  }
0xb: {  	[smem:$0x3FA0] =	sst s3  }
0xc: {  	[smem:$0x3FA1] =	sst s4  }
0xd: {  	[smem:$0x3FA2] =	sst s5  }
0xe: {  	[smem:$0x3FA3] =	sst s6  }
0xf: {  	[smem:$0x3FA4] =	sst s7  }
0x10: {  	[smem:$0x3FA5] =	sst s8  }
0x11: {  	[smem:$0x3FA6] =	sst s9;
	s0 =	simm.s32 @!p0 $0x0  }
0x12: {  	s1 =	sld [smem:$0x3F8C];
	s0 =	simm.s32 @p0 $0x1  }
0x13: {  	[smem:$0x3FA7] =	sst s0;
	s0 =	simm.s32 @!p1 $0x0  }
0x14: {  	s2 =	sld [smem:$0x3F8B];
	s0 =	simm.s32 @p1 $0x1  }
0x15: {  	[smem:$0x3FA8] =	sst s0;
	s0 =	simm.s32 @!p2 $0x0  }
0x16: {  	s3 =	sld [smem:$0x3FDB];
	s0 =	simm.s32 @p2 $0x1  }
0x17: {  	s4 =	simm.s32 $0x1BF5;
	[smem:$0x3FAA] =	sst s0  }
0x18: {  	s0 =	sld [smem:$0x3F8D];
	_ =	swait.ge [sflag:s4], $0x0  }
0x19: {  	s7 =	sld [smem:$0x3F8E]  }
0x1a: {  	s8 =	sadd.s32 $0xFFFFE003, lr  }
0x1b: {  	s9 =	sadd.s32 $0xFFFFFEF7, lr;
	s5 =	simm.s32 $0xFFFFFFFF;
	p2 =	slt.u32 s8, $0xFFFFF086  }
0x1c: {  	p1 =	slt.u32 s9, $0xF7A;
	s5 =	simm.s32 @!p2 $0x0  }
0x1d: {  	s5 =	simm.s32 @p1 $0x1;
	p0 =	seq.s32 s7, s2  }
0x1e: {  	s7 =	smul.u32 @!p0 $0xF7A, s2;
	p2 =	seq.s32 @!p0 s5, $0x0  }
0x1f: {  	s9 =	smul.u32 $0xF7A, s1;
	s8 =	simm.s32 @!p0 $0x1BF5;
	p2 =	por !p2, p0  }
0x20: {  	[sflag:s8] =	ssyncset.s32 @!p0 $0xFFFFF086;
	s6 =	sadd.s32 @!p0 s3, s7;
	s7 =	simm.s32 @!p0 $0x108  }
0x21: {  	s3 =	sadd.s32 s3, s9;
	s6 =	sadd.s32 @!p0 $0x88, s6;
	s7 =	simm.s32 @p2 $0x1082  }
0x22: {  	[simem:s7], [sflag:s8] =	dma.local @!p0 [hbm:s6], $0xF7A  }
0x23: {  	s9 =	sor.u32 $0xD0000000, s2;
	s6 =	simm.s32 $0x108;
	_ =	swait.ge @!p0 [sflag:s8], $0x0  }
0x24: {  	s3 =	sadd.s32 $0x88, s3;
	s6 =	simm.s32 @!p1 $0x1082;
	[sflag:s4] =	ssyncset.s32 $0xFFFFF086  }
0x25: {  	[simem:s6], [sflag:s4] =	dma.local [hbm:s3], $0xF7A  }
0x26: {  	[smem:$0x3F8E] =	sst s1;
	(tag) =	ssettag s2;
	_ =	strace s9  }
0x27: {  	s1 =	sld [smem:$0x3F9E]  }
0x28: {  	s2 =	sld [smem:$0x3F9F]  }
0x29: {  	s4 =	sld [smem:$0x3FA1]  }
0x2a: {  	p0 =	seq.s32 s5, $0x0;
	s5 =	sld [smem:$0x3FA2]  }
0x2b: {  	s6 =	sld [smem:$0x3FA3]  }
0x2c: {  	s7 =	sld [smem:$0x3FA4]  }
0x2d: {  	s3 =	simm.s32 $0x108;
	s8 =	sld [smem:$0x3FA5]  }
0x2e: {  	s3 =	simm.s32 @!p0 $0x1082;
	s9 =	sld [smem:$0x3FA6]  }
0x2f: {  	lr =	sadd.s32 s0, s3;
	s0 =	sld [smem:$0x3F9D]  }
0x30: {  	s3 =	sld [smem:$0x3FA0]  }
0x31: {  	[smem:$0x3FA9] =	sst s10  }
0x32: {  	s10 =	sld [smem:$0x3FA7];
	_ =	sdelay $0x3  }
0x33: {  	p0 =	seq.s32 s10, $0x1;
	s10 =	sld [smem:$0x3FA9];
	_ =	sdelay $0x3  }
0x34: {  	[smem:$0x3FA9] =	sst s10  }
0x35: {  	s10 =	sld [smem:$0x3FA8];
	_ =	sdelay $0x3  }
0x36: {  	p1 =	seq.s32 s10, $0x1;
	s10 =	sld [smem:$0x3FA9];
	_ =	sdelay $0x3  }
0x37: {  	[smem:$0x3FA9] =	sst s10  }
0x38: {  	s10 =	sld [smem:$0x3FAA]  }
0x39: {  	_ = 	snop;
	(pc) =	sbr.ind lr, $3  }
0x3a: {  	_ = 	snop  }
0x3b: {  	_ = 	snop  }
0x3c: {  	p2 =	seq.s32 s10, $0x1;
	s10 =	sld [smem:$0x3FA9]  }
0x3d: {  	_ =	shalt  }
0x3e: {  	_ =	shalt  }
0x3f: {  	_ =	shalt  }
0x40: {  	_ =	shalt  }
0x41: {  	_ =	shalt  }
0x42: {  	_ =	shalt  }
0x43: {  	_ =	shalt  }
0x44: {  	_ =	shalt  }
0x45: {  	_ =	shalt  }
0x46: {  	_ =	shalt  }
0x47: {  	_ =	shalt  }
0x48: {  	_ =	shalt  }
0x49: {  	_ =	shalt  }
0x4a: {  	_ =	shalt  }
0x4b: {  	_ =	shalt  }
0x4c: {  	_ =	shalt  }
0x4d: {  	_ =	shalt  }
0x4e: {  	_ =	shalt  }
0x4f: {  	_ =	shalt  }
0x50: {  	_ =	shalt  }
0x51: {  	_ =	shalt  }
0x52: {  	_ =	shalt  }
0x53: {  	_ =	shalt  }
0x54: {  	_ =	shalt  }
0x55: {  	_ =	shalt  }
0x56: {  	_ =	shalt  }
0x57: {  	_ =	shalt  }
0x58: {  	_ =	shalt  }
0x59: {  	_ =	shalt  }
0x5a: {  	_ =	shalt  }
0x5b: {  	_ =	shalt  }
0x5c: {  	_ =	shalt  }
0x5d: {  	_ =	shalt  }
0x5e: {  	_ =	shalt  }
0x5f: {  	_ =	shalt  }
0x60: {  	_ =	shalt  }
0x61: {  	_ =	shalt  }
0x62: {  	_ =	shalt  }
0x63: {  	_ =	shalt  }
0x64: {  	_ =	shalt  }
0x65: {  	_ =	shalt  }
0x66: {  	_ =	shalt  }
0x67: {  	_ =	shalt  }
0x68: {  	_ =	shalt  }
0x69: {  	_ =	shalt  }
0x6a: {  	_ =	shalt  }
0x6b: {  	_ =	shalt  }
0x6c: {  	_ =	shalt  }
0x6d: {  	_ =	shalt  }
0x6e: {  	_ =	shalt  }
0x6f: {  	_ =	shalt  }
0x70: {  	_ =	shalt  }
0x71: {  	_ =	shalt  }
0x72: {  	_ =	shalt  }
0x73: {  	_ =	shalt  }
0x74: {  	_ =	shalt  }
0x75: {  	_ =	shalt  }
0x76: {  	_ =	shalt  }
0x77: {  	_ =	shalt  }
0x78: {  	_ =	shalt  }
0x79: {  	_ =	shalt  }
0x7a: {  	_ =	shalt  }
0x7b: {  	_ =	shalt  }
0x7c: {  	_ =	shalt  }
0x7d: {  	_ =	shalt  }
0x7e: {  	_ =	shalt  }
0x7f: {  	_ =	shalt  }
0x80: {  	_ =	shalt  }
0x81: {  	_ =	shalt  }
0x82: {  	_ =	shalt  }
0x83: {  	_ =	shalt  }
0x84: {  	_ =	shalt  }
0x85: {  	_ =	shalt  }
0x86: {  	_ =	shalt  }
0x87: {  	_ =	shalt  }
.Lfunc_end0:
.L_simem_size_0:
called_computation.2_lowered:
.L_overlay_start_0:
0x88: {  	s2 =	sld [smem:$0x3FD9]  }
0x89: {  	s3 =	sld [smem:$0x3FFE];
	_ =	sdelay $0x1  }
0x8a: {  	s1 =	srdreg.scid  }
0x8b: {  	s0 =	sand.u32 $0x1, s1  }
0x8c: {  	s16 =	sshll.u32 s0, $0xA;
	s2 =	sadd.s32 s3, s2  }
0x8d: {  	s2 =	sadd.s32 s2, s16  }
0x8e: {  	[smem:$0x3FB5] =	sst s2  }
0x8f: {  	_ = 	snop  }
0x90: {  	(tm) =	ssettm $0x1  }
0x91: {  	s17 =	sld [smem:$0x3FFB];
	_ =	sdelay $0x3  }
0x92: {  	_ =	strace s17  }
0x93: {  	s2 =	sld [smem:$0x3FFC];
	_ =	sdelay $0x3  }
0x94: {  	_ =	strace s2  }
0x95: {  	s2 =	sld [smem:$0x3FFD];
	_ =	sdelay $0x3  }
0x96: {  	_ =	strace s2  }
0x97: {  	_ =	strace $0x8FFFFFFF  }
0x98: {  	s18 =	sld [smem:$0x3FDB];
	_ =	sdelay $0x1  }
0x99: {  	s19 =	simm.s32 $_scs_section_size  }
0x9a: {  	s4 =	simm.s32 $_size__tile_overlayer_lowered;
	s5 =	simm.s32 $_tile_overlayer_lowered  }
0x9b: {  	s22 =	simm.s32 $0x1BFF;
	s21 =	sshll.u32 s5, $0x1;
	s2 =	sadd.s32 s19, s18  }
0x9c: {  	s6 =	simm.s32 $0x0;
	s20 =	sshll.u32 s4, $0x1;
	s4 =	sadd.s32 s21, s2  }
0x9d: {  	[timem:s6], [sflag:s22] =	dma.local [hbm:s4], s20  }
0x9e: {  	_ =	swait.ge [sflag:s22], s20  }
0x9f: {  	s3 =	ssub.s32 $0x0, s20;
	[sflag:s22] =	ssyncset.done $0x0  }
0xa0: {  	[sflag:s22] =	ssyncadd.s32 s3;
	_ =	sdelay $0x1  }
0xa1: {  	s23 =	simm.s32 $0x1B8B  }
0xa2: {  	_ =	swait.ge [sflag:s23], $0x1  }
0xa3: {  	[sflag:s23] =	ssyncset.done $0x0  }
0xa4: {  	s25 =	simm.s32 $0x1B8E;
	s24 =	sld [smem:$0x3FFE];
	[sflag:s23] =	ssyncadd.s32 $0xFFFFFFFF  }
0xa5: {  	s26 =	simm.s32 $execute0_lowered;
	[smem:$0x3FD2] =	sst s25  }
0xa6: {  	s4 =	sshll.u32 s26, $0x1;
	_ =	strace $0x8000004C;
	[dreg:$0x1] =	wrdreg $0xFFFFFFFF  }
0xa7: {  	s28 =	simm.s32 $_size_execute0_lowered;
	s2 =	sadd.s32 s2, s4;
	[dreg:$0x0] =	wrdreg $0x0  }
0xa8: {  	s4 =	sshll.u32 s28, $0x1;
	[dreg:$0x2] =	wrdreg s2  }
0xa9: {  	[dreg:$0x3] =	wrdreg s4  }
0xaa: {  	[dreg:$0x4] =	wrdreg $0xC0  }
0xab: {  	_ =	task [dreg:s6], $0x5FFFF  }
0xac: {  	[dreg:$0x1] =	wrdreg $0xFFFFFFFF  }
0xad: {  	[dreg:$0x0] =	wrdreg $0x60  }
0xae: {  	[dreg:$0x2] =	wrdreg s24  }
0xaf: {  	[dreg:$0x3] =	wrdreg $0xAF000  }
0xb0: {  	[dreg:$0x4] =	wrdreg $0x14D000  }
0xb1: {  	[dreg:$0x5] =	wrdreg $0x9  }
0xb2: {  	_ =	task.clear_ibuf [dreg:s6], $0x6FFFF;
	_ =	strace $0x9000004C  }
0xb3: {  	s29 =	simm.s32 $0x9;
	_ =	strace $0x8000004E  }
0xb4: {  	_ =	swait.ge [sflag:s29], $0x1  }
0xb5: {  	[sflag:s29] =	ssyncadd.s32 $0xFFFFFFFF  }
0xb6: {  	_ =	strace $0x9000004E  }
0xb7: {  	_ =	sfence  }
0xb8: {  	s30 =	sld [smem:$0x0];
	_ =	sdelay $0x2  }
0xb9: {  	s31 =	sshll.u32 s1, $0xD;
	s1 =	sshrl.u32 s1, $0x2  }
0xba: {  	s3 =	sand.u32 $0x4000, s31;
	s1 =	sadd.s32 s1, s30  }
0xbb: {  	s0 =	sor.u32 s3, s0;
	s1 =	sshll.u32 s1, $0x11  }
0xbc: {  	s0 =	sor.u32 s1, s0  }
0xbd: {  	s0 =	sadd.s32 $0x8F2B, s0  }
0xbe: {  	[sflag:s0] =	ssyncadd.remote.s32 $0x1  }
0xbf: {  	_ =	sfence.sel $0xFFFF  }
0xc0: {  	[dreg:$0x0] =	wrdreg $0xFFFFFFFF;
	(pc) =	sbr.abs _section_cstart, $3  }
0xc1: {  	[dreg:$0x1] =	wrdreg $0xFFFFFFFF  }
0xc2: {  	_ =	task.clear_ibuf [dreg:s6], $0x2FFFF;
	_ =	strace $0x9FFFFFFF  }
0xc3: {  	(tm) =	ssettm $0x7FFFFFFF  }
tec
execute0_lowered:
.L_overlay_start_1:
0x0: {  	(tag) =	ssettag $0x1  }
0x1: {  	s6 =	rddreg [dreg:$0x0]  }
0x2: {  	s2 =	rddreg [dreg:$0x1]  }
0x3: {  	s0 =	srdreg.scid;
	s3 =	rddreg [dreg:$0x2]  }
0x4: {  	s4 =	simm.s32 $0x0;
	s12 =	simm.s32 $0x2780;
	s16 =	simm.s32 $0x80  }
0x5: {  	s17 =	simm.s32 $0x4F00;
	s18 =	simm.s32 $0x6F00;
	s19 =	simm.s32 $0x1  }
0x6: {  	s20 =	simm.s32 $0x8F00;
	s21 =	simm.s32 $0x2;
	s22 =	simm.s32 $0x4  }
0x7: {  	s23 =	simm.s32 $0x3;
	s24 =	simm.s32 $0x5;
	s25 =	simm.s32 $0x6  }
0x8: {  	s26 =	simm.s32 $0x0;
	s5 =	sand.u32 $0x1, s0;
	s0 =	stileid.u32  }
0x9: {  	[smem:$0x7FF] =	sst s4;
	s1 =	sshll.u32 s5, $0x4;
	s8 =	smul.u32 $0x9E00, s0  }
0xa: {  	s9 =	smul.u32 $0x9E000, s5;
	_ =	strace $0x8000004D;
	s5 =	ssub.s32 $0x2, s5  }
0xb: {  	s13 =	sshll.u32 s0, $0x6;
	s1 =	sor.u32 s0, s1;
	s11 =	sshrl.u32 s5, $0x1  }
0xc: {  	s13 =	sor.u32 $0x1C07, s13;
	s7 =	smul.u32 $0x4F0, s1;
	s10 =	sshrl.u32 s8, $0x3  }
0xd: {  	s9 =	sadd.s32 s8, s9;
	s11 =	ssub.s32 s5, s11;
	s14 =	sadd.s32 s8, s2  }
.Ltmp0:
0xe: {  	s15 =	sadd.s32 s8, s3;
	s10 =	sadd.s32 s10, s6;
	(pc) =	sbr.rel .LBB2_1-.Ltmp0, $4  }
0xf: {  	s9 =	sshrl.u32 s9, $0x3;
	s14 =	sshrl.u32 s14, $0x3;
	s15 =	sshrl.u32 s15, $0x3  }
0x10: {  	s7 =	sadd.s32 s7, s6;
	s9 =	sadd.s32 s9, s6;
	s8 =	sadd.s32 $0x3F000, s10  }
0x11: {  	s5 =	sadd.s32 $0x35200, s7;
	s6 =	sadd.s32 $0x2B400, s7;
	s7 =	sadd.s32 $0x3C00, s10  }
0x12: {  	s9 =	sadd.s32 $0x52C00, s9;
	s10 =	smax.u32 s11, $0x1;
	s11 =	simm.s32 $0x7  }
.LBB2_6:
0x13: {  	_ =	swait.ge [sflag:s22], $0x2000  }
0x14: {  	[sflag:s22] =	ssyncset.done $0x0  }
0x15: {  	[sflag:s22] =	ssyncadd.s32 $0xFFFFE000  }
0x16: {  	_ =	swait.ge [sflag:s24], $0x2000  }
0x17: {  	[sflag:s24] =	ssyncset.done $0x0  }
0x18: {  	[sflag:s24] =	ssyncadd.s32 $0xFFFFE000  }
0x19: {  	_ =	swait.ge [sflag:s25], $0x2000  }
0x1a: {  	s26 =	sadd.s32 $0x1, s26;
	[sflag:s25] =	ssyncset.done $0x0  }
0x1b: {  	p0 =	sne.s32 s26, s10;
	[sflag:s25] =	ssyncadd.s32 $0xFFFFE000  }
.Ltmp1:
0x1c: {  	[bflag:$0x0] =	sbarrier.arrive $0xFFFF;
	(pc) =	sbr.rel @!p0 .LBB2_7-.Ltmp1, $4  }
0x1d: {  	[hbm:s9], [sflag:s13] =	dma.local [spmem:s15], $0x13C0  }
0x1e: {  	_ =	swait.ge [sflag:s11], $0x13C0  }
0x1f: {  	[sflag:s11] =	ssyncset.done $0x0  }
0x20: {  	[sflag:s11] =	ssyncadd.s32 $0xFFFFEC40  }
.LBB2_1:
0x21: {  	[tilespmem:s4], [sflag:$0x7] =	stream.linear.gather [hbm4b:s5+s4], $0x2780, $0x38;
	[tilespmem:$0x1EB00] =	vst v63  }
0x22: {  	_ =	swait.ge [sflag:s11], $0x2780  }
0x23: {  	[sflag:s11] =	ssyncset.done $0x0  }
0x24: {  	[sflag:s11] =	ssyncadd.s32 $0xFFFFD880  }
0x25: {  	[tilespmem:s12], [sflag:$0x7] =	stream.linear.gather [hbm4b:s6+s4], $0x2780, $0x38;
	[tilespmem:$0x1EB00] =	vst v63  }
0x26: {  	_ =	swait.ge [sflag:s11], $0x2780  }
0x27: {  	[sflag:s11] =	ssyncset.done $0x0  }
0x28: {  	[sflag:s11] =	ssyncadd.s32 $0xFFFFD880  }
0x29: {  	[spmem:s14], [sflag:s13] =	dma.local [hbm:s7], $0x13C0  }
0x2a: {  	_ =	swait.ge [sflag:s11], $0x13C0  }
0x2b: {  	[sflag:s11] =	ssyncset.done $0x0  }
0x2c: {  	[sflag:s11] =	ssyncadd.s32 $0xFFFFEC40  }
0x2d: {  	[spmem:s15], [sflag:s13] =	dma.local [hbm:s8], $0x13C0  }
0x2e: {  	_ =	swait.ge [sflag:s11], $0x13C0  }
0x2f: {  	[sflag:s11] =	ssyncset.done $0x0  }
.Ltmp2:
0x30: {  	[sflag:s11] =	ssyncadd.s32 $0xFFFFEC40;
	(pc) =	sbr.rel .LBB2_2-.Ltmp2, $4  }
0x31: {  	[bflag:$0x0] =	sbarrier.arrive $0xFFFF  }
0x32: {  	[tilespmem:s17], [sflag:$0x1] =	stream.indirect.gather [spmem:s2], $0x40, s4, s16, $0xb8;
	[tilespmem:$0x1EB00] =	vst v63  }
0x33: {  	s28 =	simm.s32 $0x0;
	s29 =	simm.s32 $0x0  }
0x34: {  	[tilespmem:s18], [sflag:$0x2] =	stream.indirect.gather [spmem:s2], $0x40, s16, s16, $0xb8;
	[tilespmem:$0x1EB00] =	vst v63  }
.LBB2_5:
0x35: {  	s31 =	sadd.s32 $0x100, s30  }
0x36: {  	[tilespmem:s20], [sflag:$0x3] =	stream.indirect.gather [spmem:s2], $0x40, s31, s16, $0xb8;
	[tilespmem:$0x1EB00] =	vst v63  }
0x37: {  	_ =	swait.ge [sflag:s21], $0x2000  }
0x38: {  	[sflag:s21] =	ssyncset.done $0x0  }
0x39: {  	s1 =	sadd.s32 $0x2800, s30;
	[sflag:s21] =	ssyncadd.s32 $0xFFFFE000  }
0x3a: {  	[spmem:s3] =	stream.indirect.scatter.add.f32 [tilespmem:s18], [sflag:$0x5], $0x40, s1, s16, $0xb8;
	[tilespmem:$0x1EB00] =	vst v63  }
0x3b: {  	_ =	swait.ge [sflag:s22], $0x2000  }
0x3c: {  	[sflag:s22] =	ssyncset.done $0x0  }
0x3d: {  	s1 =	sadd.s32 $0x180, s30;
	[sflag:s22] =	ssyncadd.s32 $0xFFFFE000  }
0x3e: {  	[tilespmem:s17], [sflag:$0x1] =	stream.indirect.gather [spmem:s2], $0x40, s1, s16, $0xb8;
	[tilespmem:$0x1EB00] =	vst v63  }
0x3f: {  	_ =	swait.ge [sflag:s23], $0x2000  }
0x40: {  	p0 =	sgt.u32 s29, $0x18;
	[sflag:s23] =	ssyncset.done $0x0  }
0x41: {  	s31 =	sadd.s32 $0x2880, s30;
	s30 =	simm.s32 @!p0 $0x5;
	[sflag:s23] =	ssyncadd.s32 $0xFFFFE000  }
0x42: {  	[spmem:s3] =	stream.indirect.scatter.add.f32 [tilespmem:s20], [sflag:$0x6], $0x40, s31, s16, $0xb8;
	[tilespmem:$0x1EB00] =	vst v63  }
0x43: {  	_ =	swait.ge @!p0 [sflag:s30], $0x2000  }
0x44: {  	[sflag:s30] =	ssyncset.done @!p0 $0x0  }
0x45: {  	s1 =	simm.s32 @!p0 $0x6F00;
	[sflag:s30] =	ssyncadd.s32 @!p0 $0xFFFFE000;
	s30 =	sshra.s32 @!p0 s28, $0x2  }
0x46: {  	s31 =	simm.s32 @!p0 $0x80;
	s28 =	sadd.s32 $0x600, s28;
	s30 =	sadd.s32 @!p0 $0x200, s30  }
0x47: {  	[tilespmem:s1], [sflag:$0x2] =	stream.indirect.gather @!p0 [spmem:s2], $0x40, s30, s31, $0xb8;
	[tilespmem:$0x1EB00] =	vst v63  }
0x48: {  	p0 =	sne.s32 s28, $0xA200  }
.Ltmp3:
0x49: {  	_ = 	snop;
	(pc) =	sbr.rel @!p0 .LBB2_6-.Ltmp3, $2  }
0x4a: {  	_ =	sdelay $0x2  }
0x4b: {  	s29 =	sadd.s32 $0x1, s29  }
.LBB2_2:
0x4c: {  	p0 =	seq.s32 s29, $0x0  }
.Ltmp4:
0x4d: {  	_ = 	snop;
	(pc) =	sbr.rel @p0 .LBB2_5-.Ltmp4, $4  }
0x4e: {  	_ =	swait.ge [sflag:s19], $0x2000  }
0x4f: {  	s30 =	sshra.s32 s28, $0x2;
	[sflag:s19] =	ssyncset.done $0x0  }
0x50: {  	s31 =	sadd.s32 $0x2780, s30;
	[sflag:s19] =	ssyncadd.s32 $0xFFFFE000  }
0x51: {  	[spmem:s3] =	stream.indirect.scatter.add.f32 [tilespmem:s17], [sflag:$0x4], $0x40, s31, s16, $0xb8;
	[tilespmem:$0x1EB00] =	vst v63  }
0x52: {  	p0 =	seq.s32 s29, $0x1A  }
.Ltmp5:
0x53: {  	_ = 	snop;
	(pc) =	sbr.rel @p0 .LBB2_6-.Ltmp5, $1  }
0x54: {  	_ =	sdelay $0x3  }
.Ltmp6:
0x55: {  	(pc) =	sbr.rel .LBB2_5-.Ltmp6, $4  }
0x56: {  	_ = 	snop  }
0x57: {  	_ =	swait.ge [sflag:s25], $0x2000  }
0x58: {  	[sflag:s25] =	ssyncset.done $0x0  }
0x59: {  	[sflag:s25] =	ssyncadd.s32 $0xFFFFE000  }
.LBB2_7:
0x5a: {  	_ =	sfence.sel $0x180000  }
0x5b: {  	[bflag:$0x0] =	sbarrier.arrive $0xFFFF  }
0x5c: {  	_ =	strace $0x9000004D  }
0x5d: {  	[bflag:$0x2] =	sbarrier.arrive $0xFFFF  }
0x5e: {  	p0 =	sne.s32 s0, $0x0;
	s0 =	rddreg [dreg:$0x3]  }
0x5f: {  	s0 =	sadd.s32 @!p0 $0x100000, s0  }
0x60: {  	[sflag:s0] =	ssyncadd.tile.s32 @!p0 $0x1;
	_ =	shalt  }
.Lfunc_end2:
_tile_overlayer_lowered:
.L_overlay_start_2:
0x61: {  	(tag) =	ssettag $0x2  }
0x62: {  	s0 =	rddreg [dreg:$0x0];
	s2 =	stileid.u32  }
0x63: {  	s1 =	rddreg [dreg:$0x1];
	p0 =	sne.s32 s2, $0x0  }
0x64: {  	s3 =	rddreg [dreg:$0x2];
	[bflag:$0x3] =	sbarrier.arrive $0xFFFF;
	s2 =	simm.s32 @!p0 $0x1C07  }
0x65: {  	[timem:s3], [sflag:s2] =	dma.local @!p0 [hbm:s0], s1  }
0x66: {  	s0 =	simm.s32 @!p0 $0x7  }
0x67: {  	_ =	swait.ge @!p0 [sflag:s0], s1  }
0x68: {  	s1 =	ssub.s32 @!p0 $0x0, s1;
	[sflag:s0] =	ssyncset.done @!p0 $0x0  }
0x69: {  	[sflag:s0] =	ssyncadd.s32 @!p0 s1  }
0x6a: {  	[bflag:$0x3] =	sbarrier.arrive $0xFFFF  }
0x6b: {  	_ =	shalt  }

// kernel: kernel.26.cloned.1.call-start
scs
__scs_entry_jumppad:
0x0: {  	(pc) =	sbr.rel $0x88, $3  }
0x1: {  	(tag) =	ssettag $0x0;
	lr =	simm.s32 $0x1  }
0x2: {  	[smem:$0x3F8E] =	sst lr;
	_ =	strace $0xD0000000  }
0x3: {  	_ = 	snop  }
0x4: {  	_ = 	snop  }
0x5: {  	_ = 	snop  }
0x6: {  	_ = 	snop  }
0x7: {  	_ = 	snop  }
__scs_overlays_trampoline_lowered:
0x8: {  	[smem:$0x3F9D] =	sst s0  }
0x9: {  	[smem:$0x3F9E] =	sst s1  }
0xa: {  	[smem:$0x3F9F] =	sst s2  }
0xb: {  	[smem:$0x3FA0] =	sst s3  }
0xc: {  	[smem:$0x3FA1] =	sst s4  }
0xd: {  	[smem:$0x3FA2] =	sst s5  }
0xe: {  	[smem:$0x3FA3] =	sst s6  }
0xf: {  	[smem:$0x3FA4] =	sst s7  }
0x10: {  	[smem:$0x3FA5] =	sst s8  }
0x11: {  	[smem:$0x3FA6] =	sst s9;
	s0 =	simm.s32 @!p0 $0x0  }
0x12: {  	s1 =	sld [smem:$0x3F8C];
	s0 =	simm.s32 @p0 $0x1  }
0x13: {  	[smem:$0x3FA7] =	sst s0;
	s0 =	simm.s32 @!p1 $0x0  }
0x14: {  	s2 =	sld [smem:$0x3F8B];
	s0 =	simm.s32 @p1 $0x1  }
0x15: {  	[smem:$0x3FA8] =	sst s0;
	s0 =	simm.s32 @!p2 $0x0  }
0x16: {  	s3 =	sld [smem:$0x3FDB];
	s0 =	simm.s32 @p2 $0x1  }
0x17: {  	s4 =	simm.s32 $0x1BF5;
	[smem:$0x3FAA] =	sst s0  }
0x18: {  	s0 =	sld [smem:$0x3F8D];
	_ =	swait.ge [sflag:s4], $0x0  }
0x19: {  	s7 =	sld [smem:$0x3F8E]  }
0x1a: {  	s8 =	sadd.s32 $0xFFFFE003, lr  }
0x1b: {  	s9 =	sadd.s32 $0xFFFFFEF7, lr;
	s5 =	simm.s32 $0xFFFFFFFF;
	p2 =	slt.u32 s8, $0xFFFFF086  }
0x1c: {  	p1 =	slt.u32 s9, $0xF7A;
	s5 =	simm.s32 @!p2 $0x0  }
0x1d: {  	s5 =	simm.s32 @p1 $0x1;
	p0 =	seq.s32 s7, s2  }
0x1e: {  	s7 =	smul.u32 @!p0 $0xF7A, s2;
	p2 =	seq.s32 @!p0 s5, $0x0  }
0x1f: {  	s9 =	smul.u32 $0xF7A, s1;
	s8 =	simm.s32 @!p0 $0x1BF5;
	p2 =	por !p2, p0  }
0x20: {  	[sflag:s8] =	ssyncset.s32 @!p0 $0xFFFFF086;
	s6 =	sadd.s32 @!p0 s3, s7;
	s7 =	simm.s32 @!p0 $0x108  }
0x21: {  	s3 =	sadd.s32 s3, s9;
	s6 =	sadd.s32 @!p0 $0x88, s6;
	s7 =	simm.s32 @p2 $0x1082  }
0x22: {  	[simem:s7], [sflag:s8] =	dma.local @!p0 [hbm:s6], $0xF7A  }
0x23: {  	s9 =	sor.u32 $0xD0000000, s2;
	s6 =	simm.s32 $0x108;
	_ =	swait.ge @!p0 [sflag:s8], $0x0  }
0x24: {  	s3 =	sadd.s32 $0x88, s3;
	s6 =	simm.s32 @!p1 $0x1082;
	[sflag:s4] =	ssyncset.s32 $0xFFFFF086  }
0x25: {  	[simem:s6], [sflag:s4] =	dma.local [hbm:s3], $0xF7A  }
0x26: {  	[smem:$0x3F8E] =	sst s1;
	(tag) =	ssettag s2;
	_ =	strace s9  }
0x27: {  	s1 =	sld [smem:$0x3F9E]  }
0x28: {  	s2 =	sld [smem:$0x3F9F]  }
0x29: {  	s4 =	sld [smem:$0x3FA1]  }
0x2a: {  	p0 =	seq.s32 s5, $0x0;
	s5 =	sld [smem:$0x3FA2]  }
0x2b: {  	s6 =	sld [smem:$0x3FA3]  }
0x2c: {  	s7 =	sld [smem:$0x3FA4]  }
0x2d: {  	s3 =	simm.s32 $0x108;
	s8 =	sld [smem:$0x3FA5]  }
0x2e: {  	s3 =	simm.s32 @!p0 $0x1082;
	s9 =	sld [smem:$0x3FA6]  }
0x2f: {  	lr =	sadd.s32 s0, s3;
	s0 =	sld [smem:$0x3F9D]  }
0x30: {  	s3 =	sld [smem:$0x3FA0]  }
0x31: {  	[smem:$0x3FA9] =	sst s10  }
0x32: {  	s10 =	sld [smem:$0x3FA7];
	_ =	sdelay $0x3  }
0x33: {  	p0 =	seq.s32 s10, $0x1;
	s10 =	sld [smem:$0x3FA9];
	_ =	sdelay $0x3  }
0x34: {  	[smem:$0x3FA9] =	sst s10  }
0x35: {  	s10 =	sld [smem:$0x3FA8];
	_ =	sdelay $0x3  }
0x36: {  	p1 =	seq.s32 s10, $0x1;
	s10 =	sld [smem:$0x3FA9];
	_ =	sdelay $0x3  }
0x37: {  	[smem:$0x3FA9] =	sst s10  }
0x38: {  	s10 =	sld [smem:$0x3FAA]  }
0x39: {  	_ = 	snop;
	(pc) =	sbr.ind lr, $3  }
0x3a: {  	_ = 	snop  }
0x3b: {  	_ = 	snop  }
0x3c: {  	p2 =	seq.s32 s10, $0x1;
	s10 =	sld [smem:$0x3FA9]  }
0x3d: {  	_ =	shalt  }
0x3e: {  	_ =	shalt  }
0x3f: {  	_ =	shalt  }
0x40: {  	_ =	shalt  }
0x41: {  	_ =	shalt  }
0x42: {  	_ =	shalt  }
0x43: {  	_ =	shalt  }
0x44: {  	_ =	shalt  }
0x45: {  	_ =	shalt  }
0x46: {  	_ =	shalt  }
0x47: {  	_ =	shalt  }
0x48: {  	_ =	shalt  }
0x49: {  	_ =	shalt  }
0x4a: {  	_ =	shalt  }
0x4b: {  	_ =	shalt  }
0x4c: {  	_ =	shalt  }
0x4d: {  	_ =	shalt  }
0x4e: {  	_ =	shalt  }
0x4f: {  	_ =	shalt  }
0x50: {  	_ =	shalt  }
0x51: {  	_ =	shalt  }
0x52: {  	_ =	shalt  }
0x53: {  	_ =	shalt  }
0x54: {  	_ =	shalt  }
0x55: {  	_ =	shalt  }
0x56: {  	_ =	shalt  }
0x57: {  	_ =	shalt  }
0x58: {  	_ =	shalt  }
0x59: {  	_ =	shalt  }
0x5a: {  	_ =	shalt  }
0x5b: {  	_ =	shalt  }
0x5c: {  	_ =	shalt  }
0x5d: {  	_ =	shalt  }
0x5e: {  	_ =	shalt  }
0x5f: {  	_ =	shalt  }
0x60: {  	_ =	shalt  }
0x61: {  	_ =	shalt  }
0x62: {  	_ =	shalt  }
0x63: {  	_ =	shalt  }
0x64: {  	_ =	shalt  }
0x65: {  	_ =	shalt  }
0x66: {  	_ =	shalt  }
0x67: {  	_ =	shalt  }
0x68: {  	_ =	shalt  }
0x69: {  	_ =	shalt  }
0x6a: {  	_ =	shalt  }
0x6b: {  	_ =	shalt  }
0x6c: {  	_ =	shalt  }
0x6d: {  	_ =	shalt  }
0x6e: {  	_ =	shalt  }
0x6f: {  	_ =	shalt  }
0x70: {  	_ =	shalt  }
0x71: {  	_ =	shalt  }
0x72: {  	_ =	shalt  }
0x73: {  	_ =	shalt  }
0x74: {  	_ =	shalt  }
0x75: {  	_ =	shalt  }
0x76: {  	_ =	shalt  }
0x77: {  	_ =	shalt  }
0x78: {  	_ =	shalt  }
0x79: {  	_ =	shalt  }
0x7a: {  	_ =	shalt  }
0x7b: {  	_ =	shalt  }
0x7c: {  	_ =	shalt  }
0x7d: {  	_ =	shalt  }
0x7e: {  	_ =	shalt  }
0x7f: {  	_ =	shalt  }
0x80: {  	_ =	shalt  }
0x81: {  	_ =	shalt  }
0x82: {  	_ =	shalt  }
0x83: {  	_ =	shalt  }
0x84: {  	_ =	shalt  }
0x85: {  	_ =	shalt  }
0x86: {  	_ =	shalt  }
0x87: {  	_ =	shalt  }
.Lfunc_end0:
.L_simem_size_0:
called_computation.3_lowered:
.L_overlay_start_0:
0x88: {  	s2 =	sld [smem:$0x3FD9]  }
0x89: {  	s3 =	sld [smem:$0x3FFE];
	_ =	sdelay $0x1  }
0x8a: {  	s1 =	srdreg.scid  }
0x8b: {  	s0 =	sand.u32 $0x1, s1  }
0x8c: {  	s16 =	sshll.u32 s0, $0xA;
	s2 =	sadd.s32 s3, s2  }
0x8d: {  	s2 =	sadd.s32 s2, s16  }
0x8e: {  	[smem:$0x3FB5] =	sst s2  }
0x8f: {  	_ = 	snop  }
0x90: {  	(tm) =	ssettm $0x1  }
0x91: {  	s17 =	sld [smem:$0x3FFB];
	_ =	sdelay $0x3  }
0x92: {  	_ =	strace s17  }
0x93: {  	s2 =	sld [smem:$0x3FFC];
	_ =	sdelay $0x3  }
0x94: {  	_ =	strace s2  }
0x95: {  	s2 =	sld [smem:$0x3FFD];
	_ =	sdelay $0x3  }
0x96: {  	_ =	strace s2  }
0x97: {  	_ =	strace $0x8FFFFFFF  }
0x98: {  	s18 =	sld [smem:$0x3FDB];
	_ =	sdelay $0x1  }
0x99: {  	s19 =	simm.s32 $_scs_section_size  }
0x9a: {  	s4 =	simm.s32 $_size__tile_overlayer_lowered;
	s5 =	simm.s32 $_tile_overlayer_lowered  }
0x9b: {  	s22 =	simm.s32 $0x1BFF;
	s21 =	sshll.u32 s5, $0x1;
	s2 =	sadd.s32 s19, s18  }
0x9c: {  	s6 =	simm.s32 $0x0;
	s20 =	sshll.u32 s4, $0x1;
	s4 =	sadd.s32 s21, s2  }
0x9d: {  	[timem:s6], [sflag:s22] =	dma.local [hbm:s4], s20  }
0x9e: {  	_ =	swait.ge [sflag:s22], s20  }
0x9f: {  	s3 =	ssub.s32 $0x0, s20;
	[sflag:s22] =	ssyncset.done $0x0  }
0xa0: {  	[sflag:s22] =	ssyncadd.s32 s3;
	_ =	sdelay $0x1  }
0xa1: {  	s23 =	simm.s32 $0x1B8B  }
0xa2: {  	_ =	swait.ge [sflag:s23], $0x1  }
0xa3: {  	[sflag:s23] =	ssyncset.done $0x0  }
0xa4: {  	s25 =	simm.s32 $0x1B8E;
	s24 =	sld [smem:$0x3FFE];
	[sflag:s23] =	ssyncadd.s32 $0xFFFFFFFF  }
0xa5: {  	s26 =	simm.s32 $execute0_lowered;
	[smem:$0x3FD2] =	sst s25  }
0xa6: {  	s4 =	sshll.u32 s26, $0x1;
	_ =	strace $0x8000004F;
	[dreg:$0x1] =	wrdreg $0xFFFFFFFF  }
0xa7: {  	s28 =	simm.s32 $_size_execute0_lowered;
	s2 =	sadd.s32 s2, s4;
	[dreg:$0x0] =	wrdreg $0x0  }
0xa8: {  	s4 =	sshll.u32 s28, $0x1;
	[dreg:$0x2] =	wrdreg s2  }
0xa9: {  	[dreg:$0x3] =	wrdreg s4  }
0xaa: {  	[dreg:$0x4] =	wrdreg $0xC0  }
0xab: {  	_ =	task [dreg:s6], $0x5FFFF  }
0xac: {  	[dreg:$0x1] =	wrdreg $0xFFFFFFFF  }
0xad: {  	[dreg:$0x0] =	wrdreg $0x60  }
0xae: {  	[dreg:$0x2] =	wrdreg s24  }
0xaf: {  	[dreg:$0x3] =	wrdreg $0xAF000  }
0xb0: {  	[dreg:$0x4] =	wrdreg $0x14D000  }
0xb1: {  	[dreg:$0x5] =	wrdreg $0x9  }
0xb2: {  	_ =	task.clear_ibuf [dreg:s6], $0x6FFFF;
	_ =	strace $0x9000004F  }
0xb3: {  	s29 =	simm.s32 $0x9;
	_ =	strace $0x80000051  }
0xb4: {  	_ =	swait.ge [sflag:s29], $0x1  }
0xb5: {  	[sflag:s29] =	ssyncadd.s32 $0xFFFFFFFF  }
0xb6: {  	_ =	strace $0x90000051  }
0xb7: {  	_ =	sfence  }
0xb8: {  	s30 =	sld [smem:$0x0];
	_ =	sdelay $0x2  }
0xb9: {  	s31 =	sshll.u32 s1, $0xD;
	s1 =	sshrl.u32 s1, $0x2  }
0xba: {  	s3 =	sand.u32 $0x4000, s31;
	s1 =	sadd.s32 s1, s30  }
0xbb: {  	s0 =	sor.u32 s3, s0;
	s1 =	sshll.u32 s1, $0x11  }
0xbc: {  	s0 =	sor.u32 s1, s0  }
0xbd: {  	s0 =	sadd.s32 $0x8F2B, s0  }
0xbe: {  	[sflag:s0] =	ssyncadd.remote.s32 $0x1  }
0xbf: {  	_ =	sfence.sel $0xFFFF  }
0xc0: {  	[dreg:$0x0] =	wrdreg $0xFFFFFFFF;
	(pc) =	sbr.abs _section_cstart, $3  }
0xc1: {  	[dreg:$0x1] =	wrdreg $0xFFFFFFFF  }
0xc2: {  	_ =	task.clear_ibuf [dreg:s6], $0x2FFFF;
	_ =	strace $0x9FFFFFFF  }
0xc3: {  	(tm) =	ssettm $0x7FFFFFFF  }
tec
execute0_lowered:
.L_overlay_start_1:
0x0: {  	(tag) =	ssettag $0x1  }
0x1: {  	s0 =	srdreg.scid;
	s5 =	rddreg [dreg:$0x0]  }
0x2: {  	s30 =	stileid.u32;
	s2 =	rddreg [dreg:$0x1];
	s13 =	simm.s32 $0x7  }
0x3: {  	s18 =	simm.s32 $0x80;
	s19 =	simm.s32 $0x4F00;
	s20 =	simm.s32 $0x6F00  }
0x4: {  	s21 =	simm.s32 $0x1;
	s22 =	simm.s32 $0x8F00;
	s23 =	simm.s32 $0x2  }
0x5: {  	s24 =	simm.s32 $0x4;
	s25 =	simm.s32 $0x3;
	s26 =	simm.s32 $0x5  }
0x6: {  	s28 =	simm.s32 $0x6;
	s29 =	simm.s32 $0x0;
	s1 =	sand.u32 $0x1, s0  }
0x7: {  	s8 =	smul.u32 $0x9E00, s30;
	s31 =	sshll.u32 s30, $0x6;
	s3 =	sshll.u32 s1, $0x4  }
0x8: {  	s7 =	smul.u32 $0x13C000, s1;
	s1 =	ssub.s32 $0x2, s1;
	s15 =	sor.u32 $0x1C07, s31  }
0x9: {  	s4 =	sor.u32 s30, s3;
	s3 =	rddreg [dreg:$0x2];
	s9 =	sshrl.u32 s8, $0x3  }
0xa: {  	s10 =	sshrl.u32 s1, $0x1;
	s16 =	sadd.s32 s8, s2;
	s6 =	smul.u32 $0x4F0, s4  }
0xb: {  	s4 =	simm.s32 $0x0;
	s7 =	sadd.s32 s8, s7;
	s11 =	sadd.s32 s9, s5  }
0xc: {  	s1 =	ssub.s32 s1, s10;
	s17 =	sadd.s32 s8, s3;
	s16 =	sshrl.u32 s16, $0x3  }
.Ltmp0:
0xd: {  	[smem:$0x7FF] =	sst s4;
	s7 =	sshrl.u32 s7, $0x3;
	(pc) =	sbr.rel .LBB2_1-.Ltmp0, $4  }
0xe: {  	s8 =	sadd.s32 $0x3F000, s11;
	s10 =	sadd.s32 $0x66800, s11;
	s17 =	sshrl.u32 s17, $0x3  }
0xf: {  	_ =	strace $0x80000050;
	s6 =	sadd.s32 s6, s5;
	s12 =	sadd.s32 s7, s5  }
0x10: {  	s7 =	sadd.s32 $0x52C00, s11;
	s5 =	sadd.s32 $0x17800, s6;
	s6 =	sadd.s32 $0x21600, s6  }
0x11: {  	s9 =	sadd.s32 $0x7A400, s12;
	s11 =	sadd.s32 $0x8E000, s12;
	s12 =	smax.u32 s1, $0x1  }
.LBB2_11:
0x12: {  	_ =	swait.ge [sflag:s24], $0x2000  }
0x13: {  	[sflag:s24] =	ssyncset.done $0x0  }
0x14: {  	[sflag:s24] =	ssyncadd.s32 $0xFFFFE000  }
0x15: {  	_ =	swait.ge [sflag:s26], $0x2000  }
0x16: {  	[sflag:s26] =	ssyncset.done $0x0  }
0x17: {  	[sflag:s26] =	ssyncadd.s32 $0xFFFFE000  }
0x18: {  	_ =	swait.ge [sflag:s28], $0x2000  }
0x19: {  	s29 =	sadd.s32 $0x1, s29;
	[sflag:s28] =	ssyncset.done $0x0  }
0x1a: {  	p0 =	sne.s32 s29, s12;
	[sflag:s28] =	ssyncadd.s32 $0xFFFFE000  }
.Ltmp1:
0x1b: {  	[bflag:$0x0] =	sbarrier.arrive $0xFFFF;
	(pc) =	sbr.rel @!p0 .LBB2_12-.Ltmp1, $4  }
0x1c: {  	[hbm:s11], [sflag:s15] =	dma.local [spmem:s17], $0x13C0  }
0x1d: {  	_ =	swait.ge [sflag:s13], $0x13C0  }
0x1e: {  	[sflag:s13] =	ssyncset.done $0x0  }
0x1f: {  	[sflag:s13] =	ssyncadd.s32 $0xFFFFEC40  }
.LBB2_1:
0x20: {  	[tilespmem:s4], [sflag:$0x7] =	stream.linear.gather [hbm4b:s5+s4], $0x2780, $0x38;
	[tilespmem:$0x1EB00] =	vst v63  }
0x21: {  	_ =	swait.ge [sflag:s13], $0x2780  }
0x22: {  	[sflag:s13] =	ssyncset.done $0x0  }
0x23: {  	s0 =	simm.s32 $0x2780;
	[sflag:s13] =	ssyncadd.s32 $0xFFFFD880  }
0x24: {  	[tilespmem:s0], [sflag:$0x7] =	stream.linear.gather [hbm4b:s6+s4], $0x2780, $0x38;
	[tilespmem:$0x1EB00] =	vst v63  }
0x25: {  	_ =	swait.ge [sflag:s13], $0x2780  }
0x26: {  	[sflag:s13] =	ssyncset.done $0x0  }
0x27: {  	[sflag:s13] =	ssyncadd.s32 $0xFFFFD880  }
0x28: {  	[spmem:s16], [sflag:s15] =	dma.local [hbm:s7], $0x13C0  }
0x29: {  	_ =	swait.ge [sflag:s13], $0x13C0  }
0x2a: {  	[sflag:s13] =	ssyncset.done $0x0  }
0x2b: {  	[sflag:s13] =	ssyncadd.s32 $0xFFFFEC40  }
0x2c: {  	[spmem:s17], [sflag:s15] =	dma.local [hbm:s8], $0x13C0  }
0x2d: {  	_ =	swait.ge [sflag:s13], $0x13C0  }
0x2e: {  	[sflag:s13] =	ssyncset.done $0x0  }
.Ltmp2:
0x2f: {  	[sflag:s13] =	ssyncadd.s32 $0xFFFFEC40;
	(pc) =	sbr.rel .LBB2_2-.Ltmp2, $4  }
0x30: {  	[bflag:$0x0] =	sbarrier.arrive $0xFFFF  }
0x31: {  	[tilespmem:s19], [sflag:$0x1] =	stream.indirect.gather [spmem:s2], $0x40, s4, s18, $0xb8;
	[tilespmem:$0x1EB00] =	vst v63  }
0x32: {  	s30 =	simm.s32 $0x0;
	s31 =	simm.s32 $0x0  }
0x33: {  	[tilespmem:s20], [sflag:$0x2] =	stream.indirect.gather [spmem:s2], $0x40, s18, s18, $0xb8;
	[tilespmem:$0x1EB00] =	vst v63  }
.LBB2_5:
0x34: {  	s0 =	sadd.s32 $0x100, s1  }
0x35: {  	[tilespmem:s22], [sflag:$0x3] =	stream.indirect.gather [spmem:s2], $0x40, s0, s18, $0xb8;
	[tilespmem:$0x1EB00] =	vst v63  }
0x36: {  	_ =	swait.ge [sflag:s23], $0x2000  }
0x37: {  	[sflag:s23] =	ssyncset.done $0x0  }
0x38: {  	s14 =	sadd.s32 $0x2800, s1;
	[sflag:s23] =	ssyncadd.s32 $0xFFFFE000  }
0x39: {  	[spmem:s3] =	stream.indirect.scatter.add.f32 [tilespmem:s20], [sflag:$0x5], $0x40, s14, s18, $0xb8;
	[tilespmem:$0x1EB00] =	vst v63  }
0x3a: {  	_ =	swait.ge [sflag:s24], $0x2000  }
0x3b: {  	[sflag:s24] =	ssyncset.done $0x0  }
0x3c: {  	s14 =	sadd.s32 $0x180, s1;
	[sflag:s24] =	ssyncadd.s32 $0xFFFFE000  }
0x3d: {  	[tilespmem:s19], [sflag:$0x1] =	stream.indirect.gather [spmem:s2], $0x40, s14, s18, $0xb8;
	[tilespmem:$0x1EB00] =	vst v63  }
0x3e: {  	_ =	swait.ge [sflag:s25], $0x2000  }
0x3f: {  	p0 =	sgt.u32 s31, $0x18;
	[sflag:s25] =	ssyncset.done $0x0  }
0x40: {  	s0 =	simm.s32 @!p0 $0x5;
	s14 =	sadd.s32 $0x2880, s1;
	[sflag:s25] =	ssyncadd.s32 $0xFFFFE000  }
0x41: {  	[spmem:s3] =	stream.indirect.scatter.add.f32 [tilespmem:s22], [sflag:$0x6], $0x40, s14, s18, $0xb8;
	[tilespmem:$0x1EB00] =	vst v63  }
0x42: {  	_ =	swait.ge @!p0 [sflag:s0], $0x2000  }
0x43: {  	[sflag:s0] =	ssyncset.done @!p0 $0x0  }
0x44: {  	s1 =	simm.s32 @!p0 $0x80;
	[sflag:s0] =	ssyncadd.s32 @!p0 $0xFFFFE000;
	s0 =	sshra.s32 @!p0 s30, $0x2  }
0x45: {  	s14 =	simm.s32 @!p0 $0x6F00;
	s30 =	sadd.s32 $0x600, s30;
	s0 =	sadd.s32 @!p0 $0x200, s0  }
0x46: {  	[tilespmem:s14], [sflag:$0x2] =	stream.indirect.gather @!p0 [spmem:s2], $0x40, s0, s1, $0xb8;
	[tilespmem:$0x1EB00] =	vst v63  }
0x47: {  	p0 =	sne.s32 s30, $0xA200  }
.Ltmp3:
0x48: {  	_ = 	snop;
	(pc) =	sbr.rel @!p0 .LBB2_6-.Ltmp3, $2  }
0x49: {  	_ =	sdelay $0x2  }
0x4a: {  	s31 =	sadd.s32 $0x1, s31  }
.LBB2_2:
0x4b: {  	p0 =	seq.s32 s31, $0x0  }
.Ltmp4:
0x4c: {  	_ = 	snop;
	(pc) =	sbr.rel @p0 .LBB2_5-.Ltmp4, $4  }
0x4d: {  	_ =	swait.ge [sflag:s21], $0x2000  }
0x4e: {  	s1 =	sshra.s32 s30, $0x2;
	[sflag:s21] =	ssyncset.done $0x0  }
0x4f: {  	s0 =	sadd.s32 $0x2780, s1;
	[sflag:s21] =	ssyncadd.s32 $0xFFFFE000  }
0x50: {  	[spmem:s3] =	stream.indirect.scatter.add.f32 [tilespmem:s19], [sflag:$0x4], $0x40, s0, s18, $0xb8;
	[tilespmem:$0x1EB00] =	vst v63  }
0x51: {  	p0 =	seq.s32 s31, $0x1A  }
.Ltmp5:
0x52: {  	_ = 	snop;
	(pc) =	sbr.rel @p0 .LBB2_6-.Ltmp5, $1  }
0x53: {  	_ =	sdelay $0x3  }
.Ltmp6:
0x54: {  	(pc) =	sbr.rel .LBB2_5-.Ltmp6, $4  }
0x55: {  	_ = 	snop  }
0x56: {  	_ =	swait.ge [sflag:s28], $0x2000  }
0x57: {  	[sflag:s28] =	ssyncset.done $0x0  }
0x58: {  	[sflag:s28] =	ssyncadd.s32 $0xFFFFE000  }
.LBB2_6:
0x59: {  	_ =	swait.ge [sflag:s24], $0x2000  }
0x5a: {  	[sflag:s24] =	ssyncset.done $0x0  }
0x5b: {  	[sflag:s24] =	ssyncadd.s32 $0xFFFFE000  }
0x5c: {  	_ =	swait.ge [sflag:s26], $0x2000  }
0x5d: {  	[sflag:s26] =	ssyncset.done $0x0  }
0x5e: {  	[sflag:s26] =	ssyncadd.s32 $0xFFFFE000  }
0x5f: {  	_ =	swait.ge [sflag:s28], $0x2000  }
0x60: {  	[sflag:s28] =	ssyncset.done $0x0  }
0x61: {  	[sflag:s28] =	ssyncadd.s32 $0xFFFFE000  }
0x62: {  	[bflag:$0x0] =	sbarrier.arrive $0xFFFF  }
0x63: {  	[hbm:s9], [sflag:s15] =	dma.local [spmem:s17], $0x13C0  }
0x64: {  	_ =	swait.ge [sflag:s13], $0x13C0  }
0x65: {  	[sflag:s13] =	ssyncset.done $0x0  }
0x66: {  	[sflag:s13] =	ssyncadd.s32 $0xFFFFEC40  }
0x67: {  	[spmem:s16], [sflag:s15] =	dma.local [hbm:s10], $0x13C0  }
0x68: {  	_ =	swait.ge [sflag:s13], $0x13C0  }
0x69: {  	[sflag:s13] =	ssyncset.done $0x0  }
0x6a: {  	[sflag:s13] =	ssyncadd.s32 $0xFFFFEC40  }
0x6b: {  	[spmem:s17], [sflag:s15] =	dma.local [hbm:s8], $0x13C0  }
0x6c: {  	_ =	swait.ge [sflag:s13], $0x13C0  }
0x6d: {  	[sflag:s13] =	ssyncset.done $0x0  }
.Ltmp7:
0x6e: {  	[sflag:s13] =	ssyncadd.s32 $0xFFFFEC40;
	(pc) =	sbr.rel .LBB2_7-.Ltmp7, $4  }
0x6f: {  	s30 =	simm.s32 $0x0;
	[bflag:$0x0] =	sbarrier.arrive $0xFFFF  }
0x70: {  	[tilespmem:s19], [sflag:$0x1] =	stream.indirect.gather [spmem:s2], $0x40, s30, s18, $0xb8;
	[tilespmem:$0x1EB00] =	vst v63  }
0x71: {  	s31 =	simm.s32 $0x0  }
0x72: {  	[tilespmem:s20], [sflag:$0x2] =	stream.indirect.gather [spmem:s2], $0x40, s18, s18, $0xb8;
	[tilespmem:$0x1EB00] =	vst v63  }
.LBB2_10:
0x73: {  	s0 =	sadd.s32 $0x100, s1  }
0x74: {  	[tilespmem:s22], [sflag:$0x3] =	stream.indirect.gather [spmem:s2], $0x40, s0, s18, $0xb8;
	[tilespmem:$0x1EB00] =	vst v63  }
0x75: {  	_ =	swait.ge [sflag:s23], $0x2000  }
0x76: {  	[sflag:s23] =	ssyncset.done $0x0  }
0x77: {  	s14 =	sadd.s32 $0x2800, s1;
	[sflag:s23] =	ssyncadd.s32 $0xFFFFE000  }
0x78: {  	[spmem:s3] =	stream.indirect.scatter.add.f32 [tilespmem:s20], [sflag:$0x5], $0x40, s14, s18, $0xb8;
	[tilespmem:$0x1EB00] =	vst v63  }
0x79: {  	_ =	swait.ge [sflag:s24], $0x2000  }
0x7a: {  	[sflag:s24] =	ssyncset.done $0x0  }
0x7b: {  	s14 =	sadd.s32 $0x180, s1;
	[sflag:s24] =	ssyncadd.s32 $0xFFFFE000  }
0x7c: {  	[tilespmem:s19], [sflag:$0x1] =	stream.indirect.gather [spmem:s2], $0x40, s14, s18, $0xb8;
	[tilespmem:$0x1EB00] =	vst v63  }
0x7d: {  	_ =	swait.ge [sflag:s25], $0x2000  }
0x7e: {  	p0 =	sgt.u32 s31, $0x18;
	[sflag:s25] =	ssyncset.done $0x0  }
0x7f: {  	s0 =	simm.s32 @!p0 $0x5;
	s14 =	sadd.s32 $0x2880, s1;
	[sflag:s25] =	ssyncadd.s32 $0xFFFFE000  }
0x80: {  	[spmem:s3] =	stream.indirect.scatter.add.f32 [tilespmem:s22], [sflag:$0x6], $0x40, s14, s18, $0xb8;
	[tilespmem:$0x1EB00] =	vst v63  }
0x81: {  	_ =	swait.ge @!p0 [sflag:s0], $0x2000  }
0x82: {  	[sflag:s0] =	ssyncset.done @!p0 $0x0  }
0x83: {  	s1 =	simm.s32 @!p0 $0x80;
	[sflag:s0] =	ssyncadd.s32 @!p0 $0xFFFFE000;
	s0 =	sshra.s32 @!p0 s30, $0x2  }
0x84: {  	s14 =	simm.s32 @!p0 $0x6F00;
	s30 =	sadd.s32 $0x600, s30;
	s0 =	sadd.s32 @!p0 $0x200, s0  }
0x85: {  	[tilespmem:s14], [sflag:$0x2] =	stream.indirect.gather @!p0 [spmem:s2], $0x40, s0, s1, $0xb8;
	[tilespmem:$0x1EB00] =	vst v63  }
0x86: {  	p0 =	sne.s32 s30, $0xA200  }
.Ltmp8:
0x87: {  	_ = 	snop;
	(pc) =	sbr.rel @!p0 .LBB2_11-.Ltmp8, $2  }
0x88: {  	_ =	sdelay $0x2  }
0x89: {  	s31 =	sadd.s32 $0x1, s31  }
.LBB2_7:
0x8a: {  	p0 =	seq.s32 s31, $0x0  }
.Ltmp9:
0x8b: {  	_ = 	snop;
	(pc) =	sbr.rel @p0 .LBB2_10-.Ltmp9, $4  }
0x8c: {  	_ =	swait.ge [sflag:s21], $0x2000  }
0x8d: {  	s1 =	sshra.s32 s30, $0x2;
	[sflag:s21] =	ssyncset.done $0x0  }
0x8e: {  	s0 =	sadd.s32 $0x2780, s1;
	[sflag:s21] =	ssyncadd.s32 $0xFFFFE000  }
0x8f: {  	[spmem:s3] =	stream.indirect.scatter.add.f32 [tilespmem:s19], [sflag:$0x4], $0x40, s0, s18, $0xb8;
	[tilespmem:$0x1EB00] =	vst v63  }
0x90: {  	p0 =	seq.s32 s31, $0x1A  }
.Ltmp10:
0x91: {  	_ = 	snop;
	(pc) =	sbr.rel @p0 .LBB2_11-.Ltmp10, $1  }
0x92: {  	_ =	sdelay $0x3  }
.Ltmp11:
0x93: {  	(pc) =	sbr.rel .LBB2_10-.Ltmp11, $4  }
0x94: {  	_ = 	snop  }
0x95: {  	_ =	swait.ge [sflag:s28], $0x2000  }
0x96: {  	[sflag:s28] =	ssyncset.done $0x0  }
0x97: {  	[sflag:s28] =	ssyncadd.s32 $0xFFFFE000  }
.LBB2_12:
0x98: {  	_ =	sfence.sel $0x180000  }
0x99: {  	[bflag:$0x0] =	sbarrier.arrive $0xFFFF  }
0x9a: {  	_ =	strace $0x90000050  }
0x9b: {  	s0 =	stileid.u32;
	[bflag:$0x2] =	sbarrier.arrive $0xFFFF  }
0x9c: {  	p0 =	sne.s32 s0, $0x0;
	s0 =	rddreg [dreg:$0x3]  }
0x9d: {  	s0 =	sadd.s32 @!p0 $0x100000, s0  }
0x9e: {  	[sflag:s0] =	ssyncadd.tile.s32 @!p0 $0x1;
	_ =	shalt  }
.Lfunc_end2:
_tile_overlayer_lowered:
.L_overlay_start_2:
0x9f: {  	(tag) =	ssettag $0x2  }
0xa0: {  	s0 =	rddreg [dreg:$0x0];
	s2 =	stileid.u32  }
0xa1: {  	s1 =	rddreg [dreg:$0x1];
	p0 =	sne.s32 s2, $0x0  }
0xa2: {  	s3 =	rddreg [dreg:$0x2];
	[bflag:$0x3] =	sbarrier.arrive $0xFFFF;
	s2 =	simm.s32 @!p0 $0x1C07  }
0xa3: {  	[timem:s3], [sflag:s2] =	dma.local @!p0 [hbm:s0], s1  }
0xa4: {  	s0 =	simm.s32 @!p0 $0x7  }
0xa5: {  	_ =	swait.ge @!p0 [sflag:s0], s1  }
0xa6: {  	s1 =	ssub.s32 @!p0 $0x0, s1;
	[sflag:s0] =	ssyncset.done @!p0 $0x0  }
0xa7: {  	[sflag:s0] =	ssyncadd.s32 @!p0 s1  }
0xa8: {  	[bflag:$0x3] =	sbarrier.arrive $0xFFFF  }
0xa9: {  	_ =	shalt  }

// kernel: kernel.29.cloned.1.call-start
scs
__scs_entry_jumppad:
0x0: {  	(pc) =	sbr.rel $0x88, $3  }
0x1: {  	(tag) =	ssettag $0x0;
	lr =	simm.s32 $0x1  }
0x2: {  	[smem:$0x3F8E] =	sst lr;
	_ =	strace $0xD0000000  }
0x3: {  	_ = 	snop  }
0x4: {  	_ = 	snop  }
0x5: {  	_ = 	snop  }
0x6: {  	_ = 	snop  }
0x7: {  	_ = 	snop  }
__scs_overlays_trampoline_lowered:
0x8: {  	[smem:$0x3F9D] =	sst s0  }
0x9: {  	[smem:$0x3F9E] =	sst s1  }
0xa: {  	[smem:$0x3F9F] =	sst s2  }
0xb: {  	[smem:$0x3FA0] =	sst s3  }
0xc: {  	[smem:$0x3FA1] =	sst s4  }
0xd: {  	[smem:$0x3FA2] =	sst s5  }
0xe: {  	[smem:$0x3FA3] =	sst s6  }
0xf: {  	[smem:$0x3FA4] =	sst s7  }
0x10: {  	[smem:$0x3FA5] =	sst s8  }
0x11: {  	[smem:$0x3FA6] =	sst s9;
	s0 =	simm.s32 @!p0 $0x0  }
0x12: {  	s1 =	sld [smem:$0x3F8C];
	s0 =	simm.s32 @p0 $0x1  }
0x13: {  	[smem:$0x3FA7] =	sst s0;
	s0 =	simm.s32 @!p1 $0x0  }
0x14: {  	s2 =	sld [smem:$0x3F8B];
	s0 =	simm.s32 @p1 $0x1  }
0x15: {  	[smem:$0x3FA8] =	sst s0;
	s0 =	simm.s32 @!p2 $0x0  }
0x16: {  	s3 =	sld [smem:$0x3FDB];
	s0 =	simm.s32 @p2 $0x1  }
0x17: {  	s4 =	simm.s32 $0x1BF5;
	[smem:$0x3FAA] =	sst s0  }
0x18: {  	s0 =	sld [smem:$0x3F8D];
	_ =	swait.ge [sflag:s4], $0x0  }
0x19: {  	s7 =	sld [smem:$0x3F8E]  }
0x1a: {  	s8 =	sadd.s32 $0xFFFFE003, lr  }
0x1b: {  	s9 =	sadd.s32 $0xFFFFFEF7, lr;
	s5 =	simm.s32 $0xFFFFFFFF;
	p2 =	slt.u32 s8, $0xFFFFF086  }
0x1c: {  	p1 =	slt.u32 s9, $0xF7A;
	s5 =	simm.s32 @!p2 $0x0  }
0x1d: {  	s5 =	simm.s32 @p1 $0x1;
	p0 =	seq.s32 s7, s2  }
0x1e: {  	s7 =	smul.u32 @!p0 $0xF7A, s2;
	p2 =	seq.s32 @!p0 s5, $0x0  }
0x1f: {  	s9 =	smul.u32 $0xF7A, s1;
	s8 =	simm.s32 @!p0 $0x1BF5;
	p2 =	por !p2, p0  }
0x20: {  	[sflag:s8] =	ssyncset.s32 @!p0 $0xFFFFF086;
	s6 =	sadd.s32 @!p0 s3, s7;
	s7 =	simm.s32 @!p0 $0x108  }
0x21: {  	s3 =	sadd.s32 s3, s9;
	s6 =	sadd.s32 @!p0 $0x88, s6;
	s7 =	simm.s32 @p2 $0x1082  }
0x22: {  	[simem:s7], [sflag:s8] =	dma.local @!p0 [hbm:s6], $0xF7A  }
0x23: {  	s9 =	sor.u32 $0xD0000000, s2;
	s6 =	simm.s32 $0x108;
	_ =	swait.ge @!p0 [sflag:s8], $0x0  }
0x24: {  	s3 =	sadd.s32 $0x88, s3;
	s6 =	simm.s32 @!p1 $0x1082;
	[sflag:s4] =	ssyncset.s32 $0xFFFFF086  }
0x25: {  	[simem:s6], [sflag:s4] =	dma.local [hbm:s3], $0xF7A  }
0x26: {  	[smem:$0x3F8E] =	sst s1;
	(tag) =	ssettag s2;
	_ =	strace s9  }
0x27: {  	s1 =	sld [smem:$0x3F9E]  }
0x28: {  	s2 =	sld [smem:$0x3F9F]  }
0x29: {  	s4 =	sld [smem:$0x3FA1]  }
0x2a: {  	p0 =	seq.s32 s5, $0x0;
	s5 =	sld [smem:$0x3FA2]  }
0x2b: {  	s6 =	sld [smem:$0x3FA3]  }
0x2c: {  	s7 =	sld [smem:$0x3FA4]  }
0x2d: {  	s3 =	simm.s32 $0x108;
	s8 =	sld [smem:$0x3FA5]  }
0x2e: {  	s3 =	simm.s32 @!p0 $0x1082;
	s9 =	sld [smem:$0x3FA6]  }
0x2f: {  	lr =	sadd.s32 s0, s3;
	s0 =	sld [smem:$0x3F9D]  }
0x30: {  	s3 =	sld [smem:$0x3FA0]  }
0x31: {  	[smem:$0x3FA9] =	sst s10  }
0x32: {  	s10 =	sld [smem:$0x3FA7];
	_ =	sdelay $0x3  }
0x33: {  	p0 =	seq.s32 s10, $0x1;
	s10 =	sld [smem:$0x3FA9];
	_ =	sdelay $0x3  }
0x34: {  	[smem:$0x3FA9] =	sst s10  }
0x35: {  	s10 =	sld [smem:$0x3FA8];
	_ =	sdelay $0x3  }
0x36: {  	p1 =	seq.s32 s10, $0x1;
	s10 =	sld [smem:$0x3FA9];
	_ =	sdelay $0x3  }
0x37: {  	[smem:$0x3FA9] =	sst s10  }
0x38: {  	s10 =	sld [smem:$0x3FAA]  }
0x39: {  	_ = 	snop;
	(pc) =	sbr.ind lr, $3  }
0x3a: {  	_ = 	snop  }
0x3b: {  	_ = 	snop  }
0x3c: {  	p2 =	seq.s32 s10, $0x1;
	s10 =	sld [smem:$0x3FA9]  }
0x3d: {  	_ =	shalt  }
0x3e: {  	_ =	shalt  }
0x3f: {  	_ =	shalt  }
0x40: {  	_ =	shalt  }
0x41: {  	_ =	shalt  }
0x42: {  	_ =	shalt  }
0x43: {  	_ =	shalt  }
0x44: {  	_ =	shalt  }
0x45: {  	_ =	shalt  }
0x46: {  	_ =	shalt  }
0x47: {  	_ =	shalt  }
0x48: {  	_ =	shalt  }
0x49: {  	_ =	shalt  }
0x4a: {  	_ =	shalt  }
0x4b: {  	_ =	shalt  }
0x4c: {  	_ =	shalt  }
0x4d: {  	_ =	shalt  }
0x4e: {  	_ =	shalt  }
0x4f: {  	_ =	shalt  }
0x50: {  	_ =	shalt  }
0x51: {  	_ =	shalt  }
0x52: {  	_ =	shalt  }
0x53: {  	_ =	shalt  }
0x54: {  	_ =	shalt  }
0x55: {  	_ =	shalt  }
0x56: {  	_ =	shalt  }
0x57: {  	_ =	shalt  }
0x58: {  	_ =	shalt  }
0x59: {  	_ =	shalt  }
0x5a: {  	_ =	shalt  }
0x5b: {  	_ =	shalt  }
0x5c: {  	_ =	shalt  }
0x5d: {  	_ =	shalt  }
0x5e: {  	_ =	shalt  }
0x5f: {  	_ =	shalt  }
0x60: {  	_ =	shalt  }
0x61: {  	_ =	shalt  }
0x62: {  	_ =	shalt  }
0x63: {  	_ =	shalt  }
0x64: {  	_ =	shalt  }
0x65: {  	_ =	shalt  }
0x66: {  	_ =	shalt  }
0x67: {  	_ =	shalt  }
0x68: {  	_ =	shalt  }
0x69: {  	_ =	shalt  }
0x6a: {  	_ =	shalt  }
0x6b: {  	_ =	shalt  }
0x6c: {  	_ =	shalt  }
0x6d: {  	_ =	shalt  }
0x6e: {  	_ =	shalt  }
0x6f: {  	_ =	shalt  }
0x70: {  	_ =	shalt  }
0x71: {  	_ =	shalt  }
0x72: {  	_ =	shalt  }
0x73: {  	_ =	shalt  }
0x74: {  	_ =	shalt  }
0x75: {  	_ =	shalt  }
0x76: {  	_ =	shalt  }
0x77: {  	_ =	shalt  }
0x78: {  	_ =	shalt  }
0x79: {  	_ =	shalt  }
0x7a: {  	_ =	shalt  }
0x7b: {  	_ =	shalt  }
0x7c: {  	_ =	shalt  }
0x7d: {  	_ =	shalt  }
0x7e: {  	_ =	shalt  }
0x7f: {  	_ =	shalt  }
0x80: {  	_ =	shalt  }
0x81: {  	_ =	shalt  }
0x82: {  	_ =	shalt  }
0x83: {  	_ =	shalt  }
0x84: {  	_ =	shalt  }
0x85: {  	_ =	shalt  }
0x86: {  	_ =	shalt  }
0x87: {  	_ =	shalt  }
.Lfunc_end0:
.L_simem_size_0:
called_computation.4_lowered:
.L_overlay_start_0:
0x88: {  	s2 =	sld [smem:$0x3FD9]  }
0x89: {  	s3 =	sld [smem:$0x3FFE];
	_ =	sdelay $0x1  }
0x8a: {  	s1 =	srdreg.scid  }
0x8b: {  	s0 =	sand.u32 $0x1, s1  }
0x8c: {  	s16 =	sshll.u32 s0, $0xA;
	s2 =	sadd.s32 s3, s2  }
0x8d: {  	s2 =	sadd.s32 s2, s16  }
0x8e: {  	[smem:$0x3FB5] =	sst s2  }
0x8f: {  	_ = 	snop  }
0x90: {  	(tm) =	ssettm $0x1  }
0x91: {  	s17 =	sld [smem:$0x3FFB];
	_ =	sdelay $0x3  }
0x92: {  	_ =	strace s17  }
0x93: {  	s2 =	sld [smem:$0x3FFC];
	_ =	sdelay $0x3  }
0x94: {  	_ =	strace s2  }
0x95: {  	s2 =	sld [smem:$0x3FFD];
	_ =	sdelay $0x3  }
0x96: {  	_ =	strace s2  }
0x97: {  	_ =	strace $0x8FFFFFFF  }
0x98: {  	s18 =	sld [smem:$0x3FDB];
	_ =	sdelay $0x1  }
0x99: {  	s19 =	simm.s32 $_scs_section_size  }
0x9a: {  	s4 =	simm.s32 $_size__tile_overlayer_lowered;
	s5 =	simm.s32 $_tile_overlayer_lowered  }
0x9b: {  	s22 =	simm.s32 $0x1BFF;
	s21 =	sshll.u32 s5, $0x1;
	s2 =	sadd.s32 s19, s18  }
0x9c: {  	s6 =	simm.s32 $0x0;
	s20 =	sshll.u32 s4, $0x1;
	s4 =	sadd.s32 s21, s2  }
0x9d: {  	[timem:s6], [sflag:s22] =	dma.local [hbm:s4], s20  }
0x9e: {  	_ =	swait.ge [sflag:s22], s20  }
0x9f: {  	s3 =	ssub.s32 $0x0, s20;
	[sflag:s22] =	ssyncset.done $0x0  }
0xa0: {  	[sflag:s22] =	ssyncadd.s32 s3;
	_ =	sdelay $0x1  }
0xa1: {  	s23 =	simm.s32 $0x1B8B  }
0xa2: {  	_ =	swait.ge [sflag:s23], $0x1  }
0xa3: {  	[sflag:s23] =	ssyncset.done $0x0  }
0xa4: {  	s25 =	simm.s32 $0x1B8E;
	s24 =	sld [smem:$0x3FFE];
	[sflag:s23] =	ssyncadd.s32 $0xFFFFFFFF  }
0xa5: {  	s26 =	simm.s32 $execute0_lowered;
	[smem:$0x3FD2] =	sst s25  }
0xa6: {  	s4 =	sshll.u32 s26, $0x1;
	_ =	strace $0x80000052;
	[dreg:$0x1] =	wrdreg $0xFFFFFFFF  }
0xa7: {  	s28 =	simm.s32 $_size_execute0_lowered;
	s2 =	sadd.s32 s2, s4;
	[dreg:$0x0] =	wrdreg $0x0  }
0xa8: {  	s4 =	sshll.u32 s28, $0x1;
	[dreg:$0x2] =	wrdreg s2  }
0xa9: {  	[dreg:$0x3] =	wrdreg s4  }
0xaa: {  	[dreg:$0x4] =	wrdreg $0xC0  }
0xab: {  	_ =	task [dreg:s6], $0x5FFFF  }
0xac: {  	[dreg:$0x1] =	wrdreg $0xFFFFFFFF  }
0xad: {  	[dreg:$0x0] =	wrdreg $0x60  }
0xae: {  	[dreg:$0x2] =	wrdreg s24  }
0xaf: {  	[dreg:$0x3] =	wrdreg $0xAF000  }
0xb0: {  	[dreg:$0x4] =	wrdreg $0x14D000  }
0xb1: {  	[dreg:$0x5] =	wrdreg $0x9  }
0xb2: {  	_ =	task.clear_ibuf [dreg:s6], $0x6FFFF;
	_ =	strace $0x90000052  }
0xb3: {  	s29 =	simm.s32 $0x9;
	_ =	strace $0x80000054  }
0xb4: {  	_ =	swait.ge [sflag:s29], $0x1  }
0xb5: {  	[sflag:s29] =	ssyncadd.s32 $0xFFFFFFFF  }
0xb6: {  	_ =	strace $0x90000054  }
0xb7: {  	_ =	sfence  }
0xb8: {  	s30 =	sld [smem:$0x0];
	_ =	sdelay $0x2  }
0xb9: {  	s31 =	sshll.u32 s1, $0xD;
	s1 =	sshrl.u32 s1, $0x2  }
0xba: {  	s3 =	sand.u32 $0x4000, s31;
	s1 =	sadd.s32 s1, s30  }
0xbb: {  	s0 =	sor.u32 s3, s0;
	s1 =	sshll.u32 s1, $0x11  }
0xbc: {  	s0 =	sor.u32 s1, s0  }
0xbd: {  	s0 =	sadd.s32 $0x8F2B, s0  }
0xbe: {  	[sflag:s0] =	ssyncadd.remote.s32 $0x1  }
0xbf: {  	_ =	sfence.sel $0xFFFF  }
0xc0: {  	[dreg:$0x0] =	wrdreg $0xFFFFFFFF;
	(pc) =	sbr.abs _section_cstart, $3  }
0xc1: {  	[dreg:$0x1] =	wrdreg $0xFFFFFFFF  }
0xc2: {  	_ =	task.clear_ibuf [dreg:s6], $0x2FFFF;
	_ =	strace $0x9FFFFFFF  }
0xc3: {  	(tm) =	ssettm $0x7FFFFFFF  }
tec
execute0_lowered:
.L_overlay_start_1:
0x0: {  	(tag) =	ssettag $0x1  }
0x1: {  	s0 =	srdreg.scid;
	s5 =	rddreg [dreg:$0x0]  }
0x2: {  	s30 =	stileid.u32;
	s2 =	rddreg [dreg:$0x1];
	s13 =	simm.s32 $0x7  }
0x3: {  	s18 =	simm.s32 $0x80;
	s19 =	simm.s32 $0x4F00;
	s20 =	simm.s32 $0x6F00  }
0x4: {  	s21 =	simm.s32 $0x1;
	s22 =	simm.s32 $0x8F00;
	s23 =	simm.s32 $0x2  }
0x5: {  	s24 =	simm.s32 $0x4;
	s25 =	simm.s32 $0x3;
	s26 =	simm.s32 $0x5  }
0x6: {  	s28 =	simm.s32 $0x6;
	s29 =	simm.s32 $0x0;
	s1 =	sand.u32 $0x1, s0  }
0x7: {  	s8 =	smul.u32 $0x9E00, s30;
	s31 =	sshll.u32 s30, $0x6;
	s3 =	sshll.u32 s1, $0x4  }
0x8: {  	s7 =	smul.u32 $0x13C000, s1;
	s1 =	ssub.s32 $0x2, s1;
	s15 =	sor.u32 $0x1C07, s31  }
0x9: {  	s4 =	sor.u32 s30, s3;
	s3 =	rddreg [dreg:$0x2];
	s9 =	sshrl.u32 s8, $0x3  }
0xa: {  	s10 =	sshrl.u32 s1, $0x1;
	s16 =	sadd.s32 s8, s2;
	s6 =	smul.u32 $0x4F0, s4  }
0xb: {  	s4 =	simm.s32 $0x0;
	s7 =	sadd.s32 s8, s7;
	s11 =	sadd.s32 s9, s5  }
0xc: {  	s1 =	ssub.s32 s1, s10;
	s17 =	sadd.s32 s8, s3;
	s16 =	sshrl.u32 s16, $0x3  }
.Ltmp0:
0xd: {  	[smem:$0x7FF] =	sst s4;
	s7 =	sshrl.u32 s7, $0x3;
	(pc) =	sbr.rel .LBB2_1-.Ltmp0, $4  }
0xe: {  	s8 =	sadd.s32 $0x3F000, s11;
	s10 =	sadd.s32 $0x66800, s11;
	s17 =	sshrl.u32 s17, $0x3  }
0xf: {  	_ =	strace $0x80000053;
	s6 =	sadd.s32 s6, s5;
	s12 =	sadd.s32 s7, s5  }
0x10: {  	s7 =	sadd.s32 $0x52C00, s11;
	s5 =	sadd.s32 $0x35200, s6;
	s6 =	sadd.s32 $0x2B400, s6  }
0x11: {  	s9 =	sadd.s32 $0x7A400, s12;
	s11 =	sadd.s32 $0x8E000, s12;
	s12 =	smax.u32 s1, $0x1  }
.LBB2_11:
0x12: {  	_ =	swait.ge [sflag:s24], $0x2000  }
0x13: {  	[sflag:s24] =	ssyncset.done $0x0  }
0x14: {  	[sflag:s24] =	ssyncadd.s32 $0xFFFFE000  }
0x15: {  	_ =	swait.ge [sflag:s26], $0x2000  }
0x16: {  	[sflag:s26] =	ssyncset.done $0x0  }
0x17: {  	[sflag:s26] =	ssyncadd.s32 $0xFFFFE000  }
0x18: {  	_ =	swait.ge [sflag:s28], $0x2000  }
0x19: {  	s29 =	sadd.s32 $0x1, s29;
	[sflag:s28] =	ssyncset.done $0x0  }
0x1a: {  	p0 =	sne.s32 s29, s12;
	[sflag:s28] =	ssyncadd.s32 $0xFFFFE000  }
.Ltmp1:
0x1b: {  	[bflag:$0x0] =	sbarrier.arrive $0xFFFF;
	(pc) =	sbr.rel @!p0 .LBB2_12-.Ltmp1, $4  }
0x1c: {  	[hbm:s11], [sflag:s15] =	dma.local [spmem:s17], $0x13C0  }
0x1d: {  	_ =	swait.ge [sflag:s13], $0x13C0  }
0x1e: {  	[sflag:s13] =	ssyncset.done $0x0  }
0x1f: {  	[sflag:s13] =	ssyncadd.s32 $0xFFFFEC40  }
.LBB2_1:
0x20: {  	[tilespmem:s4], [sflag:$0x7] =	stream.linear.gather [hbm4b:s5+s4], $0x2780, $0x38;
	[tilespmem:$0x1EB00] =	vst v63  }
0x21: {  	_ =	swait.ge [sflag:s13], $0x2780  }
0x22: {  	[sflag:s13] =	ssyncset.done $0x0  }
0x23: {  	s0 =	simm.s32 $0x2780;
	[sflag:s13] =	ssyncadd.s32 $0xFFFFD880  }
0x24: {  	[tilespmem:s0], [sflag:$0x7] =	stream.linear.gather [hbm4b:s6+s4], $0x2780, $0x38;
	[tilespmem:$0x1EB00] =	vst v63  }
0x25: {  	_ =	swait.ge [sflag:s13], $0x2780  }
0x26: {  	[sflag:s13] =	ssyncset.done $0x0  }
0x27: {  	[sflag:s13] =	ssyncadd.s32 $0xFFFFD880  }
0x28: {  	[spmem:s16], [sflag:s15] =	dma.local [hbm:s7], $0x13C0  }
0x29: {  	_ =	swait.ge [sflag:s13], $0x13C0  }
0x2a: {  	[sflag:s13] =	ssyncset.done $0x0  }
0x2b: {  	[sflag:s13] =	ssyncadd.s32 $0xFFFFEC40  }
0x2c: {  	[spmem:s17], [sflag:s15] =	dma.local [hbm:s8], $0x13C0  }
0x2d: {  	_ =	swait.ge [sflag:s13], $0x13C0  }
0x2e: {  	[sflag:s13] =	ssyncset.done $0x0  }
.Ltmp2:
0x2f: {  	[sflag:s13] =	ssyncadd.s32 $0xFFFFEC40;
	(pc) =	sbr.rel .LBB2_2-.Ltmp2, $4  }
0x30: {  	[bflag:$0x0] =	sbarrier.arrive $0xFFFF  }
0x31: {  	[tilespmem:s19], [sflag:$0x1] =	stream.indirect.gather [spmem:s2], $0x40, s4, s18, $0xb8;
	[tilespmem:$0x1EB00] =	vst v63  }
0x32: {  	s30 =	simm.s32 $0x0;
	s31 =	simm.s32 $0x0  }
0x33: {  	[tilespmem:s20], [sflag:$0x2] =	stream.indirect.gather [spmem:s2], $0x40, s18, s18, $0xb8;
	[tilespmem:$0x1EB00] =	vst v63  }
.LBB2_5:
0x34: {  	s0 =	sadd.s32 $0x100, s1  }
0x35: {  	[tilespmem:s22], [sflag:$0x3] =	stream.indirect.gather [spmem:s2], $0x40, s0, s18, $0xb8;
	[tilespmem:$0x1EB00] =	vst v63  }
0x36: {  	_ =	swait.ge [sflag:s23], $0x2000  }
0x37: {  	[sflag:s23] =	ssyncset.done $0x0  }
0x38: {  	s14 =	sadd.s32 $0x2800, s1;
	[sflag:s23] =	ssyncadd.s32 $0xFFFFE000  }
0x39: {  	[spmem:s3] =	stream.indirect.scatter.add.f32 [tilespmem:s20], [sflag:$0x5], $0x40, s14, s18, $0xb8;
	[tilespmem:$0x1EB00] =	vst v63  }
0x3a: {  	_ =	swait.ge [sflag:s24], $0x2000  }
0x3b: {  	[sflag:s24] =	ssyncset.done $0x0  }
0x3c: {  	s14 =	sadd.s32 $0x180, s1;
	[sflag:s24] =	ssyncadd.s32 $0xFFFFE000  }
0x3d: {  	[tilespmem:s19], [sflag:$0x1] =	stream.indirect.gather [spmem:s2], $0x40, s14, s18, $0xb8;
	[tilespmem:$0x1EB00] =	vst v63  }
0x3e: {  	_ =	swait.ge [sflag:s25], $0x2000  }
0x3f: {  	p0 =	sgt.u32 s31, $0x18;
	[sflag:s25] =	ssyncset.done $0x0  }
0x40: {  	s0 =	simm.s32 @!p0 $0x5;
	s14 =	sadd.s32 $0x2880, s1;
	[sflag:s25] =	ssyncadd.s32 $0xFFFFE000  }
0x41: {  	[spmem:s3] =	stream.indirect.scatter.add.f32 [tilespmem:s22], [sflag:$0x6], $0x40, s14, s18, $0xb8;
	[tilespmem:$0x1EB00] =	vst v63  }
0x42: {  	_ =	swait.ge @!p0 [sflag:s0], $0x2000  }
0x43: {  	[sflag:s0] =	ssyncset.done @!p0 $0x0  }
0x44: {  	s1 =	simm.s32 @!p0 $0x80;
	[sflag:s0] =	ssyncadd.s32 @!p0 $0xFFFFE000;
	s0 =	sshra.s32 @!p0 s30, $0x2  }
0x45: {  	s14 =	simm.s32 @!p0 $0x6F00;
	s30 =	sadd.s32 $0x600, s30;
	s0 =	sadd.s32 @!p0 $0x200, s0  }
0x46: {  	[tilespmem:s14], [sflag:$0x2] =	stream.indirect.gather @!p0 [spmem:s2], $0x40, s0, s1, $0xb8;
	[tilespmem:$0x1EB00] =	vst v63  }
0x47: {  	p0 =	sne.s32 s30, $0xA200  }
.Ltmp3:
0x48: {  	_ = 	snop;
	(pc) =	sbr.rel @!p0 .LBB2_6-.Ltmp3, $2  }
0x49: {  	_ =	sdelay $0x2  }
0x4a: {  	s31 =	sadd.s32 $0x1, s31  }
.LBB2_2:
0x4b: {  	p0 =	seq.s32 s31, $0x0  }
.Ltmp4:
0x4c: {  	_ = 	snop;
	(pc) =	sbr.rel @p0 .LBB2_5-.Ltmp4, $4  }
0x4d: {  	_ =	swait.ge [sflag:s21], $0x2000  }
0x4e: {  	s1 =	sshra.s32 s30, $0x2;
	[sflag:s21] =	ssyncset.done $0x0  }
0x4f: {  	s0 =	sadd.s32 $0x2780, s1;
	[sflag:s21] =	ssyncadd.s32 $0xFFFFE000  }
0x50: {  	[spmem:s3] =	stream.indirect.scatter.add.f32 [tilespmem:s19], [sflag:$0x4], $0x40, s0, s18, $0xb8;
	[tilespmem:$0x1EB00] =	vst v63  }
0x51: {  	p0 =	seq.s32 s31, $0x1A  }
.Ltmp5:
0x52: {  	_ = 	snop;
	(pc) =	sbr.rel @p0 .LBB2_6-.Ltmp5, $1  }
0x53: {  	_ =	sdelay $0x3  }
.Ltmp6:
0x54: {  	(pc) =	sbr.rel .LBB2_5-.Ltmp6, $4  }
0x55: {  	_ = 	snop  }
0x56: {  	_ =	swait.ge [sflag:s28], $0x2000  }
0x57: {  	[sflag:s28] =	ssyncset.done $0x0  }
0x58: {  	[sflag:s28] =	ssyncadd.s32 $0xFFFFE000  }
.LBB2_6:
0x59: {  	_ =	swait.ge [sflag:s24], $0x2000  }
0x5a: {  	[sflag:s24] =	ssyncset.done $0x0  }
0x5b: {  	[sflag:s24] =	ssyncadd.s32 $0xFFFFE000  }
0x5c: {  	_ =	swait.ge [sflag:s26], $0x2000  }
0x5d: {  	[sflag:s26] =	ssyncset.done $0x0  }
0x5e: {  	[sflag:s26] =	ssyncadd.s32 $0xFFFFE000  }
0x5f: {  	_ =	swait.ge [sflag:s28], $0x2000  }
0x60: {  	[sflag:s28] =	ssyncset.done $0x0  }
0x61: {  	[sflag:s28] =	ssyncadd.s32 $0xFFFFE000  }
0x62: {  	[bflag:$0x0] =	sbarrier.arrive $0xFFFF  }
0x63: {  	[hbm:s9], [sflag:s15] =	dma.local [spmem:s17], $0x13C0  }
0x64: {  	_ =	swait.ge [sflag:s13], $0x13C0  }
0x65: {  	[sflag:s13] =	ssyncset.done $0x0  }
0x66: {  	[sflag:s13] =	ssyncadd.s32 $0xFFFFEC40  }
0x67: {  	[spmem:s16], [sflag:s15] =	dma.local [hbm:s10], $0x13C0  }
0x68: {  	_ =	swait.ge [sflag:s13], $0x13C0  }
0x69: {  	[sflag:s13] =	ssyncset.done $0x0  }
0x6a: {  	[sflag:s13] =	ssyncadd.s32 $0xFFFFEC40  }
0x6b: {  	[spmem:s17], [sflag:s15] =	dma.local [hbm:s8], $0x13C0  }
0x6c: {  	_ =	swait.ge [sflag:s13], $0x13C0  }
0x6d: {  	[sflag:s13] =	ssyncset.done $0x0  }
.Ltmp7:
0x6e: {  	[sflag:s13] =	ssyncadd.s32 $0xFFFFEC40;
	(pc) =	sbr.rel .LBB2_7-.Ltmp7, $4  }
0x6f: {  	s30 =	simm.s32 $0x0;
	[bflag:$0x0] =	sbarrier.arrive $0xFFFF  }
0x70: {  	[tilespmem:s19], [sflag:$0x1] =	stream.indirect.gather [spmem:s2], $0x40, s30, s18, $0xb8;
	[tilespmem:$0x1EB00] =	vst v63  }
0x71: {  	s31 =	simm.s32 $0x0  }
0x72: {  	[tilespmem:s20], [sflag:$0x2] =	stream.indirect.gather [spmem:s2], $0x40, s18, s18, $0xb8;
	[tilespmem:$0x1EB00] =	vst v63  }
.LBB2_10:
0x73: {  	s0 =	sadd.s32 $0x100, s1  }
0x74: {  	[tilespmem:s22], [sflag:$0x3] =	stream.indirect.gather [spmem:s2], $0x40, s0, s18, $0xb8;
	[tilespmem:$0x1EB00] =	vst v63  }
0x75: {  	_ =	swait.ge [sflag:s23], $0x2000  }
0x76: {  	[sflag:s23] =	ssyncset.done $0x0  }
0x77: {  	s14 =	sadd.s32 $0x2800, s1;
	[sflag:s23] =	ssyncadd.s32 $0xFFFFE000  }
0x78: {  	[spmem:s3] =	stream.indirect.scatter.add.f32 [tilespmem:s20], [sflag:$0x5], $0x40, s14, s18, $0xb8;
	[tilespmem:$0x1EB00] =	vst v63  }
0x79: {  	_ =	swait.ge [sflag:s24], $0x2000  }
0x7a: {  	[sflag:s24] =	ssyncset.done $0x0  }
0x7b: {  	s14 =	sadd.s32 $0x180, s1;
	[sflag:s24] =	ssyncadd.s32 $0xFFFFE000  }
0x7c: {  	[tilespmem:s19], [sflag:$0x1] =	stream.indirect.gather [spmem:s2], $0x40, s14, s18, $0xb8;
	[tilespmem:$0x1EB00] =	vst v63  }
0x7d: {  	_ =	swait.ge [sflag:s25], $0x2000  }
0x7e: {  	p0 =	sgt.u32 s31, $0x18;
	[sflag:s25] =	ssyncset.done $0x0  }
0x7f: {  	s0 =	simm.s32 @!p0 $0x5;
	s14 =	sadd.s32 $0x2880, s1;
	[sflag:s25] =	ssyncadd.s32 $0xFFFFE000  }
0x80: {  	[spmem:s3] =	stream.indirect.scatter.add.f32 [tilespmem:s22], [sflag:$0x6], $0x40, s14, s18, $0xb8;
	[tilespmem:$0x1EB00] =	vst v63  }
0x81: {  	_ =	swait.ge @!p0 [sflag:s0], $0x2000  }
0x82: {  	[sflag:s0] =	ssyncset.done @!p0 $0x0  }
0x83: {  	s1 =	simm.s32 @!p0 $0x80;
	[sflag:s0] =	ssyncadd.s32 @!p0 $0xFFFFE000;
	s0 =	sshra.s32 @!p0 s30, $0x2  }
0x84: {  	s14 =	simm.s32 @!p0 $0x6F00;
	s30 =	sadd.s32 $0x600, s30;
	s0 =	sadd.s32 @!p0 $0x200, s0  }
0x85: {  	[tilespmem:s14], [sflag:$0x2] =	stream.indirect.gather @!p0 [spmem:s2], $0x40, s0, s1, $0xb8;
	[tilespmem:$0x1EB00] =	vst v63  }
0x86: {  	p0 =	sne.s32 s30, $0xA200  }
.Ltmp8:
0x87: {  	_ = 	snop;
	(pc) =	sbr.rel @!p0 .LBB2_11-.Ltmp8, $2  }
0x88: {  	_ =	sdelay $0x2  }
0x89: {  	s31 =	sadd.s32 $0x1, s31  }
.LBB2_7:
0x8a: {  	p0 =	seq.s32 s31, $0x0  }
.Ltmp9:
0x8b: {  	_ = 	snop;
	(pc) =	sbr.rel @p0 .LBB2_10-.Ltmp9, $4  }
0x8c: {  	_ =	swait.ge [sflag:s21], $0x2000  }
0x8d: {  	s1 =	sshra.s32 s30, $0x2;
	[sflag:s21] =	ssyncset.done $0x0  }
0x8e: {  	s0 =	sadd.s32 $0x2780, s1;
	[sflag:s21] =	ssyncadd.s32 $0xFFFFE000  }
0x8f: {  	[spmem:s3] =	stream.indirect.scatter.add.f32 [tilespmem:s19], [sflag:$0x4], $0x40, s0, s18, $0xb8;
	[tilespmem:$0x1EB00] =	vst v63  }
0x90: {  	p0 =	seq.s32 s31, $0x1A  }
.Ltmp10:
0x91: {  	_ = 	snop;
	(pc) =	sbr.rel @p0 .LBB2_11-.Ltmp10, $1  }
0x92: {  	_ =	sdelay $0x3  }
.Ltmp11:
0x93: {  	(pc) =	sbr.rel .LBB2_10-.Ltmp11, $4  }
0x94: {  	_ = 	snop  }
0x95: {  	_ =	swait.ge [sflag:s28], $0x2000  }
0x96: {  	[sflag:s28] =	ssyncset.done $0x0  }
0x97: {  	[sflag:s28] =	ssyncadd.s32 $0xFFFFE000  }
.LBB2_12:
0x98: {  	_ =	sfence.sel $0x180000  }
0x99: {  	[bflag:$0x0] =	sbarrier.arrive $0xFFFF  }
0x9a: {  	_ =	strace $0x90000053  }
0x9b: {  	s0 =	stileid.u32;
	[bflag:$0x2] =	sbarrier.arrive $0xFFFF  }
0x9c: {  	p0 =	sne.s32 s0, $0x0;
	s0 =	rddreg [dreg:$0x3]  }
0x9d: {  	s0 =	sadd.s32 @!p0 $0x100000, s0  }
0x9e: {  	[sflag:s0] =	ssyncadd.tile.s32 @!p0 $0x1;
	_ =	shalt  }
.Lfunc_end2:
_tile_overlayer_lowered:
.L_overlay_start_2:
0x9f: {  	(tag) =	ssettag $0x2  }
0xa0: {  	s0 =	rddreg [dreg:$0x0];
	s2 =	stileid.u32  }
0xa1: {  	s1 =	rddreg [dreg:$0x1];
	p0 =	sne.s32 s2, $0x0  }
0xa2: {  	s3 =	rddreg [dreg:$0x2];
	[bflag:$0x3] =	sbarrier.arrive $0xFFFF;
	s2 =	simm.s32 @!p0 $0x1C07  }
0xa3: {  	[timem:s3], [sflag:s2] =	dma.local @!p0 [hbm:s0], s1  }
0xa4: {  	s0 =	simm.s32 @!p0 $0x7  }
0xa5: {  	_ =	swait.ge @!p0 [sflag:s0], s1  }
0xa6: {  	s1 =	ssub.s32 @!p0 $0x0, s1;
	[sflag:s0] =	ssyncset.done @!p0 $0x0  }
0xa7: {  	[sflag:s0] =	ssyncadd.s32 @!p0 s1  }
0xa8: {  	[bflag:$0x3] =	sbarrier.arrive $0xFFFF  }
0xa9: {  	_ =	shalt  }

// kernel: kernel.32.cloned.1.call-start
scs
__scs_entry_jumppad:
0x0: {  	(pc) =	sbr.rel $0x88, $3  }
0x1: {  	(tag) =	ssettag $0x0;
	lr =	simm.s32 $0x1  }
0x2: {  	[smem:$0x3F8E] =	sst lr;
	_ =	strace $0xD0000000  }
0x3: {  	_ = 	snop  }
0x4: {  	_ = 	snop  }
0x5: {  	_ = 	snop  }
0x6: {  	_ = 	snop  }
0x7: {  	_ = 	snop  }
__scs_overlays_trampoline_lowered:
0x8: {  	[smem:$0x3F9D] =	sst s0  }
0x9: {  	[smem:$0x3F9E] =	sst s1  }
0xa: {  	[smem:$0x3F9F] =	sst s2  }
0xb: {  	[smem:$0x3FA0] =	sst s3  }
0xc: {  	[smem:$0x3FA1] =	sst s4  }
0xd: {  	[smem:$0x3FA2] =	sst s5  }
0xe: {  	[smem:$0x3FA3] =	sst s6  }
0xf: {  	[smem:$0x3FA4] =	sst s7  }
0x10: {  	[smem:$0x3FA5] =	sst s8  }
0x11: {  	[smem:$0x3FA6] =	sst s9;
	s0 =	simm.s32 @!p0 $0x0  }
0x12: {  	s1 =	sld [smem:$0x3F8C];
	s0 =	simm.s32 @p0 $0x1  }
0x13: {  	[smem:$0x3FA7] =	sst s0;
	s0 =	simm.s32 @!p1 $0x0  }
0x14: {  	s2 =	sld [smem:$0x3F8B];
	s0 =	simm.s32 @p1 $0x1  }
0x15: {  	[smem:$0x3FA8] =	sst s0;
	s0 =	simm.s32 @!p2 $0x0  }
0x16: {  	s3 =	sld [smem:$0x3FDB];
	s0 =	simm.s32 @p2 $0x1  }
0x17: {  	s4 =	simm.s32 $0x1BF5;
	[smem:$0x3FAA] =	sst s0  }
0x18: {  	s0 =	sld [smem:$0x3F8D];
	_ =	swait.ge [sflag:s4], $0x0  }
0x19: {  	s7 =	sld [smem:$0x3F8E]  }
0x1a: {  	s8 =	sadd.s32 $0xFFFFE003, lr  }
0x1b: {  	s9 =	sadd.s32 $0xFFFFFEF7, lr;
	s5 =	simm.s32 $0xFFFFFFFF;
	p2 =	slt.u32 s8, $0xFFFFF086  }
0x1c: {  	p1 =	slt.u32 s9, $0xF7A;
	s5 =	simm.s32 @!p2 $0x0  }
0x1d: {  	s5 =	simm.s32 @p1 $0x1;
	p0 =	seq.s32 s7, s2  }
0x1e: {  	s7 =	smul.u32 @!p0 $0xF7A, s2;
	p2 =	seq.s32 @!p0 s5, $0x0  }
0x1f: {  	s9 =	smul.u32 $0xF7A, s1;
	s8 =	simm.s32 @!p0 $0x1BF5;
	p2 =	por !p2, p0  }
0x20: {  	[sflag:s8] =	ssyncset.s32 @!p0 $0xFFFFF086;
	s6 =	sadd.s32 @!p0 s3, s7;
	s7 =	simm.s32 @!p0 $0x108  }
0x21: {  	s3 =	sadd.s32 s3, s9;
	s6 =	sadd.s32 @!p0 $0x88, s6;
	s7 =	simm.s32 @p2 $0x1082  }
0x22: {  	[simem:s7], [sflag:s8] =	dma.local @!p0 [hbm:s6], $0xF7A  }
0x23: {  	s9 =	sor.u32 $0xD0000000, s2;
	s6 =	simm.s32 $0x108;
	_ =	swait.ge @!p0 [sflag:s8], $0x0  }
0x24: {  	s3 =	sadd.s32 $0x88, s3;
	s6 =	simm.s32 @!p1 $0x1082;
	[sflag:s4] =	ssyncset.s32 $0xFFFFF086  }
0x25: {  	[simem:s6], [sflag:s4] =	dma.local [hbm:s3], $0xF7A  }
0x26: {  	[smem:$0x3F8E] =	sst s1;
	(tag) =	ssettag s2;
	_ =	strace s9  }
0x27: {  	s1 =	sld [smem:$0x3F9E]  }
0x28: {  	s2 =	sld [smem:$0x3F9F]  }
0x29: {  	s4 =	sld [smem:$0x3FA1]  }
0x2a: {  	p0 =	seq.s32 s5, $0x0;
	s5 =	sld [smem:$0x3FA2]  }
0x2b: {  	s6 =	sld [smem:$0x3FA3]  }
0x2c: {  	s7 =	sld [smem:$0x3FA4]  }
0x2d: {  	s3 =	simm.s32 $0x108;
	s8 =	sld [smem:$0x3FA5]  }
0x2e: {  	s3 =	simm.s32 @!p0 $0x1082;
	s9 =	sld [smem:$0x3FA6]  }
0x2f: {  	lr =	sadd.s32 s0, s3;
	s0 =	sld [smem:$0x3F9D]  }
0x30: {  	s3 =	sld [smem:$0x3FA0]  }
0x31: {  	[smem:$0x3FA9] =	sst s10  }
0x32: {  	s10 =	sld [smem:$0x3FA7];
	_ =	sdelay $0x3  }
0x33: {  	p0 =	seq.s32 s10, $0x1;
	s10 =	sld [smem:$0x3FA9];
	_ =	sdelay $0x3  }
0x34: {  	[smem:$0x3FA9] =	sst s10  }
0x35: {  	s10 =	sld [smem:$0x3FA8];
	_ =	sdelay $0x3  }
0x36: {  	p1 =	seq.s32 s10, $0x1;
	s10 =	sld [smem:$0x3FA9];
	_ =	sdelay $0x3  }
0x37: {  	[smem:$0x3FA9] =	sst s10  }
0x38: {  	s10 =	sld [smem:$0x3FAA]  }
0x39: {  	_ = 	snop;
	(pc) =	sbr.ind lr, $3  }
0x3a: {  	_ = 	snop  }
0x3b: {  	_ = 	snop  }
0x3c: {  	p2 =	seq.s32 s10, $0x1;
	s10 =	sld [smem:$0x3FA9]  }
0x3d: {  	_ =	shalt  }
0x3e: {  	_ =	shalt  }
0x3f: {  	_ =	shalt  }
0x40: {  	_ =	shalt  }
0x41: {  	_ =	shalt  }
0x42: {  	_ =	shalt  }
0x43: {  	_ =	shalt  }
0x44: {  	_ =	shalt  }
0x45: {  	_ =	shalt  }
0x46: {  	_ =	shalt  }
0x47: {  	_ =	shalt  }
0x48: {  	_ =	shalt  }
0x49: {  	_ =	shalt  }
0x4a: {  	_ =	shalt  }
0x4b: {  	_ =	shalt  }
0x4c: {  	_ =	shalt  }
0x4d: {  	_ =	shalt  }
0x4e: {  	_ =	shalt  }
0x4f: {  	_ =	shalt  }
0x50: {  	_ =	shalt  }
0x51: {  	_ =	shalt  }
0x52: {  	_ =	shalt  }
0x53: {  	_ =	shalt  }
0x54: {  	_ =	shalt  }
0x55: {  	_ =	shalt  }
0x56: {  	_ =	shalt  }
0x57: {  	_ =	shalt  }
0x58: {  	_ =	shalt  }
0x59: {  	_ =	shalt  }
0x5a: {  	_ =	shalt  }
0x5b: {  	_ =	shalt  }
0x5c: {  	_ =	shalt  }
0x5d: {  	_ =	shalt  }
0x5e: {  	_ =	shalt  }
0x5f: {  	_ =	shalt  }
0x60: {  	_ =	shalt  }
0x61: {  	_ =	shalt  }
0x62: {  	_ =	shalt  }
0x63: {  	_ =	shalt  }
0x64: {  	_ =	shalt  }
0x65: {  	_ =	shalt  }
0x66: {  	_ =	shalt  }
0x67: {  	_ =	shalt  }
0x68: {  	_ =	shalt  }
0x69: {  	_ =	shalt  }
0x6a: {  	_ =	shalt  }
0x6b: {  	_ =	shalt  }
0x6c: {  	_ =	shalt  }
0x6d: {  	_ =	shalt  }
0x6e: {  	_ =	shalt  }
0x6f: {  	_ =	shalt  }
0x70: {  	_ =	shalt  }
0x71: {  	_ =	shalt  }
0x72: {  	_ =	shalt  }
0x73: {  	_ =	shalt  }
0x74: {  	_ =	shalt  }
0x75: {  	_ =	shalt  }
0x76: {  	_ =	shalt  }
0x77: {  	_ =	shalt  }
0x78: {  	_ =	shalt  }
0x79: {  	_ =	shalt  }
0x7a: {  	_ =	shalt  }
0x7b: {  	_ =	shalt  }
0x7c: {  	_ =	shalt  }
0x7d: {  	_ =	shalt  }
0x7e: {  	_ =	shalt  }
0x7f: {  	_ =	shalt  }
0x80: {  	_ =	shalt  }
0x81: {  	_ =	shalt  }
0x82: {  	_ =	shalt  }
0x83: {  	_ =	shalt  }
0x84: {  	_ =	shalt  }
0x85: {  	_ =	shalt  }
0x86: {  	_ =	shalt  }
0x87: {  	_ =	shalt  }
.Lfunc_end0:
.L_simem_size_0:
called_computation.5_lowered:
.L_overlay_start_0:
0x88: {  	s2 =	sld [smem:$0x3FD9]  }
0x89: {  	s3 =	sld [smem:$0x3FFE];
	_ =	sdelay $0x1  }
0x8a: {  	s1 =	srdreg.scid  }
0x8b: {  	s0 =	sand.u32 $0x1, s1  }
0x8c: {  	s16 =	sshll.u32 s0, $0xA;
	s2 =	sadd.s32 s3, s2  }
0x8d: {  	s2 =	sadd.s32 s2, s16  }
0x8e: {  	[smem:$0x3FB5] =	sst s2  }
0x8f: {  	_ = 	snop  }
0x90: {  	(tm) =	ssettm $0x1  }
0x91: {  	s17 =	sld [smem:$0x3FFB];
	_ =	sdelay $0x3  }
0x92: {  	_ =	strace s17  }
0x93: {  	s2 =	sld [smem:$0x3FFC];
	_ =	sdelay $0x3  }
0x94: {  	_ =	strace s2  }
0x95: {  	s2 =	sld [smem:$0x3FFD];
	_ =	sdelay $0x3  }
0x96: {  	_ =	strace s2  }
0x97: {  	_ =	strace $0x8FFFFFFF  }
0x98: {  	s18 =	sld [smem:$0x3FDB];
	_ =	sdelay $0x1  }
0x99: {  	s19 =	simm.s32 $_scs_section_size  }
0x9a: {  	s4 =	simm.s32 $_size__tile_overlayer_lowered;
	s5 =	simm.s32 $_tile_overlayer_lowered  }
0x9b: {  	s22 =	simm.s32 $0x1BFF;
	s21 =	sshll.u32 s5, $0x1;
	s2 =	sadd.s32 s19, s18  }
0x9c: {  	s6 =	simm.s32 $0x0;
	s20 =	sshll.u32 s4, $0x1;
	s4 =	sadd.s32 s21, s2  }
0x9d: {  	[timem:s6], [sflag:s22] =	dma.local [hbm:s4], s20  }
0x9e: {  	_ =	swait.ge [sflag:s22], s20  }
0x9f: {  	s3 =	ssub.s32 $0x0, s20;
	[sflag:s22] =	ssyncset.done $0x0  }
0xa0: {  	[sflag:s22] =	ssyncadd.s32 s3;
	_ =	sdelay $0x1  }
0xa1: {  	s23 =	simm.s32 $0x1B8B  }
0xa2: {  	_ =	swait.ge [sflag:s23], $0x1  }
0xa3: {  	[sflag:s23] =	ssyncset.done $0x0  }
0xa4: {  	s25 =	simm.s32 $0x1B8E;
	s24 =	sld [smem:$0x3FFE];
	[sflag:s23] =	ssyncadd.s32 $0xFFFFFFFF  }
0xa5: {  	s26 =	simm.s32 $execute0_lowered;
	[smem:$0x3FD2] =	sst s25  }
0xa6: {  	s4 =	sshll.u32 s26, $0x1;
	_ =	strace $0x80000055;
	[dreg:$0x1] =	wrdreg $0xFFFFFFFF  }
0xa7: {  	s28 =	simm.s32 $_size_execute0_lowered;
	s2 =	sadd.s32 s2, s4;
	[dreg:$0x0] =	wrdreg $0x0  }
0xa8: {  	s4 =	sshll.u32 s28, $0x1;
	[dreg:$0x2] =	wrdreg s2  }
0xa9: {  	[dreg:$0x3] =	wrdreg s4  }
0xaa: {  	[dreg:$0x4] =	wrdreg $0xC0  }
0xab: {  	_ =	task [dreg:s6], $0x5FFFF  }
0xac: {  	[dreg:$0x1] =	wrdreg $0xFFFFFFFF  }
0xad: {  	[dreg:$0x0] =	wrdreg $0x60  }
0xae: {  	[dreg:$0x2] =	wrdreg s24  }
0xaf: {  	[dreg:$0x3] =	wrdreg $0xAF000  }
0xb0: {  	[dreg:$0x4] =	wrdreg $0x14D000  }
0xb1: {  	[dreg:$0x5] =	wrdreg $0x9  }
0xb2: {  	_ =	task.clear_ibuf [dreg:s6], $0x6FFFF;
	_ =	strace $0x90000055  }
0xb3: {  	s29 =	simm.s32 $0x9;
	_ =	strace $0x80000057  }
0xb4: {  	_ =	swait.ge [sflag:s29], $0x1  }
0xb5: {  	[sflag:s29] =	ssyncadd.s32 $0xFFFFFFFF  }
0xb6: {  	_ =	strace $0x90000057  }
0xb7: {  	_ =	sfence  }
0xb8: {  	s30 =	sld [smem:$0x0];
	_ =	sdelay $0x2  }
0xb9: {  	s31 =	sshll.u32 s1, $0xD;
	s1 =	sshrl.u32 s1, $0x2  }
0xba: {  	s3 =	sand.u32 $0x4000, s31;
	s1 =	sadd.s32 s1, s30  }
0xbb: {  	s0 =	sor.u32 s3, s0;
	s1 =	sshll.u32 s1, $0x11  }
0xbc: {  	s0 =	sor.u32 s1, s0  }
0xbd: {  	s0 =	sadd.s32 $0x8F2B, s0  }
0xbe: {  	[sflag:s0] =	ssyncadd.remote.s32 $0x1  }
0xbf: {  	_ =	sfence.sel $0xFFFF  }
0xc0: {  	[dreg:$0x0] =	wrdreg $0xFFFFFFFF;
	(pc) =	sbr.abs _section_cstart, $3  }
0xc1: {  	[dreg:$0x1] =	wrdreg $0xFFFFFFFF  }
0xc2: {  	_ =	task.clear_ibuf [dreg:s6], $0x2FFFF;
	_ =	strace $0x9FFFFFFF  }
0xc3: {  	(tm) =	ssettm $0x7FFFFFFF  }
tec
execute0_lowered:
.L_overlay_start_1:
0x0: {  	(tag) =	ssettag $0x1  }
0x1: {  	s6 =	rddreg [dreg:$0x0]  }
0x2: {  	s2 =	rddreg [dreg:$0x1]  }
0x3: {  	s0 =	srdreg.scid;
	s3 =	rddreg [dreg:$0x2]  }
0x4: {  	s4 =	simm.s32 $0x0;
	s12 =	simm.s32 $0x2780;
	s16 =	simm.s32 $0x80  }
0x5: {  	s17 =	simm.s32 $0x4F00;
	s18 =	simm.s32 $0x6F00;
	s19 =	simm.s32 $0x1  }
0x6: {  	s20 =	simm.s32 $0x8F00;
	s21 =	simm.s32 $0x2;
	s22 =	simm.s32 $0x4  }
0x7: {  	s23 =	simm.s32 $0x3;
	s24 =	simm.s32 $0x5;
	s25 =	simm.s32 $0x6  }
0x8: {  	s26 =	simm.s32 $0x0;
	s5 =	sand.u32 $0x1, s0;
	s0 =	stileid.u32  }
0x9: {  	[smem:$0x7FF] =	sst s4;
	s1 =	sshll.u32 s5, $0x4;
	s8 =	smul.u32 $0x9E00, s0  }
0xa: {  	s9 =	smul.u32 $0x9E000, s5;
	_ =	strace $0x80000056;
	s5 =	ssub.s32 $0x2, s5  }
0xb: {  	s13 =	sshll.u32 s0, $0x6;
	s1 =	sor.u32 s0, s1;
	s11 =	sshrl.u32 s5, $0x1  }
0xc: {  	s13 =	sor.u32 $0x1C07, s13;
	s7 =	smul.u32 $0x4F0, s1;
	s10 =	sshrl.u32 s8, $0x3  }
0xd: {  	s9 =	sadd.s32 s8, s9;
	s11 =	ssub.s32 s5, s11;
	s14 =	sadd.s32 s8, s2  }
.Ltmp0:
0xe: {  	s15 =	sadd.s32 s8, s3;
	s10 =	sadd.s32 s10, s6;
	(pc) =	sbr.rel .LBB2_1-.Ltmp0, $4  }
0xf: {  	s9 =	sshrl.u32 s9, $0x3;
	s14 =	sshrl.u32 s14, $0x3;
	s15 =	sshrl.u32 s15, $0x3  }
0x10: {  	s7 =	sadd.s32 s7, s6;
	s9 =	sadd.s32 s9, s6;
	s8 =	sadd.s32 $0x3F000, s10  }
0x11: {  	s5 =	sadd.s32 $0x17800, s7;
	s6 =	sadd.s32 $0x21600, s7;
	s7 =	sadd.s32 $0x3C00, s10  }
0x12: {  	s9 =	sadd.s32 $0x52C00, s9;
	s10 =	smax.u32 s11, $0x1;
	s11 =	simm.s32 $0x7  }
.LBB2_6:
0x13: {  	_ =	swait.ge [sflag:s22], $0x2000  }
0x14: {  	[sflag:s22] =	ssyncset.done $0x0  }
0x15: {  	[sflag:s22] =	ssyncadd.s32 $0xFFFFE000  }
0x16: {  	_ =	swait.ge [sflag:s24], $0x2000  }
0x17: {  	[sflag:s24] =	ssyncset.done $0x0  }
0x18: {  	[sflag:s24] =	ssyncadd.s32 $0xFFFFE000  }
0x19: {  	_ =	swait.ge [sflag:s25], $0x2000  }
0x1a: {  	s26 =	sadd.s32 $0x1, s26;
	[sflag:s25] =	ssyncset.done $0x0  }
0x1b: {  	p0 =	sne.s32 s26, s10;
	[sflag:s25] =	ssyncadd.s32 $0xFFFFE000  }
.Ltmp1:
0x1c: {  	[bflag:$0x0] =	sbarrier.arrive $0xFFFF;
	(pc) =	sbr.rel @!p0 .LBB2_7-.Ltmp1, $4  }
0x1d: {  	[hbm:s9], [sflag:s13] =	dma.local [spmem:s15], $0x13C0  }
0x1e: {  	_ =	swait.ge [sflag:s11], $0x13C0  }
0x1f: {  	[sflag:s11] =	ssyncset.done $0x0  }
0x20: {  	[sflag:s11] =	ssyncadd.s32 $0xFFFFEC40  }
.LBB2_1:
0x21: {  	[tilespmem:s4], [sflag:$0x7] =	stream.linear.gather [hbm4b:s5+s4], $0x2780, $0x38;
	[tilespmem:$0x1EB00] =	vst v63  }
0x22: {  	_ =	swait.ge [sflag:s11], $0x2780  }
0x23: {  	[sflag:s11] =	ssyncset.done $0x0  }
0x24: {  	[sflag:s11] =	ssyncadd.s32 $0xFFFFD880  }
0x25: {  	[tilespmem:s12], [sflag:$0x7] =	stream.linear.gather [hbm4b:s6+s4], $0x2780, $0x38;
	[tilespmem:$0x1EB00] =	vst v63  }
0x26: {  	_ =	swait.ge [sflag:s11], $0x2780  }
0x27: {  	[sflag:s11] =	ssyncset.done $0x0  }
0x28: {  	[sflag:s11] =	ssyncadd.s32 $0xFFFFD880  }
0x29: {  	[spmem:s14], [sflag:s13] =	dma.local [hbm:s7], $0x13C0  }
0x2a: {  	_ =	swait.ge [sflag:s11], $0x13C0  }
0x2b: {  	[sflag:s11] =	ssyncset.done $0x0  }
0x2c: {  	[sflag:s11] =	ssyncadd.s32 $0xFFFFEC40  }
0x2d: {  	[spmem:s15], [sflag:s13] =	dma.local [hbm:s8], $0x13C0  }
0x2e: {  	_ =	swait.ge [sflag:s11], $0x13C0  }
0x2f: {  	[sflag:s11] =	ssyncset.done $0x0  }
.Ltmp2:
0x30: {  	[sflag:s11] =	ssyncadd.s32 $0xFFFFEC40;
	(pc) =	sbr.rel .LBB2_2-.Ltmp2, $4  }
0x31: {  	[bflag:$0x0] =	sbarrier.arrive $0xFFFF  }
0x32: {  	[tilespmem:s17], [sflag:$0x1] =	stream.indirect.gather [spmem:s2], $0x40, s4, s16, $0xb8;
	[tilespmem:$0x1EB00] =	vst v63  }
0x33: {  	s28 =	simm.s32 $0x0;
	s29 =	simm.s32 $0x0  }
0x34: {  	[tilespmem:s18], [sflag:$0x2] =	stream.indirect.gather [spmem:s2], $0x40, s16, s16, $0xb8;
	[tilespmem:$0x1EB00] =	vst v63  }
.LBB2_5:
0x35: {  	s31 =	sadd.s32 $0x100, s30  }
0x36: {  	[tilespmem:s20], [sflag:$0x3] =	stream.indirect.gather [spmem:s2], $0x40, s31, s16, $0xb8;
	[tilespmem:$0x1EB00] =	vst v63  }
0x37: {  	_ =	swait.ge [sflag:s21], $0x2000  }
0x38: {  	[sflag:s21] =	ssyncset.done $0x0  }
0x39: {  	s1 =	sadd.s32 $0x2800, s30;
	[sflag:s21] =	ssyncadd.s32 $0xFFFFE000  }
0x3a: {  	[spmem:s3] =	stream.indirect.scatter.add.f32 [tilespmem:s18], [sflag:$0x5], $0x40, s1, s16, $0xb8;
	[tilespmem:$0x1EB00] =	vst v63  }
0x3b: {  	_ =	swait.ge [sflag:s22], $0x2000  }
0x3c: {  	[sflag:s22] =	ssyncset.done $0x0  }
0x3d: {  	s1 =	sadd.s32 $0x180, s30;
	[sflag:s22] =	ssyncadd.s32 $0xFFFFE000  }
0x3e: {  	[tilespmem:s17], [sflag:$0x1] =	stream.indirect.gather [spmem:s2], $0x40, s1, s16, $0xb8;
	[tilespmem:$0x1EB00] =	vst v63  }
0x3f: {  	_ =	swait.ge [sflag:s23], $0x2000  }
0x40: {  	p0 =	sgt.u32 s29, $0x18;
	[sflag:s23] =	ssyncset.done $0x0  }
0x41: {  	s31 =	sadd.s32 $0x2880, s30;
	s30 =	simm.s32 @!p0 $0x5;
	[sflag:s23] =	ssyncadd.s32 $0xFFFFE000  }
0x42: {  	[spmem:s3] =	stream.indirect.scatter.add.f32 [tilespmem:s20], [sflag:$0x6], $0x40, s31, s16, $0xb8;
	[tilespmem:$0x1EB00] =	vst v63  }
0x43: {  	_ =	swait.ge @!p0 [sflag:s30], $0x2000  }
0x44: {  	[sflag:s30] =	ssyncset.done @!p0 $0x0  }
0x45: {  	s1 =	simm.s32 @!p0 $0x6F00;
	[sflag:s30] =	ssyncadd.s32 @!p0 $0xFFFFE000;
	s30 =	sshra.s32 @!p0 s28, $0x2  }
0x46: {  	s31 =	simm.s32 @!p0 $0x80;
	s28 =	sadd.s32 $0x600, s28;
	s30 =	sadd.s32 @!p0 $0x200, s30  }
0x47: {  	[tilespmem:s1], [sflag:$0x2] =	stream.indirect.gather @!p0 [spmem:s2], $0x40, s30, s31, $0xb8;
	[tilespmem:$0x1EB00] =	vst v63  }
0x48: {  	p0 =	sne.s32 s28, $0xA200  }
.Ltmp3:
0x49: {  	_ = 	snop;
	(pc) =	sbr.rel @!p0 .LBB2_6-.Ltmp3, $2  }
0x4a: {  	_ =	sdelay $0x2  }
0x4b: {  	s29 =	sadd.s32 $0x1, s29  }
.LBB2_2:
0x4c: {  	p0 =	seq.s32 s29, $0x0  }
.Ltmp4:
0x4d: {  	_ = 	snop;
	(pc) =	sbr.rel @p0 .LBB2_5-.Ltmp4, $4  }
0x4e: {  	_ =	swait.ge [sflag:s19], $0x2000  }
0x4f: {  	s30 =	sshra.s32 s28, $0x2;
	[sflag:s19] =	ssyncset.done $0x0  }
0x50: {  	s31 =	sadd.s32 $0x2780, s30;
	[sflag:s19] =	ssyncadd.s32 $0xFFFFE000  }
0x51: {  	[spmem:s3] =	stream.indirect.scatter.add.f32 [tilespmem:s17], [sflag:$0x4], $0x40, s31, s16, $0xb8;
	[tilespmem:$0x1EB00] =	vst v63  }
0x52: {  	p0 =	seq.s32 s29, $0x1A  }
.Ltmp5:
0x53: {  	_ = 	snop;
	(pc) =	sbr.rel @p0 .LBB2_6-.Ltmp5, $1  }
0x54: {  	_ =	sdelay $0x3  }
.Ltmp6:
0x55: {  	(pc) =	sbr.rel .LBB2_5-.Ltmp6, $4  }
0x56: {  	_ = 	snop  }
0x57: {  	_ =	swait.ge [sflag:s25], $0x2000  }
0x58: {  	[sflag:s25] =	ssyncset.done $0x0  }
0x59: {  	[sflag:s25] =	ssyncadd.s32 $0xFFFFE000  }
.LBB2_7:
0x5a: {  	_ =	sfence.sel $0x180000  }
0x5b: {  	[bflag:$0x0] =	sbarrier.arrive $0xFFFF  }
0x5c: {  	_ =	strace $0x90000056  }
0x5d: {  	[bflag:$0x2] =	sbarrier.arrive $0xFFFF  }
0x5e: {  	p0 =	sne.s32 s0, $0x0;
	s0 =	rddreg [dreg:$0x3]  }
0x5f: {  	s0 =	sadd.s32 @!p0 $0x100000, s0  }
0x60: {  	[sflag:s0] =	ssyncadd.tile.s32 @!p0 $0x1;
	_ =	shalt  }
.Lfunc_end2:
_tile_overlayer_lowered:
.L_overlay_start_2:
0x61: {  	(tag) =	ssettag $0x2  }
0x62: {  	s0 =	rddreg [dreg:$0x0];
	s2 =	stileid.u32  }
0x63: {  	s1 =	rddreg [dreg:$0x1];
	p0 =	sne.s32 s2, $0x0  }
0x64: {  	s3 =	rddreg [dreg:$0x2];
	[bflag:$0x3] =	sbarrier.arrive $0xFFFF;
	s2 =	simm.s32 @!p0 $0x1C07  }
0x65: {  	[timem:s3], [sflag:s2] =	dma.local @!p0 [hbm:s0], s1  }
0x66: {  	s0 =	simm.s32 @!p0 $0x7  }
0x67: {  	_ =	swait.ge @!p0 [sflag:s0], s1  }
0x68: {  	s1 =	ssub.s32 @!p0 $0x0, s1;
	[sflag:s0] =	ssyncset.done @!p0 $0x0  }
0x69: {  	[sflag:s0] =	ssyncadd.s32 @!p0 s1  }
0x6a: {  	[bflag:$0x3] =	sbarrier.arrive $0xFFFF  }
0x6b: {  	_ =	shalt  }

// kernel: kernel.35.cloned.1.call-start
scs
__scs_entry_jumppad:
0x0: {  	(pc) =	sbr.rel $0x88, $3  }
0x1: {  	(tag) =	ssettag $0x0;
	lr =	simm.s32 $0x1  }
0x2: {  	[smem:$0x3F8E] =	sst lr;
	_ =	strace $0xD0000000  }
0x3: {  	_ = 	snop  }
0x4: {  	_ = 	snop  }
0x5: {  	_ = 	snop  }
0x6: {  	_ = 	snop  }
0x7: {  	_ = 	snop  }
__scs_overlays_trampoline_lowered:
0x8: {  	[smem:$0x3F9D] =	sst s0  }
0x9: {  	[smem:$0x3F9E] =	sst s1  }
0xa: {  	[smem:$0x3F9F] =	sst s2  }
0xb: {  	[smem:$0x3FA0] =	sst s3  }
0xc: {  	[smem:$0x3FA1] =	sst s4  }
0xd: {  	[smem:$0x3FA2] =	sst s5  }
0xe: {  	[smem:$0x3FA3] =	sst s6  }
0xf: {  	[smem:$0x3FA4] =	sst s7  }
0x10: {  	[smem:$0x3FA5] =	sst s8  }
0x11: {  	[smem:$0x3FA6] =	sst s9;
	s0 =	simm.s32 @!p0 $0x0  }
0x12: {  	s1 =	sld [smem:$0x3F8C];
	s0 =	simm.s32 @p0 $0x1  }
0x13: {  	[smem:$0x3FA7] =	sst s0;
	s0 =	simm.s32 @!p1 $0x0  }
0x14: {  	s2 =	sld [smem:$0x3F8B];
	s0 =	simm.s32 @p1 $0x1  }
0x15: {  	[smem:$0x3FA8] =	sst s0;
	s0 =	simm.s32 @!p2 $0x0  }
0x16: {  	s3 =	sld [smem:$0x3FDB];
	s0 =	simm.s32 @p2 $0x1  }
0x17: {  	s4 =	simm.s32 $0x1BF5;
	[smem:$0x3FAA] =	sst s0  }
0x18: {  	s0 =	sld [smem:$0x3F8D];
	_ =	swait.ge [sflag:s4], $0x0  }
0x19: {  	s7 =	sld [smem:$0x3F8E]  }
0x1a: {  	s8 =	sadd.s32 $0xFFFFE003, lr  }
0x1b: {  	s9 =	sadd.s32 $0xFFFFFEF7, lr;
	s5 =	simm.s32 $0xFFFFFFFF;
	p2 =	slt.u32 s8, $0xFFFFF086  }
0x1c: {  	p1 =	slt.u32 s9, $0xF7A;
	s5 =	simm.s32 @!p2 $0x0  }
0x1d: {  	s5 =	simm.s32 @p1 $0x1;
	p0 =	seq.s32 s7, s2  }
0x1e: {  	s7 =	smul.u32 @!p0 $0xF7A, s2;
	p2 =	seq.s32 @!p0 s5, $0x0  }
0x1f: {  	s9 =	smul.u32 $0xF7A, s1;
	s8 =	simm.s32 @!p0 $0x1BF5;
	p2 =	por !p2, p0  }
0x20: {  	[sflag:s8] =	ssyncset.s32 @!p0 $0xFFFFF086;
	s6 =	sadd.s32 @!p0 s3, s7;
	s7 =	simm.s32 @!p0 $0x108  }
0x21: {  	s3 =	sadd.s32 s3, s9;
	s6 =	sadd.s32 @!p0 $0x88, s6;
	s7 =	simm.s32 @p2 $0x1082  }
0x22: {  	[simem:s7], [sflag:s8] =	dma.local @!p0 [hbm:s6], $0xF7A  }
0x23: {  	s9 =	sor.u32 $0xD0000000, s2;
	s6 =	simm.s32 $0x108;
	_ =	swait.ge @!p0 [sflag:s8], $0x0  }
0x24: {  	s3 =	sadd.s32 $0x88, s3;
	s6 =	simm.s32 @!p1 $0x1082;
	[sflag:s4] =	ssyncset.s32 $0xFFFFF086  }
0x25: {  	[simem:s6], [sflag:s4] =	dma.local [hbm:s3], $0xF7A  }
0x26: {  	[smem:$0x3F8E] =	sst s1;
	(tag) =	ssettag s2;
	_ =	strace s9  }
0x27: {  	s1 =	sld [smem:$0x3F9E]  }
0x28: {  	s2 =	sld [smem:$0x3F9F]  }
0x29: {  	s4 =	sld [smem:$0x3FA1]  }
0x2a: {  	p0 =	seq.s32 s5, $0x0;
	s5 =	sld [smem:$0x3FA2]  }
0x2b: {  	s6 =	sld [smem:$0x3FA3]  }
0x2c: {  	s7 =	sld [smem:$0x3FA4]  }
0x2d: {  	s3 =	simm.s32 $0x108;
	s8 =	sld [smem:$0x3FA5]  }
0x2e: {  	s3 =	simm.s32 @!p0 $0x1082;
	s9 =	sld [smem:$0x3FA6]  }
0x2f: {  	lr =	sadd.s32 s0, s3;
	s0 =	sld [smem:$0x3F9D]  }
0x30: {  	s3 =	sld [smem:$0x3FA0]  }
0x31: {  	[smem:$0x3FA9] =	sst s10  }
0x32: {  	s10 =	sld [smem:$0x3FA7];
	_ =	sdelay $0x3  }
0x33: {  	p0 =	seq.s32 s10, $0x1;
	s10 =	sld [smem:$0x3FA9];
	_ =	sdelay $0x3  }
0x34: {  	[smem:$0x3FA9] =	sst s10  }
0x35: {  	s10 =	sld [smem:$0x3FA8];
	_ =	sdelay $0x3  }
0x36: {  	p1 =	seq.s32 s10, $0x1;
	s10 =	sld [smem:$0x3FA9];
	_ =	sdelay $0x3  }
0x37: {  	[smem:$0x3FA9] =	sst s10  }
0x38: {  	s10 =	sld [smem:$0x3FAA]  }
0x39: {  	_ = 	snop;
	(pc) =	sbr.ind lr, $3  }
0x3a: {  	_ = 	snop  }
0x3b: {  	_ = 	snop  }
0x3c: {  	p2 =	seq.s32 s10, $0x1;
	s10 =	sld [smem:$0x3FA9]  }
0x3d: {  	_ =	shalt  }
0x3e: {  	_ =	shalt  }
0x3f: {  	_ =	shalt  }
0x40: {  	_ =	shalt  }
0x41: {  	_ =	shalt  }
0x42: {  	_ =	shalt  }
0x43: {  	_ =	shalt  }
0x44: {  	_ =	shalt  }
0x45: {  	_ =	shalt  }
0x46: {  	_ =	shalt  }
0x47: {  	_ =	shalt  }
0x48: {  	_ =	shalt  }
0x49: {  	_ =	shalt  }
0x4a: {  	_ =	shalt  }
0x4b: {  	_ =	shalt  }
0x4c: {  	_ =	shalt  }
0x4d: {  	_ =	shalt  }
0x4e: {  	_ =	shalt  }
0x4f: {  	_ =	shalt  }
0x50: {  	_ =	shalt  }
0x51: {  	_ =	shalt  }
0x52: {  	_ =	shalt  }
0x53: {  	_ =	shalt  }
0x54: {  	_ =	shalt  }
0x55: {  	_ =	shalt  }
0x56: {  	_ =	shalt  }
0x57: {  	_ =	shalt  }
0x58: {  	_ =	shalt  }
0x59: {  	_ =	shalt  }
0x5a: {  	_ =	shalt  }
0x5b: {  	_ =	shalt  }
0x5c: {  	_ =	shalt  }
0x5d: {  	_ =	shalt  }
0x5e: {  	_ =	shalt  }
0x5f: {  	_ =	shalt  }
0x60: {  	_ =	shalt  }
0x61: {  	_ =	shalt  }
0x62: {  	_ =	shalt  }
0x63: {  	_ =	shalt  }
0x64: {  	_ =	shalt  }
0x65: {  	_ =	shalt  }
0x66: {  	_ =	shalt  }
0x67: {  	_ =	shalt  }
0x68: {  	_ =	shalt  }
0x69: {  	_ =	shalt  }
0x6a: {  	_ =	shalt  }
0x6b: {  	_ =	shalt  }
0x6c: {  	_ =	shalt  }
0x6d: {  	_ =	shalt  }
0x6e: {  	_ =	shalt  }
0x6f: {  	_ =	shalt  }
0x70: {  	_ =	shalt  }
0x71: {  	_ =	shalt  }
0x72: {  	_ =	shalt  }
0x73: {  	_ =	shalt  }
0x74: {  	_ =	shalt  }
0x75: {  	_ =	shalt  }
0x76: {  	_ =	shalt  }
0x77: {  	_ =	shalt  }
0x78: {  	_ =	shalt  }
0x79: {  	_ =	shalt  }
0x7a: {  	_ =	shalt  }
0x7b: {  	_ =	shalt  }
0x7c: {  	_ =	shalt  }
0x7d: {  	_ =	shalt  }
0x7e: {  	_ =	shalt  }
0x7f: {  	_ =	shalt  }
0x80: {  	_ =	shalt  }
0x81: {  	_ =	shalt  }
0x82: {  	_ =	shalt  }
0x83: {  	_ =	shalt  }
0x84: {  	_ =	shalt  }
0x85: {  	_ =	shalt  }
0x86: {  	_ =	shalt  }
0x87: {  	_ =	shalt  }
.Lfunc_end0:
.L_simem_size_0:
called_computation.6_lowered:
.L_overlay_start_0:
0x88: {  	s2 =	sld [smem:$0x3FD9]  }
0x89: {  	s3 =	sld [smem:$0x3FFE];
	_ =	sdelay $0x1  }
0x8a: {  	s1 =	srdreg.scid  }
0x8b: {  	s0 =	sand.u32 $0x1, s1  }
0x8c: {  	s16 =	sshll.u32 s0, $0xA;
	s2 =	sadd.s32 s3, s2  }
0x8d: {  	s2 =	sadd.s32 s2, s16  }
0x8e: {  	[smem:$0x3FB5] =	sst s2  }
0x8f: {  	_ = 	snop  }
0x90: {  	(tm) =	ssettm $0x1  }
0x91: {  	s17 =	sld [smem:$0x3FFB];
	_ =	sdelay $0x3  }
0x92: {  	_ =	strace s17  }
0x93: {  	s2 =	sld [smem:$0x3FFC];
	_ =	sdelay $0x3  }
0x94: {  	_ =	strace s2  }
0x95: {  	s2 =	sld [smem:$0x3FFD];
	_ =	sdelay $0x3  }
0x96: {  	_ =	strace s2  }
0x97: {  	_ =	strace $0x8FFFFFFF  }
0x98: {  	s18 =	sld [smem:$0x3FDB];
	_ =	sdelay $0x1  }
0x99: {  	s19 =	simm.s32 $_scs_section_size  }
0x9a: {  	s4 =	simm.s32 $_size__tile_overlayer_lowered;
	s5 =	simm.s32 $_tile_overlayer_lowered  }
0x9b: {  	s22 =	simm.s32 $0x1BFF;
	s21 =	sshll.u32 s5, $0x1;
	s2 =	sadd.s32 s19, s18  }
0x9c: {  	s6 =	simm.s32 $0x0;
	s20 =	sshll.u32 s4, $0x1;
	s4 =	sadd.s32 s21, s2  }
0x9d: {  	[timem:s6], [sflag:s22] =	dma.local [hbm:s4], s20  }
0x9e: {  	_ =	swait.ge [sflag:s22], s20  }
0x9f: {  	s3 =	ssub.s32 $0x0, s20;
	[sflag:s22] =	ssyncset.done $0x0  }
0xa0: {  	[sflag:s22] =	ssyncadd.s32 s3;
	_ =	sdelay $0x1  }
0xa1: {  	s23 =	simm.s32 $0x1B8B  }
0xa2: {  	_ =	swait.ge [sflag:s23], $0x1  }
0xa3: {  	[sflag:s23] =	ssyncset.done $0x0  }
0xa4: {  	s25 =	simm.s32 $0x1B8E;
	s24 =	sld [smem:$0x3FFE];
	[sflag:s23] =	ssyncadd.s32 $0xFFFFFFFF  }
0xa5: {  	s26 =	simm.s32 $execute0_lowered;
	[smem:$0x3FD2] =	sst s25  }
0xa6: {  	s4 =	sshll.u32 s26, $0x1;
	_ =	strace $0x80000058;
	[dreg:$0x1] =	wrdreg $0xFFFFFFFF  }
0xa7: {  	s28 =	simm.s32 $_size_execute0_lowered;
	s2 =	sadd.s32 s2, s4;
	[dreg:$0x0] =	wrdreg $0x0  }
0xa8: {  	s4 =	sshll.u32 s28, $0x1;
	[dreg:$0x2] =	wrdreg s2  }
0xa9: {  	[dreg:$0x3] =	wrdreg s4  }
0xaa: {  	[dreg:$0x4] =	wrdreg $0xC0  }
0xab: {  	_ =	task [dreg:s6], $0x5FFFF  }
0xac: {  	[dreg:$0x1] =	wrdreg $0xFFFFFFFF  }
0xad: {  	[dreg:$0x0] =	wrdreg $0x60  }
0xae: {  	[dreg:$0x2] =	wrdreg s24  }
0xaf: {  	[dreg:$0x3] =	wrdreg $0xAF000  }
0xb0: {  	[dreg:$0x4] =	wrdreg $0x14D000  }
0xb1: {  	[dreg:$0x5] =	wrdreg $0x9  }
0xb2: {  	_ =	task.clear_ibuf [dreg:s6], $0x6FFFF;
	_ =	strace $0x90000058  }
0xb3: {  	s29 =	simm.s32 $0x9;
	_ =	strace $0x8000005A  }
0xb4: {  	_ =	swait.ge [sflag:s29], $0x1  }
0xb5: {  	[sflag:s29] =	ssyncadd.s32 $0xFFFFFFFF  }
0xb6: {  	_ =	strace $0x9000005A  }
0xb7: {  	_ =	sfence  }
0xb8: {  	s30 =	sld [smem:$0x0];
	_ =	sdelay $0x2  }
0xb9: {  	s31 =	sshll.u32 s1, $0xD;
	s1 =	sshrl.u32 s1, $0x2  }
0xba: {  	s3 =	sand.u32 $0x4000, s31;
	s1 =	sadd.s32 s1, s30  }
0xbb: {  	s0 =	sor.u32 s3, s0;
	s1 =	sshll.u32 s1, $0x11  }
0xbc: {  	s0 =	sor.u32 s1, s0  }
0xbd: {  	s0 =	sadd.s32 $0x8F2B, s0  }
0xbe: {  	[sflag:s0] =	ssyncadd.remote.s32 $0x1  }
0xbf: {  	_ =	sfence.sel $0xFFFF  }
0xc0: {  	[dreg:$0x0] =	wrdreg $0xFFFFFFFF;
	(pc) =	sbr.abs _section_cstart, $3  }
0xc1: {  	[dreg:$0x1] =	wrdreg $0xFFFFFFFF  }
0xc2: {  	_ =	task.clear_ibuf [dreg:s6], $0x2FFFF;
	_ =	strace $0x9FFFFFFF  }
0xc3: {  	(tm) =	ssettm $0x7FFFFFFF  }
tec
execute0_lowered:
.L_overlay_start_1:
0x0: {  	(tag) =	ssettag $0x1  }
0x1: {  	s6 =	rddreg [dreg:$0x0]  }
0x2: {  	s2 =	rddreg [dreg:$0x1]  }
0x3: {  	s0 =	srdreg.scid;
	s3 =	rddreg [dreg:$0x2]  }
0x4: {  	s4 =	simm.s32 $0x0;
	s12 =	simm.s32 $0x2780;
	s16 =	simm.s32 $0x80  }
0x5: {  	s17 =	simm.s32 $0x4F00;
	s18 =	simm.s32 $0x6F00;
	s19 =	simm.s32 $0x1  }
0x6: {  	s20 =	simm.s32 $0x8F00;
	s21 =	simm.s32 $0x2;
	s22 =	simm.s32 $0x4  }
0x7: {  	s23 =	simm.s32 $0x3;
	s24 =	simm.s32 $0x5;
	s25 =	simm.s32 $0x6  }
0x8: {  	s26 =	simm.s32 $0x0;
	s5 =	sand.u32 $0x1, s0;
	s0 =	stileid.u32  }
0x9: {  	[smem:$0x7FF] =	sst s4;
	s1 =	sshll.u32 s5, $0x4;
	s8 =	smul.u32 $0x9E00, s0  }
0xa: {  	s9 =	smul.u32 $0x9E000, s5;
	_ =	strace $0x80000059;
	s5 =	ssub.s32 $0x2, s5  }
0xb: {  	s13 =	sshll.u32 s0, $0x6;
	s1 =	sor.u32 s0, s1;
	s11 =	sshrl.u32 s5, $0x1  }
0xc: {  	s13 =	sor.u32 $0x1C07, s13;
	s7 =	smul.u32 $0x4F0, s1;
	s10 =	sshrl.u32 s8, $0x3  }
0xd: {  	s9 =	sadd.s32 s8, s9;
	s11 =	ssub.s32 s5, s11;
	s14 =	sadd.s32 s8, s2  }
.Ltmp0:
0xe: {  	s15 =	sadd.s32 s8, s3;
	s10 =	sadd.s32 s10, s6;
	(pc) =	sbr.rel .LBB2_1-.Ltmp0, $4  }
0xf: {  	s9 =	sshrl.u32 s9, $0x3;
	s14 =	sshrl.u32 s14, $0x3;
	s15 =	sshrl.u32 s15, $0x3  }
0x10: {  	s7 =	sadd.s32 s7, s6;
	s9 =	sadd.s32 s9, s6;
	s8 =	sadd.s32 $0x3F000, s10  }
0x11: {  	s5 =	sadd.s32 $0x35200, s7;
	s6 =	sadd.s32 $0x2B400, s7;
	s7 =	sadd.s32 $0x3C00, s10  }
0x12: {  	s9 =	sadd.s32 $0x52C00, s9;
	s10 =	smax.u32 s11, $0x1;
	s11 =	simm.s32 $0x7  }
.LBB2_6:
0x13: {  	_ =	swait.ge [sflag:s22], $0x2000  }
0x14: {  	[sflag:s22] =	ssyncset.done $0x0  }
0x15: {  	[sflag:s22] =	ssyncadd.s32 $0xFFFFE000  }
0x16: {  	_ =	swait.ge [sflag:s24], $0x2000  }
0x17: {  	[sflag:s24] =	ssyncset.done $0x0  }
0x18: {  	[sflag:s24] =	ssyncadd.s32 $0xFFFFE000  }
0x19: {  	_ =	swait.ge [sflag:s25], $0x2000  }
0x1a: {  	s26 =	sadd.s32 $0x1, s26;
	[sflag:s25] =	ssyncset.done $0x0  }
0x1b: {  	p0 =	sne.s32 s26, s10;
	[sflag:s25] =	ssyncadd.s32 $0xFFFFE000  }
.Ltmp1:
0x1c: {  	[bflag:$0x0] =	sbarrier.arrive $0xFFFF;
	(pc) =	sbr.rel @!p0 .LBB2_7-.Ltmp1, $4  }
0x1d: {  	[hbm:s9], [sflag:s13] =	dma.local [spmem:s15], $0x13C0  }
0x1e: {  	_ =	swait.ge [sflag:s11], $0x13C0  }
0x1f: {  	[sflag:s11] =	ssyncset.done $0x0  }
0x20: {  	[sflag:s11] =	ssyncadd.s32 $0xFFFFEC40  }
.LBB2_1:
0x21: {  	[tilespmem:s4], [sflag:$0x7] =	stream.linear.gather [hbm4b:s5+s4], $0x2780, $0x38;
	[tilespmem:$0x1EB00] =	vst v63  }
0x22: {  	_ =	swait.ge [sflag:s11], $0x2780  }
0x23: {  	[sflag:s11] =	ssyncset.done $0x0  }
0x24: {  	[sflag:s11] =	ssyncadd.s32 $0xFFFFD880  }
0x25: {  	[tilespmem:s12], [sflag:$0x7] =	stream.linear.gather [hbm4b:s6+s4], $0x2780, $0x38;
	[tilespmem:$0x1EB00] =	vst v63  }
0x26: {  	_ =	swait.ge [sflag:s11], $0x2780  }
0x27: {  	[sflag:s11] =	ssyncset.done $0x0  }
0x28: {  	[sflag:s11] =	ssyncadd.s32 $0xFFFFD880  }
0x29: {  	[spmem:s14], [sflag:s13] =	dma.local [hbm:s7], $0x13C0  }
0x2a: {  	_ =	swait.ge [sflag:s11], $0x13C0  }
0x2b: {  	[sflag:s11] =	ssyncset.done $0x0  }
0x2c: {  	[sflag:s11] =	ssyncadd.s32 $0xFFFFEC40  }
0x2d: {  	[spmem:s15], [sflag:s13] =	dma.local [hbm:s8], $0x13C0  }
0x2e: {  	_ =	swait.ge [sflag:s11], $0x13C0  }
0x2f: {  	[sflag:s11] =	ssyncset.done $0x0  }
.Ltmp2:
0x30: {  	[sflag:s11] =	ssyncadd.s32 $0xFFFFEC40;
	(pc) =	sbr.rel .LBB2_2-.Ltmp2, $4  }
0x31: {  	[bflag:$0x0] =	sbarrier.arrive $0xFFFF  }
0x32: {  	[tilespmem:s17], [sflag:$0x1] =	stream.indirect.gather [spmem:s2], $0x40, s4, s16, $0xb8;
	[tilespmem:$0x1EB00] =	vst v63  }
0x33: {  	s28 =	simm.s32 $0x0;
	s29 =	simm.s32 $0x0  }
0x34: {  	[tilespmem:s18], [sflag:$0x2] =	stream.indirect.gather [spmem:s2], $0x40, s16, s16, $0xb8;
	[tilespmem:$0x1EB00] =	vst v63  }
.LBB2_5:
0x35: {  	s31 =	sadd.s32 $0x100, s30  }
0x36: {  	[tilespmem:s20], [sflag:$0x3] =	stream.indirect.gather [spmem:s2], $0x40, s31, s16, $0xb8;
	[tilespmem:$0x1EB00] =	vst v63  }
0x37: {  	_ =	swait.ge [sflag:s21], $0x2000  }
0x38: {  	[sflag:s21] =	ssyncset.done $0x0  }
0x39: {  	s1 =	sadd.s32 $0x2800, s30;
	[sflag:s21] =	ssyncadd.s32 $0xFFFFE000  }
0x3a: {  	[spmem:s3] =	stream.indirect.scatter.add.f32 [tilespmem:s18], [sflag:$0x5], $0x40, s1, s16, $0xb8;
	[tilespmem:$0x1EB00] =	vst v63  }
0x3b: {  	_ =	swait.ge [sflag:s22], $0x2000  }
0x3c: {  	[sflag:s22] =	ssyncset.done $0x0  }
0x3d: {  	s1 =	sadd.s32 $0x180, s30;
	[sflag:s22] =	ssyncadd.s32 $0xFFFFE000  }
0x3e: {  	[tilespmem:s17], [sflag:$0x1] =	stream.indirect.gather [spmem:s2], $0x40, s1, s16, $0xb8;
	[tilespmem:$0x1EB00] =	vst v63  }
0x3f: {  	_ =	swait.ge [sflag:s23], $0x2000  }
0x40: {  	p0 =	sgt.u32 s29, $0x18;
	[sflag:s23] =	ssyncset.done $0x0  }
0x41: {  	s31 =	sadd.s32 $0x2880, s30;
	s30 =	simm.s32 @!p0 $0x5;
	[sflag:s23] =	ssyncadd.s32 $0xFFFFE000  }
0x42: {  	[spmem:s3] =	stream.indirect.scatter.add.f32 [tilespmem:s20], [sflag:$0x6], $0x40, s31, s16, $0xb8;
	[tilespmem:$0x1EB00] =	vst v63  }
0x43: {  	_ =	swait.ge @!p0 [sflag:s30], $0x2000  }
0x44: {  	[sflag:s30] =	ssyncset.done @!p0 $0x0  }
0x45: {  	s1 =	simm.s32 @!p0 $0x6F00;
	[sflag:s30] =	ssyncadd.s32 @!p0 $0xFFFFE000;
	s30 =	sshra.s32 @!p0 s28, $0x2  }
0x46: {  	s31 =	simm.s32 @!p0 $0x80;
	s28 =	sadd.s32 $0x600, s28;
	s30 =	sadd.s32 @!p0 $0x200, s30  }
0x47: {  	[tilespmem:s1], [sflag:$0x2] =	stream.indirect.gather @!p0 [spmem:s2], $0x40, s30, s31, $0xb8;
	[tilespmem:$0x1EB00] =	vst v63  }
0x48: {  	p0 =	sne.s32 s28, $0xA200  }
.Ltmp3:
0x49: {  	_ = 	snop;
	(pc) =	sbr.rel @!p0 .LBB2_6-.Ltmp3, $2  }
0x4a: {  	_ =	sdelay $0x2  }
0x4b: {  	s29 =	sadd.s32 $0x1, s29  }
.LBB2_2:
0x4c: {  	p0 =	seq.s32 s29, $0x0  }
.Ltmp4:
0x4d: {  	_ = 	snop;
	(pc) =	sbr.rel @p0 .LBB2_5-.Ltmp4, $4  }
0x4e: {  	_ =	swait.ge [sflag:s19], $0x2000  }
0x4f: {  	s30 =	sshra.s32 s28, $0x2;
	[sflag:s19] =	ssyncset.done $0x0  }
0x50: {  	s31 =	sadd.s32 $0x2780, s30;
	[sflag:s19] =	ssyncadd.s32 $0xFFFFE000  }
0x51: {  	[spmem:s3] =	stream.indirect.scatter.add.f32 [tilespmem:s17], [sflag:$0x4], $0x40, s31, s16, $0xb8;
	[tilespmem:$0x1EB00] =	vst v63  }
0x52: {  	p0 =	seq.s32 s29, $0x1A  }
.Ltmp5:
0x53: {  	_ = 	snop;
	(pc) =	sbr.rel @p0 .LBB2_6-.Ltmp5, $1  }
0x54: {  	_ =	sdelay $0x3  }
.Ltmp6:
0x55: {  	(pc) =	sbr.rel .LBB2_5-.Ltmp6, $4  }
0x56: {  	_ = 	snop  }
0x57: {  	_ =	swait.ge [sflag:s25], $0x2000  }
0x58: {  	[sflag:s25] =	ssyncset.done $0x0  }
0x59: {  	[sflag:s25] =	ssyncadd.s32 $0xFFFFE000  }
.LBB2_7:
0x5a: {  	_ =	sfence.sel $0x180000  }
0x5b: {  	[bflag:$0x0] =	sbarrier.arrive $0xFFFF  }
0x5c: {  	_ =	strace $0x90000059  }
0x5d: {  	[bflag:$0x2] =	sbarrier.arrive $0xFFFF  }
0x5e: {  	p0 =	sne.s32 s0, $0x0;
	s0 =	rddreg [dreg:$0x3]  }
0x5f: {  	s0 =	sadd.s32 @!p0 $0x100000, s0  }
0x60: {  	[sflag:s0] =	ssyncadd.tile.s32 @!p0 $0x1;
	_ =	shalt  }
.Lfunc_end2:
_tile_overlayer_lowered:
.L_overlay_start_2:
0x61: {  	(tag) =	ssettag $0x2  }
0x62: {  	s0 =	rddreg [dreg:$0x0];
	s2 =	stileid.u32  }
0x63: {  	s1 =	rddreg [dreg:$0x1];
	p0 =	sne.s32 s2, $0x0  }
0x64: {  	s3 =	rddreg [dreg:$0x2];
	[bflag:$0x3] =	sbarrier.arrive $0xFFFF;
	s2 =	simm.s32 @!p0 $0x1C07  }
0x65: {  	[timem:s3], [sflag:s2] =	dma.local @!p0 [hbm:s0], s1  }
0x66: {  	s0 =	simm.s32 @!p0 $0x7  }
0x67: {  	_ =	swait.ge @!p0 [sflag:s0], s1  }
0x68: {  	s1 =	ssub.s32 @!p0 $0x0, s1;
	[sflag:s0] =	ssyncset.done @!p0 $0x0  }
0x69: {  	[sflag:s0] =	ssyncadd.s32 @!p0 s1  }
0x6a: {  	[bflag:$0x3] =	sbarrier.arrive $0xFFFF  }
0x6b: {  	_ =	shalt  }

</sc_bundles>
